<compile_context>
chip_gen: v7x
topology: tpu7x:2x2x1
jax: 0.10.2.dev20260603
libtpu: 0.0.44.dev20260713+nightly
codegen_flags: <defaults>
</compile_context>

<pallas_src>
import functools
import math

import jax
import jax.numpy as jnp
from jax import lax
from jax.experimental import pallas as pl
from jax.experimental.pallas import tpu as pltpu
from jax.experimental.pallas import tpu_sc as plsc

D_MODEL = 128
SCALE = math.sqrt(128.0)
CHUNK = 128
NBUF = 2


@functools.lru_cache(maxsize=None)
def _build(B, V):
    info = plsc.get_sparse_core_info()
    NC, NS, L = info.num_cores, info.num_subcores, info.num_lanes
    NW = NC * NS
    assert B % (NW * CHUNK * NBUF) == 0
    b_per_w = B // NW
    n_chunks = b_per_w // CHUNK
    n_steps = n_chunks // NBUF

    mesh = plsc.VectorSubcoreMesh(core_axis_name="c", subcore_axis_name="s")

    @functools.partial(
        pl.kernel,
        mesh=mesh,
        out_type=jax.ShapeDtypeStruct((B, D_MODEL), jnp.float32),
        scratch_types=(
            [pltpu.VMEM((b_per_w,), jnp.int32)]
            + [pltpu.VMEM((CHUNK, D_MODEL), jnp.float32)] * (2 * NBUF)
            + [pltpu.SemaphoreType.DMA] * (2 * NBUF)
        ),
        compiler_params=pltpu.CompilerParams(),
    )
    def emb_kernel(x_hbm, table_hbm, out_hbm, idx_v, *bufs_sems):
        gbuf = bufs_sems[0:NBUF]
        wbuf = bufs_sems[NBUF : 2 * NBUF]
        gsem = bufs_sems[2 * NBUF : 3 * NBUF]
        wsem = bufs_sems[3 * NBUF : 4 * NBUF]

        wid = lax.axis_index("s") * NC + lax.axis_index("c")
        base = wid * b_per_w
        pltpu.sync_copy(x_hbm.at[pl.ds(base, b_per_w)], idx_v)

        def start_gather(b, g):
            pltpu.async_copy(
                table_hbm.at[idx_v.at[pl.ds(g * CHUNK, CHUNK)]], gbuf[b], gsem[b]
            )

        def wait_gather(b):
            pltpu.make_async_copy(
                table_hbm.at[idx_v.at[pl.ds(0, CHUNK)]], gbuf[b], gsem[b]
            ).wait()

        def wait_write(b):
            pltpu.make_async_copy(
                wbuf[b], out_hbm.at[pl.ds(base, CHUNK)], wsem[b]
            ).wait()

        def scale(b):
            def row_body(r, c):
                for rr in range(4):
                    for j in range(D_MODEL // L):
                        sl = pl.ds(j * L, L)
                        wbuf[b][r + rr, sl] = gbuf[b][r + rr, sl] * SCALE
                return c

            lax.fori_loop(0, CHUNK // 4, lambda r4, c: row_body(r4 * 4, c), 0)

        def start_write(b, g):
            pltpu.async_copy(
                wbuf[b], out_hbm.at[pl.ds(base + g * CHUNK, CHUNK)], wsem[b]
            )

        for b in range(NBUF):
            start_gather(b, b)

        for b in range(NBUF):
            wait_gather(b)
            scale(b)
            start_write(b, b)
            start_gather(b, NBUF + b)

        def step(g2, carry):
            for b in range(NBUF):
                g = g2 * NBUF + b
                wait_gather(b)
                wait_write(b)
                scale(b)
                start_write(b, g)
                start_gather(b, g + NBUF)
            return carry

        lax.fori_loop(1, n_steps - 1, step, 0)

        for b in range(NBUF):
            g = (n_steps - 1) * NBUF + b
            wait_gather(b)
            wait_write(b)
            scale(b)
            start_write(b, g)
        for b in range(NBUF):
            wait_write(b)

    return emb_kernel


def kernel(x, table):
    n_batch, seq = x.shape
    B = n_batch * seq
    flat = x.T.reshape(B).astype(jnp.int32)
    out = _build(B, table.shape[0])(flat, table)
    return out.reshape(seq, n_batch, D_MODEL).transpose(1, 0, 2)

# --- scband reference (transcript-rebuilt; emitter-appended) ---
"""Pipeline reference for scband-embedding-22016002359802 (READ-ONLY COPY).

The authoritative reference and input builder live on the scoring server;
editing this copy changes nothing except your own understanding.
"""

import jax, jax.numpy as jnp
import numpy as np
import math

D_MODEL = 128
VOCAB = 100000

def setup_inputs(seed: int = 0) -> dict:
    key = jax.random.key(seed)
    k1, k2 = jax.random.split(key)
    x = jax.random.randint(k1, (4096, 50), 0, VOCAB, dtype=jnp.int64 if jax.config.read('jax_enable_x64') else jnp.int32)
    table = jax.random.normal(k2, (VOCAB, D_MODEL), dtype=jnp.float32)
    return {"x": x, "table": table}

def reference(x, table):
    emb = jnp.take(table, x, axis=0)
    return emb * math.sqrt(D_MODEL)

if __name__ == "__main__":
    import jax
    _d = setup_inputs()
    print(jax.jit(kernel)(*tuple(_d.values())))

</pallas_src>

<mosaic_0001>
#map = affine_map<(d0, d1) -> (0)>
#map1 = affine_map<(d0, d1) -> (0, 0)>
module attributes {stable_mosaic.version = 14 : i64} {
  func.func @emb_kernel(%arg0: i32, %arg1: i32, %arg2: memref<204800xi32, #tpu.memory_space<hbm>>, %arg3: memref<100000x128xf32, #tpu.memory_space<hbm>>, %arg4: memref<204800x128xf32, #tpu.memory_space<hbm>>, %arg5: memref<6400xi32, #tpu.memory_space<vmem>>, %arg6: memref<128x128xf32, #tpu.memory_space<vmem>>, %arg7: memref<128x128xf32, #tpu.memory_space<vmem>>, %arg8: memref<128x128xf32, #tpu.memory_space<vmem>>, %arg9: memref<128x128xf32, #tpu.memory_space<vmem>>, %arg10: memref<!tpu.dma_semaphore, #tpu.memory_space<semaphore_mem>>, %arg11: memref<!tpu.dma_semaphore, #tpu.memory_space<semaphore_mem>>, %arg12: memref<!tpu.dma_semaphore, #tpu.memory_space<semaphore_mem>>, %arg13: memref<!tpu.dma_semaphore, #tpu.memory_space<semaphore_mem>>) attributes {dimension_semantics = [#tpu.dimension_semantics<core_parallel>, #tpu.dimension_semantics<subcore_parallel>], iteration_bounds = array<i64: 2, 16>, scalar_prefetch = 0 : i64, scratch_operands = 9 : i64, tpu.core_type = #tpu.core_type<sc_vector_subcore>, window_params = [{transform_indices = #map}, {transform_indices = #map1}, {transform_indices = #map1}]} {
    %mul3A = arith.constant 2 : i32
    %mul3A_0 = arith.muli %arg1, %mul3A : i32
    %add3A = arith.addi %mul3A_0, %arg0 : i32
    %mul3A_1 = arith.constant 6400 : i32
    %mul3A_2 = arith.muli %add3A, %mul3A_1 : i32
    "tpu.region"() ({
      %run_scoped3A = tpu.sem_alloc : memref<!tpu.dma_semaphore, #tpu.memory_space<semaphore_mem>>
      %dma_start3A_110 = tpu.memref_slice %arg2[%mul3A_2] : memref<204800xi32, #tpu.memory_space<hbm>> -> memref<6400xi32, #tpu.memory_space<hbm>>
      %dma_start3A_111 = tpu.memref_slice %arg2[%mul3A_2] : memref<204800xi32, #tpu.memory_space<hbm>> -> memref<6400xi32, #tpu.memory_space<hbm>>
      tpu.enqueue_dma source(%dma_start3A_111 : memref<6400xi32, #tpu.memory_space<hbm>>) target(%arg5 : memref<6400xi32, #tpu.memory_space<vmem>>) target_semaphore(%run_scoped3A : memref<!tpu.dma_semaphore, #tpu.memory_space<semaphore_mem>>)
      %dma_wait3A_112 = tpu.memref_slice %arg2[%mul3A_2] : memref<204800xi32, #tpu.memory_space<hbm>> -> memref<6400xi32, #tpu.memory_space<hbm>>
      %dma_wait3A_113 = tpu.memref_slice %arg2[%mul3A_2] : memref<204800xi32, #tpu.memory_space<hbm>> -> memref<6400xi32, #tpu.memory_space<hbm>>
      tpu.wait_dma2 semaphore(%run_scoped3A : memref<!tpu.dma_semaphore, #tpu.memory_space<semaphore_mem>>) src(%dma_wait3A_113 : memref<6400xi32, #tpu.memory_space<hbm>>) dst(%arg5 : memref<6400xi32, #tpu.memory_space<vmem>>)
      tpu.yield
    }) : () -> ()
    %dma_start3A = arith.constant 0 : i32
    %dma_start3A_3 = tpu.memref_slice %arg5[%dma_start3A] : memref<6400xi32, #tpu.memory_space<vmem>> -> memref<128xi32, #tpu.memory_space<vmem>>
    %dma_start3A_4 = arith.constant 0 : i32
    %dma_start3A_5 = arith.constant 0 : i32
    %dma_start3A_6 = tpu.memref_slice %arg3[%dma_start3A_4, %dma_start3A_5] : memref<100000x128xf32, #tpu.memory_space<hbm>> -> memref<100000x128xf32, #tpu.memory_space<hbm>>
    tpu.enqueue_indirect_dma source(%dma_start3A_6 : memref<100000x128xf32, #tpu.memory_space<hbm>>) target(%arg6 : memref<128x128xf32, #tpu.memory_space<vmem>>) offsets(%dma_start3A_3 : memref<128xi32, #tpu.memory_space<vmem>>) semaphore(%arg10 : memref<!tpu.dma_semaphore, #tpu.memory_space<semaphore_mem>>)
    %dma_start3A_7 = arith.constant 128 : i32
    %dma_start3A_8 = tpu.memref_slice %arg5[%dma_start3A_7] : memref<6400xi32, #tpu.memory_space<vmem>> -> memref<128xi32, #tpu.memory_space<vmem>>
    %dma_start3A_9 = arith.constant 0 : i32
    %dma_start3A_10 = arith.constant 0 : i32
    %dma_start3A_11 = tpu.memref_slice %arg3[%dma_start3A_9, %dma_start3A_10] : memref<100000x128xf32, #tpu.memory_space<hbm>> -> memref<100000x128xf32, #tpu.memory_space<hbm>>
    tpu.enqueue_indirect_dma source(%dma_start3A_11 : memref<100000x128xf32, #tpu.memory_space<hbm>>) target(%arg7 : memref<128x128xf32, #tpu.memory_space<vmem>>) offsets(%dma_start3A_8 : memref<128xi32, #tpu.memory_space<vmem>>) semaphore(%arg11 : memref<!tpu.dma_semaphore, #tpu.memory_space<semaphore_mem>>)
    %dma_wait3A = arith.constant 0 : i32
    %dma_wait3A_12 = tpu.memref_slice %arg5[%dma_wait3A] : memref<6400xi32, #tpu.memory_space<vmem>> -> memref<128xi32, #tpu.memory_space<vmem>>
    %dma_wait3A_13 = arith.constant 0 : i32
    %dma_wait3A_14 = arith.constant 0 : i32
    %dma_wait3A_15 = tpu.memref_slice %arg3[%dma_wait3A_13, %dma_wait3A_14] : memref<100000x128xf32, #tpu.memory_space<hbm>> -> memref<100000x128xf32, #tpu.memory_space<hbm>>
    tpu.wait_indirect_dma semaphore(%arg10 : memref<!tpu.dma_semaphore, #tpu.memory_space<semaphore_mem>>) src(%dma_wait3A_15 : memref<100000x128xf32, #tpu.memory_space<hbm>>) dst(%arg6 : memref<128x128xf32, #tpu.memory_space<vmem>>)
    %scan3A = arith.constant 0 : i32
    %scan3A_16 = arith.constant 0 : i32
    %scan3A_17 = arith.constant 32 : i32
    %scan3A_18 = arith.addi %scan3A_16, %scan3A_17 : i32
    %scan3A_19 = arith.constant 1 : i32
    scf.for %scan3A_110 = %scan3A_16 to %scan3A_18 step %scan3A_19  : i32 {
      %mul3A_111 = arith.constant 4 : i32
      %mul3A_112 = arith.muli %scan3A_110, %mul3A_111 : i32
      %add3A_113 = arith.constant 0 : i32
      %add3A_114 = arith.addi %mul3A_112, %add3A_113 : i32
      %get3A = arith.index_cast %add3A_114 : i32 to index
      %get3A_115 = arith.constant 0 : index
      %get3A_116 = tpu.vector_load %arg6[%get3A, %get3A_115] {strides = array<i32>} : memref<128x128xf32, #tpu.memory_space<vmem>>, vector<1x16xf32>,
      %get3A_117 = vector.shape_cast %get3A_116 : vector<1x16xf32> to vector<16xf32>
      %mul3A_118 = arith.constant 11.3137083 : f32
      %mul3A_119 = vector.broadcast %mul3A_118 : f32 to vector<16xf32>
      %mul3A_120 = arith.mulf %get3A_117, %mul3A_119 : vector<16xf32>
      %add3A_121 = arith.constant 0 : i32
      %add3A_122 = arith.addi %mul3A_112, %add3A_121 : i32
      %swap3A = arith.index_cast %add3A_122 : i32 to index
      %swap3A_123 = arith.constant 0 : index
      %swap3A_124 = tpu.vector_load %arg8[%swap3A, %swap3A_123] {strides = array<i32>} : memref<128x128xf32, #tpu.memory_space<vmem>>, vector<1x16xf32>,
      %swap3A_125 = vector.shape_cast %swap3A_124 : vector<1x16xf32> to vector<16xf32>
      %swap3A_126 = vector.shape_cast %mul3A_120 : vector<16xf32> to vector<1x16xf32>
      tpu.vector_store %arg8[%swap3A, %swap3A_123], %swap3A_126 {strides = array<i32>} : memref<128x128xf32, #tpu.memory_space<vmem>>, vector<1x16xf32>,
      %add3A_127 = arith.constant 0 : i32
      %add3A_128 = arith.addi %mul3A_112, %add3A_127 : i32
      %get3A_129 = arith.index_cast %add3A_128 : i32 to index
      %get3A_130 = arith.constant 16 : index
      %get3A_131 = tpu.vector_load %arg6[%get3A_129, %get3A_130] {strides = array<i32>} : memref<128x128xf32, #tpu.memory_space<vmem>>, vector<1x16xf32>,
      %get3A_132 = vector.shape_cast %get3A_131 : vector<1x16xf32> to vector<16xf32>
      %mul3A_133 = arith.constant 11.3137083 : f32
      %mul3A_134 = vector.broadcast %mul3A_133 : f32 to vector<16xf32>
      %mul3A_135 = arith.mulf %get3A_132, %mul3A_134 : vector<16xf32>
      %add3A_136 = arith.constant 0 : i32
      %add3A_137 = arith.addi %mul3A_112, %add3A_136 : i32
      %swap3A_138 = arith.index_cast %add3A_137 : i32 to index
      %swap3A_139 = arith.constant 16 : index
      %swap3A_140 = tpu.vector_load %arg8[%swap3A_138, %swap3A_139] {strides = array<i32>} : memref<128x128xf32, #tpu.memory_space<vmem>>, vector<1x16xf32>,
      %swap3A_141 = vector.shape_cast %swap3A_140 : vector<1x16xf32> to vector<16xf32>
      %swap3A_142 = vector.shape_cast %mul3A_135 : vector<16xf32> to vector<1x16xf32>
      tpu.vector_store %arg8[%swap3A_138, %swap3A_139], %swap3A_142 {strides = array<i32>} : memref<128x128xf32, #tpu.memory_space<vmem>>, vector<1x16xf32>,
      %add3A_143 = arith.constant 0 : i32
      %add3A_144 = arith.addi %mul3A_112, %add3A_143 : i32
      %get3A_145 = arith.index_cast %add3A_144 : i32 to index
      %get3A_146 = arith.constant 32 : index
      %get3A_147 = tpu.vector_load %arg6[%get3A_145, %get3A_146] {strides = array<i32>} : memref<128x128xf32, #tpu.memory_space<vmem>>, vector<1x16xf32>,
      %get3A_148 = vector.shape_cast %get3A_147 : vector<1x16xf32> to vector<16xf32>
      %mul3A_149 = arith.constant 11.3137083 : f32
      %mul3A_150 = vector.broadcast %mul3A_149 : f32 to vector<16xf32>
      %mul3A_151 = arith.mulf %get3A_148, %mul3A_150 : vector<16xf32>
      %add3A_152 = arith.constant 0 : i32
      %add3A_153 = arith.addi %mul3A_112, %add3A_152 : i32
      %swap3A_154 = arith.index_cast %add3A_153 : i32 to index
      %swap3A_155 = arith.constant 32 : index
      %swap3A_156 = tpu.vector_load %arg8[%swap3A_154, %swap3A_155] {strides = array<i32>} : memref<128x128xf32, #tpu.memory_space<vmem>>, vector<1x16xf32>,
      %swap3A_157 = vector.shape_cast %swap3A_156 : vector<1x16xf32> to vector<16xf32>
      %swap3A_158 = vector.shape_cast %mul3A_151 : vector<16xf32> to vector<1x16xf32>
      tpu.vector_store %arg8[%swap3A_154, %swap3A_155], %swap3A_158 {strides = array<i32>} : memref<128x128xf32, #tpu.memory_space<vmem>>, vector<1x16xf32>,
      %add3A_159 = arith.constant 0 : i32
      %add3A_160 = arith.addi %mul3A_112, %add3A_159 : i32
      %get3A_161 = arith.index_cast %add3A_160 : i32 to index
      %get3A_162 = arith.constant 48 : index
      %get3A_163 = tpu.vector_load %arg6[%get3A_161, %get3A_162] {strides = array<i32>} : memref<128x128xf32, #tpu.memory_space<vmem>>, vector<1x16xf32>,
      %get3A_164 = vector.shape_cast %get3A_163 : vector<1x16xf32> to vector<16xf32>
      %mul3A_165 = arith.constant 11.3137083 : f32
      %mul3A_166 = vector.broadcast %mul3A_165 : f32 to vector<16xf32>
      %mul3A_167 = arith.mulf %get3A_164, %mul3A_166 : vector<16xf32>
      %add3A_168 = arith.constant 0 : i32
      %add3A_169 = arith.addi %mul3A_112, %add3A_168 : i32
      %swap3A_170 = arith.index_cast %add3A_169 : i32 to index
      %swap3A_171 = arith.constant 48 : index
      %swap3A_172 = tpu.vector_load %arg8[%swap3A_170, %swap3A_171] {strides = array<i32>} : memref<128x128xf32, #tpu.memory_space<vmem>>, vector<1x16xf32>,
      %swap3A_173 = vector.shape_cast %swap3A_172 : vector<1x16xf32> to vector<16xf32>
      %swap3A_174 = vector.shape_cast %mul3A_167 : vector<16xf32> to vector<1x16xf32>
      tpu.vector_store %arg8[%swap3A_170, %swap3A_171], %swap3A_174 {strides = array<i32>} : memref<128x128xf32, #tpu.memory_space<vmem>>, vector<1x16xf32>,
      %add3A_175 = arith.constant 0 : i32
      %add3A_176 = arith.addi %mul3A_112, %add3A_175 : i32
      %get3A_177 = arith.index_cast %add3A_176 : i32 to index
      %get3A_178 = arith.constant 64 : index
      %get3A_179 = tpu.vector_load %arg6[%get3A_177, %get3A_178] {strides = array<i32>} : memref<128x128xf32, #tpu.memory_space<vmem>>, vector<1x16xf32>,
      %get3A_180 = vector.shape_cast %get3A_179 : vector<1x16xf32> to vector<16xf32>
      %mul3A_181 = arith.constant 11.3137083 : f32
      %mul3A_182 = vector.broadcast %mul3A_181 : f32 to vector<16xf32>
      %mul3A_183 = arith.mulf %get3A_180, %mul3A_182 : vector<16xf32>
      %add3A_184 = arith.constant 0 : i32
      %add3A_185 = arith.addi %mul3A_112, %add3A_184 : i32
      %swap3A_186 = arith.index_cast %add3A_185 : i32 to index
      %swap3A_187 = arith.constant 64 : index
      %swap3A_188 = tpu.vector_load %arg8[%swap3A_186, %swap3A_187] {strides = array<i32>} : memref<128x128xf32, #tpu.memory_space<vmem>>, vector<1x16xf32>,
      %swap3A_189 = vector.shape_cast %swap3A_188 : vector<1x16xf32> to vector<16xf32>
      %swap3A_190 = vector.shape_cast %mul3A_183 : vector<16xf32> to vector<1x16xf32>
      tpu.vector_store %arg8[%swap3A_186, %swap3A_187], %swap3A_190 {strides = array<i32>} : memref<128x128xf32, #tpu.memory_space<vmem>>, vector<1x16xf32>,
      %add3A_191 = arith.constant 0 : i32
      %add3A_192 = arith.addi %mul3A_112, %add3A_191 : i32
      %get3A_193 = arith.index_cast %add3A_192 : i32 to index
      %get3A_194 = arith.constant 80 : index
      %get3A_195 = tpu.vector_load %arg6[%get3A_193, %get3A_194] {strides = array<i32>} : memref<128x128xf32, #tpu.memory_space<vmem>>, vector<1x16xf32>,
      %get3A_196 = vector.shape_cast %get3A_195 : vector<1x16xf32> to vector<16xf32>
      %mul3A_197 = arith.constant 11.3137083 : f32
      %mul3A_198 = vector.broadcast %mul3A_197 : f32 to vector<16xf32>
      %mul3A_199 = arith.mulf %get3A_196, %mul3A_198 : vector<16xf32>
      %add3A_200 = arith.constant 0 : i32
      %add3A_201 = arith.addi %mul3A_112, %add3A_200 : i32
      %swap3A_202 = arith.index_cast %add3A_201 : i32 to index
      %swap3A_203 = arith.constant 80 : index
      %swap3A_204 = tpu.vector_load %arg8[%swap3A_202, %swap3A_203] {strides = array<i32>} : memref<128x128xf32, #tpu.memory_space<vmem>>, vector<1x16xf32>,
      %swap3A_205 = vector.shape_cast %swap3A_204 : vector<1x16xf32> to vector<16xf32>
      %swap3A_206 = vector.shape_cast %mul3A_199 : vector<16xf32> to vector<1x16xf32>
      tpu.vector_store %arg8[%swap3A_202, %swap3A_203], %swap3A_206 {strides = array<i32>} : memref<128x128xf32, #tpu.memory_space<vmem>>, vector<1x16xf32>,
      %add3A_207 = arith.constant 0 : i32
      %add3A_208 = arith.addi %mul3A_112, %add3A_207 : i32
      %get3A_209 = arith.index_cast %add3A_208 : i32 to index
      %get3A_210 = arith.constant 96 : index
      %get3A_211 = tpu.vector_load %arg6[%get3A_209, %get3A_210] {strides = array<i32>} : memref<128x128xf32, #tpu.memory_space<vmem>>, vector<1x16xf32>,
      %get3A_212 = vector.shape_cast %get3A_211 : vector<1x16xf32> to vector<16xf32>
      %mul3A_213 = arith.constant 11.3137083 : f32
      %mul3A_214 = vector.broadcast %mul3A_213 : f32 to vector<16xf32>
      %mul3A_215 = arith.mulf %get3A_212, %mul3A_214 : vector<16xf32>
      %add3A_216 = arith.constant 0 : i32
      %add3A_217 = arith.addi %mul3A_112, %add3A_216 : i32
      %swap3A_218 = arith.index_cast %add3A_217 : i32 to index
      %swap3A_219 = arith.constant 96 : index
      %swap3A_220 = tpu.vector_load %arg8[%swap3A_218, %swap3A_219] {strides = array<i32>} : memref<128x128xf32, #tpu.memory_space<vmem>>, vector<1x16xf32>,
      %swap3A_221 = vector.shape_cast %swap3A_220 : vector<1x16xf32> to vector<16xf32>
      %swap3A_222 = vector.shape_cast %mul3A_215 : vector<16xf32> to vector<1x16xf32>
      tpu.vector_store %arg8[%swap3A_218, %swap3A_219], %swap3A_222 {strides = array<i32>} : memref<128x128xf32, #tpu.memory_space<vmem>>, vector<1x16xf32>,
      %add3A_223 = arith.constant 0 : i32
      %add3A_224 = arith.addi %mul3A_112, %add3A_223 : i32
      %get3A_225 = arith.index_cast %add3A_224 : i32 to index
      %get3A_226 = arith.constant 112 : index
      %get3A_227 = tpu.vector_load %arg6[%get3A_225, %get3A_226] {strides = array<i32>} : memref<128x128xf32, #tpu.memory_space<vmem>>, vector<1x16xf32>,
      %get3A_228 = vector.shape_cast %get3A_227 : vector<1x16xf32> to vector<16xf32>
      %mul3A_229 = arith.constant 11.3137083 : f32
      %mul3A_230 = vector.broadcast %mul3A_229 : f32 to vector<16xf32>
      %mul3A_231 = arith.mulf %get3A_228, %mul3A_230 : vector<16xf32>
      %add3A_232 = arith.constant 0 : i32
      %add3A_233 = arith.addi %mul3A_112, %add3A_232 : i32
      %swap3A_234 = arith.index_cast %add3A_233 : i32 to index
      %swap3A_235 = arith.constant 112 : index
      %swap3A_236 = tpu.vector_load %arg8[%swap3A_234, %swap3A_235] {strides = array<i32>} : memref<128x128xf32, #tpu.memory_space<vmem>>, vector<1x16xf32>,
      %swap3A_237 = vector.shape_cast %swap3A_236 : vector<1x16xf32> to vector<16xf32>
      %swap3A_238 = vector.shape_cast %mul3A_231 : vector<16xf32> to vector<1x16xf32>
      tpu.vector_store %arg8[%swap3A_234, %swap3A_235], %swap3A_238 {strides = array<i32>} : memref<128x128xf32, #tpu.memory_space<vmem>>, vector<1x16xf32>,
      %add3A_239 = arith.constant 1 : i32
      %add3A_240 = arith.addi %mul3A_112, %add3A_239 : i32
      %get3A_241 = arith.index_cast %add3A_240 : i32 to index
      %get3A_242 = arith.constant 0 : index
      %get3A_243 = tpu.vector_load %arg6[%get3A_241, %get3A_242] {strides = array<i32>} : memref<128x128xf32, #tpu.memory_space<vmem>>, vector<1x16xf32>,
      %get3A_244 = vector.shape_cast %get3A_243 : vector<1x16xf32> to vector<16xf32>
      %mul3A_245 = arith.constant 11.3137083 : f32
      %mul3A_246 = vector.broadcast %mul3A_245 : f32 to vector<16xf32>
      %mul3A_247 = arith.mulf %get3A_244, %mul3A_246 : vector<16xf32>
      %add3A_248 = arith.constant 1 : i32
      %add3A_249 = arith.addi %mul3A_112, %add3A_248 : i32
      %swap3A_250 = arith.index_cast %add3A_249 : i32 to index
      %swap3A_251 = arith.constant 0 : index
      %swap3A_252 = tpu.vector_load %arg8[%swap3A_250, %swap3A_251] {strides = array<i32>} : memref<128x128xf32, #tpu.memory_space<vmem>>, vector<1x16xf32>,
      %swap3A_253 = vector.shape_cast %swap3A_252 : vector<1x16xf32> to vector<16xf32>
      %swap3A_254 = vector.shape_cast %mul3A_247 : vector<16xf32> to vector<1x16xf32>
      tpu.vector_store %arg8[%swap3A_250, %swap3A_251], %swap3A_254 {strides = array<i32>} : memref<128x128xf32, #tpu.memory_space<vmem>>, vector<1x16xf32>,
      %add3A_255 = arith.constant 1 : i32
      %add3A_256 = arith.addi %mul3A_112, %add3A_255 : i32
      %get3A_257 = arith.index_cast %add3A_256 : i32 to index
      %get3A_258 = arith.constant 16 : index
      %get3A_259 = tpu.vector_load %arg6[%get3A_257, %get3A_258] {strides = array<i32>} : memref<128x128xf32, #tpu.memory_space<vmem>>, vector<1x16xf32>,
      %get3A_260 = vector.shape_cast %get3A_259 : vector<1x16xf32> to vector<16xf32>
      %mul3A_261 = arith.constant 11.3137083 : f32
      %mul3A_262 = vector.broadcast %mul3A_261 : f32 to vector<16xf32>
      %mul3A_263 = arith.mulf %get3A_260, %mul3A_262 : vector<16xf32>
      %add3A_264 = arith.constant 1 : i32
      %add3A_265 = arith.addi %mul3A_112, %add3A_264 : i32
      %swap3A_266 = arith.index_cast %add3A_265 : i32 to index
      %swap3A_267 = arith.constant 16 : index
      %swap3A_268 = tpu.vector_load %arg8[%swap3A_266, %swap3A_267] {strides = array<i32>} : memref<128x128xf32, #tpu.memory_space<vmem>>, vector<1x16xf32>,
      %swap3A_269 = vector.shape_cast %swap3A_268 : vector<1x16xf32> to vector<16xf32>
      %swap3A_270 = vector.shape_cast %mul3A_263 : vector<16xf32> to vector<1x16xf32>
      tpu.vector_store %arg8[%swap3A_266, %swap3A_267], %swap3A_270 {strides = array<i32>} : memref<128x128xf32, #tpu.memory_space<vmem>>, vector<1x16xf32>,
      %add3A_271 = arith.constant 1 : i32
      %add3A_272 = arith.addi %mul3A_112, %add3A_271 : i32
      %get3A_273 = arith.index_cast %add3A_272 : i32 to index
      %get3A_274 = arith.constant 32 : index
      %get3A_275 = tpu.vector_load %arg6[%get3A_273, %get3A_274] {strides = array<i32>} : memref<128x128xf32, #tpu.memory_space<vmem>>, vector<1x16xf32>,
      %get3A_276 = vector.shape_cast %get3A_275 : vector<1x16xf32> to vector<16xf32>
      %mul3A_277 = arith.constant 11.3137083 : f32
      %mul3A_278 = vector.broadcast %mul3A_277 : f32 to vector<16xf32>
      %mul3A_279 = arith.mulf %get3A_276, %mul3A_278 : vector<16xf32>
      %add3A_280 = arith.constant 1 : i32
      %add3A_281 = arith.addi %mul3A_112, %add3A_280 : i32
      %swap3A_282 = arith.index_cast %add3A_281 : i32 to index
      %swap3A_283 = arith.constant 32 : index
      %swap3A_284 = tpu.vector_load %arg8[%swap3A_282, %swap3A_283] {strides = array<i32>} : memref<128x128xf32, #tpu.memory_space<vmem>>, vector<1x16xf32>,
      %swap3A_285 = vector.shape_cast %swap3A_284 : vector<1x16xf32> to vector<16xf32>
      %swap3A_286 = vector.shape_cast %mul3A_279 : vector<16xf32> to vector<1x16xf32>
      tpu.vector_store %arg8[%swap3A_282, %swap3A_283], %swap3A_286 {strides = array<i32>} : memref<128x128xf32, #tpu.memory_space<vmem>>, vector<1x16xf32>,
      %add3A_287 = arith.constant 1 : i32
      %add3A_288 = arith.addi %mul3A_112, %add3A_287 : i32
      %get3A_289 = arith.index_cast %add3A_288 : i32 to index
      %get3A_290 = arith.constant 48 : index
      %get3A_291 = tpu.vector_load %arg6[%get3A_289, %get3A_290] {strides = array<i32>} : memref<128x128xf32, #tpu.memory_space<vmem>>, vector<1x16xf32>,
      %get3A_292 = vector.shape_cast %get3A_291 : vector<1x16xf32> to vector<16xf32>
      %mul3A_293 = arith.constant 11.3137083 : f32
      %mul3A_294 = vector.broadcast %mul3A_293 : f32 to vector<16xf32>
      %mul3A_295 = arith.mulf %get3A_292, %mul3A_294 : vector<16xf32>
      %add3A_296 = arith.constant 1 : i32
      %add3A_297 = arith.addi %mul3A_112, %add3A_296 : i32
      %swap3A_298 = arith.index_cast %add3A_297 : i32 to index
      %swap3A_299 = arith.constant 48 : index
      %swap3A_300 = tpu.vector_load %arg8[%swap3A_298, %swap3A_299] {strides = array<i32>} : memref<128x128xf32, #tpu.memory_space<vmem>>, vector<1x16xf32>,
      %swap3A_301 = vector.shape_cast %swap3A_300 : vector<1x16xf32> to vector<16xf32>
      %swap3A_302 = vector.shape_cast %mul3A_295 : vector<16xf32> to vector<1x16xf32>
      tpu.vector_store %arg8[%swap3A_298, %swap3A_299], %swap3A_302 {strides = array<i32>} : memref<128x128xf32, #tpu.memory_space<vmem>>, vector<1x16xf32>,
      %add3A_303 = arith.constant 1 : i32
      %add3A_304 = arith.addi %mul3A_112, %add3A_303 : i32
      %get3A_305 = arith.index_cast %add3A_304 : i32 to index
      %get3A_306 = arith.constant 64 : index
      %get3A_307 = tpu.vector_load %arg6[%get3A_305, %get3A_306] {strides = array<i32>} : memref<128x128xf32, #tpu.memory_space<vmem>>, vector<1x16xf32>,
      %get3A_308 = vector.shape_cast %get3A_307 : vector<1x16xf32> to vector<16xf32>
      %mul3A_309 = arith.constant 11.3137083 : f32
      %mul3A_310 = vector.broadcast %mul3A_309 : f32 to vector<16xf32>
      %mul3A_311 = arith.mulf %get3A_308, %mul3A_310 : vector<16xf32>
      %add3A_312 = arith.constant 1 : i32
      %add3A_313 = arith.addi %mul3A_112, %add3A_312 : i32
      %swap3A_314 = arith.index_cast %add3A_313 : i32 to index
      %swap3A_315 = arith.constant 64 : index
      %swap3A_316 = tpu.vector_load %arg8[%swap3A_314, %swap3A_315] {strides = array<i32>} : memref<128x128xf32, #tpu.memory_space<vmem>>, vector<1x16xf32>,
      %swap3A_317 = vector.shape_cast %swap3A_316 : vector<1x16xf32> to vector<16xf32>
      %swap3A_318 = vector.shape_cast %mul3A_311 : vector<16xf32> to vector<1x16xf32>
      tpu.vector_store %arg8[%swap3A_314, %swap3A_315], %swap3A_318 {strides = array<i32>} : memref<128x128xf32, #tpu.memory_space<vmem>>, vector<1x16xf32>,
      %add3A_319 = arith.constant 1 : i32
      %add3A_320 = arith.addi %mul3A_112, %add3A_319 : i32
      %get3A_321 = arith.index_cast %add3A_320 : i32 to index
      %get3A_322 = arith.constant 80 : index
      %get3A_323 = tpu.vector_load %arg6[%get3A_321, %get3A_322] {strides = array<i32>} : memref<128x128xf32, #tpu.memory_space<vmem>>, vector<1x16xf32>,
      %get3A_324 = vector.shape_cast %get3A_323 : vector<1x16xf32> to vector<16xf32>
      %mul3A_325 = arith.constant 11.3137083 : f32
      %mul3A_326 = vector.broadcast %mul3A_325 : f32 to vector<16xf32>
      %mul3A_327 = arith.mulf %get3A_324, %mul3A_326 : vector<16xf32>
      %add3A_328 = arith.constant 1 : i32
      %add3A_329 = arith.addi %mul3A_112, %add3A_328 : i32
      %swap3A_330 = arith.index_cast %add3A_329 : i32 to index
      %swap3A_331 = arith.constant 80 : index
      %swap3A_332 = tpu.vector_load %arg8[%swap3A_330, %swap3A_331] {strides = array<i32>} : memref<128x128xf32, #tpu.memory_space<vmem>>, vector<1x16xf32>,
      %swap3A_333 = vector.shape_cast %swap3A_332 : vector<1x16xf32> to vector<16xf32>
      %swap3A_334 = vector.shape_cast %mul3A_327 : vector<16xf32> to vector<1x16xf32>
      tpu.vector_store %arg8[%swap3A_330, %swap3A_331], %swap3A_334 {strides = array<i32>} : memref<128x128xf32, #tpu.memory_space<vmem>>, vector<1x16xf32>,
      %add3A_335 = arith.constant 1 : i32
      %add3A_336 = arith.addi %mul3A_112, %add3A_335 : i32
      %get3A_337 = arith.index_cast %add3A_336 : i32 to index
      %get3A_338 = arith.constant 96 : index
      %get3A_339 = tpu.vector_load %arg6[%get3A_337, %get3A_338] {strides = array<i32>} : memref<128x128xf32, #tpu.memory_space<vmem>>, vector<1x16xf32>,
      %get3A_340 = vector.shape_cast %get3A_339 : vector<1x16xf32> to vector<16xf32>
      %mul3A_341 = arith.constant 11.3137083 : f32
      %mul3A_342 = vector.broadcast %mul3A_341 : f32 to vector<16xf32>
      %mul3A_343 = arith.mulf %get3A_340, %mul3A_342 : vector<16xf32>
      %add3A_344 = arith.constant 1 : i32
      %add3A_345 = arith.addi %mul3A_112, %add3A_344 : i32
      %swap3A_346 = arith.index_cast %add3A_345 : i32 to index
      %swap3A_347 = arith.constant 96 : index
      %swap3A_348 = tpu.vector_load %arg8[%swap3A_346, %swap3A_347] {strides = array<i32>} : memref<128x128xf32, #tpu.memory_space<vmem>>, vector<1x16xf32>,
      %swap3A_349 = vector.shape_cast %swap3A_348 : vector<1x16xf32> to vector<16xf32>
      %swap3A_350 = vector.shape_cast %mul3A_343 : vector<16xf32> to vector<1x16xf32>
      tpu.vector_store %arg8[%swap3A_346, %swap3A_347], %swap3A_350 {strides = array<i32>} : memref<128x128xf32, #tpu.memory_space<vmem>>, vector<1x16xf32>,
      %add3A_351 = arith.constant 1 : i32
      %add3A_352 = arith.addi %mul3A_112, %add3A_351 : i32
      %get3A_353 = arith.index_cast %add3A_352 : i32 to index
      %get3A_354 = arith.constant 112 : index
      %get3A_355 = tpu.vector_load %arg6[%get3A_353, %get3A_354] {strides = array<i32>} : memref<128x128xf32, #tpu.memory_space<vmem>>, vector<1x16xf32>,
      %get3A_356 = vector.shape_cast %get3A_355 : vector<1x16xf32> to vector<16xf32>
      %mul3A_357 = arith.constant 11.3137083 : f32
      %mul3A_358 = vector.broadcast %mul3A_357 : f32 to vector<16xf32>
      %mul3A_359 = arith.mulf %get3A_356, %mul3A_358 : vector<16xf32>
      %add3A_360 = arith.constant 1 : i32
      %add3A_361 = arith.addi %mul3A_112, %add3A_360 : i32
      %swap3A_362 = arith.index_cast %add3A_361 : i32 to index
      %swap3A_363 = arith.constant 112 : index
      %swap3A_364 = tpu.vector_load %arg8[%swap3A_362, %swap3A_363] {strides = array<i32>} : memref<128x128xf32, #tpu.memory_space<vmem>>, vector<1x16xf32>,
      %swap3A_365 = vector.shape_cast %swap3A_364 : vector<1x16xf32> to vector<16xf32>
      %swap3A_366 = vector.shape_cast %mul3A_359 : vector<16xf32> to vector<1x16xf32>
      tpu.vector_store %arg8[%swap3A_362, %swap3A_363], %swap3A_366 {strides = array<i32>} : memref<128x128xf32, #tpu.memory_space<vmem>>, vector<1x16xf32>,
      %add3A_367 = arith.constant 2 : i32
      %add3A_368 = arith.addi %mul3A_112, %add3A_367 : i32
      %get3A_369 = arith.index_cast %add3A_368 : i32 to index
      %get3A_370 = arith.constant 0 : index
      %get3A_371 = tpu.vector_load %arg6[%get3A_369, %get3A_370] {strides = array<i32>} : memref<128x128xf32, #tpu.memory_space<vmem>>, vector<1x16xf32>,
      %get3A_372 = vector.shape_cast %get3A_371 : vector<1x16xf32> to vector<16xf32>
      %mul3A_373 = arith.constant 11.3137083 : f32
      %mul3A_374 = vector.broadcast %mul3A_373 : f32 to vector<16xf32>
      %mul3A_375 = arith.mulf %get3A_372, %mul3A_374 : vector<16xf32>
      %add3A_376 = arith.constant 2 : i32
      %add3A_377 = arith.addi %mul3A_112, %add3A_376 : i32
      %swap3A_378 = arith.index_cast %add3A_377 : i32 to index
      %swap3A_379 = arith.constant 0 : index
      %swap3A_380 = tpu.vector_load %arg8[%swap3A_378, %swap3A_379] {strides = array<i32>} : memref<128x128xf32, #tpu.memory_space<vmem>>, vector<1x16xf32>,
      %swap3A_381 = vector.shape_cast %swap3A_380 : vector<1x16xf32> to vector<16xf32>
      %swap3A_382 = vector.shape_cast %mul3A_375 : vector<16xf32> to vector<1x16xf32>
      tpu.vector_store %arg8[%swap3A_378, %swap3A_379], %swap3A_382 {strides = array<i32>} : memref<128x128xf32, #tpu.memory_space<vmem>>, vector<1x16xf32>,
      %add3A_383 = arith.constant 2 : i32
      %add3A_384 = arith.addi %mul3A_112, %add3A_383 : i32
      %get3A_385 = arith.index_cast %add3A_384 : i32 to index
      %get3A_386 = arith.constant 16 : index
      %get3A_387 = tpu.vector_load %arg6[%get3A_385, %get3A_386] {strides = array<i32>} : memref<128x128xf32, #tpu.memory_space<vmem>>, vector<1x16xf32>,
      %get3A_388 = vector.shape_cast %get3A_387 : vector<1x16xf32> to vector<16xf32>
      %mul3A_389 = arith.constant 11.3137083 : f32
      %mul3A_390 = vector.broadcast %mul3A_389 : f32 to vector<16xf32>
      %mul3A_391 = arith.mulf %get3A_388, %mul3A_390 : vector<16xf32>
      %add3A_392 = arith.constant 2 : i32
      %add3A_393 = arith.addi %mul3A_112, %add3A_392 : i32
      %swap3A_394 = arith.index_cast %add3A_393 : i32 to index
      %swap3A_395 = arith.constant 16 : index
      %swap3A_396 = tpu.vector_load %arg8[%swap3A_394, %swap3A_395] {strides = array<i32>} : memref<128x128xf32, #tpu.memory_space<vmem>>, vector<1x16xf32>,
      %swap3A_397 = vector.shape_cast %swap3A_396 : vector<1x16xf32> to vector<16xf32>
      %swap3A_398 = vector.shape_cast %mul3A_391 : vector<16xf32> to vector<1x16xf32>
      tpu.vector_store %arg8[%swap3A_394, %swap3A_395], %swap3A_398 {strides = array<i32>} : memref<128x128xf32, #tpu.memory_space<vmem>>, vector<1x16xf32>,
      %add3A_399 = arith.constant 2 : i32
      %add3A_400 = arith.addi %mul3A_112, %add3A_399 : i32
      %get3A_401 = arith.index_cast %add3A_400 : i32 to index
      %get3A_402 = arith.constant 32 : index
      %get3A_403 = tpu.vector_load %arg6[%get3A_401, %get3A_402] {strides = array<i32>} : memref<128x128xf32, #tpu.memory_space<vmem>>, vector<1x16xf32>,
      %get3A_404 = vector.shape_cast %get3A_403 : vector<1x16xf32> to vector<16xf32>
      %mul3A_405 = arith.constant 11.3137083 : f32
      %mul3A_406 = vector.broadcast %mul3A_405 : f32 to vector<16xf32>
      %mul3A_407 = arith.mulf %get3A_404, %mul3A_406 : vector<16xf32>
      %add3A_408 = arith.constant 2 : i32
      %add3A_409 = arith.addi %mul3A_112, %add3A_408 : i32
      %swap3A_410 = arith.index_cast %add3A_409 : i32 to index
      %swap3A_411 = arith.constant 32 : index
      %swap3A_412 = tpu.vector_load %arg8[%swap3A_410, %swap3A_411] {strides = array<i32>} : memref<128x128xf32, #tpu.memory_space<vmem>>, vector<1x16xf32>,
      %swap3A_413 = vector.shape_cast %swap3A_412 : vector<1x16xf32> to vector<16xf32>
      %swap3A_414 = vector.shape_cast %mul3A_407 : vector<16xf32> to vector<1x16xf32>
      tpu.vector_store %arg8[%swap3A_410, %swap3A_411], %swap3A_414 {strides = array<i32>} : memref<128x128xf32, #tpu.memory_space<vmem>>, vector<1x16xf32>,
      %add3A_415 = arith.constant 2 : i32
      %add3A_416 = arith.addi %mul3A_112, %add3A_415 : i32
      %get3A_417 = arith.index_cast %add3A_416 : i32 to index
      %get3A_418 = arith.constant 48 : index
      %get3A_419 = tpu.vector_load %arg6[%get3A_417, %get3A_418] {strides = array<i32>} : memref<128x128xf32, #tpu.memory_space<vmem>>, vector<1x16xf32>,
      %get3A_420 = vector.shape_cast %get3A_419 : vector<1x16xf32> to vector<16xf32>
      %mul3A_421 = arith.constant 11.3137083 : f32
      %mul3A_422 = vector.broadcast %mul3A_421 : f32 to vector<16xf32>
      %mul3A_423 = arith.mulf %get3A_420, %mul3A_422 : vector<16xf32>
      %add3A_424 = arith.constant 2 : i32
      %add3A_425 = arith.addi %mul3A_112, %add3A_424 : i32
      %swap3A_426 = arith.index_cast %add3A_425 : i32 to index
      %swap3A_427 = arith.constant 48 : index
      %swap3A_428 = tpu.vector_load %arg8[%swap3A_426, %swap3A_427] {strides = array<i32>} : memref<128x128xf32, #tpu.memory_space<vmem>>, vector<1x16xf32>,
      %swap3A_429 = vector.shape_cast %swap3A_428 : vector<1x16xf32> to vector<16xf32>
      %swap3A_430 = vector.shape_cast %mul3A_423 : vector<16xf32> to vector<1x16xf32>
      tpu.vector_store %arg8[%swap3A_426, %swap3A_427], %swap3A_430 {strides = array<i32>} : memref<128x128xf32, #tpu.memory_space<vmem>>, vector<1x16xf32>,
      %add3A_431 = arith.constant 2 : i32
      %add3A_432 = arith.addi %mul3A_112, %add3A_431 : i32
      %get3A_433 = arith.index_cast %add3A_432 : i32 to index
      %get3A_434 = arith.constant 64 : index
      %get3A_435 = tpu.vector_load %arg6[%get3A_433, %get3A_434] {strides = array<i32>} : memref<128x128xf32, #tpu.memory_space<vmem>>, vector<1x16xf32>,
      %get3A_436 = vector.shape_cast %get3A_435 : vector<1x16xf32> to vector<16xf32>
      %mul3A_437 = arith.constant 11.3137083 : f32
      %mul3A_438 = vector.broadcast %mul3A_437 : f32 to vector<16xf32>
      %mul3A_439 = arith.mulf %get3A_436, %mul3A_438 : vector<16xf32>
      %add3A_440 = arith.constant 2 : i32
      %add3A_441 = arith.addi %mul3A_112, %add3A_440 : i32
      %swap3A_442 = arith.index_cast %add3A_441 : i32 to index
      %swap3A_443 = arith.constant 64 : index
      %swap3A_444 = tpu.vector_load %arg8[%swap3A_442, %swap3A_443] {strides = array<i32>} : memref<128x128xf32, #tpu.memory_space<vmem>>, vector<1x16xf32>,
      %swap3A_445 = vector.shape_cast %swap3A_444 : vector<1x16xf32> to vector<16xf32>
      %swap3A_446 = vector.shape_cast %mul3A_439 : vector<16xf32> to vector<1x16xf32>
      tpu.vector_store %arg8[%swap3A_442, %swap3A_443], %swap3A_446 {strides = array<i32>} : memref<128x128xf32, #tpu.memory_space<vmem>>, vector<1x16xf32>,
      %add3A_447 = arith.constant 2 : i32
      %add3A_448 = arith.addi %mul3A_112, %add3A_447 : i32
      %get3A_449 = arith.index_cast %add3A_448 : i32 to index
      %get3A_450 = arith.constant 80 : index
      %get3A_451 = tpu.vector_load %arg6[%get3A_449, %get3A_450] {strides = array<i32>} : memref<128x128xf32, #tpu.memory_space<vmem>>, vector<1x16xf32>,
      %get3A_452 = vector.shape_cast %get3A_451 : vector<1x16xf32> to vector<16xf32>
      %mul3A_453 = arith.constant 11.3137083 : f32
      %mul3A_454 = vector.broadcast %mul3A_453 : f32 to vector<16xf32>
      %mul3A_455 = arith.mulf %get3A_452, %mul3A_454 : vector<16xf32>
      %add3A_456 = arith.constant 2 : i32
      %add3A_457 = arith.addi %mul3A_112, %add3A_456 : i32
      %swap3A_458 = arith.index_cast %add3A_457 : i32 to index
      %swap3A_459 = arith.constant 80 : index
      %swap3A_460 = tpu.vector_load %arg8[%swap3A_458, %swap3A_459] {strides = array<i32>} : memref<128x128xf32, #tpu.memory_space<vmem>>, vector<1x16xf32>,
      %swap3A_461 = vector.shape_cast %swap3A_460 : vector<1x16xf32> to vector<16xf32>
      %swap3A_462 = vector.shape_cast %mul3A_455 : vector<16xf32> to vector<1x16xf32>
      tpu.vector_store %arg8[%swap3A_458, %swap3A_459], %swap3A_462 {strides = array<i32>} : memref<128x128xf32, #tpu.memory_space<vmem>>, vector<1x16xf32>,
      %add3A_463 = arith.constant 2 : i32
      %add3A_464 = arith.addi %mul3A_112, %add3A_463 : i32
      %get3A_465 = arith.index_cast %add3A_464 : i32 to index
      %get3A_466 = arith.constant 96 : index
      %get3A_467 = tpu.vector_load %arg6[%get3A_465, %get3A_466] {strides = array<i32>} : memref<128x128xf32, #tpu.memory_space<vmem>>, vector<1x16xf32>,
      %get3A_468 = vector.shape_cast %get3A_467 : vector<1x16xf32> to vector<16xf32>
      %mul3A_469 = arith.constant 11.3137083 : f32
      %mul3A_470 = vector.broadcast %mul3A_469 : f32 to vector<16xf32>
      %mul3A_471 = arith.mulf %get3A_468, %mul3A_470 : vector<16xf32>
      %add3A_472 = arith.constant 2 : i32
      %add3A_473 = arith.addi %mul3A_112, %add3A_472 : i32
      %swap3A_474 = arith.index_cast %add3A_473 : i32 to index
      %swap3A_475 = arith.constant 96 : index
      %swap3A_476 = tpu.vector_load %arg8[%swap3A_474, %swap3A_475] {strides = array<i32>} : memref<128x128xf32, #tpu.memory_space<vmem>>, vector<1x16xf32>,
      %swap3A_477 = vector.shape_cast %swap3A_476 : vector<1x16xf32> to vector<16xf32>
      %swap3A_478 = vector.shape_cast %mul3A_471 : vector<16xf32> to vector<1x16xf32>
      tpu.vector_store %arg8[%swap3A_474, %swap3A_475], %swap3A_478 {strides = array<i32>} : memref<128x128xf32, #tpu.memory_space<vmem>>, vector<1x16xf32>,
      %add3A_479 = arith.constant 2 : i32
      %add3A_480 = arith.addi %mul3A_112, %add3A_479 : i32
      %get3A_481 = arith.index_cast %add3A_480 : i32 to index
      %get3A_482 = arith.constant 112 : index
      %get3A_483 = tpu.vector_load %arg6[%get3A_481, %get3A_482] {strides = array<i32>} : memref<128x128xf32, #tpu.memory_space<vmem>>, vector<1x16xf32>,
      %get3A_484 = vector.shape_cast %get3A_483 : vector<1x16xf32> to vector<16xf32>
      %mul3A_485 = arith.constant 11.3137083 : f32
      %mul3A_486 = vector.broadcast %mul3A_485 : f32 to vector<16xf32>
      %mul3A_487 = arith.mulf %get3A_484, %mul3A_486 : vector<16xf32>
      %add3A_488 = arith.constant 2 : i32
      %add3A_489 = arith.addi %mul3A_112, %add3A_488 : i32
      %swap3A_490 = arith.index_cast %add3A_489 : i32 to index
      %swap3A_491 = arith.constant 112 : index
      %swap3A_492 = tpu.vector_load %arg8[%swap3A_490, %swap3A_491] {strides = array<i32>} : memref<128x128xf32, #tpu.memory_space<vmem>>, vector<1x16xf32>,
      %swap3A_493 = vector.shape_cast %swap3A_492 : vector<1x16xf32> to vector<16xf32>
      %swap3A_494 = vector.shape_cast %mul3A_487 : vector<16xf32> to vector<1x16xf32>
      tpu.vector_store %arg8[%swap3A_490, %swap3A_491], %swap3A_494 {strides = array<i32>} : memref<128x128xf32, #tpu.memory_space<vmem>>, vector<1x16xf32>,
      %add3A_495 = arith.constant 3 : i32
      %add3A_496 = arith.addi %mul3A_112, %add3A_495 : i32
      %get3A_497 = arith.index_cast %add3A_496 : i32 to index
      %get3A_498 = arith.constant 0 : index
      %get3A_499 = tpu.vector_load %arg6[%get3A_497, %get3A_498] {strides = array<i32>} : memref<128x128xf32, #tpu.memory_space<vmem>>, vector<1x16xf32>,
      %get3A_500 = vector.shape_cast %get3A_499 : vector<1x16xf32> to vector<16xf32>
      %mul3A_501 = arith.constant 11.3137083 : f32
      %mul3A_502 = vector.broadcast %mul3A_501 : f32 to vector<16xf32>
      %mul3A_503 = arith.mulf %get3A_500, %mul3A_502 : vector<16xf32>
      %add3A_504 = arith.constant 3 : i32
      %add3A_505 = arith.addi %mul3A_112, %add3A_504 : i32
      %swap3A_506 = arith.index_cast %add3A_505 : i32 to index
      %swap3A_507 = arith.constant 0 : index
      %swap3A_508 = tpu.vector_load %arg8[%swap3A_506, %swap3A_507] {strides = array<i32>} : memref<128x128xf32, #tpu.memory_space<vmem>>, vector<1x16xf32>,
      %swap3A_509 = vector.shape_cast %swap3A_508 : vector<1x16xf32> to vector<16xf32>
      %swap3A_510 = vector.shape_cast %mul3A_503 : vector<16xf32> to vector<1x16xf32>
      tpu.vector_store %arg8[%swap3A_506, %swap3A_507], %swap3A_510 {strides = array<i32>} : memref<128x128xf32, #tpu.memory_space<vmem>>, vector<1x16xf32>,
      %add3A_511 = arith.constant 3 : i32
      %add3A_512 = arith.addi %mul3A_112, %add3A_511 : i32
      %get3A_513 = arith.index_cast %add3A_512 : i32 to index
      %get3A_514 = arith.constant 16 : index
      %get3A_515 = tpu.vector_load %arg6[%get3A_513, %get3A_514] {strides = array<i32>} : memref<128x128xf32, #tpu.memory_space<vmem>>, vector<1x16xf32>,
      %get3A_516 = vector.shape_cast %get3A_515 : vector<1x16xf32> to vector<16xf32>
      %mul3A_517 = arith.constant 11.3137083 : f32
      %mul3A_518 = vector.broadcast %mul3A_517 : f32 to vector<16xf32>
      %mul3A_519 = arith.mulf %get3A_516, %mul3A_518 : vector<16xf32>
      %add3A_520 = arith.constant 3 : i32
      %add3A_521 = arith.addi %mul3A_112, %add3A_520 : i32
      %swap3A_522 = arith.index_cast %add3A_521 : i32 to index
      %swap3A_523 = arith.constant 16 : index
      %swap3A_524 = tpu.vector_load %arg8[%swap3A_522, %swap3A_523] {strides = array<i32>} : memref<128x128xf32, #tpu.memory_space<vmem>>, vector<1x16xf32>,
      %swap3A_525 = vector.shape_cast %swap3A_524 : vector<1x16xf32> to vector<16xf32>
      %swap3A_526 = vector.shape_cast %mul3A_519 : vector<16xf32> to vector<1x16xf32>
      tpu.vector_store %arg8[%swap3A_522, %swap3A_523], %swap3A_526 {strides = array<i32>} : memref<128x128xf32, #tpu.memory_space<vmem>>, vector<1x16xf32>,
      %add3A_527 = arith.constant 3 : i32
      %add3A_528 = arith.addi %mul3A_112, %add3A_527 : i32
      %get3A_529 = arith.index_cast %add3A_528 : i32 to index
      %get3A_530 = arith.constant 32 : index
      %get3A_531 = tpu.vector_load %arg6[%get3A_529, %get3A_530] {strides = array<i32>} : memref<128x128xf32, #tpu.memory_space<vmem>>, vector<1x16xf32>,
      %get3A_532 = vector.shape_cast %get3A_531 : vector<1x16xf32> to vector<16xf32>
      %mul3A_533 = arith.constant 11.3137083 : f32
      %mul3A_534 = vector.broadcast %mul3A_533 : f32 to vector<16xf32>
      %mul3A_535 = arith.mulf %get3A_532, %mul3A_534 : vector<16xf32>
      %add3A_536 = arith.constant 3 : i32
      %add3A_537 = arith.addi %mul3A_112, %add3A_536 : i32
      %swap3A_538 = arith.index_cast %add3A_537 : i32 to index
      %swap3A_539 = arith.constant 32 : index
      %swap3A_540 = tpu.vector_load %arg8[%swap3A_538, %swap3A_539] {strides = array<i32>} : memref<128x128xf32, #tpu.memory_space<vmem>>, vector<1x16xf32>,
      %swap3A_541 = vector.shape_cast %swap3A_540 : vector<1x16xf32> to vector<16xf32>
      %swap3A_542 = vector.shape_cast %mul3A_535 : vector<16xf32> to vector<1x16xf32>
      tpu.vector_store %arg8[%swap3A_538, %swap3A_539], %swap3A_542 {strides = array<i32>} : memref<128x128xf32, #tpu.memory_space<vmem>>, vector<1x16xf32>,
      %add3A_543 = arith.constant 3 : i32
      %add3A_544 = arith.addi %mul3A_112, %add3A_543 : i32
      %get3A_545 = arith.index_cast %add3A_544 : i32 to index
      %get3A_546 = arith.constant 48 : index
      %get3A_547 = tpu.vector_load %arg6[%get3A_545, %get3A_546] {strides = array<i32>} : memref<128x128xf32, #tpu.memory_space<vmem>>, vector<1x16xf32>,
      %get3A_548 = vector.shape_cast %get3A_547 : vector<1x16xf32> to vector<16xf32>
      %mul3A_549 = arith.constant 11.3137083 : f32
      %mul3A_550 = vector.broadcast %mul3A_549 : f32 to vector<16xf32>
      %mul3A_551 = arith.mulf %get3A_548, %mul3A_550 : vector<16xf32>
      %add3A_552 = arith.constant 3 : i32
      %add3A_553 = arith.addi %mul3A_112, %add3A_552 : i32
      %swap3A_554 = arith.index_cast %add3A_553 : i32 to index
      %swap3A_555 = arith.constant 48 : index
      %swap3A_556 = tpu.vector_load %arg8[%swap3A_554, %swap3A_555] {strides = array<i32>} : memref<128x128xf32, #tpu.memory_space<vmem>>, vector<1x16xf32>,
      %swap3A_557 = vector.shape_cast %swap3A_556 : vector<1x16xf32> to vector<16xf32>
      %swap3A_558 = vector.shape_cast %mul3A_551 : vector<16xf32> to vector<1x16xf32>
      tpu.vector_store %arg8[%swap3A_554, %swap3A_555], %swap3A_558 {strides = array<i32>} : memref<128x128xf32, #tpu.memory_space<vmem>>, vector<1x16xf32>,
      %add3A_559 = arith.constant 3 : i32
      %add3A_560 = arith.addi %mul3A_112, %add3A_559 : i32
      %get3A_561 = arith.index_cast %add3A_560 : i32 to index
      %get3A_562 = arith.constant 64 : index
      %get3A_563 = tpu.vector_load %arg6[%get3A_561, %get3A_562] {strides = array<i32>} : memref<128x128xf32, #tpu.memory_space<vmem>>, vector<1x16xf32>,
      %get3A_564 = vector.shape_cast %get3A_563 : vector<1x16xf32> to vector<16xf32>
      %mul3A_565 = arith.constant 11.3137083 : f32
      %mul3A_566 = vector.broadcast %mul3A_565 : f32 to vector<16xf32>
      %mul3A_567 = arith.mulf %get3A_564, %mul3A_566 : vector<16xf32>
      %add3A_568 = arith.constant 3 : i32
      %add3A_569 = arith.addi %mul3A_112, %add3A_568 : i32
      %swap3A_570 = arith.index_cast %add3A_569 : i32 to index
      %swap3A_571 = arith.constant 64 : index
      %swap3A_572 = tpu.vector_load %arg8[%swap3A_570, %swap3A_571] {strides = array<i32>} : memref<128x128xf32, #tpu.memory_space<vmem>>, vector<1x16xf32>,
      %swap3A_573 = vector.shape_cast %swap3A_572 : vector<1x16xf32> to vector<16xf32>
      %swap3A_574 = vector.shape_cast %mul3A_567 : vector<16xf32> to vector<1x16xf32>
      tpu.vector_store %arg8[%swap3A_570, %swap3A_571], %swap3A_574 {strides = array<i32>} : memref<128x128xf32, #tpu.memory_space<vmem>>, vector<1x16xf32>,
      %add3A_575 = arith.constant 3 : i32
      %add3A_576 = arith.addi %mul3A_112, %add3A_575 : i32
      %get3A_577 = arith.index_cast %add3A_576 : i32 to index
      %get3A_578 = arith.constant 80 : index
      %get3A_579 = tpu.vector_load %arg6[%get3A_577, %get3A_578] {strides = array<i32>} : memref<128x128xf32, #tpu.memory_space<vmem>>, vector<1x16xf32>,
      %get3A_580 = vector.shape_cast %get3A_579 : vector<1x16xf32> to vector<16xf32>
      %mul3A_581 = arith.constant 11.3137083 : f32
      %mul3A_582 = vector.broadcast %mul3A_581 : f32 to vector<16xf32>
      %mul3A_583 = arith.mulf %get3A_580, %mul3A_582 : vector<16xf32>
      %add3A_584 = arith.constant 3 : i32
      %add3A_585 = arith.addi %mul3A_112, %add3A_584 : i32
      %swap3A_586 = arith.index_cast %add3A_585 : i32 to index
      %swap3A_587 = arith.constant 80 : index
      %swap3A_588 = tpu.vector_load %arg8[%swap3A_586, %swap3A_587] {strides = array<i32>} : memref<128x128xf32, #tpu.memory_space<vmem>>, vector<1x16xf32>,
      %swap3A_589 = vector.shape_cast %swap3A_588 : vector<1x16xf32> to vector<16xf32>
      %swap3A_590 = vector.shape_cast %mul3A_583 : vector<16xf32> to vector<1x16xf32>
      tpu.vector_store %arg8[%swap3A_586, %swap3A_587], %swap3A_590 {strides = array<i32>} : memref<128x128xf32, #tpu.memory_space<vmem>>, vector<1x16xf32>,
      %add3A_591 = arith.constant 3 : i32
      %add3A_592 = arith.addi %mul3A_112, %add3A_591 : i32
      %get3A_593 = arith.index_cast %add3A_592 : i32 to index
      %get3A_594 = arith.constant 96 : index
      %get3A_595 = tpu.vector_load %arg6[%get3A_593, %get3A_594] {strides = array<i32>} : memref<128x128xf32, #tpu.memory_space<vmem>>, vector<1x16xf32>,
      %get3A_596 = vector.shape_cast %get3A_595 : vector<1x16xf32> to vector<16xf32>
      %mul3A_597 = arith.constant 11.3137083 : f32
      %mul3A_598 = vector.broadcast %mul3A_597 : f32 to vector<16xf32>
      %mul3A_599 = arith.mulf %get3A_596, %mul3A_598 : vector<16xf32>
      %add3A_600 = arith.constant 3 : i32
      %add3A_601 = arith.addi %mul3A_112, %add3A_600 : i32
      %swap3A_602 = arith.index_cast %add3A_601 : i32 to index
      %swap3A_603 = arith.constant 96 : index
      %swap3A_604 = tpu.vector_load %arg8[%swap3A_602, %swap3A_603] {strides = array<i32>} : memref<128x128xf32, #tpu.memory_space<vmem>>, vector<1x16xf32>,
      %swap3A_605 = vector.shape_cast %swap3A_604 : vector<1x16xf32> to vector<16xf32>
      %swap3A_606 = vector.shape_cast %mul3A_599 : vector<16xf32> to vector<1x16xf32>
      tpu.vector_store %arg8[%swap3A_602, %swap3A_603], %swap3A_606 {strides = array<i32>} : memref<128x128xf32, #tpu.memory_space<vmem>>, vector<1x16xf32>,
      %add3A_607 = arith.constant 3 : i32
      %add3A_608 = arith.addi %mul3A_112, %add3A_607 : i32
      %get3A_609 = arith.index_cast %add3A_608 : i32 to index
      %get3A_610 = arith.constant 112 : index
      %get3A_611 = tpu.vector_load %arg6[%get3A_609, %get3A_610] {strides = array<i32>} : memref<128x128xf32, #tpu.memory_space<vmem>>, vector<1x16xf32>,
      %get3A_612 = vector.shape_cast %get3A_611 : vector<1x16xf32> to vector<16xf32>
      %mul3A_613 = arith.constant 11.3137083 : f32
      %mul3A_614 = vector.broadcast %mul3A_613 : f32 to vector<16xf32>
      %mul3A_615 = arith.mulf %get3A_612, %mul3A_614 : vector<16xf32>
      %add3A_616 = arith.constant 3 : i32
      %add3A_617 = arith.addi %mul3A_112, %add3A_616 : i32
      %swap3A_618 = arith.index_cast %add3A_617 : i32 to index
      %swap3A_619 = arith.constant 112 : index
      %swap3A_620 = tpu.vector_load %arg8[%swap3A_618, %swap3A_619] {strides = array<i32>} : memref<128x128xf32, #tpu.memory_space<vmem>>, vector<1x16xf32>,
      %swap3A_621 = vector.shape_cast %swap3A_620 : vector<1x16xf32> to vector<16xf32>
      %swap3A_622 = vector.shape_cast %mul3A_615 : vector<16xf32> to vector<1x16xf32>
      tpu.vector_store %arg8[%swap3A_618, %swap3A_619], %swap3A_622 {strides = array<i32>} : memref<128x128xf32, #tpu.memory_space<vmem>>, vector<1x16xf32>,
    }
    %scan3A_20 = arith.constant 32 : i32
    %add3A_21 = arith.constant 0 : i32
    %add3A_22 = arith.addi %mul3A_2, %add3A_21 : i32
    %dma_start3A_23 = arith.constant 0 : i32
    %dma_start3A_24 = tpu.memref_slice %arg4[%add3A_22, %dma_start3A_23] : memref<204800x128xf32, #tpu.memory_space<hbm>> -> memref<128x128xf32, #tpu.memory_space<hbm>>
    %dma_start3A_25 = arith.constant 0 : i32
    %dma_start3A_26 = tpu.memref_slice %arg4[%add3A_22, %dma_start3A_25] : memref<204800x128xf32, #tpu.memory_space<hbm>> -> memref<128x128xf32, #tpu.memory_space<hbm>>
    tpu.enqueue_dma source(%arg8 : memref<128x128xf32, #tpu.memory_space<vmem>>) target(%dma_start3A_26 : memref<128x128xf32, #tpu.memory_space<hbm>>) target_semaphore(%arg12 : memref<!tpu.dma_semaphore, #tpu.memory_space<semaphore_mem>>)
    %dma_start3A_27 = arith.constant 256 : i32
    %dma_start3A_28 = tpu.memref_slice %arg5[%dma_start3A_27] : memref<6400xi32, #tpu.memory_space<vmem>> -> memref<128xi32, #tpu.memory_space<vmem>>
    %dma_start3A_29 = arith.constant 0 : i32
    %dma_start3A_30 = arith.constant 0 : i32
    %dma_start3A_31 = tpu.memref_slice %arg3[%dma_start3A_29, %dma_start3A_30] : memref<100000x128xf32, #tpu.memory_space<hbm>> -> memref<100000x128xf32, #tpu.memory_space<hbm>>
    tpu.enqueue_indirect_dma source(%dma_start3A_31 : memref<100000x128xf32, #tpu.memory_space<hbm>>) target(%arg6 : memref<128x128xf32, #tpu.memory_space<vmem>>) offsets(%dma_start3A_28 : memref<128xi32, #tpu.memory_space<vmem>>) semaphore(%arg10 : memref<!tpu.dma_semaphore, #tpu.memory_space<semaphore_mem>>)
    %dma_wait3A_32 = arith.constant 0 : i32
    %dma_wait3A_33 = tpu.memref_slice %arg5[%dma_wait3A_32] : memref<6400xi32, #tpu.memory_space<vmem>> -> memref<128xi32, #tpu.memory_space<vmem>>
    %dma_wait3A_34 = arith.constant 0 : i32
    %dma_wait3A_35 = arith.constant 0 : i32
    %dma_wait3A_36 = tpu.memref_slice %arg3[%dma_wait3A_34, %dma_wait3A_35] : memref<100000x128xf32, #tpu.memory_space<hbm>> -> memref<100000x128xf32, #tpu.memory_space<hbm>>
    tpu.wait_indirect_dma semaphore(%arg11 : memref<!tpu.dma_semaphore, #tpu.memory_space<semaphore_mem>>) src(%dma_wait3A_36 : memref<100000x128xf32, #tpu.memory_space<hbm>>) dst(%arg7 : memref<128x128xf32, #tpu.memory_space<vmem>>)
    %scan3A_37 = arith.constant 0 : i32
    %scan3A_38 = arith.constant 0 : i32
    %scan3A_39 = arith.constant 32 : i32
    %scan3A_40 = arith.addi %scan3A_38, %scan3A_39 : i32
    %scan3A_41 = arith.constant 1 : i32
    scf.for %scan3A_110 = %scan3A_38 to %scan3A_40 step %scan3A_41  : i32 {
      %mul3A_111 = arith.constant 4 : i32
      %mul3A_112 = arith.muli %scan3A_110, %mul3A_111 : i32
      %add3A_113 = arith.constant 0 : i32
      %add3A_114 = arith.addi %mul3A_112, %add3A_113 : i32
      %get3A = arith.index_cast %add3A_114 : i32 to index
      %get3A_115 = arith.constant 0 : index
      %get3A_116 = tpu.vector_load %arg7[%get3A, %get3A_115] {strides = array<i32>} : memref<128x128xf32, #tpu.memory_space<vmem>>, vector<1x16xf32>,
      %get3A_117 = vector.shape_cast %get3A_116 : vector<1x16xf32> to vector<16xf32>
      %mul3A_118 = arith.constant 11.3137083 : f32
      %mul3A_119 = vector.broadcast %mul3A_118 : f32 to vector<16xf32>
      %mul3A_120 = arith.mulf %get3A_117, %mul3A_119 : vector<16xf32>
      %add3A_121 = arith.constant 0 : i32
      %add3A_122 = arith.addi %mul3A_112, %add3A_121 : i32
      %swap3A = arith.index_cast %add3A_122 : i32 to index
      %swap3A_123 = arith.constant 0 : index
      %swap3A_124 = tpu.vector_load %arg9[%swap3A, %swap3A_123] {strides = array<i32>} : memref<128x128xf32, #tpu.memory_space<vmem>>, vector<1x16xf32>,
      %swap3A_125 = vector.shape_cast %swap3A_124 : vector<1x16xf32> to vector<16xf32>
      %swap3A_126 = vector.shape_cast %mul3A_120 : vector<16xf32> to vector<1x16xf32>
      tpu.vector_store %arg9[%swap3A, %swap3A_123], %swap3A_126 {strides = array<i32>} : memref<128x128xf32, #tpu.memory_space<vmem>>, vector<1x16xf32>,
      %add3A_127 = arith.constant 0 : i32
      %add3A_128 = arith.addi %mul3A_112, %add3A_127 : i32
      %get3A_129 = arith.index_cast %add3A_128 : i32 to index
      %get3A_130 = arith.constant 16 : index
      %get3A_131 = tpu.vector_load %arg7[%get3A_129, %get3A_130] {strides = array<i32>} : memref<128x128xf32, #tpu.memory_space<vmem>>, vector<1x16xf32>,
      %get3A_132 = vector.shape_cast %get3A_131 : vector<1x16xf32> to vector<16xf32>
      %mul3A_133 = arith.constant 11.3137083 : f32
      %mul3A_134 = vector.broadcast %mul3A_133 : f32 to vector<16xf32>
      %mul3A_135 = arith.mulf %get3A_132, %mul3A_134 : vector<16xf32>
      %add3A_136 = arith.constant 0 : i32
      %add3A_137 = arith.addi %mul3A_112, %add3A_136 : i32
      %swap3A_138 = arith.index_cast %add3A_137 : i32 to index
      %swap3A_139 = arith.constant 16 : index
      %swap3A_140 = tpu.vector_load %arg9[%swap3A_138, %swap3A_139] {strides = array<i32>} : memref<128x128xf32, #tpu.memory_space<vmem>>, vector<1x16xf32>,
      %swap3A_141 = vector.shape_cast %swap3A_140 : vector<1x16xf32> to vector<16xf32>
      %swap3A_142 = vector.shape_cast %mul3A_135 : vector<16xf32> to vector<1x16xf32>
      tpu.vector_store %arg9[%swap3A_138, %swap3A_139], %swap3A_142 {strides = array<i32>} : memref<128x128xf32, #tpu.memory_space<vmem>>, vector<1x16xf32>,
      %add3A_143 = arith.constant 0 : i32
      %add3A_144 = arith.addi %mul3A_112, %add3A_143 : i32
      %get3A_145 = arith.index_cast %add3A_144 : i32 to index
      %get3A_146 = arith.constant 32 : index
      %get3A_147 = tpu.vector_load %arg7[%get3A_145, %get3A_146] {strides = array<i32>} : memref<128x128xf32, #tpu.memory_space<vmem>>, vector<1x16xf32>,
      %get3A_148 = vector.shape_cast %get3A_147 : vector<1x16xf32> to vector<16xf32>
      %mul3A_149 = arith.constant 11.3137083 : f32
      %mul3A_150 = vector.broadcast %mul3A_149 : f32 to vector<16xf32>
      %mul3A_151 = arith.mulf %get3A_148, %mul3A_150 : vector<16xf32>
      %add3A_152 = arith.constant 0 : i32
      %add3A_153 = arith.addi %mul3A_112, %add3A_152 : i32
      %swap3A_154 = arith.index_cast %add3A_153 : i32 to index
      %swap3A_155 = arith.constant 32 : index
      %swap3A_156 = tpu.vector_load %arg9[%swap3A_154, %swap3A_155] {strides = array<i32>} : memref<128x128xf32, #tpu.memory_space<vmem>>, vector<1x16xf32>,
      %swap3A_157 = vector.shape_cast %swap3A_156 : vector<1x16xf32> to vector<16xf32>
      %swap3A_158 = vector.shape_cast %mul3A_151 : vector<16xf32> to vector<1x16xf32>
      tpu.vector_store %arg9[%swap3A_154, %swap3A_155], %swap3A_158 {strides = array<i32>} : memref<128x128xf32, #tpu.memory_space<vmem>>, vector<1x16xf32>,
      %add3A_159 = arith.constant 0 : i32
      %add3A_160 = arith.addi %mul3A_112, %add3A_159 : i32
      %get3A_161 = arith.index_cast %add3A_160 : i32 to index
      %get3A_162 = arith.constant 48 : index
      %get3A_163 = tpu.vector_load %arg7[%get3A_161, %get3A_162] {strides = array<i32>} : memref<128x128xf32, #tpu.memory_space<vmem>>, vector<1x16xf32>,
      %get3A_164 = vector.shape_cast %get3A_163 : vector<1x16xf32> to vector<16xf32>
      %mul3A_165 = arith.constant 11.3137083 : f32
      %mul3A_166 = vector.broadcast %mul3A_165 : f32 to vector<16xf32>
      %mul3A_167 = arith.mulf %get3A_164, %mul3A_166 : vector<16xf32>
      %add3A_168 = arith.constant 0 : i32
      %add3A_169 = arith.addi %mul3A_112, %add3A_168 : i32
      %swap3A_170 = arith.index_cast %add3A_169 : i32 to index
      %swap3A_171 = arith.constant 48 : index
      %swap3A_172 = tpu.vector_load %arg9[%swap3A_170, %swap3A_171] {strides = array<i32>} : memref<128x128xf32, #tpu.memory_space<vmem>>, vector<1x16xf32>,
      %swap3A_173 = vector.shape_cast %swap3A_172 : vector<1x16xf32> to vector<16xf32>
      %swap3A_174 = vector.shape_cast %mul3A_167 : vector<16xf32> to vector<1x16xf32>
      tpu.vector_store %arg9[%swap3A_170, %swap3A_171], %swap3A_174 {strides = array<i32>} : memref<128x128xf32, #tpu.memory_space<vmem>>, vector<1x16xf32>,
      %add3A_175 = arith.constant 0 : i32
      %add3A_176 = arith.addi %mul3A_112, %add3A_175 : i32
      %get3A_177 = arith.index_cast %add3A_176 : i32 to index
      %get3A_178 = arith.constant 64 : index
      %get3A_179 = tpu.vector_load %arg7[%get3A_177, %get3A_178] {strides = array<i32>} : memref<128x128xf32, #tpu.memory_space<vmem>>, vector<1x16xf32>,
      %get3A_180 = vector.shape_cast %get3A_179 : vector<1x16xf32> to vector<16xf32>
      %mul3A_181 = arith.constant 11.3137083 : f32
      %mul3A_182 = vector.broadcast %mul3A_181 : f32 to vector<16xf32>
      %mul3A_183 = arith.mulf %get3A_180, %mul3A_182 : vector<16xf32>
      %add3A_184 = arith.constant 0 : i32
      %add3A_185 = arith.addi %mul3A_112, %add3A_184 : i32
      %swap3A_186 = arith.index_cast %add3A_185 : i32 to index
      %swap3A_187 = arith.constant 64 : index
      %swap3A_188 = tpu.vector_load %arg9[%swap3A_186, %swap3A_187] {strides = array<i32>} : memref<128x128xf32, #tpu.memory_space<vmem>>, vector<1x16xf32>,
      %swap3A_189 = vector.shape_cast %swap3A_188 : vector<1x16xf32> to vector<16xf32>
      %swap3A_190 = vector.shape_cast %mul3A_183 : vector<16xf32> to vector<1x16xf32>
      tpu.vector_store %arg9[%swap3A_186, %swap3A_187], %swap3A_190 {strides = array<i32>} : memref<128x128xf32, #tpu.memory_space<vmem>>, vector<1x16xf32>,
      %add3A_191 = arith.constant 0 : i32
      %add3A_192 = arith.addi %mul3A_112, %add3A_191 : i32
      %get3A_193 = arith.index_cast %add3A_192 : i32 to index
      %get3A_194 = arith.constant 80 : index
      %get3A_195 = tpu.vector_load %arg7[%get3A_193, %get3A_194] {strides = array<i32>} : memref<128x128xf32, #tpu.memory_space<vmem>>, vector<1x16xf32>,
      %get3A_196 = vector.shape_cast %get3A_195 : vector<1x16xf32> to vector<16xf32>
      %mul3A_197 = arith.constant 11.3137083 : f32
      %mul3A_198 = vector.broadcast %mul3A_197 : f32 to vector<16xf32>
      %mul3A_199 = arith.mulf %get3A_196, %mul3A_198 : vector<16xf32>
      %add3A_200 = arith.constant 0 : i32
      %add3A_201 = arith.addi %mul3A_112, %add3A_200 : i32
      %swap3A_202 = arith.index_cast %add3A_201 : i32 to index
      %swap3A_203 = arith.constant 80 : index
      %swap3A_204 = tpu.vector_load %arg9[%swap3A_202, %swap3A_203] {strides = array<i32>} : memref<128x128xf32, #tpu.memory_space<vmem>>, vector<1x16xf32>,
      %swap3A_205 = vector.shape_cast %swap3A_204 : vector<1x16xf32> to vector<16xf32>
      %swap3A_206 = vector.shape_cast %mul3A_199 : vector<16xf32> to vector<1x16xf32>
      tpu.vector_store %arg9[%swap3A_202, %swap3A_203], %swap3A_206 {strides = array<i32>} : memref<128x128xf32, #tpu.memory_space<vmem>>, vector<1x16xf32>,
      %add3A_207 = arith.constant 0 : i32
      %add3A_208 = arith.addi %mul3A_112, %add3A_207 : i32
      %get3A_209 = arith.index_cast %add3A_208 : i32 to index
      %get3A_210 = arith.constant 96 : index
      %get3A_211 = tpu.vector_load %arg7[%get3A_209, %get3A_210] {strides = array<i32>} : memref<128x128xf32, #tpu.memory_space<vmem>>, vector<1x16xf32>,
      %get3A_212 = vector.shape_cast %get3A_211 : vector<1x16xf32> to vector<16xf32>
      %mul3A_213 = arith.constant 11.3137083 : f32
      %mul3A_214 = vector.broadcast %mul3A_213 : f32 to vector<16xf32>
      %mul3A_215 = arith.mulf %get3A_212, %mul3A_214 : vector<16xf32>
      %add3A_216 = arith.constant 0 : i32
      %add3A_217 = arith.addi %mul3A_112, %add3A_216 : i32
      %swap3A_218 = arith.index_cast %add3A_217 : i32 to index
      %swap3A_219 = arith.constant 96 : index
      %swap3A_220 = tpu.vector_load %arg9[%swap3A_218, %swap3A_219] {strides = array<i32>} : memref<128x128xf32, #tpu.memory_space<vmem>>, vector<1x16xf32>,
      %swap3A_221 = vector.shape_cast %swap3A_220 : vector<1x16xf32> to vector<16xf32>
      %swap3A_222 = vector.shape_cast %mul3A_215 : vector<16xf32> to vector<1x16xf32>
      tpu.vector_store %arg9[%swap3A_218, %swap3A_219], %swap3A_222 {strides = array<i32>} : memref<128x128xf32, #tpu.memory_space<vmem>>, vector<1x16xf32>,
      %add3A_223 = arith.constant 0 : i32
      %add3A_224 = arith.addi %mul3A_112, %add3A_223 : i32
      %get3A_225 = arith.index_cast %add3A_224 : i32 to index
      %get3A_226 = arith.constant 112 : index
      %get3A_227 = tpu.vector_load %arg7[%get3A_225, %get3A_226] {strides = array<i32>} : memref<128x128xf32, #tpu.memory_space<vmem>>, vector<1x16xf32>,
      %get3A_228 = vector.shape_cast %get3A_227 : vector<1x16xf32> to vector<16xf32>
      %mul3A_229 = arith.constant 11.3137083 : f32
      %mul3A_230 = vector.broadcast %mul3A_229 : f32 to vector<16xf32>
      %mul3A_231 = arith.mulf %get3A_228, %mul3A_230 : vector<16xf32>
      %add3A_232 = arith.constant 0 : i32
      %add3A_233 = arith.addi %mul3A_112, %add3A_232 : i32
      %swap3A_234 = arith.index_cast %add3A_233 : i32 to index
      %swap3A_235 = arith.constant 112 : index
      %swap3A_236 = tpu.vector_load %arg9[%swap3A_234, %swap3A_235] {strides = array<i32>} : memref<128x128xf32, #tpu.memory_space<vmem>>, vector<1x16xf32>,
      %swap3A_237 = vector.shape_cast %swap3A_236 : vector<1x16xf32> to vector<16xf32>
      %swap3A_238 = vector.shape_cast %mul3A_231 : vector<16xf32> to vector<1x16xf32>
      tpu.vector_store %arg9[%swap3A_234, %swap3A_235], %swap3A_238 {strides = array<i32>} : memref<128x128xf32, #tpu.memory_space<vmem>>, vector<1x16xf32>,
      %add3A_239 = arith.constant 1 : i32
      %add3A_240 = arith.addi %mul3A_112, %add3A_239 : i32
      %get3A_241 = arith.index_cast %add3A_240 : i32 to index
      %get3A_242 = arith.constant 0 : index
      %get3A_243 = tpu.vector_load %arg7[%get3A_241, %get3A_242] {strides = array<i32>} : memref<128x128xf32, #tpu.memory_space<vmem>>, vector<1x16xf32>,
      %get3A_244 = vector.shape_cast %get3A_243 : vector<1x16xf32> to vector<16xf32>
      %mul3A_245 = arith.constant 11.3137083 : f32
      %mul3A_246 = vector.broadcast %mul3A_245 : f32 to vector<16xf32>
      %mul3A_247 = arith.mulf %get3A_244, %mul3A_246 : vector<16xf32>
      %add3A_248 = arith.constant 1 : i32
      %add3A_249 = arith.addi %mul3A_112, %add3A_248 : i32
      %swap3A_250 = arith.index_cast %add3A_249 : i32 to index
      %swap3A_251 = arith.constant 0 : index
      %swap3A_252 = tpu.vector_load %arg9[%swap3A_250, %swap3A_251] {strides = array<i32>} : memref<128x128xf32, #tpu.memory_space<vmem>>, vector<1x16xf32>,
      %swap3A_253 = vector.shape_cast %swap3A_252 : vector<1x16xf32> to vector<16xf32>
      %swap3A_254 = vector.shape_cast %mul3A_247 : vector<16xf32> to vector<1x16xf32>
      tpu.vector_store %arg9[%swap3A_250, %swap3A_251], %swap3A_254 {strides = array<i32>} : memref<128x128xf32, #tpu.memory_space<vmem>>, vector<1x16xf32>,
      %add3A_255 = arith.constant 1 : i32
      %add3A_256 = arith.addi %mul3A_112, %add3A_255 : i32
      %get3A_257 = arith.index_cast %add3A_256 : i32 to index
      %get3A_258 = arith.constant 16 : index
      %get3A_259 = tpu.vector_load %arg7[%get3A_257, %get3A_258] {strides = array<i32>} : memref<128x128xf32, #tpu.memory_space<vmem>>, vector<1x16xf32>,
      %get3A_260 = vector.shape_cast %get3A_259 : vector<1x16xf32> to vector<16xf32>
      %mul3A_261 = arith.constant 11.3137083 : f32
      %mul3A_262 = vector.broadcast %mul3A_261 : f32 to vector<16xf32>
      %mul3A_263 = arith.mulf %get3A_260, %mul3A_262 : vector<16xf32>
      %add3A_264 = arith.constant 1 : i32
      %add3A_265 = arith.addi %mul3A_112, %add3A_264 : i32
      %swap3A_266 = arith.index_cast %add3A_265 : i32 to index
      %swap3A_267 = arith.constant 16 : index
      %swap3A_268 = tpu.vector_load %arg9[%swap3A_266, %swap3A_267] {strides = array<i32>} : memref<128x128xf32, #tpu.memory_space<vmem>>, vector<1x16xf32>,
      %swap3A_269 = vector.shape_cast %swap3A_268 : vector<1x16xf32> to vector<16xf32>
      %swap3A_270 = vector.shape_cast %mul3A_263 : vector<16xf32> to vector<1x16xf32>
      tpu.vector_store %arg9[%swap3A_266, %swap3A_267], %swap3A_270 {strides = array<i32>} : memref<128x128xf32, #tpu.memory_space<vmem>>, vector<1x16xf32>,
      %add3A_271 = arith.constant 1 : i32
      %add3A_272 = arith.addi %mul3A_112, %add3A_271 : i32
      %get3A_273 = arith.index_cast %add3A_272 : i32 to index
      %get3A_274 = arith.constant 32 : index
      %get3A_275 = tpu.vector_load %arg7[%get3A_273, %get3A_274] {strides = array<i32>} : memref<128x128xf32, #tpu.memory_space<vmem>>, vector<1x16xf32>,
      %get3A_276 = vector.shape_cast %get3A_275 : vector<1x16xf32> to vector<16xf32>
      %mul3A_277 = arith.constant 11.3137083 : f32
      %mul3A_278 = vector.broadcast %mul3A_277 : f32 to vector<16xf32>
      %mul3A_279 = arith.mulf %get3A_276, %mul3A_278 : vector<16xf32>
      %add3A_280 = arith.constant 1 : i32
      %add3A_281 = arith.addi %mul3A_112, %add3A_280 : i32
      %swap3A_282 = arith.index_cast %add3A_281 : i32 to index
      %swap3A_283 = arith.constant 32 : index
      %swap3A_284 = tpu.vector_load %arg9[%swap3A_282, %swap3A_283] {strides = array<i32>} : memref<128x128xf32, #tpu.memory_space<vmem>>, vector<1x16xf32>,
      %swap3A_285 = vector.shape_cast %swap3A_284 : vector<1x16xf32> to vector<16xf32>
      %swap3A_286 = vector.shape_cast %mul3A_279 : vector<16xf32> to vector<1x16xf32>
      tpu.vector_store %arg9[%swap3A_282, %swap3A_283], %swap3A_286 {strides = array<i32>} : memref<128x128xf32, #tpu.memory_space<vmem>>, vector<1x16xf32>,
      %add3A_287 = arith.constant 1 : i32
      %add3A_288 = arith.addi %mul3A_112, %add3A_287 : i32
      %get3A_289 = arith.index_cast %add3A_288 : i32 to index
      %get3A_290 = arith.constant 48 : index
      %get3A_291 = tpu.vector_load %arg7[%get3A_289, %get3A_290] {strides = array<i32>} : memref<128x128xf32, #tpu.memory_space<vmem>>, vector<1x16xf32>,
      %get3A_292 = vector.shape_cast %get3A_291 : vector<1x16xf32> to vector<16xf32>
      %mul3A_293 = arith.constant 11.3137083 : f32
      %mul3A_294 = vector.broadcast %mul3A_293 : f32 to vector<16xf32>
      %mul3A_295 = arith.mulf %get3A_292, %mul3A_294 : vector<16xf32>
      %add3A_296 = arith.constant 1 : i32
      %add3A_297 = arith.addi %mul3A_112, %add3A_296 : i32
      %swap3A_298 = arith.index_cast %add3A_297 : i32 to index
      %swap3A_299 = arith.constant 48 : index
      %swap3A_300 = tpu.vector_load %arg9[%swap3A_298, %swap3A_299] {strides = array<i32>} : memref<128x128xf32, #tpu.memory_space<vmem>>, vector<1x16xf32>,
      %swap3A_301 = vector.shape_cast %swap3A_300 : vector<1x16xf32> to vector<16xf32>
      %swap3A_302 = vector.shape_cast %mul3A_295 : vector<16xf32> to vector<1x16xf32>
      tpu.vector_store %arg9[%swap3A_298, %swap3A_299], %swap3A_302 {strides = array<i32>} : memref<128x128xf32, #tpu.memory_space<vmem>>, vector<1x16xf32>,
      %add3A_303 = arith.constant 1 : i32
      %add3A_304 = arith.addi %mul3A_112, %add3A_303 : i32
      %get3A_305 = arith.index_cast %add3A_304 : i32 to index
      %get3A_306 = arith.constant 64 : index
      %get3A_307 = tpu.vector_load %arg7[%get3A_305, %get3A_306] {strides = array<i32>} : memref<128x128xf32, #tpu.memory_space<vmem>>, vector<1x16xf32>,
      %get3A_308 = vector.shape_cast %get3A_307 : vector<1x16xf32> to vector<16xf32>
      %mul3A_309 = arith.constant 11.3137083 : f32
      %mul3A_310 = vector.broadcast %mul3A_309 : f32 to vector<16xf32>
      %mul3A_311 = arith.mulf %get3A_308, %mul3A_310 : vector<16xf32>
      %add3A_312 = arith.constant 1 : i32
      %add3A_313 = arith.addi %mul3A_112, %add3A_312 : i32
      %swap3A_314 = arith.index_cast %add3A_313 : i32 to index
      %swap3A_315 = arith.constant 64 : index
      %swap3A_316 = tpu.vector_load %arg9[%swap3A_314, %swap3A_315] {strides = array<i32>} : memref<128x128xf32, #tpu.memory_space<vmem>>, vector<1x16xf32>,
      %swap3A_317 = vector.shape_cast %swap3A_316 : vector<1x16xf32> to vector<16xf32>
      %swap3A_318 = vector.shape_cast %mul3A_311 : vector<16xf32> to vector<1x16xf32>
      tpu.vector_store %arg9[%swap3A_314, %swap3A_315], %swap3A_318 {strides = array<i32>} : memref<128x128xf32, #tpu.memory_space<vmem>>, vector<1x16xf32>,
      %add3A_319 = arith.constant 1 : i32
      %add3A_320 = arith.addi %mul3A_112, %add3A_319 : i32
      %get3A_321 = arith.index_cast %add3A_320 : i32 to index
      %get3A_322 = arith.constant 80 : index
      %get3A_323 = tpu.vector_load %arg7[%get3A_321, %get3A_322] {strides = array<i32>} : memref<128x128xf32, #tpu.memory_space<vmem>>, vector<1x16xf32>,
      %get3A_324 = vector.shape_cast %get3A_323 : vector<1x16xf32> to vector<16xf32>
      %mul3A_325 = arith.constant 11.3137083 : f32
      %mul3A_326 = vector.broadcast %mul3A_325 : f32 to vector<16xf32>
      %mul3A_327 = arith.mulf %get3A_324, %mul3A_326 : vector<16xf32>
      %add3A_328 = arith.constant 1 : i32
      %add3A_329 = arith.addi %mul3A_112, %add3A_328 : i32
      %swap3A_330 = arith.index_cast %add3A_329 : i32 to index
      %swap3A_331 = arith.constant 80 : index
      %swap3A_332 = tpu.vector_load %arg9[%swap3A_330, %swap3A_331] {strides = array<i32>} : memref<128x128xf32, #tpu.memory_space<vmem>>, vector<1x16xf32>,
      %swap3A_333 = vector.shape_cast %swap3A_332 : vector<1x16xf32> to vector<16xf32>
      %swap3A_334 = vector.shape_cast %mul3A_327 : vector<16xf32> to vector<1x16xf32>
      tpu.vector_store %arg9[%swap3A_330, %swap3A_331], %swap3A_334 {strides = array<i32>} : memref<128x128xf32, #tpu.memory_space<vmem>>, vector<1x16xf32>,
      %add3A_335 = arith.constant 1 : i32
      %add3A_336 = arith.addi %mul3A_112, %add3A_335 : i32
      %get3A_337 = arith.index_cast %add3A_336 : i32 to index
      %get3A_338 = arith.constant 96 : index
      %get3A_339 = tpu.vector_load %arg7[%get3A_337, %get3A_338] {strides = array<i32>} : memref<128x128xf32, #tpu.memory_space<vmem>>, vector<1x16xf32>,
      %get3A_340 = vector.shape_cast %get3A_339 : vector<1x16xf32> to vector<16xf32>
      %mul3A_341 = arith.constant 11.3137083 : f32
      %mul3A_342 = vector.broadcast %mul3A_341 : f32 to vector<16xf32>
      %mul3A_343 = arith.mulf %get3A_340, %mul3A_342 : vector<16xf32>
      %add3A_344 = arith.constant 1 : i32
      %add3A_345 = arith.addi %mul3A_112, %add3A_344 : i32
      %swap3A_346 = arith.index_cast %add3A_345 : i32 to index
      %swap3A_347 = arith.constant 96 : index
      %swap3A_348 = tpu.vector_load %arg9[%swap3A_346, %swap3A_347] {strides = array<i32>} : memref<128x128xf32, #tpu.memory_space<vmem>>, vector<1x16xf32>,
      %swap3A_349 = vector.shape_cast %swap3A_348 : vector<1x16xf32> to vector<16xf32>
      %swap3A_350 = vector.shape_cast %mul3A_343 : vector<16xf32> to vector<1x16xf32>
      tpu.vector_store %arg9[%swap3A_346, %swap3A_347], %swap3A_350 {strides = array<i32>} : memref<128x128xf32, #tpu.memory_space<vmem>>, vector<1x16xf32>,
      %add3A_351 = arith.constant 1 : i32
      %add3A_352 = arith.addi %mul3A_112, %add3A_351 : i32
      %get3A_353 = arith.index_cast %add3A_352 : i32 to index
      %get3A_354 = arith.constant 112 : index
      %get3A_355 = tpu.vector_load %arg7[%get3A_353, %get3A_354] {strides = array<i32>} : memref<128x128xf32, #tpu.memory_space<vmem>>, vector<1x16xf32>,
      %get3A_356 = vector.shape_cast %get3A_355 : vector<1x16xf32> to vector<16xf32>
      %mul3A_357 = arith.constant 11.3137083 : f32
      %mul3A_358 = vector.broadcast %mul3A_357 : f32 to vector<16xf32>
      %mul3A_359 = arith.mulf %get3A_356, %mul3A_358 : vector<16xf32>
      %add3A_360 = arith.constant 1 : i32
      %add3A_361 = arith.addi %mul3A_112, %add3A_360 : i32
      %swap3A_362 = arith.index_cast %add3A_361 : i32 to index
      %swap3A_363 = arith.constant 112 : index
      %swap3A_364 = tpu.vector_load %arg9[%swap3A_362, %swap3A_363] {strides = array<i32>} : memref<128x128xf32, #tpu.memory_space<vmem>>, vector<1x16xf32>,
      %swap3A_365 = vector.shape_cast %swap3A_364 : vector<1x16xf32> to vector<16xf32>
      %swap3A_366 = vector.shape_cast %mul3A_359 : vector<16xf32> to vector<1x16xf32>
      tpu.vector_store %arg9[%swap3A_362, %swap3A_363], %swap3A_366 {strides = array<i32>} : memref<128x128xf32, #tpu.memory_space<vmem>>, vector<1x16xf32>,
      %add3A_367 = arith.constant 2 : i32
      %add3A_368 = arith.addi %mul3A_112, %add3A_367 : i32
      %get3A_369 = arith.index_cast %add3A_368 : i32 to index
      %get3A_370 = arith.constant 0 : index
      %get3A_371 = tpu.vector_load %arg7[%get3A_369, %get3A_370] {strides = array<i32>} : memref<128x128xf32, #tpu.memory_space<vmem>>, vector<1x16xf32>,
      %get3A_372 = vector.shape_cast %get3A_371 : vector<1x16xf32> to vector<16xf32>
      %mul3A_373 = arith.constant 11.3137083 : f32
      %mul3A_374 = vector.broadcast %mul3A_373 : f32 to vector<16xf32>
      %mul3A_375 = arith.mulf %get3A_372, %mul3A_374 : vector<16xf32>
      %add3A_376 = arith.constant 2 : i32
      %add3A_377 = arith.addi %mul3A_112, %add3A_376 : i32
      %swap3A_378 = arith.index_cast %add3A_377 : i32 to index
      %swap3A_379 = arith.constant 0 : index
      %swap3A_380 = tpu.vector_load %arg9[%swap3A_378, %swap3A_379] {strides = array<i32>} : memref<128x128xf32, #tpu.memory_space<vmem>>, vector<1x16xf32>,
      %swap3A_381 = vector.shape_cast %swap3A_380 : vector<1x16xf32> to vector<16xf32>
      %swap3A_382 = vector.shape_cast %mul3A_375 : vector<16xf32> to vector<1x16xf32>
      tpu.vector_store %arg9[%swap3A_378, %swap3A_379], %swap3A_382 {strides = array<i32>} : memref<128x128xf32, #tpu.memory_space<vmem>>, vector<1x16xf32>,
      %add3A_383 = arith.constant 2 : i32
      %add3A_384 = arith.addi %mul3A_112, %add3A_383 : i32
      %get3A_385 = arith.index_cast %add3A_384 : i32 to index
      %get3A_386 = arith.constant 16 : index
      %get3A_387 = tpu.vector_load %arg7[%get3A_385, %get3A_386] {strides = array<i32>} : memref<128x128xf32, #tpu.memory_space<vmem>>, vector<1x16xf32>,
      %get3A_388 = vector.shape_cast %get3A_387 : vector<1x16xf32> to vector<16xf32>
      %mul3A_389 = arith.constant 11.3137083 : f32
      %mul3A_390 = vector.broadcast %mul3A_389 : f32 to vector<16xf32>
      %mul3A_391 = arith.mulf %get3A_388, %mul3A_390 : vector<16xf32>
      %add3A_392 = arith.constant 2 : i32
      %add3A_393 = arith.addi %mul3A_112, %add3A_392 : i32
      %swap3A_394 = arith.index_cast %add3A_393 : i32 to index
      %swap3A_395 = arith.constant 16 : index
      %swap3A_396 = tpu.vector_load %arg9[%swap3A_394, %swap3A_395] {strides = array<i32>} : memref<128x128xf32, #tpu.memory_space<vmem>>, vector<1x16xf32>,
      %swap3A_397 = vector.shape_cast %swap3A_396 : vector<1x16xf32> to vector<16xf32>
      %swap3A_398 = vector.shape_cast %mul3A_391 : vector<16xf32> to vector<1x16xf32>
      tpu.vector_store %arg9[%swap3A_394, %swap3A_395], %swap3A_398 {strides = array<i32>} : memref<128x128xf32, #tpu.memory_space<vmem>>, vector<1x16xf32>,
      %add3A_399 = arith.constant 2 : i32
      %add3A_400 = arith.addi %mul3A_112, %add3A_399 : i32
      %get3A_401 = arith.index_cast %add3A_400 : i32 to index
      %get3A_402 = arith.constant 32 : index
      %get3A_403 = tpu.vector_load %arg7[%get3A_401, %get3A_402] {strides = array<i32>} : memref<128x128xf32, #tpu.memory_space<vmem>>, vector<1x16xf32>,
      %get3A_404 = vector.shape_cast %get3A_403 : vector<1x16xf32> to vector<16xf32>
      %mul3A_405 = arith.constant 11.3137083 : f32
      %mul3A_406 = vector.broadcast %mul3A_405 : f32 to vector<16xf32>
      %mul3A_407 = arith.mulf %get3A_404, %mul3A_406 : vector<16xf32>
      %add3A_408 = arith.constant 2 : i32
      %add3A_409 = arith.addi %mul3A_112, %add3A_408 : i32
      %swap3A_410 = arith.index_cast %add3A_409 : i32 to index
      %swap3A_411 = arith.constant 32 : index
      %swap3A_412 = tpu.vector_load %arg9[%swap3A_410, %swap3A_411] {strides = array<i32>} : memref<128x128xf32, #tpu.memory_space<vmem>>, vector<1x16xf32>,
      %swap3A_413 = vector.shape_cast %swap3A_412 : vector<1x16xf32> to vector<16xf32>
      %swap3A_414 = vector.shape_cast %mul3A_407 : vector<16xf32> to vector<1x16xf32>
      tpu.vector_store %arg9[%swap3A_410, %swap3A_411], %swap3A_414 {strides = array<i32>} : memref<128x128xf32, #tpu.memory_space<vmem>>, vector<1x16xf32>,
      %add3A_415 = arith.constant 2 : i32
      %add3A_416 = arith.addi %mul3A_112, %add3A_415 : i32
      %get3A_417 = arith.index_cast %add3A_416 : i32 to index
      %get3A_418 = arith.constant 48 : index
      %get3A_419 = tpu.vector_load %arg7[%get3A_417, %get3A_418] {strides = array<i32>} : memref<128x128xf32, #tpu.memory_space<vmem>>, vector<1x16xf32>,
      %get3A_420 = vector.shape_cast %get3A_419 : vector<1x16xf32> to vector<16xf32>
      %mul3A_421 = arith.constant 11.3137083 : f32
      %mul3A_422 = vector.broadcast %mul3A_421 : f32 to vector<16xf32>
      %mul3A_423 = arith.mulf %get3A_420, %mul3A_422 : vector<16xf32>
      %add3A_424 = arith.constant 2 : i32
      %add3A_425 = arith.addi %mul3A_112, %add3A_424 : i32
      %swap3A_426 = arith.index_cast %add3A_425 : i32 to index
      %swap3A_427 = arith.constant 48 : index
      %swap3A_428 = tpu.vector_load %arg9[%swap3A_426, %swap3A_427] {strides = array<i32>} : memref<128x128xf32, #tpu.memory_space<vmem>>, vector<1x16xf32>,
      %swap3A_429 = vector.shape_cast %swap3A_428 : vector<1x16xf32> to vector<16xf32>
      %swap3A_430 = vector.shape_cast %mul3A_423 : vector<16xf32> to vector<1x16xf32>
      tpu.vector_store %arg9[%swap3A_426, %swap3A_427], %swap3A_430 {strides = array<i32>} : memref<128x128xf32, #tpu.memory_space<vmem>>, vector<1x16xf32>,
      %add3A_431 = arith.constant 2 : i32
      %add3A_432 = arith.addi %mul3A_112, %add3A_431 : i32
      %get3A_433 = arith.index_cast %add3A_432 : i32 to index
      %get3A_434 = arith.constant 64 : index
      %get3A_435 = tpu.vector_load %arg7[%get3A_433, %get3A_434] {strides = array<i32>} : memref<128x128xf32, #tpu.memory_space<vmem>>, vector<1x16xf32>,
      %get3A_436 = vector.shape_cast %get3A_435 : vector<1x16xf32> to vector<16xf32>
      %mul3A_437 = arith.constant 11.3137083 : f32
      %mul3A_438 = vector.broadcast %mul3A_437 : f32 to vector<16xf32>
      %mul3A_439 = arith.mulf %get3A_436, %mul3A_438 : vector<16xf32>
      %add3A_440 = arith.constant 2 : i32
      %add3A_441 = arith.addi %mul3A_112, %add3A_440 : i32
      %swap3A_442 = arith.index_cast %add3A_441 : i32 to index
      %swap3A_443 = arith.constant 64 : index
      %swap3A_444 = tpu.vector_load %arg9[%swap3A_442, %swap3A_443] {strides = array<i32>} : memref<128x128xf32, #tpu.memory_space<vmem>>, vector<1x16xf32>,
      %swap3A_445 = vector.shape_cast %swap3A_444 : vector<1x16xf32> to vector<16xf32>
      %swap3A_446 = vector.shape_cast %mul3A_439 : vector<16xf32> to vector<1x16xf32>
      tpu.vector_store %arg9[%swap3A_442, %swap3A_443], %swap3A_446 {strides = array<i32>} : memref<128x128xf32, #tpu.memory_space<vmem>>, vector<1x16xf32>,
      %add3A_447 = arith.constant 2 : i32
      %add3A_448 = arith.addi %mul3A_112, %add3A_447 : i32
      %get3A_449 = arith.index_cast %add3A_448 : i32 to index
      %get3A_450 = arith.constant 80 : index
      %get3A_451 = tpu.vector_load %arg7[%get3A_449, %get3A_450] {strides = array<i32>} : memref<128x128xf32, #tpu.memory_space<vmem>>, vector<1x16xf32>,
      %get3A_452 = vector.shape_cast %get3A_451 : vector<1x16xf32> to vector<16xf32>
      %mul3A_453 = arith.constant 11.3137083 : f32
      %mul3A_454 = vector.broadcast %mul3A_453 : f32 to vector<16xf32>
      %mul3A_455 = arith.mulf %get3A_452, %mul3A_454 : vector<16xf32>
      %add3A_456 = arith.constant 2 : i32
      %add3A_457 = arith.addi %mul3A_112, %add3A_456 : i32
      %swap3A_458 = arith.index_cast %add3A_457 : i32 to index
      %swap3A_459 = arith.constant 80 : index
      %swap3A_460 = tpu.vector_load %arg9[%swap3A_458, %swap3A_459] {strides = array<i32>} : memref<128x128xf32, #tpu.memory_space<vmem>>, vector<1x16xf32>,
      %swap3A_461 = vector.shape_cast %swap3A_460 : vector<1x16xf32> to vector<16xf32>
      %swap3A_462 = vector.shape_cast %mul3A_455 : vector<16xf32> to vector<1x16xf32>
      tpu.vector_store %arg9[%swap3A_458, %swap3A_459], %swap3A_462 {strides = array<i32>} : memref<128x128xf32, #tpu.memory_space<vmem>>, vector<1x16xf32>,
      %add3A_463 = arith.constant 2 : i32
      %add3A_464 = arith.addi %mul3A_112, %add3A_463 : i32
      %get3A_465 = arith.index_cast %add3A_464 : i32 to index
      %get3A_466 = arith.constant 96 : index
      %get3A_467 = tpu.vector_load %arg7[%get3A_465, %get3A_466] {strides = array<i32>} : memref<128x128xf32, #tpu.memory_space<vmem>>, vector<1x16xf32>,
      %get3A_468 = vector.shape_cast %get3A_467 : vector<1x16xf32> to vector<16xf32>
      %mul3A_469 = arith.constant 11.3137083 : f32
      %mul3A_470 = vector.broadcast %mul3A_469 : f32 to vector<16xf32>
      %mul3A_471 = arith.mulf %get3A_468, %mul3A_470 : vector<16xf32>
      %add3A_472 = arith.constant 2 : i32
      %add3A_473 = arith.addi %mul3A_112, %add3A_472 : i32
      %swap3A_474 = arith.index_cast %add3A_473 : i32 to index
      %swap3A_475 = arith.constant 96 : index
      %swap3A_476 = tpu.vector_load %arg9[%swap3A_474, %swap3A_475] {strides = array<i32>} : memref<128x128xf32, #tpu.memory_space<vmem>>, vector<1x16xf32>,
      %swap3A_477 = vector.shape_cast %swap3A_476 : vector<1x16xf32> to vector<16xf32>
      %swap3A_478 = vector.shape_cast %mul3A_471 : vector<16xf32> to vector<1x16xf32>
      tpu.vector_store %arg9[%swap3A_474, %swap3A_475], %swap3A_478 {strides = array<i32>} : memref<128x128xf32, #tpu.memory_space<vmem>>, vector<1x16xf32>,
      %add3A_479 = arith.constant 2 : i32
      %add3A_480 = arith.addi %mul3A_112, %add3A_479 : i32
      %get3A_481 = arith.index_cast %add3A_480 : i32 to index
      %get3A_482 = arith.constant 112 : index
      %get3A_483 = tpu.vector_load %arg7[%get3A_481, %get3A_482] {strides = array<i32>} : memref<128x128xf32, #tpu.memory_space<vmem>>, vector<1x16xf32>,
      %get3A_484 = vector.shape_cast %get3A_483 : vector<1x16xf32> to vector<16xf32>
      %mul3A_485 = arith.constant 11.3137083 : f32
      %mul3A_486 = vector.broadcast %mul3A_485 : f32 to vector<16xf32>
      %mul3A_487 = arith.mulf %get3A_484, %mul3A_486 : vector<16xf32>
      %add3A_488 = arith.constant 2 : i32
      %add3A_489 = arith.addi %mul3A_112, %add3A_488 : i32
      %swap3A_490 = arith.index_cast %add3A_489 : i32 to index
      %swap3A_491 = arith.constant 112 : index
      %swap3A_492 = tpu.vector_load %arg9[%swap3A_490, %swap3A_491] {strides = array<i32>} : memref<128x128xf32, #tpu.memory_space<vmem>>, vector<1x16xf32>,
      %swap3A_493 = vector.shape_cast %swap3A_492 : vector<1x16xf32> to vector<16xf32>
      %swap3A_494 = vector.shape_cast %mul3A_487 : vector<16xf32> to vector<1x16xf32>
      tpu.vector_store %arg9[%swap3A_490, %swap3A_491], %swap3A_494 {strides = array<i32>} : memref<128x128xf32, #tpu.memory_space<vmem>>, vector<1x16xf32>,
      %add3A_495 = arith.constant 3 : i32
      %add3A_496 = arith.addi %mul3A_112, %add3A_495 : i32
      %get3A_497 = arith.index_cast %add3A_496 : i32 to index
      %get3A_498 = arith.constant 0 : index
      %get3A_499 = tpu.vector_load %arg7[%get3A_497, %get3A_498] {strides = array<i32>} : memref<128x128xf32, #tpu.memory_space<vmem>>, vector<1x16xf32>,
      %get3A_500 = vector.shape_cast %get3A_499 : vector<1x16xf32> to vector<16xf32>
      %mul3A_501 = arith.constant 11.3137083 : f32
      %mul3A_502 = vector.broadcast %mul3A_501 : f32 to vector<16xf32>
      %mul3A_503 = arith.mulf %get3A_500, %mul3A_502 : vector<16xf32>
      %add3A_504 = arith.constant 3 : i32
      %add3A_505 = arith.addi %mul3A_112, %add3A_504 : i32
      %swap3A_506 = arith.index_cast %add3A_505 : i32 to index
      %swap3A_507 = arith.constant 0 : index
      %swap3A_508 = tpu.vector_load %arg9[%swap3A_506, %swap3A_507] {strides = array<i32>} : memref<128x128xf32, #tpu.memory_space<vmem>>, vector<1x16xf32>,
      %swap3A_509 = vector.shape_cast %swap3A_508 : vector<1x16xf32> to vector<16xf32>
      %swap3A_510 = vector.shape_cast %mul3A_503 : vector<16xf32> to vector<1x16xf32>
      tpu.vector_store %arg9[%swap3A_506, %swap3A_507], %swap3A_510 {strides = array<i32>} : memref<128x128xf32, #tpu.memory_space<vmem>>, vector<1x16xf32>,
      %add3A_511 = arith.constant 3 : i32
      %add3A_512 = arith.addi %mul3A_112, %add3A_511 : i32
      %get3A_513 = arith.index_cast %add3A_512 : i32 to index
      %get3A_514 = arith.constant 16 : index
      %get3A_515 = tpu.vector_load %arg7[%get3A_513, %get3A_514] {strides = array<i32>} : memref<128x128xf32, #tpu.memory_space<vmem>>, vector<1x16xf32>,
      %get3A_516 = vector.shape_cast %get3A_515 : vector<1x16xf32> to vector<16xf32>
      %mul3A_517 = arith.constant 11.3137083 : f32
      %mul3A_518 = vector.broadcast %mul3A_517 : f32 to vector<16xf32>
      %mul3A_519 = arith.mulf %get3A_516, %mul3A_518 : vector<16xf32>
      %add3A_520 = arith.constant 3 : i32
      %add3A_521 = arith.addi %mul3A_112, %add3A_520 : i32
      %swap3A_522 = arith.index_cast %add3A_521 : i32 to index
      %swap3A_523 = arith.constant 16 : index
      %swap3A_524 = tpu.vector_load %arg9[%swap3A_522, %swap3A_523] {strides = array<i32>} : memref<128x128xf32, #tpu.memory_space<vmem>>, vector<1x16xf32>,
      %swap3A_525 = vector.shape_cast %swap3A_524 : vector<1x16xf32> to vector<16xf32>
      %swap3A_526 = vector.shape_cast %mul3A_519 : vector<16xf32> to vector<1x16xf32>
      tpu.vector_store %arg9[%swap3A_522, %swap3A_523], %swap3A_526 {strides = array<i32>} : memref<128x128xf32, #tpu.memory_space<vmem>>, vector<1x16xf32>,
      %add3A_527 = arith.constant 3 : i32
      %add3A_528 = arith.addi %mul3A_112, %add3A_527 : i32
      %get3A_529 = arith.index_cast %add3A_528 : i32 to index
      %get3A_530 = arith.constant 32 : index
      %get3A_531 = tpu.vector_load %arg7[%get3A_529, %get3A_530] {strides = array<i32>} : memref<128x128xf32, #tpu.memory_space<vmem>>, vector<1x16xf32>,
      %get3A_532 = vector.shape_cast %get3A_531 : vector<1x16xf32> to vector<16xf32>
      %mul3A_533 = arith.constant 11.3137083 : f32
      %mul3A_534 = vector.broadcast %mul3A_533 : f32 to vector<16xf32>
      %mul3A_535 = arith.mulf %get3A_532, %mul3A_534 : vector<16xf32>
      %add3A_536 = arith.constant 3 : i32
      %add3A_537 = arith.addi %mul3A_112, %add3A_536 : i32
      %swap3A_538 = arith.index_cast %add3A_537 : i32 to index
      %swap3A_539 = arith.constant 32 : index
      %swap3A_540 = tpu.vector_load %arg9[%swap3A_538, %swap3A_539] {strides = array<i32>} : memref<128x128xf32, #tpu.memory_space<vmem>>, vector<1x16xf32>,
      %swap3A_541 = vector.shape_cast %swap3A_540 : vector<1x16xf32> to vector<16xf32>
      %swap3A_542 = vector.shape_cast %mul3A_535 : vector<16xf32> to vector<1x16xf32>
      tpu.vector_store %arg9[%swap3A_538, %swap3A_539], %swap3A_542 {strides = array<i32>} : memref<128x128xf32, #tpu.memory_space<vmem>>, vector<1x16xf32>,
      %add3A_543 = arith.constant 3 : i32
      %add3A_544 = arith.addi %mul3A_112, %add3A_543 : i32
      %get3A_545 = arith.index_cast %add3A_544 : i32 to index
      %get3A_546 = arith.constant 48 : index
      %get3A_547 = tpu.vector_load %arg7[%get3A_545, %get3A_546] {strides = array<i32>} : memref<128x128xf32, #tpu.memory_space<vmem>>, vector<1x16xf32>,
      %get3A_548 = vector.shape_cast %get3A_547 : vector<1x16xf32> to vector<16xf32>
      %mul3A_549 = arith.constant 11.3137083 : f32
      %mul3A_550 = vector.broadcast %mul3A_549 : f32 to vector<16xf32>
      %mul3A_551 = arith.mulf %get3A_548, %mul3A_550 : vector<16xf32>
      %add3A_552 = arith.constant 3 : i32
      %add3A_553 = arith.addi %mul3A_112, %add3A_552 : i32
      %swap3A_554 = arith.index_cast %add3A_553 : i32 to index
      %swap3A_555 = arith.constant 48 : index
      %swap3A_556 = tpu.vector_load %arg9[%swap3A_554, %swap3A_555] {strides = array<i32>} : memref<128x128xf32, #tpu.memory_space<vmem>>, vector<1x16xf32>,
      %swap3A_557 = vector.shape_cast %swap3A_556 : vector<1x16xf32> to vector<16xf32>
      %swap3A_558 = vector.shape_cast %mul3A_551 : vector<16xf32> to vector<1x16xf32>
      tpu.vector_store %arg9[%swap3A_554, %swap3A_555], %swap3A_558 {strides = array<i32>} : memref<128x128xf32, #tpu.memory_space<vmem>>, vector<1x16xf32>,
      %add3A_559 = arith.constant 3 : i32
      %add3A_560 = arith.addi %mul3A_112, %add3A_559 : i32
      %get3A_561 = arith.index_cast %add3A_560 : i32 to index
      %get3A_562 = arith.constant 64 : index
      %get3A_563 = tpu.vector_load %arg7[%get3A_561, %get3A_562] {strides = array<i32>} : memref<128x128xf32, #tpu.memory_space<vmem>>, vector<1x16xf32>,
      %get3A_564 = vector.shape_cast %get3A_563 : vector<1x16xf32> to vector<16xf32>
      %mul3A_565 = arith.constant 11.3137083 : f32
      %mul3A_566 = vector.broadcast %mul3A_565 : f32 to vector<16xf32>
      %mul3A_567 = arith.mulf %get3A_564, %mul3A_566 : vector<16xf32>
      %add3A_568 = arith.constant 3 : i32
      %add3A_569 = arith.addi %mul3A_112, %add3A_568 : i32
      %swap3A_570 = arith.index_cast %add3A_569 : i32 to index
      %swap3A_571 = arith.constant 64 : index
      %swap3A_572 = tpu.vector_load %arg9[%swap3A_570, %swap3A_571] {strides = array<i32>} : memref<128x128xf32, #tpu.memory_space<vmem>>, vector<1x16xf32>,
      %swap3A_573 = vector.shape_cast %swap3A_572 : vector<1x16xf32> to vector<16xf32>
      %swap3A_574 = vector.shape_cast %mul3A_567 : vector<16xf32> to vector<1x16xf32>
      tpu.vector_store %arg9[%swap3A_570, %swap3A_571], %swap3A_574 {strides = array<i32>} : memref<128x128xf32, #tpu.memory_space<vmem>>, vector<1x16xf32>,
      %add3A_575 = arith.constant 3 : i32
      %add3A_576 = arith.addi %mul3A_112, %add3A_575 : i32
      %get3A_577 = arith.index_cast %add3A_576 : i32 to index
      %get3A_578 = arith.constant 80 : index
      %get3A_579 = tpu.vector_load %arg7[%get3A_577, %get3A_578] {strides = array<i32>} : memref<128x128xf32, #tpu.memory_space<vmem>>, vector<1x16xf32>,
      %get3A_580 = vector.shape_cast %get3A_579 : vector<1x16xf32> to vector<16xf32>
      %mul3A_581 = arith.constant 11.3137083 : f32
      %mul3A_582 = vector.broadcast %mul3A_581 : f32 to vector<16xf32>
      %mul3A_583 = arith.mulf %get3A_580, %mul3A_582 : vector<16xf32>
      %add3A_584 = arith.constant 3 : i32
      %add3A_585 = arith.addi %mul3A_112, %add3A_584 : i32
      %swap3A_586 = arith.index_cast %add3A_585 : i32 to index
      %swap3A_587 = arith.constant 80 : index
      %swap3A_588 = tpu.vector_load %arg9[%swap3A_586, %swap3A_587] {strides = array<i32>} : memref<128x128xf32, #tpu.memory_space<vmem>>, vector<1x16xf32>,
      %swap3A_589 = vector.shape_cast %swap3A_588 : vector<1x16xf32> to vector<16xf32>
      %swap3A_590 = vector.shape_cast %mul3A_583 : vector<16xf32> to vector<1x16xf32>
      tpu.vector_store %arg9[%swap3A_586, %swap3A_587], %swap3A_590 {strides = array<i32>} : memref<128x128xf32, #tpu.memory_space<vmem>>, vector<1x16xf32>,
      %add3A_591 = arith.constant 3 : i32
      %add3A_592 = arith.addi %mul3A_112, %add3A_591 : i32
      %get3A_593 = arith.index_cast %add3A_592 : i32 to index
      %get3A_594 = arith.constant 96 : index
      %get3A_595 = tpu.vector_load %arg7[%get3A_593, %get3A_594] {strides = array<i32>} : memref<128x128xf32, #tpu.memory_space<vmem>>, vector<1x16xf32>,
      %get3A_596 = vector.shape_cast %get3A_595 : vector<1x16xf32> to vector<16xf32>
      %mul3A_597 = arith.constant 11.3137083 : f32
      %mul3A_598 = vector.broadcast %mul3A_597 : f32 to vector<16xf32>
      %mul3A_599 = arith.mulf %get3A_596, %mul3A_598 : vector<16xf32>
      %add3A_600 = arith.constant 3 : i32
      %add3A_601 = arith.addi %mul3A_112, %add3A_600 : i32
      %swap3A_602 = arith.index_cast %add3A_601 : i32 to index
      %swap3A_603 = arith.constant 96 : index
      %swap3A_604 = tpu.vector_load %arg9[%swap3A_602, %swap3A_603] {strides = array<i32>} : memref<128x128xf32, #tpu.memory_space<vmem>>, vector<1x16xf32>,
      %swap3A_605 = vector.shape_cast %swap3A_604 : vector<1x16xf32> to vector<16xf32>
      %swap3A_606 = vector.shape_cast %mul3A_599 : vector<16xf32> to vector<1x16xf32>
      tpu.vector_store %arg9[%swap3A_602, %swap3A_603], %swap3A_606 {strides = array<i32>} : memref<128x128xf32, #tpu.memory_space<vmem>>, vector<1x16xf32>,
      %add3A_607 = arith.constant 3 : i32
      %add3A_608 = arith.addi %mul3A_112, %add3A_607 : i32
      %get3A_609 = arith.index_cast %add3A_608 : i32 to index
      %get3A_610 = arith.constant 112 : index
      %get3A_611 = tpu.vector_load %arg7[%get3A_609, %get3A_610] {strides = array<i32>} : memref<128x128xf32, #tpu.memory_space<vmem>>, vector<1x16xf32>,
      %get3A_612 = vector.shape_cast %get3A_611 : vector<1x16xf32> to vector<16xf32>
      %mul3A_613 = arith.constant 11.3137083 : f32
      %mul3A_614 = vector.broadcast %mul3A_613 : f32 to vector<16xf32>
      %mul3A_615 = arith.mulf %get3A_612, %mul3A_614 : vector<16xf32>
      %add3A_616 = arith.constant 3 : i32
      %add3A_617 = arith.addi %mul3A_112, %add3A_616 : i32
      %swap3A_618 = arith.index_cast %add3A_617 : i32 to index
      %swap3A_619 = arith.constant 112 : index
      %swap3A_620 = tpu.vector_load %arg9[%swap3A_618, %swap3A_619] {strides = array<i32>} : memref<128x128xf32, #tpu.memory_space<vmem>>, vector<1x16xf32>,
      %swap3A_621 = vector.shape_cast %swap3A_620 : vector<1x16xf32> to vector<16xf32>
      %swap3A_622 = vector.shape_cast %mul3A_615 : vector<16xf32> to vector<1x16xf32>
      tpu.vector_store %arg9[%swap3A_618, %swap3A_619], %swap3A_622 {strides = array<i32>} : memref<128x128xf32, #tpu.memory_space<vmem>>, vector<1x16xf32>,
    }
    %scan3A_42 = arith.constant 32 : i32
    %add3A_43 = arith.constant 128 : i32
    %add3A_44 = arith.addi %mul3A_2, %add3A_43 : i32
    %dma_start3A_45 = arith.constant 0 : i32
    %dma_start3A_46 = tpu.memref_slice %arg4[%add3A_44, %dma_start3A_45] : memref<204800x128xf32, #tpu.memory_space<hbm>> -> memref<128x128xf32, #tpu.memory_space<hbm>>
    %dma_start3A_47 = arith.constant 0 : i32
    %dma_start3A_48 = tpu.memref_slice %arg4[%add3A_44, %dma_start3A_47] : memref<204800x128xf32, #tpu.memory_space<hbm>> -> memref<128x128xf32, #tpu.memory_space<hbm>>
    tpu.enqueue_dma source(%arg9 : memref<128x128xf32, #tpu.memory_space<vmem>>) target(%dma_start3A_48 : memref<128x128xf32, #tpu.memory_space<hbm>>) target_semaphore(%arg13 : memref<!tpu.dma_semaphore, #tpu.memory_space<semaphore_mem>>)
    %dma_start3A_49 = arith.constant 384 : i32
    %dma_start3A_50 = tpu.memref_slice %arg5[%dma_start3A_49] : memref<6400xi32, #tpu.memory_space<vmem>> -> memref<128xi32, #tpu.memory_space<vmem>>
    %dma_start3A_51 = arith.constant 0 : i32
    %dma_start3A_52 = arith.constant 0 : i32
    %dma_start3A_53 = tpu.memref_slice %arg3[%dma_start3A_51, %dma_start3A_52] : memref<100000x128xf32, #tpu.memory_space<hbm>> -> memref<100000x128xf32, #tpu.memory_space<hbm>>
    tpu.enqueue_indirect_dma source(%dma_start3A_53 : memref<100000x128xf32, #tpu.memory_space<hbm>>) target(%arg7 : memref<128x128xf32, #tpu.memory_space<vmem>>) offsets(%dma_start3A_50 : memref<128xi32, #tpu.memory_space<vmem>>) semaphore(%arg11 : memref<!tpu.dma_semaphore, #tpu.memory_space<semaphore_mem>>)
    %scan3A_54 = arith.constant 0 : i32
    %scan3A_55 = arith.constant 1 : i32
    %scan3A_56 = arith.constant 23 : i32
    %scan3A_57 = arith.addi %scan3A_55, %scan3A_56 : i32
    %scan3A_58 = arith.constant 1 : i32
    scf.for %scan3A_110 = %scan3A_55 to %scan3A_57 step %scan3A_58  : i32 {
      %mul3A_111 = arith.constant 2 : i32
      %mul3A_112 = arith.muli %scan3A_110, %mul3A_111 : i32
      %add3A_113 = arith.constant 0 : i32
      %add3A_114 = arith.addi %mul3A_112, %add3A_113 : i32
      %dma_wait3A_115 = arith.constant 0 : i32
      %dma_wait3A_116 = tpu.memref_slice %arg5[%dma_wait3A_115] : memref<6400xi32, #tpu.memory_space<vmem>> -> memref<128xi32, #tpu.memory_space<vmem>>
      %dma_wait3A_117 = arith.constant 0 : i32
      %dma_wait3A_118 = arith.constant 0 : i32
      %dma_wait3A_119 = tpu.memref_slice %arg3[%dma_wait3A_117, %dma_wait3A_118] : memref<100000x128xf32, #tpu.memory_space<hbm>> -> memref<100000x128xf32, #tpu.memory_space<hbm>>
      tpu.wait_indirect_dma semaphore(%arg10 : memref<!tpu.dma_semaphore, #tpu.memory_space<semaphore_mem>>) src(%dma_wait3A_119 : memref<100000x128xf32, #tpu.memory_space<hbm>>) dst(%arg6 : memref<128x128xf32, #tpu.memory_space<vmem>>)
      %dma_wait3A_120 = arith.constant 0 : i32
      %dma_wait3A_121 = tpu.memref_slice %arg4[%mul3A_2, %dma_wait3A_120] : memref<204800x128xf32, #tpu.memory_space<hbm>> -> memref<128x128xf32, #tpu.memory_space<hbm>>
      %dma_wait3A_122 = arith.constant 0 : i32
      %dma_wait3A_123 = tpu.memref_slice %arg4[%mul3A_2, %dma_wait3A_122] : memref<204800x128xf32, #tpu.memory_space<hbm>> -> memref<128x128xf32, #tpu.memory_space<hbm>>
      tpu.wait_dma2 semaphore(%arg12 : memref<!tpu.dma_semaphore, #tpu.memory_space<semaphore_mem>>) src(%arg8 : memref<128x128xf32, #tpu.memory_space<vmem>>) dst(%dma_wait3A_123 : memref<128x128xf32, #tpu.memory_space<hbm>>)
      %scan3A_124 = arith.constant 0 : i32
      %scan3A_125 = arith.constant 0 : i32
      %scan3A_126 = arith.constant 32 : i32
      %scan3A_127 = arith.addi %scan3A_125, %scan3A_126 : i32
      %scan3A_128 = arith.constant 1 : i32
      scf.for %scan3A_179 = %scan3A_125 to %scan3A_127 step %scan3A_128  : i32 {
        %mul3A_180 = arith.constant 4 : i32
        %mul3A_181 = arith.muli %scan3A_179, %mul3A_180 : i32
        %add3A_182 = arith.constant 0 : i32
        %add3A_183 = arith.addi %mul3A_181, %add3A_182 : i32
        %get3A = arith.index_cast %add3A_183 : i32 to index
        %get3A_184 = arith.constant 0 : index
        %get3A_185 = tpu.vector_load %arg6[%get3A, %get3A_184] {strides = array<i32>} : memref<128x128xf32, #tpu.memory_space<vmem>>, vector<1x16xf32>,
        %get3A_186 = vector.shape_cast %get3A_185 : vector<1x16xf32> to vector<16xf32>
        %mul3A_187 = arith.constant 11.3137083 : f32
        %mul3A_188 = vector.broadcast %mul3A_187 : f32 to vector<16xf32>
        %mul3A_189 = arith.mulf %get3A_186, %mul3A_188 : vector<16xf32>
        %add3A_190 = arith.constant 0 : i32
        %add3A_191 = arith.addi %mul3A_181, %add3A_190 : i32
        %swap3A = arith.index_cast %add3A_191 : i32 to index
        %swap3A_192 = arith.constant 0 : index
        %swap3A_193 = tpu.vector_load %arg8[%swap3A, %swap3A_192] {strides = array<i32>} : memref<128x128xf32, #tpu.memory_space<vmem>>, vector<1x16xf32>,
        %swap3A_194 = vector.shape_cast %swap3A_193 : vector<1x16xf32> to vector<16xf32>
        %swap3A_195 = vector.shape_cast %mul3A_189 : vector<16xf32> to vector<1x16xf32>
        tpu.vector_store %arg8[%swap3A, %swap3A_192], %swap3A_195 {strides = array<i32>} : memref<128x128xf32, #tpu.memory_space<vmem>>, vector<1x16xf32>,
        %add3A_196 = arith.constant 0 : i32
        %add3A_197 = arith.addi %mul3A_181, %add3A_196 : i32
        %get3A_198 = arith.index_cast %add3A_197 : i32 to index
        %get3A_199 = arith.constant 16 : index
        %get3A_200 = tpu.vector_load %arg6[%get3A_198, %get3A_199] {strides = array<i32>} : memref<128x128xf32, #tpu.memory_space<vmem>>, vector<1x16xf32>,
        %get3A_201 = vector.shape_cast %get3A_200 : vector<1x16xf32> to vector<16xf32>
        %mul3A_202 = arith.constant 11.3137083 : f32
        %mul3A_203 = vector.broadcast %mul3A_202 : f32 to vector<16xf32>
        %mul3A_204 = arith.mulf %get3A_201, %mul3A_203 : vector<16xf32>
        %add3A_205 = arith.constant 0 : i32
        %add3A_206 = arith.addi %mul3A_181, %add3A_205 : i32
        %swap3A_207 = arith.index_cast %add3A_206 : i32 to index
        %swap3A_208 = arith.constant 16 : index
        %swap3A_209 = tpu.vector_load %arg8[%swap3A_207, %swap3A_208] {strides = array<i32>} : memref<128x128xf32, #tpu.memory_space<vmem>>, vector<1x16xf32>,
        %swap3A_210 = vector.shape_cast %swap3A_209 : vector<1x16xf32> to vector<16xf32>
        %swap3A_211 = vector.shape_cast %mul3A_204 : vector<16xf32> to vector<1x16xf32>
        tpu.vector_store %arg8[%swap3A_207, %swap3A_208], %swap3A_211 {strides = array<i32>} : memref<128x128xf32, #tpu.memory_space<vmem>>, vector<1x16xf32>,
        %add3A_212 = arith.constant 0 : i32
        %add3A_213 = arith.addi %mul3A_181, %add3A_212 : i32
        %get3A_214 = arith.index_cast %add3A_213 : i32 to index
        %get3A_215 = arith.constant 32 : index
        %get3A_216 = tpu.vector_load %arg6[%get3A_214, %get3A_215] {strides = array<i32>} : memref<128x128xf32, #tpu.memory_space<vmem>>, vector<1x16xf32>,
        %get3A_217 = vector.shape_cast %get3A_216 : vector<1x16xf32> to vector<16xf32>
        %mul3A_218 = arith.constant 11.3137083 : f32
        %mul3A_219 = vector.broadcast %mul3A_218 : f32 to vector<16xf32>
        %mul3A_220 = arith.mulf %get3A_217, %mul3A_219 : vector<16xf32>
        %add3A_221 = arith.constant 0 : i32
        %add3A_222 = arith.addi %mul3A_181, %add3A_221 : i32
        %swap3A_223 = arith.index_cast %add3A_222 : i32 to index
        %swap3A_224 = arith.constant 32 : index
        %swap3A_225 = tpu.vector_load %arg8[%swap3A_223, %swap3A_224] {strides = array<i32>} : memref<128x128xf32, #tpu.memory_space<vmem>>, vector<1x16xf32>,
        %swap3A_226 = vector.shape_cast %swap3A_225 : vector<1x16xf32> to vector<16xf32>
        %swap3A_227 = vector.shape_cast %mul3A_220 : vector<16xf32> to vector<1x16xf32>
        tpu.vector_store %arg8[%swap3A_223, %swap3A_224], %swap3A_227 {strides = array<i32>} : memref<128x128xf32, #tpu.memory_space<vmem>>, vector<1x16xf32>,
        %add3A_228 = arith.constant 0 : i32
        %add3A_229 = arith.addi %mul3A_181, %add3A_228 : i32
        %get3A_230 = arith.index_cast %add3A_229 : i32 to index
        %get3A_231 = arith.constant 48 : index
        %get3A_232 = tpu.vector_load %arg6[%get3A_230, %get3A_231] {strides = array<i32>} : memref<128x128xf32, #tpu.memory_space<vmem>>, vector<1x16xf32>,
        %get3A_233 = vector.shape_cast %get3A_232 : vector<1x16xf32> to vector<16xf32>
        %mul3A_234 = arith.constant 11.3137083 : f32
        %mul3A_235 = vector.broadcast %mul3A_234 : f32 to vector<16xf32>
        %mul3A_236 = arith.mulf %get3A_233, %mul3A_235 : vector<16xf32>
        %add3A_237 = arith.constant 0 : i32
        %add3A_238 = arith.addi %mul3A_181, %add3A_237 : i32
        %swap3A_239 = arith.index_cast %add3A_238 : i32 to index
        %swap3A_240 = arith.constant 48 : index
        %swap3A_241 = tpu.vector_load %arg8[%swap3A_239, %swap3A_240] {strides = array<i32>} : memref<128x128xf32, #tpu.memory_space<vmem>>, vector<1x16xf32>,
        %swap3A_242 = vector.shape_cast %swap3A_241 : vector<1x16xf32> to vector<16xf32>
        %swap3A_243 = vector.shape_cast %mul3A_236 : vector<16xf32> to vector<1x16xf32>
        tpu.vector_store %arg8[%swap3A_239, %swap3A_240], %swap3A_243 {strides = array<i32>} : memref<128x128xf32, #tpu.memory_space<vmem>>, vector<1x16xf32>,
        %add3A_244 = arith.constant 0 : i32
        %add3A_245 = arith.addi %mul3A_181, %add3A_244 : i32
        %get3A_246 = arith.index_cast %add3A_245 : i32 to index
        %get3A_247 = arith.constant 64 : index
        %get3A_248 = tpu.vector_load %arg6[%get3A_246, %get3A_247] {strides = array<i32>} : memref<128x128xf32, #tpu.memory_space<vmem>>, vector<1x16xf32>,
        %get3A_249 = vector.shape_cast %get3A_248 : vector<1x16xf32> to vector<16xf32>
        %mul3A_250 = arith.constant 11.3137083 : f32
        %mul3A_251 = vector.broadcast %mul3A_250 : f32 to vector<16xf32>
        %mul3A_252 = arith.mulf %get3A_249, %mul3A_251 : vector<16xf32>
        %add3A_253 = arith.constant 0 : i32
        %add3A_254 = arith.addi %mul3A_181, %add3A_253 : i32
        %swap3A_255 = arith.index_cast %add3A_254 : i32 to index
        %swap3A_256 = arith.constant 64 : index
        %swap3A_257 = tpu.vector_load %arg8[%swap3A_255, %swap3A_256] {strides = array<i32>} : memref<128x128xf32, #tpu.memory_space<vmem>>, vector<1x16xf32>,
        %swap3A_258 = vector.shape_cast %swap3A_257 : vector<1x16xf32> to vector<16xf32>
        %swap3A_259 = vector.shape_cast %mul3A_252 : vector<16xf32> to vector<1x16xf32>
        tpu.vector_store %arg8[%swap3A_255, %swap3A_256], %swap3A_259 {strides = array<i32>} : memref<128x128xf32, #tpu.memory_space<vmem>>, vector<1x16xf32>,
        %add3A_260 = arith.constant 0 : i32
        %add3A_261 = arith.addi %mul3A_181, %add3A_260 : i32
        %get3A_262 = arith.index_cast %add3A_261 : i32 to index
        %get3A_263 = arith.constant 80 : index
        %get3A_264 = tpu.vector_load %arg6[%get3A_262, %get3A_263] {strides = array<i32>} : memref<128x128xf32, #tpu.memory_space<vmem>>, vector<1x16xf32>,
        %get3A_265 = vector.shape_cast %get3A_264 : vector<1x16xf32> to vector<16xf32>
        %mul3A_266 = arith.constant 11.3137083 : f32
        %mul3A_267 = vector.broadcast %mul3A_266 : f32 to vector<16xf32>
        %mul3A_268 = arith.mulf %get3A_265, %mul3A_267 : vector<16xf32>
        %add3A_269 = arith.constant 0 : i32
        %add3A_270 = arith.addi %mul3A_181, %add3A_269 : i32
        %swap3A_271 = arith.index_cast %add3A_270 : i32 to index
        %swap3A_272 = arith.constant 80 : index
        %swap3A_273 = tpu.vector_load %arg8[%swap3A_271, %swap3A_272] {strides = array<i32>} : memref<128x128xf32, #tpu.memory_space<vmem>>, vector<1x16xf32>,
        %swap3A_274 = vector.shape_cast %swap3A_273 : vector<1x16xf32> to vector<16xf32>
        %swap3A_275 = vector.shape_cast %mul3A_268 : vector<16xf32> to vector<1x16xf32>
        tpu.vector_store %arg8[%swap3A_271, %swap3A_272], %swap3A_275 {strides = array<i32>} : memref<128x128xf32, #tpu.memory_space<vmem>>, vector<1x16xf32>,
        %add3A_276 = arith.constant 0 : i32
        %add3A_277 = arith.addi %mul3A_181, %add3A_276 : i32
        %get3A_278 = arith.index_cast %add3A_277 : i32 to index
        %get3A_279 = arith.constant 96 : index
        %get3A_280 = tpu.vector_load %arg6[%get3A_278, %get3A_279] {strides = array<i32>} : memref<128x128xf32, #tpu.memory_space<vmem>>, vector<1x16xf32>,
        %get3A_281 = vector.shape_cast %get3A_280 : vector<1x16xf32> to vector<16xf32>
        %mul3A_282 = arith.constant 11.3137083 : f32
        %mul3A_283 = vector.broadcast %mul3A_282 : f32 to vector<16xf32>
        %mul3A_284 = arith.mulf %get3A_281, %mul3A_283 : vector<16xf32>
        %add3A_285 = arith.constant 0 : i32
        %add3A_286 = arith.addi %mul3A_181, %add3A_285 : i32
        %swap3A_287 = arith.index_cast %add3A_286 : i32 to index
        %swap3A_288 = arith.constant 96 : index
        %swap3A_289 = tpu.vector_load %arg8[%swap3A_287, %swap3A_288] {strides = array<i32>} : memref<128x128xf32, #tpu.memory_space<vmem>>, vector<1x16xf32>,
        %swap3A_290 = vector.shape_cast %swap3A_289 : vector<1x16xf32> to vector<16xf32>
        %swap3A_291 = vector.shape_cast %mul3A_284 : vector<16xf32> to vector<1x16xf32>
        tpu.vector_store %arg8[%swap3A_287, %swap3A_288], %swap3A_291 {strides = array<i32>} : memref<128x128xf32, #tpu.memory_space<vmem>>, vector<1x16xf32>,
        %add3A_292 = arith.constant 0 : i32
        %add3A_293 = arith.addi %mul3A_181, %add3A_292 : i32
        %get3A_294 = arith.index_cast %add3A_293 : i32 to index
        %get3A_295 = arith.constant 112 : index
        %get3A_296 = tpu.vector_load %arg6[%get3A_294, %get3A_295] {strides = array<i32>} : memref<128x128xf32, #tpu.memory_space<vmem>>, vector<1x16xf32>,
        %get3A_297 = vector.shape_cast %get3A_296 : vector<1x16xf32> to vector<16xf32>
        %mul3A_298 = arith.constant 11.3137083 : f32
        %mul3A_299 = vector.broadcast %mul3A_298 : f32 to vector<16xf32>
        %mul3A_300 = arith.mulf %get3A_297, %mul3A_299 : vector<16xf32>
        %add3A_301 = arith.constant 0 : i32
        %add3A_302 = arith.addi %mul3A_181, %add3A_301 : i32
        %swap3A_303 = arith.index_cast %add3A_302 : i32 to index
        %swap3A_304 = arith.constant 112 : index
        %swap3A_305 = tpu.vector_load %arg8[%swap3A_303, %swap3A_304] {strides = array<i32>} : memref<128x128xf32, #tpu.memory_space<vmem>>, vector<1x16xf32>,
        %swap3A_306 = vector.shape_cast %swap3A_305 : vector<1x16xf32> to vector<16xf32>
        %swap3A_307 = vector.shape_cast %mul3A_300 : vector<16xf32> to vector<1x16xf32>
        tpu.vector_store %arg8[%swap3A_303, %swap3A_304], %swap3A_307 {strides = array<i32>} : memref<128x128xf32, #tpu.memory_space<vmem>>, vector<1x16xf32>,
        %add3A_308 = arith.constant 1 : i32
        %add3A_309 = arith.addi %mul3A_181, %add3A_308 : i32
        %get3A_310 = arith.index_cast %add3A_309 : i32 to index
        %get3A_311 = arith.constant 0 : index
        %get3A_312 = tpu.vector_load %arg6[%get3A_310, %get3A_311] {strides = array<i32>} : memref<128x128xf32, #tpu.memory_space<vmem>>, vector<1x16xf32>,
        %get3A_313 = vector.shape_cast %get3A_312 : vector<1x16xf32> to vector<16xf32>
        %mul3A_314 = arith.constant 11.3137083 : f32
        %mul3A_315 = vector.broadcast %mul3A_314 : f32 to vector<16xf32>
        %mul3A_316 = arith.mulf %get3A_313, %mul3A_315 : vector<16xf32>
        %add3A_317 = arith.constant 1 : i32
        %add3A_318 = arith.addi %mul3A_181, %add3A_317 : i32
        %swap3A_319 = arith.index_cast %add3A_318 : i32 to index
        %swap3A_320 = arith.constant 0 : index
        %swap3A_321 = tpu.vector_load %arg8[%swap3A_319, %swap3A_320] {strides = array<i32>} : memref<128x128xf32, #tpu.memory_space<vmem>>, vector<1x16xf32>,
        %swap3A_322 = vector.shape_cast %swap3A_321 : vector<1x16xf32> to vector<16xf32>
        %swap3A_323 = vector.shape_cast %mul3A_316 : vector<16xf32> to vector<1x16xf32>
        tpu.vector_store %arg8[%swap3A_319, %swap3A_320], %swap3A_323 {strides = array<i32>} : memref<128x128xf32, #tpu.memory_space<vmem>>, vector<1x16xf32>,
        %add3A_324 = arith.constant 1 : i32
        %add3A_325 = arith.addi %mul3A_181, %add3A_324 : i32
        %get3A_326 = arith.index_cast %add3A_325 : i32 to index
        %get3A_327 = arith.constant 16 : index
        %get3A_328 = tpu.vector_load %arg6[%get3A_326, %get3A_327] {strides = array<i32>} : memref<128x128xf32, #tpu.memory_space<vmem>>, vector<1x16xf32>,
        %get3A_329 = vector.shape_cast %get3A_328 : vector<1x16xf32> to vector<16xf32>
        %mul3A_330 = arith.constant 11.3137083 : f32
        %mul3A_331 = vector.broadcast %mul3A_330 : f32 to vector<16xf32>
        %mul3A_332 = arith.mulf %get3A_329, %mul3A_331 : vector<16xf32>
        %add3A_333 = arith.constant 1 : i32
        %add3A_334 = arith.addi %mul3A_181, %add3A_333 : i32
        %swap3A_335 = arith.index_cast %add3A_334 : i32 to index
        %swap3A_336 = arith.constant 16 : index
        %swap3A_337 = tpu.vector_load %arg8[%swap3A_335, %swap3A_336] {strides = array<i32>} : memref<128x128xf32, #tpu.memory_space<vmem>>, vector<1x16xf32>,
        %swap3A_338 = vector.shape_cast %swap3A_337 : vector<1x16xf32> to vector<16xf32>
        %swap3A_339 = vector.shape_cast %mul3A_332 : vector<16xf32> to vector<1x16xf32>
        tpu.vector_store %arg8[%swap3A_335, %swap3A_336], %swap3A_339 {strides = array<i32>} : memref<128x128xf32, #tpu.memory_space<vmem>>, vector<1x16xf32>,
        %add3A_340 = arith.constant 1 : i32
        %add3A_341 = arith.addi %mul3A_181, %add3A_340 : i32
        %get3A_342 = arith.index_cast %add3A_341 : i32 to index
        %get3A_343 = arith.constant 32 : index
        %get3A_344 = tpu.vector_load %arg6[%get3A_342, %get3A_343] {strides = array<i32>} : memref<128x128xf32, #tpu.memory_space<vmem>>, vector<1x16xf32>,
        %get3A_345 = vector.shape_cast %get3A_344 : vector<1x16xf32> to vector<16xf32>
        %mul3A_346 = arith.constant 11.3137083 : f32
        %mul3A_347 = vector.broadcast %mul3A_346 : f32 to vector<16xf32>
        %mul3A_348 = arith.mulf %get3A_345, %mul3A_347 : vector<16xf32>
        %add3A_349 = arith.constant 1 : i32
        %add3A_350 = arith.addi %mul3A_181, %add3A_349 : i32
        %swap3A_351 = arith.index_cast %add3A_350 : i32 to index
        %swap3A_352 = arith.constant 32 : index
        %swap3A_353 = tpu.vector_load %arg8[%swap3A_351, %swap3A_352] {strides = array<i32>} : memref<128x128xf32, #tpu.memory_space<vmem>>, vector<1x16xf32>,
        %swap3A_354 = vector.shape_cast %swap3A_353 : vector<1x16xf32> to vector<16xf32>
        %swap3A_355 = vector.shape_cast %mul3A_348 : vector<16xf32> to vector<1x16xf32>
        tpu.vector_store %arg8[%swap3A_351, %swap3A_352], %swap3A_355 {strides = array<i32>} : memref<128x128xf32, #tpu.memory_space<vmem>>, vector<1x16xf32>,
        %add3A_356 = arith.constant 1 : i32
        %add3A_357 = arith.addi %mul3A_181, %add3A_356 : i32
        %get3A_358 = arith.index_cast %add3A_357 : i32 to index
        %get3A_359 = arith.constant 48 : index
        %get3A_360 = tpu.vector_load %arg6[%get3A_358, %get3A_359] {strides = array<i32>} : memref<128x128xf32, #tpu.memory_space<vmem>>, vector<1x16xf32>,
        %get3A_361 = vector.shape_cast %get3A_360 : vector<1x16xf32> to vector<16xf32>
        %mul3A_362 = arith.constant 11.3137083 : f32
        %mul3A_363 = vector.broadcast %mul3A_362 : f32 to vector<16xf32>
        %mul3A_364 = arith.mulf %get3A_361, %mul3A_363 : vector<16xf32>
        %add3A_365 = arith.constant 1 : i32
        %add3A_366 = arith.addi %mul3A_181, %add3A_365 : i32
        %swap3A_367 = arith.index_cast %add3A_366 : i32 to index
        %swap3A_368 = arith.constant 48 : index
        %swap3A_369 = tpu.vector_load %arg8[%swap3A_367, %swap3A_368] {strides = array<i32>} : memref<128x128xf32, #tpu.memory_space<vmem>>, vector<1x16xf32>,
        %swap3A_370 = vector.shape_cast %swap3A_369 : vector<1x16xf32> to vector<16xf32>
        %swap3A_371 = vector.shape_cast %mul3A_364 : vector<16xf32> to vector<1x16xf32>
        tpu.vector_store %arg8[%swap3A_367, %swap3A_368], %swap3A_371 {strides = array<i32>} : memref<128x128xf32, #tpu.memory_space<vmem>>, vector<1x16xf32>,
        %add3A_372 = arith.constant 1 : i32
        %add3A_373 = arith.addi %mul3A_181, %add3A_372 : i32
        %get3A_374 = arith.index_cast %add3A_373 : i32 to index
        %get3A_375 = arith.constant 64 : index
        %get3A_376 = tpu.vector_load %arg6[%get3A_374, %get3A_375] {strides = array<i32>} : memref<128x128xf32, #tpu.memory_space<vmem>>, vector<1x16xf32>,
        %get3A_377 = vector.shape_cast %get3A_376 : vector<1x16xf32> to vector<16xf32>
        %mul3A_378 = arith.constant 11.3137083 : f32
        %mul3A_379 = vector.broadcast %mul3A_378 : f32 to vector<16xf32>
        %mul3A_380 = arith.mulf %get3A_377, %mul3A_379 : vector<16xf32>
        %add3A_381 = arith.constant 1 : i32
        %add3A_382 = arith.addi %mul3A_181, %add3A_381 : i32
        %swap3A_383 = arith.index_cast %add3A_382 : i32 to index
        %swap3A_384 = arith.constant 64 : index
        %swap3A_385 = tpu.vector_load %arg8[%swap3A_383, %swap3A_384] {strides = array<i32>} : memref<128x128xf32, #tpu.memory_space<vmem>>, vector<1x16xf32>,
        %swap3A_386 = vector.shape_cast %swap3A_385 : vector<1x16xf32> to vector<16xf32>
        %swap3A_387 = vector.shape_cast %mul3A_380 : vector<16xf32> to vector<1x16xf32>
        tpu.vector_store %arg8[%swap3A_383, %swap3A_384], %swap3A_387 {strides = array<i32>} : memref<128x128xf32, #tpu.memory_space<vmem>>, vector<1x16xf32>,
        %add3A_388 = arith.constant 1 : i32
        %add3A_389 = arith.addi %mul3A_181, %add3A_388 : i32
        %get3A_390 = arith.index_cast %add3A_389 : i32 to index
        %get3A_391 = arith.constant 80 : index
        %get3A_392 = tpu.vector_load %arg6[%get3A_390, %get3A_391] {strides = array<i32>} : memref<128x128xf32, #tpu.memory_space<vmem>>, vector<1x16xf32>,
        %get3A_393 = vector.shape_cast %get3A_392 : vector<1x16xf32> to vector<16xf32>
        %mul3A_394 = arith.constant 11.3137083 : f32
        %mul3A_395 = vector.broadcast %mul3A_394 : f32 to vector<16xf32>
        %mul3A_396 = arith.mulf %get3A_393, %mul3A_395 : vector<16xf32>
        %add3A_397 = arith.constant 1 : i32
        %add3A_398 = arith.addi %mul3A_181, %add3A_397 : i32
        %swap3A_399 = arith.index_cast %add3A_398 : i32 to index
        %swap3A_400 = arith.constant 80 : index
        %swap3A_401 = tpu.vector_load %arg8[%swap3A_399, %swap3A_400] {strides = array<i32>} : memref<128x128xf32, #tpu.memory_space<vmem>>, vector<1x16xf32>,
        %swap3A_402 = vector.shape_cast %swap3A_401 : vector<1x16xf32> to vector<16xf32>
        %swap3A_403 = vector.shape_cast %mul3A_396 : vector<16xf32> to vector<1x16xf32>
        tpu.vector_store %arg8[%swap3A_399, %swap3A_400], %swap3A_403 {strides = array<i32>} : memref<128x128xf32, #tpu.memory_space<vmem>>, vector<1x16xf32>,
        %add3A_404 = arith.constant 1 : i32
        %add3A_405 = arith.addi %mul3A_181, %add3A_404 : i32
        %get3A_406 = arith.index_cast %add3A_405 : i32 to index
        %get3A_407 = arith.constant 96 : index
        %get3A_408 = tpu.vector_load %arg6[%get3A_406, %get3A_407] {strides = array<i32>} : memref<128x128xf32, #tpu.memory_space<vmem>>, vector<1x16xf32>,
        %get3A_409 = vector.shape_cast %get3A_408 : vector<1x16xf32> to vector<16xf32>
        %mul3A_410 = arith.constant 11.3137083 : f32
        %mul3A_411 = vector.broadcast %mul3A_410 : f32 to vector<16xf32>
        %mul3A_412 = arith.mulf %get3A_409, %mul3A_411 : vector<16xf32>
        %add3A_413 = arith.constant 1 : i32
        %add3A_414 = arith.addi %mul3A_181, %add3A_413 : i32
        %swap3A_415 = arith.index_cast %add3A_414 : i32 to index
        %swap3A_416 = arith.constant 96 : index
        %swap3A_417 = tpu.vector_load %arg8[%swap3A_415, %swap3A_416] {strides = array<i32>} : memref<128x128xf32, #tpu.memory_space<vmem>>, vector<1x16xf32>,
        %swap3A_418 = vector.shape_cast %swap3A_417 : vector<1x16xf32> to vector<16xf32>
        %swap3A_419 = vector.shape_cast %mul3A_412 : vector<16xf32> to vector<1x16xf32>
        tpu.vector_store %arg8[%swap3A_415, %swap3A_416], %swap3A_419 {strides = array<i32>} : memref<128x128xf32, #tpu.memory_space<vmem>>, vector<1x16xf32>,
        %add3A_420 = arith.constant 1 : i32
        %add3A_421 = arith.addi %mul3A_181, %add3A_420 : i32
        %get3A_422 = arith.index_cast %add3A_421 : i32 to index
        %get3A_423 = arith.constant 112 : index
        %get3A_424 = tpu.vector_load %arg6[%get3A_422, %get3A_423] {strides = array<i32>} : memref<128x128xf32, #tpu.memory_space<vmem>>, vector<1x16xf32>,
        %get3A_425 = vector.shape_cast %get3A_424 : vector<1x16xf32> to vector<16xf32>
        %mul3A_426 = arith.constant 11.3137083 : f32
        %mul3A_427 = vector.broadcast %mul3A_426 : f32 to vector<16xf32>
        %mul3A_428 = arith.mulf %get3A_425, %mul3A_427 : vector<16xf32>
        %add3A_429 = arith.constant 1 : i32
        %add3A_430 = arith.addi %mul3A_181, %add3A_429 : i32
        %swap3A_431 = arith.index_cast %add3A_430 : i32 to index
        %swap3A_432 = arith.constant 112 : index
        %swap3A_433 = tpu.vector_load %arg8[%swap3A_431, %swap3A_432] {strides = array<i32>} : memref<128x128xf32, #tpu.memory_space<vmem>>, vector<1x16xf32>,
        %swap3A_434 = vector.shape_cast %swap3A_433 : vector<1x16xf32> to vector<16xf32>
        %swap3A_435 = vector.shape_cast %mul3A_428 : vector<16xf32> to vector<1x16xf32>
        tpu.vector_store %arg8[%swap3A_431, %swap3A_432], %swap3A_435 {strides = array<i32>} : memref<128x128xf32, #tpu.memory_space<vmem>>, vector<1x16xf32>,
        %add3A_436 = arith.constant 2 : i32
        %add3A_437 = arith.addi %mul3A_181, %add3A_436 : i32
        %get3A_438 = arith.index_cast %add3A_437 : i32 to index
        %get3A_439 = arith.constant 0 : index
        %get3A_440 = tpu.vector_load %arg6[%get3A_438, %get3A_439] {strides = array<i32>} : memref<128x128xf32, #tpu.memory_space<vmem>>, vector<1x16xf32>,
        %get3A_441 = vector.shape_cast %get3A_440 : vector<1x16xf32> to vector<16xf32>
        %mul3A_442 = arith.constant 11.3137083 : f32
        %mul3A_443 = vector.broadcast %mul3A_442 : f32 to vector<16xf32>
        %mul3A_444 = arith.mulf %get3A_441, %mul3A_443 : vector<16xf32>
        %add3A_445 = arith.constant 2 : i32
        %add3A_446 = arith.addi %mul3A_181, %add3A_445 : i32
        %swap3A_447 = arith.index_cast %add3A_446 : i32 to index
        %swap3A_448 = arith.constant 0 : index
        %swap3A_449 = tpu.vector_load %arg8[%swap3A_447, %swap3A_448] {strides = array<i32>} : memref<128x128xf32, #tpu.memory_space<vmem>>, vector<1x16xf32>,
        %swap3A_450 = vector.shape_cast %swap3A_449 : vector<1x16xf32> to vector<16xf32>
        %swap3A_451 = vector.shape_cast %mul3A_444 : vector<16xf32> to vector<1x16xf32>
        tpu.vector_store %arg8[%swap3A_447, %swap3A_448], %swap3A_451 {strides = array<i32>} : memref<128x128xf32, #tpu.memory_space<vmem>>, vector<1x16xf32>,
        %add3A_452 = arith.constant 2 : i32
        %add3A_453 = arith.addi %mul3A_181, %add3A_452 : i32
        %get3A_454 = arith.index_cast %add3A_453 : i32 to index
        %get3A_455 = arith.constant 16 : index
        %get3A_456 = tpu.vector_load %arg6[%get3A_454, %get3A_455] {strides = array<i32>} : memref<128x128xf32, #tpu.memory_space<vmem>>, vector<1x16xf32>,
        %get3A_457 = vector.shape_cast %get3A_456 : vector<1x16xf32> to vector<16xf32>
        %mul3A_458 = arith.constant 11.3137083 : f32
        %mul3A_459 = vector.broadcast %mul3A_458 : f32 to vector<16xf32>
        %mul3A_460 = arith.mulf %get3A_457, %mul3A_459 : vector<16xf32>
        %add3A_461 = arith.constant 2 : i32
        %add3A_462 = arith.addi %mul3A_181, %add3A_461 : i32
        %swap3A_463 = arith.index_cast %add3A_462 : i32 to index
        %swap3A_464 = arith.constant 16 : index
        %swap3A_465 = tpu.vector_load %arg8[%swap3A_463, %swap3A_464] {strides = array<i32>} : memref<128x128xf32, #tpu.memory_space<vmem>>, vector<1x16xf32>,
        %swap3A_466 = vector.shape_cast %swap3A_465 : vector<1x16xf32> to vector<16xf32>
        %swap3A_467 = vector.shape_cast %mul3A_460 : vector<16xf32> to vector<1x16xf32>
        tpu.vector_store %arg8[%swap3A_463, %swap3A_464], %swap3A_467 {strides = array<i32>} : memref<128x128xf32, #tpu.memory_space<vmem>>, vector<1x16xf32>,
        %add3A_468 = arith.constant 2 : i32
        %add3A_469 = arith.addi %mul3A_181, %add3A_468 : i32
        %get3A_470 = arith.index_cast %add3A_469 : i32 to index
        %get3A_471 = arith.constant 32 : index
        %get3A_472 = tpu.vector_load %arg6[%get3A_470, %get3A_471] {strides = array<i32>} : memref<128x128xf32, #tpu.memory_space<vmem>>, vector<1x16xf32>,
        %get3A_473 = vector.shape_cast %get3A_472 : vector<1x16xf32> to vector<16xf32>
        %mul3A_474 = arith.constant 11.3137083 : f32
        %mul3A_475 = vector.broadcast %mul3A_474 : f32 to vector<16xf32>
        %mul3A_476 = arith.mulf %get3A_473, %mul3A_475 : vector<16xf32>
        %add3A_477 = arith.constant 2 : i32
        %add3A_478 = arith.addi %mul3A_181, %add3A_477 : i32
        %swap3A_479 = arith.index_cast %add3A_478 : i32 to index
        %swap3A_480 = arith.constant 32 : index
        %swap3A_481 = tpu.vector_load %arg8[%swap3A_479, %swap3A_480] {strides = array<i32>} : memref<128x128xf32, #tpu.memory_space<vmem>>, vector<1x16xf32>,
        %swap3A_482 = vector.shape_cast %swap3A_481 : vector<1x16xf32> to vector<16xf32>
        %swap3A_483 = vector.shape_cast %mul3A_476 : vector<16xf32> to vector<1x16xf32>
        tpu.vector_store %arg8[%swap3A_479, %swap3A_480], %swap3A_483 {strides = array<i32>} : memref<128x128xf32, #tpu.memory_space<vmem>>, vector<1x16xf32>,
        %add3A_484 = arith.constant 2 : i32
        %add3A_485 = arith.addi %mul3A_181, %add3A_484 : i32
        %get3A_486 = arith.index_cast %add3A_485 : i32 to index
        %get3A_487 = arith.constant 48 : index
        %get3A_488 = tpu.vector_load %arg6[%get3A_486, %get3A_487] {strides = array<i32>} : memref<128x128xf32, #tpu.memory_space<vmem>>, vector<1x16xf32>,
        %get3A_489 = vector.shape_cast %get3A_488 : vector<1x16xf32> to vector<16xf32>
        %mul3A_490 = arith.constant 11.3137083 : f32
        %mul3A_491 = vector.broadcast %mul3A_490 : f32 to vector<16xf32>
        %mul3A_492 = arith.mulf %get3A_489, %mul3A_491 : vector<16xf32>
        %add3A_493 = arith.constant 2 : i32
        %add3A_494 = arith.addi %mul3A_181, %add3A_493 : i32
        %swap3A_495 = arith.index_cast %add3A_494 : i32 to index
        %swap3A_496 = arith.constant 48 : index
        %swap3A_497 = tpu.vector_load %arg8[%swap3A_495, %swap3A_496] {strides = array<i32>} : memref<128x128xf32, #tpu.memory_space<vmem>>, vector<1x16xf32>,
        %swap3A_498 = vector.shape_cast %swap3A_497 : vector<1x16xf32> to vector<16xf32>
        %swap3A_499 = vector.shape_cast %mul3A_492 : vector<16xf32> to vector<1x16xf32>
        tpu.vector_store %arg8[%swap3A_495, %swap3A_496], %swap3A_499 {strides = array<i32>} : memref<128x128xf32, #tpu.memory_space<vmem>>, vector<1x16xf32>,
        %add3A_500 = arith.constant 2 : i32
        %add3A_501 = arith.addi %mul3A_181, %add3A_500 : i32
        %get3A_502 = arith.index_cast %add3A_501 : i32 to index
        %get3A_503 = arith.constant 64 : index
        %get3A_504 = tpu.vector_load %arg6[%get3A_502, %get3A_503] {strides = array<i32>} : memref<128x128xf32, #tpu.memory_space<vmem>>, vector<1x16xf32>,
        %get3A_505 = vector.shape_cast %get3A_504 : vector<1x16xf32> to vector<16xf32>
        %mul3A_506 = arith.constant 11.3137083 : f32
        %mul3A_507 = vector.broadcast %mul3A_506 : f32 to vector<16xf32>
        %mul3A_508 = arith.mulf %get3A_505, %mul3A_507 : vector<16xf32>
        %add3A_509 = arith.constant 2 : i32
        %add3A_510 = arith.addi %mul3A_181, %add3A_509 : i32
        %swap3A_511 = arith.index_cast %add3A_510 : i32 to index
        %swap3A_512 = arith.constant 64 : index
        %swap3A_513 = tpu.vector_load %arg8[%swap3A_511, %swap3A_512] {strides = array<i32>} : memref<128x128xf32, #tpu.memory_space<vmem>>, vector<1x16xf32>,
        %swap3A_514 = vector.shape_cast %swap3A_513 : vector<1x16xf32> to vector<16xf32>
        %swap3A_515 = vector.shape_cast %mul3A_508 : vector<16xf32> to vector<1x16xf32>
        tpu.vector_store %arg8[%swap3A_511, %swap3A_512], %swap3A_515 {strides = array<i32>} : memref<128x128xf32, #tpu.memory_space<vmem>>, vector<1x16xf32>,
        %add3A_516 = arith.constant 2 : i32
        %add3A_517 = arith.addi %mul3A_181, %add3A_516 : i32
        %get3A_518 = arith.index_cast %add3A_517 : i32 to index
        %get3A_519 = arith.constant 80 : index
        %get3A_520 = tpu.vector_load %arg6[%get3A_518, %get3A_519] {strides = array<i32>} : memref<128x128xf32, #tpu.memory_space<vmem>>, vector<1x16xf32>,
        %get3A_521 = vector.shape_cast %get3A_520 : vector<1x16xf32> to vector<16xf32>
        %mul3A_522 = arith.constant 11.3137083 : f32
        %mul3A_523 = vector.broadcast %mul3A_522 : f32 to vector<16xf32>
        %mul3A_524 = arith.mulf %get3A_521, %mul3A_523 : vector<16xf32>
        %add3A_525 = arith.constant 2 : i32
        %add3A_526 = arith.addi %mul3A_181, %add3A_525 : i32
        %swap3A_527 = arith.index_cast %add3A_526 : i32 to index
        %swap3A_528 = arith.constant 80 : index
        %swap3A_529 = tpu.vector_load %arg8[%swap3A_527, %swap3A_528] {strides = array<i32>} : memref<128x128xf32, #tpu.memory_space<vmem>>, vector<1x16xf32>,
        %swap3A_530 = vector.shape_cast %swap3A_529 : vector<1x16xf32> to vector<16xf32>
        %swap3A_531 = vector.shape_cast %mul3A_524 : vector<16xf32> to vector<1x16xf32>
        tpu.vector_store %arg8[%swap3A_527, %swap3A_528], %swap3A_531 {strides = array<i32>} : memref<128x128xf32, #tpu.memory_space<vmem>>, vector<1x16xf32>,
        %add3A_532 = arith.constant 2 : i32
        %add3A_533 = arith.addi %mul3A_181, %add3A_532 : i32
        %get3A_534 = arith.index_cast %add3A_533 : i32 to index
        %get3A_535 = arith.constant 96 : index
        %get3A_536 = tpu.vector_load %arg6[%get3A_534, %get3A_535] {strides = array<i32>} : memref<128x128xf32, #tpu.memory_space<vmem>>, vector<1x16xf32>,
        %get3A_537 = vector.shape_cast %get3A_536 : vector<1x16xf32> to vector<16xf32>
        %mul3A_538 = arith.constant 11.3137083 : f32
        %mul3A_539 = vector.broadcast %mul3A_538 : f32 to vector<16xf32>
        %mul3A_540 = arith.mulf %get3A_537, %mul3A_539 : vector<16xf32>
        %add3A_541 = arith.constant 2 : i32
        %add3A_542 = arith.addi %mul3A_181, %add3A_541 : i32
        %swap3A_543 = arith.index_cast %add3A_542 : i32 to index
        %swap3A_544 = arith.constant 96 : index
        %swap3A_545 = tpu.vector_load %arg8[%swap3A_543, %swap3A_544] {strides = array<i32>} : memref<128x128xf32, #tpu.memory_space<vmem>>, vector<1x16xf32>,
        %swap3A_546 = vector.shape_cast %swap3A_545 : vector<1x16xf32> to vector<16xf32>
        %swap3A_547 = vector.shape_cast %mul3A_540 : vector<16xf32> to vector<1x16xf32>
        tpu.vector_store %arg8[%swap3A_543, %swap3A_544], %swap3A_547 {strides = array<i32>} : memref<128x128xf32, #tpu.memory_space<vmem>>, vector<1x16xf32>,
        %add3A_548 = arith.constant 2 : i32
        %add3A_549 = arith.addi %mul3A_181, %add3A_548 : i32
        %get3A_550 = arith.index_cast %add3A_549 : i32 to index
        %get3A_551 = arith.constant 112 : index
        %get3A_552 = tpu.vector_load %arg6[%get3A_550, %get3A_551] {strides = array<i32>} : memref<128x128xf32, #tpu.memory_space<vmem>>, vector<1x16xf32>,
        %get3A_553 = vector.shape_cast %get3A_552 : vector<1x16xf32> to vector<16xf32>
        %mul3A_554 = arith.constant 11.3137083 : f32
        %mul3A_555 = vector.broadcast %mul3A_554 : f32 to vector<16xf32>
        %mul3A_556 = arith.mulf %get3A_553, %mul3A_555 : vector<16xf32>
        %add3A_557 = arith.constant 2 : i32
        %add3A_558 = arith.addi %mul3A_181, %add3A_557 : i32
        %swap3A_559 = arith.index_cast %add3A_558 : i32 to index
        %swap3A_560 = arith.constant 112 : index
        %swap3A_561 = tpu.vector_load %arg8[%swap3A_559, %swap3A_560] {strides = array<i32>} : memref<128x128xf32, #tpu.memory_space<vmem>>, vector<1x16xf32>,
        %swap3A_562 = vector.shape_cast %swap3A_561 : vector<1x16xf32> to vector<16xf32>
        %swap3A_563 = vector.shape_cast %mul3A_556 : vector<16xf32> to vector<1x16xf32>
        tpu.vector_store %arg8[%swap3A_559, %swap3A_560], %swap3A_563 {strides = array<i32>} : memref<128x128xf32, #tpu.memory_space<vmem>>, vector<1x16xf32>,
        %add3A_564 = arith.constant 3 : i32
        %add3A_565 = arith.addi %mul3A_181, %add3A_564 : i32
        %get3A_566 = arith.index_cast %add3A_565 : i32 to index
        %get3A_567 = arith.constant 0 : index
        %get3A_568 = tpu.vector_load %arg6[%get3A_566, %get3A_567] {strides = array<i32>} : memref<128x128xf32, #tpu.memory_space<vmem>>, vector<1x16xf32>,
        %get3A_569 = vector.shape_cast %get3A_568 : vector<1x16xf32> to vector<16xf32>
        %mul3A_570 = arith.constant 11.3137083 : f32
        %mul3A_571 = vector.broadcast %mul3A_570 : f32 to vector<16xf32>
        %mul3A_572 = arith.mulf %get3A_569, %mul3A_571 : vector<16xf32>
        %add3A_573 = arith.constant 3 : i32
        %add3A_574 = arith.addi %mul3A_181, %add3A_573 : i32
        %swap3A_575 = arith.index_cast %add3A_574 : i32 to index
        %swap3A_576 = arith.constant 0 : index
        %swap3A_577 = tpu.vector_load %arg8[%swap3A_575, %swap3A_576] {strides = array<i32>} : memref<128x128xf32, #tpu.memory_space<vmem>>, vector<1x16xf32>,
        %swap3A_578 = vector.shape_cast %swap3A_577 : vector<1x16xf32> to vector<16xf32>
        %swap3A_579 = vector.shape_cast %mul3A_572 : vector<16xf32> to vector<1x16xf32>
        tpu.vector_store %arg8[%swap3A_575, %swap3A_576], %swap3A_579 {strides = array<i32>} : memref<128x128xf32, #tpu.memory_space<vmem>>, vector<1x16xf32>,
        %add3A_580 = arith.constant 3 : i32
        %add3A_581 = arith.addi %mul3A_181, %add3A_580 : i32
        %get3A_582 = arith.index_cast %add3A_581 : i32 to index
        %get3A_583 = arith.constant 16 : index
        %get3A_584 = tpu.vector_load %arg6[%get3A_582, %get3A_583] {strides = array<i32>} : memref<128x128xf32, #tpu.memory_space<vmem>>, vector<1x16xf32>,
        %get3A_585 = vector.shape_cast %get3A_584 : vector<1x16xf32> to vector<16xf32>
        %mul3A_586 = arith.constant 11.3137083 : f32
        %mul3A_587 = vector.broadcast %mul3A_586 : f32 to vector<16xf32>
        %mul3A_588 = arith.mulf %get3A_585, %mul3A_587 : vector<16xf32>
        %add3A_589 = arith.constant 3 : i32
        %add3A_590 = arith.addi %mul3A_181, %add3A_589 : i32
        %swap3A_591 = arith.index_cast %add3A_590 : i32 to index
        %swap3A_592 = arith.constant 16 : index
        %swap3A_593 = tpu.vector_load %arg8[%swap3A_591, %swap3A_592] {strides = array<i32>} : memref<128x128xf32, #tpu.memory_space<vmem>>, vector<1x16xf32>,
        %swap3A_594 = vector.shape_cast %swap3A_593 : vector<1x16xf32> to vector<16xf32>
        %swap3A_595 = vector.shape_cast %mul3A_588 : vector<16xf32> to vector<1x16xf32>
        tpu.vector_store %arg8[%swap3A_591, %swap3A_592], %swap3A_595 {strides = array<i32>} : memref<128x128xf32, #tpu.memory_space<vmem>>, vector<1x16xf32>,
        %add3A_596 = arith.constant 3 : i32
        %add3A_597 = arith.addi %mul3A_181, %add3A_596 : i32
        %get3A_598 = arith.index_cast %add3A_597 : i32 to index
        %get3A_599 = arith.constant 32 : index
        %get3A_600 = tpu.vector_load %arg6[%get3A_598, %get3A_599] {strides = array<i32>} : memref<128x128xf32, #tpu.memory_space<vmem>>, vector<1x16xf32>,
        %get3A_601 = vector.shape_cast %get3A_600 : vector<1x16xf32> to vector<16xf32>
        %mul3A_602 = arith.constant 11.3137083 : f32
        %mul3A_603 = vector.broadcast %mul3A_602 : f32 to vector<16xf32>
        %mul3A_604 = arith.mulf %get3A_601, %mul3A_603 : vector<16xf32>
        %add3A_605 = arith.constant 3 : i32
        %add3A_606 = arith.addi %mul3A_181, %add3A_605 : i32
        %swap3A_607 = arith.index_cast %add3A_606 : i32 to index
        %swap3A_608 = arith.constant 32 : index
        %swap3A_609 = tpu.vector_load %arg8[%swap3A_607, %swap3A_608] {strides = array<i32>} : memref<128x128xf32, #tpu.memory_space<vmem>>, vector<1x16xf32>,
        %swap3A_610 = vector.shape_cast %swap3A_609 : vector<1x16xf32> to vector<16xf32>
        %swap3A_611 = vector.shape_cast %mul3A_604 : vector<16xf32> to vector<1x16xf32>
        tpu.vector_store %arg8[%swap3A_607, %swap3A_608], %swap3A_611 {strides = array<i32>} : memref<128x128xf32, #tpu.memory_space<vmem>>, vector<1x16xf32>,
        %add3A_612 = arith.constant 3 : i32
        %add3A_613 = arith.addi %mul3A_181, %add3A_612 : i32
        %get3A_614 = arith.index_cast %add3A_613 : i32 to index
        %get3A_615 = arith.constant 48 : index
        %get3A_616 = tpu.vector_load %arg6[%get3A_614, %get3A_615] {strides = array<i32>} : memref<128x128xf32, #tpu.memory_space<vmem>>, vector<1x16xf32>,
        %get3A_617 = vector.shape_cast %get3A_616 : vector<1x16xf32> to vector<16xf32>
        %mul3A_618 = arith.constant 11.3137083 : f32
        %mul3A_619 = vector.broadcast %mul3A_618 : f32 to vector<16xf32>
        %mul3A_620 = arith.mulf %get3A_617, %mul3A_619 : vector<16xf32>
        %add3A_621 = arith.constant 3 : i32
        %add3A_622 = arith.addi %mul3A_181, %add3A_621 : i32
        %swap3A_623 = arith.index_cast %add3A_622 : i32 to index
        %swap3A_624 = arith.constant 48 : index
        %swap3A_625 = tpu.vector_load %arg8[%swap3A_623, %swap3A_624] {strides = array<i32>} : memref<128x128xf32, #tpu.memory_space<vmem>>, vector<1x16xf32>,
        %swap3A_626 = vector.shape_cast %swap3A_625 : vector<1x16xf32> to vector<16xf32>
        %swap3A_627 = vector.shape_cast %mul3A_620 : vector<16xf32> to vector<1x16xf32>
        tpu.vector_store %arg8[%swap3A_623, %swap3A_624], %swap3A_627 {strides = array<i32>} : memref<128x128xf32, #tpu.memory_space<vmem>>, vector<1x16xf32>,
        %add3A_628 = arith.constant 3 : i32
        %add3A_629 = arith.addi %mul3A_181, %add3A_628 : i32
        %get3A_630 = arith.index_cast %add3A_629 : i32 to index
        %get3A_631 = arith.constant 64 : index
        %get3A_632 = tpu.vector_load %arg6[%get3A_630, %get3A_631] {strides = array<i32>} : memref<128x128xf32, #tpu.memory_space<vmem>>, vector<1x16xf32>,
        %get3A_633 = vector.shape_cast %get3A_632 : vector<1x16xf32> to vector<16xf32>
        %mul3A_634 = arith.constant 11.3137083 : f32
        %mul3A_635 = vector.broadcast %mul3A_634 : f32 to vector<16xf32>
        %mul3A_636 = arith.mulf %get3A_633, %mul3A_635 : vector<16xf32>
        %add3A_637 = arith.constant 3 : i32
        %add3A_638 = arith.addi %mul3A_181, %add3A_637 : i32
        %swap3A_639 = arith.index_cast %add3A_638 : i32 to index
        %swap3A_640 = arith.constant 64 : index
        %swap3A_641 = tpu.vector_load %arg8[%swap3A_639, %swap3A_640] {strides = array<i32>} : memref<128x128xf32, #tpu.memory_space<vmem>>, vector<1x16xf32>,
        %swap3A_642 = vector.shape_cast %swap3A_641 : vector<1x16xf32> to vector<16xf32>
        %swap3A_643 = vector.shape_cast %mul3A_636 : vector<16xf32> to vector<1x16xf32>
        tpu.vector_store %arg8[%swap3A_639, %swap3A_640], %swap3A_643 {strides = array<i32>} : memref<128x128xf32, #tpu.memory_space<vmem>>, vector<1x16xf32>,
        %add3A_644 = arith.constant 3 : i32
        %add3A_645 = arith.addi %mul3A_181, %add3A_644 : i32
        %get3A_646 = arith.index_cast %add3A_645 : i32 to index
        %get3A_647 = arith.constant 80 : index
        %get3A_648 = tpu.vector_load %arg6[%get3A_646, %get3A_647] {strides = array<i32>} : memref<128x128xf32, #tpu.memory_space<vmem>>, vector<1x16xf32>,
        %get3A_649 = vector.shape_cast %get3A_648 : vector<1x16xf32> to vector<16xf32>
        %mul3A_650 = arith.constant 11.3137083 : f32
        %mul3A_651 = vector.broadcast %mul3A_650 : f32 to vector<16xf32>
        %mul3A_652 = arith.mulf %get3A_649, %mul3A_651 : vector<16xf32>
        %add3A_653 = arith.constant 3 : i32
        %add3A_654 = arith.addi %mul3A_181, %add3A_653 : i32
        %swap3A_655 = arith.index_cast %add3A_654 : i32 to index
        %swap3A_656 = arith.constant 80 : index
        %swap3A_657 = tpu.vector_load %arg8[%swap3A_655, %swap3A_656] {strides = array<i32>} : memref<128x128xf32, #tpu.memory_space<vmem>>, vector<1x16xf32>,
        %swap3A_658 = vector.shape_cast %swap3A_657 : vector<1x16xf32> to vector<16xf32>
        %swap3A_659 = vector.shape_cast %mul3A_652 : vector<16xf32> to vector<1x16xf32>
        tpu.vector_store %arg8[%swap3A_655, %swap3A_656], %swap3A_659 {strides = array<i32>} : memref<128x128xf32, #tpu.memory_space<vmem>>, vector<1x16xf32>,
        %add3A_660 = arith.constant 3 : i32
        %add3A_661 = arith.addi %mul3A_181, %add3A_660 : i32
        %get3A_662 = arith.index_cast %add3A_661 : i32 to index
        %get3A_663 = arith.constant 96 : index
        %get3A_664 = tpu.vector_load %arg6[%get3A_662, %get3A_663] {strides = array<i32>} : memref<128x128xf32, #tpu.memory_space<vmem>>, vector<1x16xf32>,
        %get3A_665 = vector.shape_cast %get3A_664 : vector<1x16xf32> to vector<16xf32>
        %mul3A_666 = arith.constant 11.3137083 : f32
        %mul3A_667 = vector.broadcast %mul3A_666 : f32 to vector<16xf32>
        %mul3A_668 = arith.mulf %get3A_665, %mul3A_667 : vector<16xf32>
        %add3A_669 = arith.constant 3 : i32
        %add3A_670 = arith.addi %mul3A_181, %add3A_669 : i32
        %swap3A_671 = arith.index_cast %add3A_670 : i32 to index
        %swap3A_672 = arith.constant 96 : index
        %swap3A_673 = tpu.vector_load %arg8[%swap3A_671, %swap3A_672] {strides = array<i32>} : memref<128x128xf32, #tpu.memory_space<vmem>>, vector<1x16xf32>,
        %swap3A_674 = vector.shape_cast %swap3A_673 : vector<1x16xf32> to vector<16xf32>
        %swap3A_675 = vector.shape_cast %mul3A_668 : vector<16xf32> to vector<1x16xf32>
        tpu.vector_store %arg8[%swap3A_671, %swap3A_672], %swap3A_675 {strides = array<i32>} : memref<128x128xf32, #tpu.memory_space<vmem>>, vector<1x16xf32>,
        %add3A_676 = arith.constant 3 : i32
        %add3A_677 = arith.addi %mul3A_181, %add3A_676 : i32
        %get3A_678 = arith.index_cast %add3A_677 : i32 to index
        %get3A_679 = arith.constant 112 : index
        %get3A_680 = tpu.vector_load %arg6[%get3A_678, %get3A_679] {strides = array<i32>} : memref<128x128xf32, #tpu.memory_space<vmem>>, vector<1x16xf32>,
        %get3A_681 = vector.shape_cast %get3A_680 : vector<1x16xf32> to vector<16xf32>
        %mul3A_682 = arith.constant 11.3137083 : f32
        %mul3A_683 = vector.broadcast %mul3A_682 : f32 to vector<16xf32>
        %mul3A_684 = arith.mulf %get3A_681, %mul3A_683 : vector<16xf32>
        %add3A_685 = arith.constant 3 : i32
        %add3A_686 = arith.addi %mul3A_181, %add3A_685 : i32
        %swap3A_687 = arith.index_cast %add3A_686 : i32 to index
        %swap3A_688 = arith.constant 112 : index
        %swap3A_689 = tpu.vector_load %arg8[%swap3A_687, %swap3A_688] {strides = array<i32>} : memref<128x128xf32, #tpu.memory_space<vmem>>, vector<1x16xf32>,
        %swap3A_690 = vector.shape_cast %swap3A_689 : vector<1x16xf32> to vector<16xf32>
        %swap3A_691 = vector.shape_cast %mul3A_684 : vector<16xf32> to vector<1x16xf32>
        tpu.vector_store %arg8[%swap3A_687, %swap3A_688], %swap3A_691 {strides = array<i32>} : memref<128x128xf32, #tpu.memory_space<vmem>>, vector<1x16xf32>,
      }
      %scan3A_129 = arith.constant 32 : i32
      %mul3A_130 = arith.constant 128 : i32
      %mul3A_131 = arith.muli %add3A_114, %mul3A_130 : i32
      %add3A_132 = arith.addi %mul3A_2, %mul3A_131 : i32
      %dma_start3A_133 = arith.constant 0 : i32
      %dma_start3A_134 = tpu.memref_slice %arg4[%add3A_132, %dma_start3A_133] : memref<204800x128xf32, #tpu.memory_space<hbm>> -> memref<128x128xf32, #tpu.memory_space<hbm>>
      %dma_start3A_135 = arith.constant 0 : i32
      %dma_start3A_136 = tpu.memref_slice %arg4[%add3A_132, %dma_start3A_135] : memref<204800x128xf32, #tpu.memory_space<hbm>> -> memref<128x128xf32, #tpu.memory_space<hbm>>
      tpu.enqueue_dma source(%arg8 : memref<128x128xf32, #tpu.memory_space<vmem>>) target(%dma_start3A_136 : memref<128x128xf32, #tpu.memory_space<hbm>>) target_semaphore(%arg12 : memref<!tpu.dma_semaphore, #tpu.memory_space<semaphore_mem>>)
      %add3A_137 = arith.constant 2 : i32
      %add3A_138 = arith.addi %add3A_114, %add3A_137 : i32
      %mul3A_139 = arith.constant 128 : i32
      %mul3A_140 = arith.muli %add3A_138, %mul3A_139 : i32
      %dma_start3A_141 = tpu.memref_slice %arg5[%mul3A_140] : memref<6400xi32, #tpu.memory_space<vmem>> -> memref<128xi32, #tpu.memory_space<vmem>>
      %dma_start3A_142 = arith.constant 0 : i32
      %dma_start3A_143 = arith.constant 0 : i32
      %dma_start3A_144 = tpu.memref_slice %arg3[%dma_start3A_142, %dma_start3A_143] : memref<100000x128xf32, #tpu.memory_space<hbm>> -> memref<100000x128xf32, #tpu.memory_space<hbm>>
      tpu.enqueue_indirect_dma source(%dma_start3A_144 : memref<100000x128xf32, #tpu.memory_space<hbm>>) target(%arg6 : memref<128x128xf32, #tpu.memory_space<vmem>>) offsets(%dma_start3A_141 : memref<128xi32, #tpu.memory_space<vmem>>) semaphore(%arg10 : memref<!tpu.dma_semaphore, #tpu.memory_space<semaphore_mem>>)
      %mul3A_145 = arith.constant 2 : i32
      %mul3A_146 = arith.muli %scan3A_110, %mul3A_145 : i32
      %add3A_147 = arith.constant 1 : i32
      %add3A_148 = arith.addi %mul3A_146, %add3A_147 : i32
      %dma_wait3A_149 = arith.constant 0 : i32
      %dma_wait3A_150 = tpu.memref_slice %arg5[%dma_wait3A_149] : memref<6400xi32, #tpu.memory_space<vmem>> -> memref<128xi32, #tpu.memory_space<vmem>>
      %dma_wait3A_151 = arith.constant 0 : i32
      %dma_wait3A_152 = arith.constant 0 : i32
      %dma_wait3A_153 = tpu.memref_slice %arg3[%dma_wait3A_151, %dma_wait3A_152] : memref<100000x128xf32, #tpu.memory_space<hbm>> -> memref<100000x128xf32, #tpu.memory_space<hbm>>
      tpu.wait_indirect_dma semaphore(%arg11 : memref<!tpu.dma_semaphore, #tpu.memory_space<semaphore_mem>>) src(%dma_wait3A_153 : memref<100000x128xf32, #tpu.memory_space<hbm>>) dst(%arg7 : memref<128x128xf32, #tpu.memory_space<vmem>>)
      %dma_wait3A_154 = arith.constant 0 : i32
      %dma_wait3A_155 = tpu.memref_slice %arg4[%mul3A_2, %dma_wait3A_154] : memref<204800x128xf32, #tpu.memory_space<hbm>> -> memref<128x128xf32, #tpu.memory_space<hbm>>
      %dma_wait3A_156 = arith.constant 0 : i32
      %dma_wait3A_157 = tpu.memref_slice %arg4[%mul3A_2, %dma_wait3A_156] : memref<204800x128xf32, #tpu.memory_space<hbm>> -> memref<128x128xf32, #tpu.memory_space<hbm>>
      tpu.wait_dma2 semaphore(%arg13 : memref<!tpu.dma_semaphore, #tpu.memory_space<semaphore_mem>>) src(%arg9 : memref<128x128xf32, #tpu.memory_space<vmem>>) dst(%dma_wait3A_157 : memref<128x128xf32, #tpu.memory_space<hbm>>)
      %scan3A_158 = arith.constant 0 : i32
      %scan3A_159 = arith.constant 0 : i32
      %scan3A_160 = arith.constant 32 : i32
      %scan3A_161 = arith.addi %scan3A_159, %scan3A_160 : i32
      %scan3A_162 = arith.constant 1 : i32
      scf.for %scan3A_179 = %scan3A_159 to %scan3A_161 step %scan3A_162  : i32 {
        %mul3A_180 = arith.constant 4 : i32
        %mul3A_181 = arith.muli %scan3A_179, %mul3A_180 : i32
        %add3A_182 = arith.constant 0 : i32
        %add3A_183 = arith.addi %mul3A_181, %add3A_182 : i32
        %get3A = arith.index_cast %add3A_183 : i32 to index
        %get3A_184 = arith.constant 0 : index
        %get3A_185 = tpu.vector_load %arg7[%get3A, %get3A_184] {strides = array<i32>} : memref<128x128xf32, #tpu.memory_space<vmem>>, vector<1x16xf32>,
        %get3A_186 = vector.shape_cast %get3A_185 : vector<1x16xf32> to vector<16xf32>
        %mul3A_187 = arith.constant 11.3137083 : f32
        %mul3A_188 = vector.broadcast %mul3A_187 : f32 to vector<16xf32>
        %mul3A_189 = arith.mulf %get3A_186, %mul3A_188 : vector<16xf32>
        %add3A_190 = arith.constant 0 : i32
        %add3A_191 = arith.addi %mul3A_181, %add3A_190 : i32
        %swap3A = arith.index_cast %add3A_191 : i32 to index
        %swap3A_192 = arith.constant 0 : index
        %swap3A_193 = tpu.vector_load %arg9[%swap3A, %swap3A_192] {strides = array<i32>} : memref<128x128xf32, #tpu.memory_space<vmem>>, vector<1x16xf32>,
        %swap3A_194 = vector.shape_cast %swap3A_193 : vector<1x16xf32> to vector<16xf32>
        %swap3A_195 = vector.shape_cast %mul3A_189 : vector<16xf32> to vector<1x16xf32>
        tpu.vector_store %arg9[%swap3A, %swap3A_192], %swap3A_195 {strides = array<i32>} : memref<128x128xf32, #tpu.memory_space<vmem>>, vector<1x16xf32>,
        %add3A_196 = arith.constant 0 : i32
        %add3A_197 = arith.addi %mul3A_181, %add3A_196 : i32
        %get3A_198 = arith.index_cast %add3A_197 : i32 to index
        %get3A_199 = arith.constant 16 : index
        %get3A_200 = tpu.vector_load %arg7[%get3A_198, %get3A_199] {strides = array<i32>} : memref<128x128xf32, #tpu.memory_space<vmem>>, vector<1x16xf32>,
        %get3A_201 = vector.shape_cast %get3A_200 : vector<1x16xf32> to vector<16xf32>
        %mul3A_202 = arith.constant 11.3137083 : f32
        %mul3A_203 = vector.broadcast %mul3A_202 : f32 to vector<16xf32>
        %mul3A_204 = arith.mulf %get3A_201, %mul3A_203 : vector<16xf32>
        %add3A_205 = arith.constant 0 : i32
        %add3A_206 = arith.addi %mul3A_181, %add3A_205 : i32
        %swap3A_207 = arith.index_cast %add3A_206 : i32 to index
        %swap3A_208 = arith.constant 16 : index
        %swap3A_209 = tpu.vector_load %arg9[%swap3A_207, %swap3A_208] {strides = array<i32>} : memref<128x128xf32, #tpu.memory_space<vmem>>, vector<1x16xf32>,
        %swap3A_210 = vector.shape_cast %swap3A_209 : vector<1x16xf32> to vector<16xf32>
        %swap3A_211 = vector.shape_cast %mul3A_204 : vector<16xf32> to vector<1x16xf32>
        tpu.vector_store %arg9[%swap3A_207, %swap3A_208], %swap3A_211 {strides = array<i32>} : memref<128x128xf32, #tpu.memory_space<vmem>>, vector<1x16xf32>,
        %add3A_212 = arith.constant 0 : i32
        %add3A_213 = arith.addi %mul3A_181, %add3A_212 : i32
        %get3A_214 = arith.index_cast %add3A_213 : i32 to index
        %get3A_215 = arith.constant 32 : index
        %get3A_216 = tpu.vector_load %arg7[%get3A_214, %get3A_215] {strides = array<i32>} : memref<128x128xf32, #tpu.memory_space<vmem>>, vector<1x16xf32>,
        %get3A_217 = vector.shape_cast %get3A_216 : vector<1x16xf32> to vector<16xf32>
        %mul3A_218 = arith.constant 11.3137083 : f32
        %mul3A_219 = vector.broadcast %mul3A_218 : f32 to vector<16xf32>
        %mul3A_220 = arith.mulf %get3A_217, %mul3A_219 : vector<16xf32>
        %add3A_221 = arith.constant 0 : i32
        %add3A_222 = arith.addi %mul3A_181, %add3A_221 : i32
        %swap3A_223 = arith.index_cast %add3A_222 : i32 to index
        %swap3A_224 = arith.constant 32 : index
        %swap3A_225 = tpu.vector_load %arg9[%swap3A_223, %swap3A_224] {strides = array<i32>} : memref<128x128xf32, #tpu.memory_space<vmem>>, vector<1x16xf32>,
        %swap3A_226 = vector.shape_cast %swap3A_225 : vector<1x16xf32> to vector<16xf32>
        %swap3A_227 = vector.shape_cast %mul3A_220 : vector<16xf32> to vector<1x16xf32>
        tpu.vector_store %arg9[%swap3A_223, %swap3A_224], %swap3A_227 {strides = array<i32>} : memref<128x128xf32, #tpu.memory_space<vmem>>, vector<1x16xf32>,
        %add3A_228 = arith.constant 0 : i32
        %add3A_229 = arith.addi %mul3A_181, %add3A_228 : i32
        %get3A_230 = arith.index_cast %add3A_229 : i32 to index
        %get3A_231 = arith.constant 48 : index
        %get3A_232 = tpu.vector_load %arg7[%get3A_230, %get3A_231] {strides = array<i32>} : memref<128x128xf32, #tpu.memory_space<vmem>>, vector<1x16xf32>,
        %get3A_233 = vector.shape_cast %get3A_232 : vector<1x16xf32> to vector<16xf32>
        %mul3A_234 = arith.constant 11.3137083 : f32
        %mul3A_235 = vector.broadcast %mul3A_234 : f32 to vector<16xf32>
        %mul3A_236 = arith.mulf %get3A_233, %mul3A_235 : vector<16xf32>
        %add3A_237 = arith.constant 0 : i32
        %add3A_238 = arith.addi %mul3A_181, %add3A_237 : i32
        %swap3A_239 = arith.index_cast %add3A_238 : i32 to index
        %swap3A_240 = arith.constant 48 : index
        %swap3A_241 = tpu.vector_load %arg9[%swap3A_239, %swap3A_240] {strides = array<i32>} : memref<128x128xf32, #tpu.memory_space<vmem>>, vector<1x16xf32>,
        %swap3A_242 = vector.shape_cast %swap3A_241 : vector<1x16xf32> to vector<16xf32>
        %swap3A_243 = vector.shape_cast %mul3A_236 : vector<16xf32> to vector<1x16xf32>
        tpu.vector_store %arg9[%swap3A_239, %swap3A_240], %swap3A_243 {strides = array<i32>} : memref<128x128xf32, #tpu.memory_space<vmem>>, vector<1x16xf32>,
        %add3A_244 = arith.constant 0 : i32
        %add3A_245 = arith.addi %mul3A_181, %add3A_244 : i32
        %get3A_246 = arith.index_cast %add3A_245 : i32 to index
        %get3A_247 = arith.constant 64 : index
        %get3A_248 = tpu.vector_load %arg7[%get3A_246, %get3A_247] {strides = array<i32>} : memref<128x128xf32, #tpu.memory_space<vmem>>, vector<1x16xf32>,
        %get3A_249 = vector.shape_cast %get3A_248 : vector<1x16xf32> to vector<16xf32>
        %mul3A_250 = arith.constant 11.3137083 : f32
        %mul3A_251 = vector.broadcast %mul3A_250 : f32 to vector<16xf32>
        %mul3A_252 = arith.mulf %get3A_249, %mul3A_251 : vector<16xf32>
        %add3A_253 = arith.constant 0 : i32
        %add3A_254 = arith.addi %mul3A_181, %add3A_253 : i32
        %swap3A_255 = arith.index_cast %add3A_254 : i32 to index
        %swap3A_256 = arith.constant 64 : index
        %swap3A_257 = tpu.vector_load %arg9[%swap3A_255, %swap3A_256] {strides = array<i32>} : memref<128x128xf32, #tpu.memory_space<vmem>>, vector<1x16xf32>,
        %swap3A_258 = vector.shape_cast %swap3A_257 : vector<1x16xf32> to vector<16xf32>
        %swap3A_259 = vector.shape_cast %mul3A_252 : vector<16xf32> to vector<1x16xf32>
        tpu.vector_store %arg9[%swap3A_255, %swap3A_256], %swap3A_259 {strides = array<i32>} : memref<128x128xf32, #tpu.memory_space<vmem>>, vector<1x16xf32>,
        %add3A_260 = arith.constant 0 : i32
        %add3A_261 = arith.addi %mul3A_181, %add3A_260 : i32
        %get3A_262 = arith.index_cast %add3A_261 : i32 to index
        %get3A_263 = arith.constant 80 : index
        %get3A_264 = tpu.vector_load %arg7[%get3A_262, %get3A_263] {strides = array<i32>} : memref<128x128xf32, #tpu.memory_space<vmem>>, vector<1x16xf32>,
        %get3A_265 = vector.shape_cast %get3A_264 : vector<1x16xf32> to vector<16xf32>
        %mul3A_266 = arith.constant 11.3137083 : f32
        %mul3A_267 = vector.broadcast %mul3A_266 : f32 to vector<16xf32>
        %mul3A_268 = arith.mulf %get3A_265, %mul3A_267 : vector<16xf32>
        %add3A_269 = arith.constant 0 : i32
        %add3A_270 = arith.addi %mul3A_181, %add3A_269 : i32
        %swap3A_271 = arith.index_cast %add3A_270 : i32 to index
        %swap3A_272 = arith.constant 80 : index
        %swap3A_273 = tpu.vector_load %arg9[%swap3A_271, %swap3A_272] {strides = array<i32>} : memref<128x128xf32, #tpu.memory_space<vmem>>, vector<1x16xf32>,
        %swap3A_274 = vector.shape_cast %swap3A_273 : vector<1x16xf32> to vector<16xf32>
        %swap3A_275 = vector.shape_cast %mul3A_268 : vector<16xf32> to vector<1x16xf32>
        tpu.vector_store %arg9[%swap3A_271, %swap3A_272], %swap3A_275 {strides = array<i32>} : memref<128x128xf32, #tpu.memory_space<vmem>>, vector<1x16xf32>,
        %add3A_276 = arith.constant 0 : i32
        %add3A_277 = arith.addi %mul3A_181, %add3A_276 : i32
        %get3A_278 = arith.index_cast %add3A_277 : i32 to index
        %get3A_279 = arith.constant 96 : index
        %get3A_280 = tpu.vector_load %arg7[%get3A_278, %get3A_279] {strides = array<i32>} : memref<128x128xf32, #tpu.memory_space<vmem>>, vector<1x16xf32>,
        %get3A_281 = vector.shape_cast %get3A_280 : vector<1x16xf32> to vector<16xf32>
        %mul3A_282 = arith.constant 11.3137083 : f32
        %mul3A_283 = vector.broadcast %mul3A_282 : f32 to vector<16xf32>
        %mul3A_284 = arith.mulf %get3A_281, %mul3A_283 : vector<16xf32>
        %add3A_285 = arith.constant 0 : i32
        %add3A_286 = arith.addi %mul3A_181, %add3A_285 : i32
        %swap3A_287 = arith.index_cast %add3A_286 : i32 to index
        %swap3A_288 = arith.constant 96 : index
        %swap3A_289 = tpu.vector_load %arg9[%swap3A_287, %swap3A_288] {strides = array<i32>} : memref<128x128xf32, #tpu.memory_space<vmem>>, vector<1x16xf32>,
        %swap3A_290 = vector.shape_cast %swap3A_289 : vector<1x16xf32> to vector<16xf32>
        %swap3A_291 = vector.shape_cast %mul3A_284 : vector<16xf32> to vector<1x16xf32>
        tpu.vector_store %arg9[%swap3A_287, %swap3A_288], %swap3A_291 {strides = array<i32>} : memref<128x128xf32, #tpu.memory_space<vmem>>, vector<1x16xf32>,
        %add3A_292 = arith.constant 0 : i32
        %add3A_293 = arith.addi %mul3A_181, %add3A_292 : i32
        %get3A_294 = arith.index_cast %add3A_293 : i32 to index
        %get3A_295 = arith.constant 112 : index
        %get3A_296 = tpu.vector_load %arg7[%get3A_294, %get3A_295] {strides = array<i32>} : memref<128x128xf32, #tpu.memory_space<vmem>>, vector<1x16xf32>,
        %get3A_297 = vector.shape_cast %get3A_296 : vector<1x16xf32> to vector<16xf32>
        %mul3A_298 = arith.constant 11.3137083 : f32
        %mul3A_299 = vector.broadcast %mul3A_298 : f32 to vector<16xf32>
        %mul3A_300 = arith.mulf %get3A_297, %mul3A_299 : vector<16xf32>
        %add3A_301 = arith.constant 0 : i32
        %add3A_302 = arith.addi %mul3A_181, %add3A_301 : i32
        %swap3A_303 = arith.index_cast %add3A_302 : i32 to index
        %swap3A_304 = arith.constant 112 : index
        %swap3A_305 = tpu.vector_load %arg9[%swap3A_303, %swap3A_304] {strides = array<i32>} : memref<128x128xf32, #tpu.memory_space<vmem>>, vector<1x16xf32>,
        %swap3A_306 = vector.shape_cast %swap3A_305 : vector<1x16xf32> to vector<16xf32>
        %swap3A_307 = vector.shape_cast %mul3A_300 : vector<16xf32> to vector<1x16xf32>
        tpu.vector_store %arg9[%swap3A_303, %swap3A_304], %swap3A_307 {strides = array<i32>} : memref<128x128xf32, #tpu.memory_space<vmem>>, vector<1x16xf32>,
        %add3A_308 = arith.constant 1 : i32
        %add3A_309 = arith.addi %mul3A_181, %add3A_308 : i32
        %get3A_310 = arith.index_cast %add3A_309 : i32 to index
        %get3A_311 = arith.constant 0 : index
        %get3A_312 = tpu.vector_load %arg7[%get3A_310, %get3A_311] {strides = array<i32>} : memref<128x128xf32, #tpu.memory_space<vmem>>, vector<1x16xf32>,
        %get3A_313 = vector.shape_cast %get3A_312 : vector<1x16xf32> to vector<16xf32>
        %mul3A_314 = arith.constant 11.3137083 : f32
        %mul3A_315 = vector.broadcast %mul3A_314 : f32 to vector<16xf32>
        %mul3A_316 = arith.mulf %get3A_313, %mul3A_315 : vector<16xf32>
        %add3A_317 = arith.constant 1 : i32
        %add3A_318 = arith.addi %mul3A_181, %add3A_317 : i32
        %swap3A_319 = arith.index_cast %add3A_318 : i32 to index
        %swap3A_320 = arith.constant 0 : index
        %swap3A_321 = tpu.vector_load %arg9[%swap3A_319, %swap3A_320] {strides = array<i32>} : memref<128x128xf32, #tpu.memory_space<vmem>>, vector<1x16xf32>,
        %swap3A_322 = vector.shape_cast %swap3A_321 : vector<1x16xf32> to vector<16xf32>
        %swap3A_323 = vector.shape_cast %mul3A_316 : vector<16xf32> to vector<1x16xf32>
        tpu.vector_store %arg9[%swap3A_319, %swap3A_320], %swap3A_323 {strides = array<i32>} : memref<128x128xf32, #tpu.memory_space<vmem>>, vector<1x16xf32>,
        %add3A_324 = arith.constant 1 : i32
        %add3A_325 = arith.addi %mul3A_181, %add3A_324 : i32
        %get3A_326 = arith.index_cast %add3A_325 : i32 to index
        %get3A_327 = arith.constant 16 : index
        %get3A_328 = tpu.vector_load %arg7[%get3A_326, %get3A_327] {strides = array<i32>} : memref<128x128xf32, #tpu.memory_space<vmem>>, vector<1x16xf32>,
        %get3A_329 = vector.shape_cast %get3A_328 : vector<1x16xf32> to vector<16xf32>
        %mul3A_330 = arith.constant 11.3137083 : f32
        %mul3A_331 = vector.broadcast %mul3A_330 : f32 to vector<16xf32>
        %mul3A_332 = arith.mulf %get3A_329, %mul3A_331 : vector<16xf32>
        %add3A_333 = arith.constant 1 : i32
        %add3A_334 = arith.addi %mul3A_181, %add3A_333 : i32
        %swap3A_335 = arith.index_cast %add3A_334 : i32 to index
        %swap3A_336 = arith.constant 16 : index
        %swap3A_337 = tpu.vector_load %arg9[%swap3A_335, %swap3A_336] {strides = array<i32>} : memref<128x128xf32, #tpu.memory_space<vmem>>, vector<1x16xf32>,
        %swap3A_338 = vector.shape_cast %swap3A_337 : vector<1x16xf32> to vector<16xf32>
        %swap3A_339 = vector.shape_cast %mul3A_332 : vector<16xf32> to vector<1x16xf32>
        tpu.vector_store %arg9[%swap3A_335, %swap3A_336], %swap3A_339 {strides = array<i32>} : memref<128x128xf32, #tpu.memory_space<vmem>>, vector<1x16xf32>,
        %add3A_340 = arith.constant 1 : i32
        %add3A_341 = arith.addi %mul3A_181, %add3A_340 : i32
        %get3A_342 = arith.index_cast %add3A_341 : i32 to index
        %get3A_343 = arith.constant 32 : index
        %get3A_344 = tpu.vector_load %arg7[%get3A_342, %get3A_343] {strides = array<i32>} : memref<128x128xf32, #tpu.memory_space<vmem>>, vector<1x16xf32>,
        %get3A_345 = vector.shape_cast %get3A_344 : vector<1x16xf32> to vector<16xf32>
        %mul3A_346 = arith.constant 11.3137083 : f32
        %mul3A_347 = vector.broadcast %mul3A_346 : f32 to vector<16xf32>
        %mul3A_348 = arith.mulf %get3A_345, %mul3A_347 : vector<16xf32>
        %add3A_349 = arith.constant 1 : i32
        %add3A_350 = arith.addi %mul3A_181, %add3A_349 : i32
        %swap3A_351 = arith.index_cast %add3A_350 : i32 to index
        %swap3A_352 = arith.constant 32 : index
        %swap3A_353 = tpu.vector_load %arg9[%swap3A_351, %swap3A_352] {strides = array<i32>} : memref<128x128xf32, #tpu.memory_space<vmem>>, vector<1x16xf32>,
        %swap3A_354 = vector.shape_cast %swap3A_353 : vector<1x16xf32> to vector<16xf32>
        %swap3A_355 = vector.shape_cast %mul3A_348 : vector<16xf32> to vector<1x16xf32>
        tpu.vector_store %arg9[%swap3A_351, %swap3A_352], %swap3A_355 {strides = array<i32>} : memref<128x128xf32, #tpu.memory_space<vmem>>, vector<1x16xf32>,
        %add3A_356 = arith.constant 1 : i32
        %add3A_357 = arith.addi %mul3A_181, %add3A_356 : i32
        %get3A_358 = arith.index_cast %add3A_357 : i32 to index
        %get3A_359 = arith.constant 48 : index
        %get3A_360 = tpu.vector_load %arg7[%get3A_358, %get3A_359] {strides = array<i32>} : memref<128x128xf32, #tpu.memory_space<vmem>>, vector<1x16xf32>,
        %get3A_361 = vector.shape_cast %get3A_360 : vector<1x16xf32> to vector<16xf32>
        %mul3A_362 = arith.constant 11.3137083 : f32
        %mul3A_363 = vector.broadcast %mul3A_362 : f32 to vector<16xf32>
        %mul3A_364 = arith.mulf %get3A_361, %mul3A_363 : vector<16xf32>
        %add3A_365 = arith.constant 1 : i32
        %add3A_366 = arith.addi %mul3A_181, %add3A_365 : i32
        %swap3A_367 = arith.index_cast %add3A_366 : i32 to index
        %swap3A_368 = arith.constant 48 : index
        %swap3A_369 = tpu.vector_load %arg9[%swap3A_367, %swap3A_368] {strides = array<i32>} : memref<128x128xf32, #tpu.memory_space<vmem>>, vector<1x16xf32>,
        %swap3A_370 = vector.shape_cast %swap3A_369 : vector<1x16xf32> to vector<16xf32>
        %swap3A_371 = vector.shape_cast %mul3A_364 : vector<16xf32> to vector<1x16xf32>
        tpu.vector_store %arg9[%swap3A_367, %swap3A_368], %swap3A_371 {strides = array<i32>} : memref<128x128xf32, #tpu.memory_space<vmem>>, vector<1x16xf32>,
        %add3A_372 = arith.constant 1 : i32
        %add3A_373 = arith.addi %mul3A_181, %add3A_372 : i32
        %get3A_374 = arith.index_cast %add3A_373 : i32 to index
        %get3A_375 = arith.constant 64 : index
        %get3A_376 = tpu.vector_load %arg7[%get3A_374, %get3A_375] {strides = array<i32>} : memref<128x128xf32, #tpu.memory_space<vmem>>, vector<1x16xf32>,
        %get3A_377 = vector.shape_cast %get3A_376 : vector<1x16xf32> to vector<16xf32>
        %mul3A_378 = arith.constant 11.3137083 : f32
        %mul3A_379 = vector.broadcast %mul3A_378 : f32 to vector<16xf32>
        %mul3A_380 = arith.mulf %get3A_377, %mul3A_379 : vector<16xf32>
        %add3A_381 = arith.constant 1 : i32
        %add3A_382 = arith.addi %mul3A_181, %add3A_381 : i32
        %swap3A_383 = arith.index_cast %add3A_382 : i32 to index
        %swap3A_384 = arith.constant 64 : index
        %swap3A_385 = tpu.vector_load %arg9[%swap3A_383, %swap3A_384] {strides = array<i32>} : memref<128x128xf32, #tpu.memory_space<vmem>>, vector<1x16xf32>,
        %swap3A_386 = vector.shape_cast %swap3A_385 : vector<1x16xf32> to vector<16xf32>
        %swap3A_387 = vector.shape_cast %mul3A_380 : vector<16xf32> to vector<1x16xf32>
        tpu.vector_store %arg9[%swap3A_383, %swap3A_384], %swap3A_387 {strides = array<i32>} : memref<128x128xf32, #tpu.memory_space<vmem>>, vector<1x16xf32>,
        %add3A_388 = arith.constant 1 : i32
        %add3A_389 = arith.addi %mul3A_181, %add3A_388 : i32
        %get3A_390 = arith.index_cast %add3A_389 : i32 to index
        %get3A_391 = arith.constant 80 : index
        %get3A_392 = tpu.vector_load %arg7[%get3A_390, %get3A_391] {strides = array<i32>} : memref<128x128xf32, #tpu.memory_space<vmem>>, vector<1x16xf32>,
        %get3A_393 = vector.shape_cast %get3A_392 : vector<1x16xf32> to vector<16xf32>
        %mul3A_394 = arith.constant 11.3137083 : f32
        %mul3A_395 = vector.broadcast %mul3A_394 : f32 to vector<16xf32>
        %mul3A_396 = arith.mulf %get3A_393, %mul3A_395 : vector<16xf32>
        %add3A_397 = arith.constant 1 : i32
        %add3A_398 = arith.addi %mul3A_181, %add3A_397 : i32
        %swap3A_399 = arith.index_cast %add3A_398 : i32 to index
        %swap3A_400 = arith.constant 80 : index
        %swap3A_401 = tpu.vector_load %arg9[%swap3A_399, %swap3A_400] {strides = array<i32>} : memref<128x128xf32, #tpu.memory_space<vmem>>, vector<1x16xf32>,
        %swap3A_402 = vector.shape_cast %swap3A_401 : vector<1x16xf32> to vector<16xf32>
        %swap3A_403 = vector.shape_cast %mul3A_396 : vector<16xf32> to vector<1x16xf32>
        tpu.vector_store %arg9[%swap3A_399, %swap3A_400], %swap3A_403 {strides = array<i32>} : memref<128x128xf32, #tpu.memory_space<vmem>>, vector<1x16xf32>,
        %add3A_404 = arith.constant 1 : i32
        %add3A_405 = arith.addi %mul3A_181, %add3A_404 : i32
        %get3A_406 = arith.index_cast %add3A_405 : i32 to index
        %get3A_407 = arith.constant 96 : index
        %get3A_408 = tpu.vector_load %arg7[%get3A_406, %get3A_407] {strides = array<i32>} : memref<128x128xf32, #tpu.memory_space<vmem>>, vector<1x16xf32>,
        %get3A_409 = vector.shape_cast %get3A_408 : vector<1x16xf32> to vector<16xf32>
        %mul3A_410 = arith.constant 11.3137083 : f32
        %mul3A_411 = vector.broadcast %mul3A_410 : f32 to vector<16xf32>
        %mul3A_412 = arith.mulf %get3A_409, %mul3A_411 : vector<16xf32>
        %add3A_413 = arith.constant 1 : i32
        %add3A_414 = arith.addi %mul3A_181, %add3A_413 : i32
        %swap3A_415 = arith.index_cast %add3A_414 : i32 to index
        %swap3A_416 = arith.constant 96 : index
        %swap3A_417 = tpu.vector_load %arg9[%swap3A_415, %swap3A_416] {strides = array<i32>} : memref<128x128xf32, #tpu.memory_space<vmem>>, vector<1x16xf32>,
        %swap3A_418 = vector.shape_cast %swap3A_417 : vector<1x16xf32> to vector<16xf32>
        %swap3A_419 = vector.shape_cast %mul3A_412 : vector<16xf32> to vector<1x16xf32>
        tpu.vector_store %arg9[%swap3A_415, %swap3A_416], %swap3A_419 {strides = array<i32>} : memref<128x128xf32, #tpu.memory_space<vmem>>, vector<1x16xf32>,
        %add3A_420 = arith.constant 1 : i32
        %add3A_421 = arith.addi %mul3A_181, %add3A_420 : i32
        %get3A_422 = arith.index_cast %add3A_421 : i32 to index
        %get3A_423 = arith.constant 112 : index
        %get3A_424 = tpu.vector_load %arg7[%get3A_422, %get3A_423] {strides = array<i32>} : memref<128x128xf32, #tpu.memory_space<vmem>>, vector<1x16xf32>,
        %get3A_425 = vector.shape_cast %get3A_424 : vector<1x16xf32> to vector<16xf32>
        %mul3A_426 = arith.constant 11.3137083 : f32
        %mul3A_427 = vector.broadcast %mul3A_426 : f32 to vector<16xf32>
        %mul3A_428 = arith.mulf %get3A_425, %mul3A_427 : vector<16xf32>
        %add3A_429 = arith.constant 1 : i32
        %add3A_430 = arith.addi %mul3A_181, %add3A_429 : i32
        %swap3A_431 = arith.index_cast %add3A_430 : i32 to index
        %swap3A_432 = arith.constant 112 : index
        %swap3A_433 = tpu.vector_load %arg9[%swap3A_431, %swap3A_432] {strides = array<i32>} : memref<128x128xf32, #tpu.memory_space<vmem>>, vector<1x16xf32>,
        %swap3A_434 = vector.shape_cast %swap3A_433 : vector<1x16xf32> to vector<16xf32>
        %swap3A_435 = vector.shape_cast %mul3A_428 : vector<16xf32> to vector<1x16xf32>
        tpu.vector_store %arg9[%swap3A_431, %swap3A_432], %swap3A_435 {strides = array<i32>} : memref<128x128xf32, #tpu.memory_space<vmem>>, vector<1x16xf32>,
        %add3A_436 = arith.constant 2 : i32
        %add3A_437 = arith.addi %mul3A_181, %add3A_436 : i32
        %get3A_438 = arith.index_cast %add3A_437 : i32 to index
        %get3A_439 = arith.constant 0 : index
        %get3A_440 = tpu.vector_load %arg7[%get3A_438, %get3A_439] {strides = array<i32>} : memref<128x128xf32, #tpu.memory_space<vmem>>, vector<1x16xf32>,
        %get3A_441 = vector.shape_cast %get3A_440 : vector<1x16xf32> to vector<16xf32>
        %mul3A_442 = arith.constant 11.3137083 : f32
        %mul3A_443 = vector.broadcast %mul3A_442 : f32 to vector<16xf32>
        %mul3A_444 = arith.mulf %get3A_441, %mul3A_443 : vector<16xf32>
        %add3A_445 = arith.constant 2 : i32
        %add3A_446 = arith.addi %mul3A_181, %add3A_445 : i32
        %swap3A_447 = arith.index_cast %add3A_446 : i32 to index
        %swap3A_448 = arith.constant 0 : index
        %swap3A_449 = tpu.vector_load %arg9[%swap3A_447, %swap3A_448] {strides = array<i32>} : memref<128x128xf32, #tpu.memory_space<vmem>>, vector<1x16xf32>,
        %swap3A_450 = vector.shape_cast %swap3A_449 : vector<1x16xf32> to vector<16xf32>
        %swap3A_451 = vector.shape_cast %mul3A_444 : vector<16xf32> to vector<1x16xf32>
        tpu.vector_store %arg9[%swap3A_447, %swap3A_448], %swap3A_451 {strides = array<i32>} : memref<128x128xf32, #tpu.memory_space<vmem>>, vector<1x16xf32>,
        %add3A_452 = arith.constant 2 : i32
        %add3A_453 = arith.addi %mul3A_181, %add3A_452 : i32
        %get3A_454 = arith.index_cast %add3A_453 : i32 to index
        %get3A_455 = arith.constant 16 : index
        %get3A_456 = tpu.vector_load %arg7[%get3A_454, %get3A_455] {strides = array<i32>} : memref<128x128xf32, #tpu.memory_space<vmem>>, vector<1x16xf32>,
        %get3A_457 = vector.shape_cast %get3A_456 : vector<1x16xf32> to vector<16xf32>
        %mul3A_458 = arith.constant 11.3137083 : f32
        %mul3A_459 = vector.broadcast %mul3A_458 : f32 to vector<16xf32>
        %mul3A_460 = arith.mulf %get3A_457, %mul3A_459 : vector<16xf32>
        %add3A_461 = arith.constant 2 : i32
        %add3A_462 = arith.addi %mul3A_181, %add3A_461 : i32
        %swap3A_463 = arith.index_cast %add3A_462 : i32 to index
        %swap3A_464 = arith.constant 16 : index
        %swap3A_465 = tpu.vector_load %arg9[%swap3A_463, %swap3A_464] {strides = array<i32>} : memref<128x128xf32, #tpu.memory_space<vmem>>, vector<1x16xf32>,
        %swap3A_466 = vector.shape_cast %swap3A_465 : vector<1x16xf32> to vector<16xf32>
        %swap3A_467 = vector.shape_cast %mul3A_460 : vector<16xf32> to vector<1x16xf32>
        tpu.vector_store %arg9[%swap3A_463, %swap3A_464], %swap3A_467 {strides = array<i32>} : memref<128x128xf32, #tpu.memory_space<vmem>>, vector<1x16xf32>,
        %add3A_468 = arith.constant 2 : i32
        %add3A_469 = arith.addi %mul3A_181, %add3A_468 : i32
        %get3A_470 = arith.index_cast %add3A_469 : i32 to index
        %get3A_471 = arith.constant 32 : index
        %get3A_472 = tpu.vector_load %arg7[%get3A_470, %get3A_471] {strides = array<i32>} : memref<128x128xf32, #tpu.memory_space<vmem>>, vector<1x16xf32>,
        %get3A_473 = vector.shape_cast %get3A_472 : vector<1x16xf32> to vector<16xf32>
        %mul3A_474 = arith.constant 11.3137083 : f32
        %mul3A_475 = vector.broadcast %mul3A_474 : f32 to vector<16xf32>
        %mul3A_476 = arith.mulf %get3A_473, %mul3A_475 : vector<16xf32>
        %add3A_477 = arith.constant 2 : i32
        %add3A_478 = arith.addi %mul3A_181, %add3A_477 : i32
        %swap3A_479 = arith.index_cast %add3A_478 : i32 to index
        %swap3A_480 = arith.constant 32 : index
        %swap3A_481 = tpu.vector_load %arg9[%swap3A_479, %swap3A_480] {strides = array<i32>} : memref<128x128xf32, #tpu.memory_space<vmem>>, vector<1x16xf32>,
        %swap3A_482 = vector.shape_cast %swap3A_481 : vector<1x16xf32> to vector<16xf32>
        %swap3A_483 = vector.shape_cast %mul3A_476 : vector<16xf32> to vector<1x16xf32>
        tpu.vector_store %arg9[%swap3A_479, %swap3A_480], %swap3A_483 {strides = array<i32>} : memref<128x128xf32, #tpu.memory_space<vmem>>, vector<1x16xf32>,
        %add3A_484 = arith.constant 2 : i32
        %add3A_485 = arith.addi %mul3A_181, %add3A_484 : i32
        %get3A_486 = arith.index_cast %add3A_485 : i32 to index
        %get3A_487 = arith.constant 48 : index
        %get3A_488 = tpu.vector_load %arg7[%get3A_486, %get3A_487] {strides = array<i32>} : memref<128x128xf32, #tpu.memory_space<vmem>>, vector<1x16xf32>,
        %get3A_489 = vector.shape_cast %get3A_488 : vector<1x16xf32> to vector<16xf32>
        %mul3A_490 = arith.constant 11.3137083 : f32
        %mul3A_491 = vector.broadcast %mul3A_490 : f32 to vector<16xf32>
        %mul3A_492 = arith.mulf %get3A_489, %mul3A_491 : vector<16xf32>
        %add3A_493 = arith.constant 2 : i32
        %add3A_494 = arith.addi %mul3A_181, %add3A_493 : i32
        %swap3A_495 = arith.index_cast %add3A_494 : i32 to index
        %swap3A_496 = arith.constant 48 : index
        %swap3A_497 = tpu.vector_load %arg9[%swap3A_495, %swap3A_496] {strides = array<i32>} : memref<128x128xf32, #tpu.memory_space<vmem>>, vector<1x16xf32>,
        %swap3A_498 = vector.shape_cast %swap3A_497 : vector<1x16xf32> to vector<16xf32>
        %swap3A_499 = vector.shape_cast %mul3A_492 : vector<16xf32> to vector<1x16xf32>
        tpu.vector_store %arg9[%swap3A_495, %swap3A_496], %swap3A_499 {strides = array<i32>} : memref<128x128xf32, #tpu.memory_space<vmem>>, vector<1x16xf32>,
        %add3A_500 = arith.constant 2 : i32
        %add3A_501 = arith.addi %mul3A_181, %add3A_500 : i32
        %get3A_502 = arith.index_cast %add3A_501 : i32 to index
        %get3A_503 = arith.constant 64 : index
        %get3A_504 = tpu.vector_load %arg7[%get3A_502, %get3A_503] {strides = array<i32>} : memref<128x128xf32, #tpu.memory_space<vmem>>, vector<1x16xf32>,
        %get3A_505 = vector.shape_cast %get3A_504 : vector<1x16xf32> to vector<16xf32>
        %mul3A_506 = arith.constant 11.3137083 : f32
        %mul3A_507 = vector.broadcast %mul3A_506 : f32 to vector<16xf32>
        %mul3A_508 = arith.mulf %get3A_505, %mul3A_507 : vector<16xf32>
        %add3A_509 = arith.constant 2 : i32
        %add3A_510 = arith.addi %mul3A_181, %add3A_509 : i32
        %swap3A_511 = arith.index_cast %add3A_510 : i32 to index
        %swap3A_512 = arith.constant 64 : index
        %swap3A_513 = tpu.vector_load %arg9[%swap3A_511, %swap3A_512] {strides = array<i32>} : memref<128x128xf32, #tpu.memory_space<vmem>>, vector<1x16xf32>,
        %swap3A_514 = vector.shape_cast %swap3A_513 : vector<1x16xf32> to vector<16xf32>
        %swap3A_515 = vector.shape_cast %mul3A_508 : vector<16xf32> to vector<1x16xf32>
        tpu.vector_store %arg9[%swap3A_511, %swap3A_512], %swap3A_515 {strides = array<i32>} : memref<128x128xf32, #tpu.memory_space<vmem>>, vector<1x16xf32>,
        %add3A_516 = arith.constant 2 : i32
        %add3A_517 = arith.addi %mul3A_181, %add3A_516 : i32
        %get3A_518 = arith.index_cast %add3A_517 : i32 to index
        %get3A_519 = arith.constant 80 : index
        %get3A_520 = tpu.vector_load %arg7[%get3A_518, %get3A_519] {strides = array<i32>} : memref<128x128xf32, #tpu.memory_space<vmem>>, vector<1x16xf32>,
        %get3A_521 = vector.shape_cast %get3A_520 : vector<1x16xf32> to vector<16xf32>
        %mul3A_522 = arith.constant 11.3137083 : f32
        %mul3A_523 = vector.broadcast %mul3A_522 : f32 to vector<16xf32>
        %mul3A_524 = arith.mulf %get3A_521, %mul3A_523 : vector<16xf32>
        %add3A_525 = arith.constant 2 : i32
        %add3A_526 = arith.addi %mul3A_181, %add3A_525 : i32
        %swap3A_527 = arith.index_cast %add3A_526 : i32 to index
        %swap3A_528 = arith.constant 80 : index
        %swap3A_529 = tpu.vector_load %arg9[%swap3A_527, %swap3A_528] {strides = array<i32>} : memref<128x128xf32, #tpu.memory_space<vmem>>, vector<1x16xf32>,
        %swap3A_530 = vector.shape_cast %swap3A_529 : vector<1x16xf32> to vector<16xf32>
        %swap3A_531 = vector.shape_cast %mul3A_524 : vector<16xf32> to vector<1x16xf32>
        tpu.vector_store %arg9[%swap3A_527, %swap3A_528], %swap3A_531 {strides = array<i32>} : memref<128x128xf32, #tpu.memory_space<vmem>>, vector<1x16xf32>,
        %add3A_532 = arith.constant 2 : i32
        %add3A_533 = arith.addi %mul3A_181, %add3A_532 : i32
        %get3A_534 = arith.index_cast %add3A_533 : i32 to index
        %get3A_535 = arith.constant 96 : index
        %get3A_536 = tpu.vector_load %arg7[%get3A_534, %get3A_535] {strides = array<i32>} : memref<128x128xf32, #tpu.memory_space<vmem>>, vector<1x16xf32>,
        %get3A_537 = vector.shape_cast %get3A_536 : vector<1x16xf32> to vector<16xf32>
        %mul3A_538 = arith.constant 11.3137083 : f32
        %mul3A_539 = vector.broadcast %mul3A_538 : f32 to vector<16xf32>
        %mul3A_540 = arith.mulf %get3A_537, %mul3A_539 : vector<16xf32>
        %add3A_541 = arith.constant 2 : i32
        %add3A_542 = arith.addi %mul3A_181, %add3A_541 : i32
        %swap3A_543 = arith.index_cast %add3A_542 : i32 to index
        %swap3A_544 = arith.constant 96 : index
        %swap3A_545 = tpu.vector_load %arg9[%swap3A_543, %swap3A_544] {strides = array<i32>} : memref<128x128xf32, #tpu.memory_space<vmem>>, vector<1x16xf32>,
        %swap3A_546 = vector.shape_cast %swap3A_545 : vector<1x16xf32> to vector<16xf32>
        %swap3A_547 = vector.shape_cast %mul3A_540 : vector<16xf32> to vector<1x16xf32>
        tpu.vector_store %arg9[%swap3A_543, %swap3A_544], %swap3A_547 {strides = array<i32>} : memref<128x128xf32, #tpu.memory_space<vmem>>, vector<1x16xf32>,
        %add3A_548 = arith.constant 2 : i32
        %add3A_549 = arith.addi %mul3A_181, %add3A_548 : i32
        %get3A_550 = arith.index_cast %add3A_549 : i32 to index
        %get3A_551 = arith.constant 112 : index
        %get3A_552 = tpu.vector_load %arg7[%get3A_550, %get3A_551] {strides = array<i32>} : memref<128x128xf32, #tpu.memory_space<vmem>>, vector<1x16xf32>,
        %get3A_553 = vector.shape_cast %get3A_552 : vector<1x16xf32> to vector<16xf32>
        %mul3A_554 = arith.constant 11.3137083 : f32
        %mul3A_555 = vector.broadcast %mul3A_554 : f32 to vector<16xf32>
        %mul3A_556 = arith.mulf %get3A_553, %mul3A_555 : vector<16xf32>
        %add3A_557 = arith.constant 2 : i32
        %add3A_558 = arith.addi %mul3A_181, %add3A_557 : i32
        %swap3A_559 = arith.index_cast %add3A_558 : i32 to index
        %swap3A_560 = arith.constant 112 : index
        %swap3A_561 = tpu.vector_load %arg9[%swap3A_559, %swap3A_560] {strides = array<i32>} : memref<128x128xf32, #tpu.memory_space<vmem>>, vector<1x16xf32>,
        %swap3A_562 = vector.shape_cast %swap3A_561 : vector<1x16xf32> to vector<16xf32>
        %swap3A_563 = vector.shape_cast %mul3A_556 : vector<16xf32> to vector<1x16xf32>
        tpu.vector_store %arg9[%swap3A_559, %swap3A_560], %swap3A_563 {strides = array<i32>} : memref<128x128xf32, #tpu.memory_space<vmem>>, vector<1x16xf32>,
        %add3A_564 = arith.constant 3 : i32
        %add3A_565 = arith.addi %mul3A_181, %add3A_564 : i32
        %get3A_566 = arith.index_cast %add3A_565 : i32 to index
        %get3A_567 = arith.constant 0 : index
        %get3A_568 = tpu.vector_load %arg7[%get3A_566, %get3A_567] {strides = array<i32>} : memref<128x128xf32, #tpu.memory_space<vmem>>, vector<1x16xf32>,
        %get3A_569 = vector.shape_cast %get3A_568 : vector<1x16xf32> to vector<16xf32>
        %mul3A_570 = arith.constant 11.3137083 : f32
        %mul3A_571 = vector.broadcast %mul3A_570 : f32 to vector<16xf32>
        %mul3A_572 = arith.mulf %get3A_569, %mul3A_571 : vector<16xf32>
        %add3A_573 = arith.constant 3 : i32
        %add3A_574 = arith.addi %mul3A_181, %add3A_573 : i32
        %swap3A_575 = arith.index_cast %add3A_574 : i32 to index
        %swap3A_576 = arith.constant 0 : index
        %swap3A_577 = tpu.vector_load %arg9[%swap3A_575, %swap3A_576] {strides = array<i32>} : memref<128x128xf32, #tpu.memory_space<vmem>>, vector<1x16xf32>,
        %swap3A_578 = vector.shape_cast %swap3A_577 : vector<1x16xf32> to vector<16xf32>
        %swap3A_579 = vector.shape_cast %mul3A_572 : vector<16xf32> to vector<1x16xf32>
        tpu.vector_store %arg9[%swap3A_575, %swap3A_576], %swap3A_579 {strides = array<i32>} : memref<128x128xf32, #tpu.memory_space<vmem>>, vector<1x16xf32>,
        %add3A_580 = arith.constant 3 : i32
        %add3A_581 = arith.addi %mul3A_181, %add3A_580 : i32
        %get3A_582 = arith.index_cast %add3A_581 : i32 to index
        %get3A_583 = arith.constant 16 : index
        %get3A_584 = tpu.vector_load %arg7[%get3A_582, %get3A_583] {strides = array<i32>} : memref<128x128xf32, #tpu.memory_space<vmem>>, vector<1x16xf32>,
        %get3A_585 = vector.shape_cast %get3A_584 : vector<1x16xf32> to vector<16xf32>
        %mul3A_586 = arith.constant 11.3137083 : f32
        %mul3A_587 = vector.broadcast %mul3A_586 : f32 to vector<16xf32>
        %mul3A_588 = arith.mulf %get3A_585, %mul3A_587 : vector<16xf32>
        %add3A_589 = arith.constant 3 : i32
        %add3A_590 = arith.addi %mul3A_181, %add3A_589 : i32
        %swap3A_591 = arith.index_cast %add3A_590 : i32 to index
        %swap3A_592 = arith.constant 16 : index
        %swap3A_593 = tpu.vector_load %arg9[%swap3A_591, %swap3A_592] {strides = array<i32>} : memref<128x128xf32, #tpu.memory_space<vmem>>, vector<1x16xf32>,
        %swap3A_594 = vector.shape_cast %swap3A_593 : vector<1x16xf32> to vector<16xf32>
        %swap3A_595 = vector.shape_cast %mul3A_588 : vector<16xf32> to vector<1x16xf32>
        tpu.vector_store %arg9[%swap3A_591, %swap3A_592], %swap3A_595 {strides = array<i32>} : memref<128x128xf32, #tpu.memory_space<vmem>>, vector<1x16xf32>,
        %add3A_596 = arith.constant 3 : i32
        %add3A_597 = arith.addi %mul3A_181, %add3A_596 : i32
        %get3A_598 = arith.index_cast %add3A_597 : i32 to index
        %get3A_599 = arith.constant 32 : index
        %get3A_600 = tpu.vector_load %arg7[%get3A_598, %get3A_599] {strides = array<i32>} : memref<128x128xf32, #tpu.memory_space<vmem>>, vector<1x16xf32>,
        %get3A_601 = vector.shape_cast %get3A_600 : vector<1x16xf32> to vector<16xf32>
        %mul3A_602 = arith.constant 11.3137083 : f32
        %mul3A_603 = vector.broadcast %mul3A_602 : f32 to vector<16xf32>
        %mul3A_604 = arith.mulf %get3A_601, %mul3A_603 : vector<16xf32>
        %add3A_605 = arith.constant 3 : i32
        %add3A_606 = arith.addi %mul3A_181, %add3A_605 : i32
        %swap3A_607 = arith.index_cast %add3A_606 : i32 to index
        %swap3A_608 = arith.constant 32 : index
        %swap3A_609 = tpu.vector_load %arg9[%swap3A_607, %swap3A_608] {strides = array<i32>} : memref<128x128xf32, #tpu.memory_space<vmem>>, vector<1x16xf32>,
        %swap3A_610 = vector.shape_cast %swap3A_609 : vector<1x16xf32> to vector<16xf32>
        %swap3A_611 = vector.shape_cast %mul3A_604 : vector<16xf32> to vector<1x16xf32>
        tpu.vector_store %arg9[%swap3A_607, %swap3A_608], %swap3A_611 {strides = array<i32>} : memref<128x128xf32, #tpu.memory_space<vmem>>, vector<1x16xf32>,
        %add3A_612 = arith.constant 3 : i32
        %add3A_613 = arith.addi %mul3A_181, %add3A_612 : i32
        %get3A_614 = arith.index_cast %add3A_613 : i32 to index
        %get3A_615 = arith.constant 48 : index
        %get3A_616 = tpu.vector_load %arg7[%get3A_614, %get3A_615] {strides = array<i32>} : memref<128x128xf32, #tpu.memory_space<vmem>>, vector<1x16xf32>,
        %get3A_617 = vector.shape_cast %get3A_616 : vector<1x16xf32> to vector<16xf32>
        %mul3A_618 = arith.constant 11.3137083 : f32
        %mul3A_619 = vector.broadcast %mul3A_618 : f32 to vector<16xf32>
        %mul3A_620 = arith.mulf %get3A_617, %mul3A_619 : vector<16xf32>
        %add3A_621 = arith.constant 3 : i32
        %add3A_622 = arith.addi %mul3A_181, %add3A_621 : i32
        %swap3A_623 = arith.index_cast %add3A_622 : i32 to index
        %swap3A_624 = arith.constant 48 : index
        %swap3A_625 = tpu.vector_load %arg9[%swap3A_623, %swap3A_624] {strides = array<i32>} : memref<128x128xf32, #tpu.memory_space<vmem>>, vector<1x16xf32>,
        %swap3A_626 = vector.shape_cast %swap3A_625 : vector<1x16xf32> to vector<16xf32>
        %swap3A_627 = vector.shape_cast %mul3A_620 : vector<16xf32> to vector<1x16xf32>
        tpu.vector_store %arg9[%swap3A_623, %swap3A_624], %swap3A_627 {strides = array<i32>} : memref<128x128xf32, #tpu.memory_space<vmem>>, vector<1x16xf32>,
        %add3A_628 = arith.constant 3 : i32
        %add3A_629 = arith.addi %mul3A_181, %add3A_628 : i32
        %get3A_630 = arith.index_cast %add3A_629 : i32 to index
        %get3A_631 = arith.constant 64 : index
        %get3A_632 = tpu.vector_load %arg7[%get3A_630, %get3A_631] {strides = array<i32>} : memref<128x128xf32, #tpu.memory_space<vmem>>, vector<1x16xf32>,
        %get3A_633 = vector.shape_cast %get3A_632 : vector<1x16xf32> to vector<16xf32>
        %mul3A_634 = arith.constant 11.3137083 : f32
        %mul3A_635 = vector.broadcast %mul3A_634 : f32 to vector<16xf32>
        %mul3A_636 = arith.mulf %get3A_633, %mul3A_635 : vector<16xf32>
        %add3A_637 = arith.constant 3 : i32
        %add3A_638 = arith.addi %mul3A_181, %add3A_637 : i32
        %swap3A_639 = arith.index_cast %add3A_638 : i32 to index
        %swap3A_640 = arith.constant 64 : index
        %swap3A_641 = tpu.vector_load %arg9[%swap3A_639, %swap3A_640] {strides = array<i32>} : memref<128x128xf32, #tpu.memory_space<vmem>>, vector<1x16xf32>,
        %swap3A_642 = vector.shape_cast %swap3A_641 : vector<1x16xf32> to vector<16xf32>
        %swap3A_643 = vector.shape_cast %mul3A_636 : vector<16xf32> to vector<1x16xf32>
        tpu.vector_store %arg9[%swap3A_639, %swap3A_640], %swap3A_643 {strides = array<i32>} : memref<128x128xf32, #tpu.memory_space<vmem>>, vector<1x16xf32>,
        %add3A_644 = arith.constant 3 : i32
        %add3A_645 = arith.addi %mul3A_181, %add3A_644 : i32
        %get3A_646 = arith.index_cast %add3A_645 : i32 to index
        %get3A_647 = arith.constant 80 : index
        %get3A_648 = tpu.vector_load %arg7[%get3A_646, %get3A_647] {strides = array<i32>} : memref<128x128xf32, #tpu.memory_space<vmem>>, vector<1x16xf32>,
        %get3A_649 = vector.shape_cast %get3A_648 : vector<1x16xf32> to vector<16xf32>
        %mul3A_650 = arith.constant 11.3137083 : f32
        %mul3A_651 = vector.broadcast %mul3A_650 : f32 to vector<16xf32>
        %mul3A_652 = arith.mulf %get3A_649, %mul3A_651 : vector<16xf32>
        %add3A_653 = arith.constant 3 : i32
        %add3A_654 = arith.addi %mul3A_181, %add3A_653 : i32
        %swap3A_655 = arith.index_cast %add3A_654 : i32 to index
        %swap3A_656 = arith.constant 80 : index
        %swap3A_657 = tpu.vector_load %arg9[%swap3A_655, %swap3A_656] {strides = array<i32>} : memref<128x128xf32, #tpu.memory_space<vmem>>, vector<1x16xf32>,
        %swap3A_658 = vector.shape_cast %swap3A_657 : vector<1x16xf32> to vector<16xf32>
        %swap3A_659 = vector.shape_cast %mul3A_652 : vector<16xf32> to vector<1x16xf32>
        tpu.vector_store %arg9[%swap3A_655, %swap3A_656], %swap3A_659 {strides = array<i32>} : memref<128x128xf32, #tpu.memory_space<vmem>>, vector<1x16xf32>,
        %add3A_660 = arith.constant 3 : i32
        %add3A_661 = arith.addi %mul3A_181, %add3A_660 : i32
        %get3A_662 = arith.index_cast %add3A_661 : i32 to index
        %get3A_663 = arith.constant 96 : index
        %get3A_664 = tpu.vector_load %arg7[%get3A_662, %get3A_663] {strides = array<i32>} : memref<128x128xf32, #tpu.memory_space<vmem>>, vector<1x16xf32>,
        %get3A_665 = vector.shape_cast %get3A_664 : vector<1x16xf32> to vector<16xf32>
        %mul3A_666 = arith.constant 11.3137083 : f32
        %mul3A_667 = vector.broadcast %mul3A_666 : f32 to vector<16xf32>
        %mul3A_668 = arith.mulf %get3A_665, %mul3A_667 : vector<16xf32>
        %add3A_669 = arith.constant 3 : i32
        %add3A_670 = arith.addi %mul3A_181, %add3A_669 : i32
        %swap3A_671 = arith.index_cast %add3A_670 : i32 to index
        %swap3A_672 = arith.constant 96 : index
        %swap3A_673 = tpu.vector_load %arg9[%swap3A_671, %swap3A_672] {strides = array<i32>} : memref<128x128xf32, #tpu.memory_space<vmem>>, vector<1x16xf32>,
        %swap3A_674 = vector.shape_cast %swap3A_673 : vector<1x16xf32> to vector<16xf32>
        %swap3A_675 = vector.shape_cast %mul3A_668 : vector<16xf32> to vector<1x16xf32>
        tpu.vector_store %arg9[%swap3A_671, %swap3A_672], %swap3A_675 {strides = array<i32>} : memref<128x128xf32, #tpu.memory_space<vmem>>, vector<1x16xf32>,
        %add3A_676 = arith.constant 3 : i32
        %add3A_677 = arith.addi %mul3A_181, %add3A_676 : i32
        %get3A_678 = arith.index_cast %add3A_677 : i32 to index
        %get3A_679 = arith.constant 112 : index
        %get3A_680 = tpu.vector_load %arg7[%get3A_678, %get3A_679] {strides = array<i32>} : memref<128x128xf32, #tpu.memory_space<vmem>>, vector<1x16xf32>,
        %get3A_681 = vector.shape_cast %get3A_680 : vector<1x16xf32> to vector<16xf32>
        %mul3A_682 = arith.constant 11.3137083 : f32
        %mul3A_683 = vector.broadcast %mul3A_682 : f32 to vector<16xf32>
        %mul3A_684 = arith.mulf %get3A_681, %mul3A_683 : vector<16xf32>
        %add3A_685 = arith.constant 3 : i32
        %add3A_686 = arith.addi %mul3A_181, %add3A_685 : i32
        %swap3A_687 = arith.index_cast %add3A_686 : i32 to index
        %swap3A_688 = arith.constant 112 : index
        %swap3A_689 = tpu.vector_load %arg9[%swap3A_687, %swap3A_688] {strides = array<i32>} : memref<128x128xf32, #tpu.memory_space<vmem>>, vector<1x16xf32>,
        %swap3A_690 = vector.shape_cast %swap3A_689 : vector<1x16xf32> to vector<16xf32>
        %swap3A_691 = vector.shape_cast %mul3A_684 : vector<16xf32> to vector<1x16xf32>
        tpu.vector_store %arg9[%swap3A_687, %swap3A_688], %swap3A_691 {strides = array<i32>} : memref<128x128xf32, #tpu.memory_space<vmem>>, vector<1x16xf32>,
      }
      %scan3A_163 = arith.constant 32 : i32
      %mul3A_164 = arith.constant 128 : i32
      %mul3A_165 = arith.muli %add3A_148, %mul3A_164 : i32
      %add3A_166 = arith.addi %mul3A_2, %mul3A_165 : i32
      %dma_start3A_167 = arith.constant 0 : i32
      %dma_start3A_168 = tpu.memref_slice %arg4[%add3A_166, %dma_start3A_167] : memref<204800x128xf32, #tpu.memory_space<hbm>> -> memref<128x128xf32, #tpu.memory_space<hbm>>
      %dma_start3A_169 = arith.constant 0 : i32
      %dma_start3A_170 = tpu.memref_slice %arg4[%add3A_166, %dma_start3A_169] : memref<204800x128xf32, #tpu.memory_space<hbm>> -> memref<128x128xf32, #tpu.memory_space<hbm>>
      tpu.enqueue_dma source(%arg9 : memref<128x128xf32, #tpu.memory_space<vmem>>) target(%dma_start3A_170 : memref<128x128xf32, #tpu.memory_space<hbm>>) target_semaphore(%arg13 : memref<!tpu.dma_semaphore, #tpu.memory_space<semaphore_mem>>)
      %add3A_171 = arith.constant 2 : i32
      %add3A_172 = arith.addi %add3A_148, %add3A_171 : i32
      %mul3A_173 = arith.constant 128 : i32
      %mul3A_174 = arith.muli %add3A_172, %mul3A_173 : i32
      %dma_start3A_175 = tpu.memref_slice %arg5[%mul3A_174] : memref<6400xi32, #tpu.memory_space<vmem>> -> memref<128xi32, #tpu.memory_space<vmem>>
      %dma_start3A_176 = arith.constant 0 : i32
      %dma_start3A_177 = arith.constant 0 : i32
      %dma_start3A_178 = tpu.memref_slice %arg3[%dma_start3A_176, %dma_start3A_177] : memref<100000x128xf32, #tpu.memory_space<hbm>> -> memref<100000x128xf32, #tpu.memory_space<hbm>>
      tpu.enqueue_indirect_dma source(%dma_start3A_178 : memref<100000x128xf32, #tpu.memory_space<hbm>>) target(%arg7 : memref<128x128xf32, #tpu.memory_space<vmem>>) offsets(%dma_start3A_175 : memref<128xi32, #tpu.memory_space<vmem>>) semaphore(%arg11 : memref<!tpu.dma_semaphore, #tpu.memory_space<semaphore_mem>>)
    }
    %scan3A_59 = arith.constant 23 : i32
    %dma_wait3A_60 = arith.constant 0 : i32
    %dma_wait3A_61 = tpu.memref_slice %arg5[%dma_wait3A_60] : memref<6400xi32, #tpu.memory_space<vmem>> -> memref<128xi32, #tpu.memory_space<vmem>>
    %dma_wait3A_62 = arith.constant 0 : i32
    %dma_wait3A_63 = arith.constant 0 : i32
    %dma_wait3A_64 = tpu.memref_slice %arg3[%dma_wait3A_62, %dma_wait3A_63] : memref<100000x128xf32, #tpu.memory_space<hbm>> -> memref<100000x128xf32, #tpu.memory_space<hbm>>
    tpu.wait_indirect_dma semaphore(%arg10 : memref<!tpu.dma_semaphore, #tpu.memory_space<semaphore_mem>>) src(%dma_wait3A_64 : memref<100000x128xf32, #tpu.memory_space<hbm>>) dst(%arg6 : memref<128x128xf32, #tpu.memory_space<vmem>>)
    %dma_wait3A_65 = arith.constant 0 : i32
    %dma_wait3A_66 = tpu.memref_slice %arg4[%mul3A_2, %dma_wait3A_65] : memref<204800x128xf32, #tpu.memory_space<hbm>> -> memref<128x128xf32, #tpu.memory_space<hbm>>
    %dma_wait3A_67 = arith.constant 0 : i32
    %dma_wait3A_68 = tpu.memref_slice %arg4[%mul3A_2, %dma_wait3A_67] : memref<204800x128xf32, #tpu.memory_space<hbm>> -> memref<128x128xf32, #tpu.memory_space<hbm>>
    tpu.wait_dma2 semaphore(%arg12 : memref<!tpu.dma_semaphore, #tpu.memory_space<semaphore_mem>>) src(%arg8 : memref<128x128xf32, #tpu.memory_space<vmem>>) dst(%dma_wait3A_68 : memref<128x128xf32, #tpu.memory_space<hbm>>)
    %scan3A_69 = arith.constant 0 : i32
    %scan3A_70 = arith.constant 0 : i32
    %scan3A_71 = arith.constant 32 : i32
    %scan3A_72 = arith.addi %scan3A_70, %scan3A_71 : i32
    %scan3A_73 = arith.constant 1 : i32
    scf.for %scan3A_110 = %scan3A_70 to %scan3A_72 step %scan3A_73  : i32 {
      %mul3A_111 = arith.constant 4 : i32
      %mul3A_112 = arith.muli %scan3A_110, %mul3A_111 : i32
      %add3A_113 = arith.constant 0 : i32
      %add3A_114 = arith.addi %mul3A_112, %add3A_113 : i32
      %get3A = arith.index_cast %add3A_114 : i32 to index
      %get3A_115 = arith.constant 0 : index
      %get3A_116 = tpu.vector_load %arg6[%get3A, %get3A_115] {strides = array<i32>} : memref<128x128xf32, #tpu.memory_space<vmem>>, vector<1x16xf32>,
      %get3A_117 = vector.shape_cast %get3A_116 : vector<1x16xf32> to vector<16xf32>
      %mul3A_118 = arith.constant 11.3137083 : f32
      %mul3A_119 = vector.broadcast %mul3A_118 : f32 to vector<16xf32>
      %mul3A_120 = arith.mulf %get3A_117, %mul3A_119 : vector<16xf32>
      %add3A_121 = arith.constant 0 : i32
      %add3A_122 = arith.addi %mul3A_112, %add3A_121 : i32
      %swap3A = arith.index_cast %add3A_122 : i32 to index
      %swap3A_123 = arith.constant 0 : index
      %swap3A_124 = tpu.vector_load %arg8[%swap3A, %swap3A_123] {strides = array<i32>} : memref<128x128xf32, #tpu.memory_space<vmem>>, vector<1x16xf32>,
      %swap3A_125 = vector.shape_cast %swap3A_124 : vector<1x16xf32> to vector<16xf32>
      %swap3A_126 = vector.shape_cast %mul3A_120 : vector<16xf32> to vector<1x16xf32>
      tpu.vector_store %arg8[%swap3A, %swap3A_123], %swap3A_126 {strides = array<i32>} : memref<128x128xf32, #tpu.memory_space<vmem>>, vector<1x16xf32>,
      %add3A_127 = arith.constant 0 : i32
      %add3A_128 = arith.addi %mul3A_112, %add3A_127 : i32
      %get3A_129 = arith.index_cast %add3A_128 : i32 to index
      %get3A_130 = arith.constant 16 : index
      %get3A_131 = tpu.vector_load %arg6[%get3A_129, %get3A_130] {strides = array<i32>} : memref<128x128xf32, #tpu.memory_space<vmem>>, vector<1x16xf32>,
      %get3A_132 = vector.shape_cast %get3A_131 : vector<1x16xf32> to vector<16xf32>
      %mul3A_133 = arith.constant 11.3137083 : f32
      %mul3A_134 = vector.broadcast %mul3A_133 : f32 to vector<16xf32>
      %mul3A_135 = arith.mulf %get3A_132, %mul3A_134 : vector<16xf32>
      %add3A_136 = arith.constant 0 : i32
      %add3A_137 = arith.addi %mul3A_112, %add3A_136 : i32
      %swap3A_138 = arith.index_cast %add3A_137 : i32 to index
      %swap3A_139 = arith.constant 16 : index
      %swap3A_140 = tpu.vector_load %arg8[%swap3A_138, %swap3A_139] {strides = array<i32>} : memref<128x128xf32, #tpu.memory_space<vmem>>, vector<1x16xf32>,
      %swap3A_141 = vector.shape_cast %swap3A_140 : vector<1x16xf32> to vector<16xf32>
      %swap3A_142 = vector.shape_cast %mul3A_135 : vector<16xf32> to vector<1x16xf32>
      tpu.vector_store %arg8[%swap3A_138, %swap3A_139], %swap3A_142 {strides = array<i32>} : memref<128x128xf32, #tpu.memory_space<vmem>>, vector<1x16xf32>,
      %add3A_143 = arith.constant 0 : i32
      %add3A_144 = arith.addi %mul3A_112, %add3A_143 : i32
      %get3A_145 = arith.index_cast %add3A_144 : i32 to index
      %get3A_146 = arith.constant 32 : index
      %get3A_147 = tpu.vector_load %arg6[%get3A_145, %get3A_146] {strides = array<i32>} : memref<128x128xf32, #tpu.memory_space<vmem>>, vector<1x16xf32>,
      %get3A_148 = vector.shape_cast %get3A_147 : vector<1x16xf32> to vector<16xf32>
      %mul3A_149 = arith.constant 11.3137083 : f32
      %mul3A_150 = vector.broadcast %mul3A_149 : f32 to vector<16xf32>
      %mul3A_151 = arith.mulf %get3A_148, %mul3A_150 : vector<16xf32>
      %add3A_152 = arith.constant 0 : i32
      %add3A_153 = arith.addi %mul3A_112, %add3A_152 : i32
      %swap3A_154 = arith.index_cast %add3A_153 : i32 to index
      %swap3A_155 = arith.constant 32 : index
      %swap3A_156 = tpu.vector_load %arg8[%swap3A_154, %swap3A_155] {strides = array<i32>} : memref<128x128xf32, #tpu.memory_space<vmem>>, vector<1x16xf32>,
      %swap3A_157 = vector.shape_cast %swap3A_156 : vector<1x16xf32> to vector<16xf32>
      %swap3A_158 = vector.shape_cast %mul3A_151 : vector<16xf32> to vector<1x16xf32>
      tpu.vector_store %arg8[%swap3A_154, %swap3A_155], %swap3A_158 {strides = array<i32>} : memref<128x128xf32, #tpu.memory_space<vmem>>, vector<1x16xf32>,
      %add3A_159 = arith.constant 0 : i32
      %add3A_160 = arith.addi %mul3A_112, %add3A_159 : i32
      %get3A_161 = arith.index_cast %add3A_160 : i32 to index
      %get3A_162 = arith.constant 48 : index
      %get3A_163 = tpu.vector_load %arg6[%get3A_161, %get3A_162] {strides = array<i32>} : memref<128x128xf32, #tpu.memory_space<vmem>>, vector<1x16xf32>,
      %get3A_164 = vector.shape_cast %get3A_163 : vector<1x16xf32> to vector<16xf32>
      %mul3A_165 = arith.constant 11.3137083 : f32
      %mul3A_166 = vector.broadcast %mul3A_165 : f32 to vector<16xf32>
      %mul3A_167 = arith.mulf %get3A_164, %mul3A_166 : vector<16xf32>
      %add3A_168 = arith.constant 0 : i32
      %add3A_169 = arith.addi %mul3A_112, %add3A_168 : i32
      %swap3A_170 = arith.index_cast %add3A_169 : i32 to index
      %swap3A_171 = arith.constant 48 : index
      %swap3A_172 = tpu.vector_load %arg8[%swap3A_170, %swap3A_171] {strides = array<i32>} : memref<128x128xf32, #tpu.memory_space<vmem>>, vector<1x16xf32>,
      %swap3A_173 = vector.shape_cast %swap3A_172 : vector<1x16xf32> to vector<16xf32>
      %swap3A_174 = vector.shape_cast %mul3A_167 : vector<16xf32> to vector<1x16xf32>
      tpu.vector_store %arg8[%swap3A_170, %swap3A_171], %swap3A_174 {strides = array<i32>} : memref<128x128xf32, #tpu.memory_space<vmem>>, vector<1x16xf32>,
      %add3A_175 = arith.constant 0 : i32
      %add3A_176 = arith.addi %mul3A_112, %add3A_175 : i32
      %get3A_177 = arith.index_cast %add3A_176 : i32 to index
      %get3A_178 = arith.constant 64 : index
      %get3A_179 = tpu.vector_load %arg6[%get3A_177, %get3A_178] {strides = array<i32>} : memref<128x128xf32, #tpu.memory_space<vmem>>, vector<1x16xf32>,
      %get3A_180 = vector.shape_cast %get3A_179 : vector<1x16xf32> to vector<16xf32>
      %mul3A_181 = arith.constant 11.3137083 : f32
      %mul3A_182 = vector.broadcast %mul3A_181 : f32 to vector<16xf32>
      %mul3A_183 = arith.mulf %get3A_180, %mul3A_182 : vector<16xf32>
      %add3A_184 = arith.constant 0 : i32
      %add3A_185 = arith.addi %mul3A_112, %add3A_184 : i32
      %swap3A_186 = arith.index_cast %add3A_185 : i32 to index
      %swap3A_187 = arith.constant 64 : index
      %swap3A_188 = tpu.vector_load %arg8[%swap3A_186, %swap3A_187] {strides = array<i32>} : memref<128x128xf32, #tpu.memory_space<vmem>>, vector<1x16xf32>,
      %swap3A_189 = vector.shape_cast %swap3A_188 : vector<1x16xf32> to vector<16xf32>
      %swap3A_190 = vector.shape_cast %mul3A_183 : vector<16xf32> to vector<1x16xf32>
      tpu.vector_store %arg8[%swap3A_186, %swap3A_187], %swap3A_190 {strides = array<i32>} : memref<128x128xf32, #tpu.memory_space<vmem>>, vector<1x16xf32>,
      %add3A_191 = arith.constant 0 : i32
      %add3A_192 = arith.addi %mul3A_112, %add3A_191 : i32
      %get3A_193 = arith.index_cast %add3A_192 : i32 to index
      %get3A_194 = arith.constant 80 : index
      %get3A_195 = tpu.vector_load %arg6[%get3A_193, %get3A_194] {strides = array<i32>} : memref<128x128xf32, #tpu.memory_space<vmem>>, vector<1x16xf32>,
      %get3A_196 = vector.shape_cast %get3A_195 : vector<1x16xf32> to vector<16xf32>
      %mul3A_197 = arith.constant 11.3137083 : f32
      %mul3A_198 = vector.broadcast %mul3A_197 : f32 to vector<16xf32>
      %mul3A_199 = arith.mulf %get3A_196, %mul3A_198 : vector<16xf32>
      %add3A_200 = arith.constant 0 : i32
      %add3A_201 = arith.addi %mul3A_112, %add3A_200 : i32
      %swap3A_202 = arith.index_cast %add3A_201 : i32 to index
      %swap3A_203 = arith.constant 80 : index
      %swap3A_204 = tpu.vector_load %arg8[%swap3A_202, %swap3A_203] {strides = array<i32>} : memref<128x128xf32, #tpu.memory_space<vmem>>, vector<1x16xf32>,
      %swap3A_205 = vector.shape_cast %swap3A_204 : vector<1x16xf32> to vector<16xf32>
      %swap3A_206 = vector.shape_cast %mul3A_199 : vector<16xf32> to vector<1x16xf32>
      tpu.vector_store %arg8[%swap3A_202, %swap3A_203], %swap3A_206 {strides = array<i32>} : memref<128x128xf32, #tpu.memory_space<vmem>>, vector<1x16xf32>,
      %add3A_207 = arith.constant 0 : i32
      %add3A_208 = arith.addi %mul3A_112, %add3A_207 : i32
      %get3A_209 = arith.index_cast %add3A_208 : i32 to index
      %get3A_210 = arith.constant 96 : index
      %get3A_211 = tpu.vector_load %arg6[%get3A_209, %get3A_210] {strides = array<i32>} : memref<128x128xf32, #tpu.memory_space<vmem>>, vector<1x16xf32>,
      %get3A_212 = vector.shape_cast %get3A_211 : vector<1x16xf32> to vector<16xf32>
      %mul3A_213 = arith.constant 11.3137083 : f32
      %mul3A_214 = vector.broadcast %mul3A_213 : f32 to vector<16xf32>
      %mul3A_215 = arith.mulf %get3A_212, %mul3A_214 : vector<16xf32>
      %add3A_216 = arith.constant 0 : i32
      %add3A_217 = arith.addi %mul3A_112, %add3A_216 : i32
      %swap3A_218 = arith.index_cast %add3A_217 : i32 to index
      %swap3A_219 = arith.constant 96 : index
      %swap3A_220 = tpu.vector_load %arg8[%swap3A_218, %swap3A_219] {strides = array<i32>} : memref<128x128xf32, #tpu.memory_space<vmem>>, vector<1x16xf32>,
      %swap3A_221 = vector.shape_cast %swap3A_220 : vector<1x16xf32> to vector<16xf32>
      %swap3A_222 = vector.shape_cast %mul3A_215 : vector<16xf32> to vector<1x16xf32>
      tpu.vector_store %arg8[%swap3A_218, %swap3A_219], %swap3A_222 {strides = array<i32>} : memref<128x128xf32, #tpu.memory_space<vmem>>, vector<1x16xf32>,
      %add3A_223 = arith.constant 0 : i32
      %add3A_224 = arith.addi %mul3A_112, %add3A_223 : i32
      %get3A_225 = arith.index_cast %add3A_224 : i32 to index
      %get3A_226 = arith.constant 112 : index
      %get3A_227 = tpu.vector_load %arg6[%get3A_225, %get3A_226] {strides = array<i32>} : memref<128x128xf32, #tpu.memory_space<vmem>>, vector<1x16xf32>,
      %get3A_228 = vector.shape_cast %get3A_227 : vector<1x16xf32> to vector<16xf32>
      %mul3A_229 = arith.constant 11.3137083 : f32
      %mul3A_230 = vector.broadcast %mul3A_229 : f32 to vector<16xf32>
      %mul3A_231 = arith.mulf %get3A_228, %mul3A_230 : vector<16xf32>
      %add3A_232 = arith.constant 0 : i32
      %add3A_233 = arith.addi %mul3A_112, %add3A_232 : i32
      %swap3A_234 = arith.index_cast %add3A_233 : i32 to index
      %swap3A_235 = arith.constant 112 : index
      %swap3A_236 = tpu.vector_load %arg8[%swap3A_234, %swap3A_235] {strides = array<i32>} : memref<128x128xf32, #tpu.memory_space<vmem>>, vector<1x16xf32>,
      %swap3A_237 = vector.shape_cast %swap3A_236 : vector<1x16xf32> to vector<16xf32>
      %swap3A_238 = vector.shape_cast %mul3A_231 : vector<16xf32> to vector<1x16xf32>
      tpu.vector_store %arg8[%swap3A_234, %swap3A_235], %swap3A_238 {strides = array<i32>} : memref<128x128xf32, #tpu.memory_space<vmem>>, vector<1x16xf32>,
      %add3A_239 = arith.constant 1 : i32
      %add3A_240 = arith.addi %mul3A_112, %add3A_239 : i32
      %get3A_241 = arith.index_cast %add3A_240 : i32 to index
      %get3A_242 = arith.constant 0 : index
      %get3A_243 = tpu.vector_load %arg6[%get3A_241, %get3A_242] {strides = array<i32>} : memref<128x128xf32, #tpu.memory_space<vmem>>, vector<1x16xf32>,
      %get3A_244 = vector.shape_cast %get3A_243 : vector<1x16xf32> to vector<16xf32>
      %mul3A_245 = arith.constant 11.3137083 : f32
      %mul3A_246 = vector.broadcast %mul3A_245 : f32 to vector<16xf32>
      %mul3A_247 = arith.mulf %get3A_244, %mul3A_246 : vector<16xf32>
      %add3A_248 = arith.constant 1 : i32
      %add3A_249 = arith.addi %mul3A_112, %add3A_248 : i32
      %swap3A_250 = arith.index_cast %add3A_249 : i32 to index
      %swap3A_251 = arith.constant 0 : index
      %swap3A_252 = tpu.vector_load %arg8[%swap3A_250, %swap3A_251] {strides = array<i32>} : memref<128x128xf32, #tpu.memory_space<vmem>>, vector<1x16xf32>,
      %swap3A_253 = vector.shape_cast %swap3A_252 : vector<1x16xf32> to vector<16xf32>
      %swap3A_254 = vector.shape_cast %mul3A_247 : vector<16xf32> to vector<1x16xf32>
      tpu.vector_store %arg8[%swap3A_250, %swap3A_251], %swap3A_254 {strides = array<i32>} : memref<128x128xf32, #tpu.memory_space<vmem>>, vector<1x16xf32>,
      %add3A_255 = arith.constant 1 : i32
      %add3A_256 = arith.addi %mul3A_112, %add3A_255 : i32
      %get3A_257 = arith.index_cast %add3A_256 : i32 to index
      %get3A_258 = arith.constant 16 : index
      %get3A_259 = tpu.vector_load %arg6[%get3A_257, %get3A_258] {strides = array<i32>} : memref<128x128xf32, #tpu.memory_space<vmem>>, vector<1x16xf32>,
      %get3A_260 = vector.shape_cast %get3A_259 : vector<1x16xf32> to vector<16xf32>
      %mul3A_261 = arith.constant 11.3137083 : f32
      %mul3A_262 = vector.broadcast %mul3A_261 : f32 to vector<16xf32>
      %mul3A_263 = arith.mulf %get3A_260, %mul3A_262 : vector<16xf32>
      %add3A_264 = arith.constant 1 : i32
      %add3A_265 = arith.addi %mul3A_112, %add3A_264 : i32
      %swap3A_266 = arith.index_cast %add3A_265 : i32 to index
      %swap3A_267 = arith.constant 16 : index
      %swap3A_268 = tpu.vector_load %arg8[%swap3A_266, %swap3A_267] {strides = array<i32>} : memref<128x128xf32, #tpu.memory_space<vmem>>, vector<1x16xf32>,
      %swap3A_269 = vector.shape_cast %swap3A_268 : vector<1x16xf32> to vector<16xf32>
      %swap3A_270 = vector.shape_cast %mul3A_263 : vector<16xf32> to vector<1x16xf32>
      tpu.vector_store %arg8[%swap3A_266, %swap3A_267], %swap3A_270 {strides = array<i32>} : memref<128x128xf32, #tpu.memory_space<vmem>>, vector<1x16xf32>,
      %add3A_271 = arith.constant 1 : i32
      %add3A_272 = arith.addi %mul3A_112, %add3A_271 : i32
      %get3A_273 = arith.index_cast %add3A_272 : i32 to index
      %get3A_274 = arith.constant 32 : index
      %get3A_275 = tpu.vector_load %arg6[%get3A_273, %get3A_274] {strides = array<i32>} : memref<128x128xf32, #tpu.memory_space<vmem>>, vector<1x16xf32>,
      %get3A_276 = vector.shape_cast %get3A_275 : vector<1x16xf32> to vector<16xf32>
      %mul3A_277 = arith.constant 11.3137083 : f32
      %mul3A_278 = vector.broadcast %mul3A_277 : f32 to vector<16xf32>
      %mul3A_279 = arith.mulf %get3A_276, %mul3A_278 : vector<16xf32>
      %add3A_280 = arith.constant 1 : i32
      %add3A_281 = arith.addi %mul3A_112, %add3A_280 : i32
      %swap3A_282 = arith.index_cast %add3A_281 : i32 to index
      %swap3A_283 = arith.constant 32 : index
      %swap3A_284 = tpu.vector_load %arg8[%swap3A_282, %swap3A_283] {strides = array<i32>} : memref<128x128xf32, #tpu.memory_space<vmem>>, vector<1x16xf32>,
      %swap3A_285 = vector.shape_cast %swap3A_284 : vector<1x16xf32> to vector<16xf32>
      %swap3A_286 = vector.shape_cast %mul3A_279 : vector<16xf32> to vector<1x16xf32>
      tpu.vector_store %arg8[%swap3A_282, %swap3A_283], %swap3A_286 {strides = array<i32>} : memref<128x128xf32, #tpu.memory_space<vmem>>, vector<1x16xf32>,
      %add3A_287 = arith.constant 1 : i32
      %add3A_288 = arith.addi %mul3A_112, %add3A_287 : i32
      %get3A_289 = arith.index_cast %add3A_288 : i32 to index
      %get3A_290 = arith.constant 48 : index
      %get3A_291 = tpu.vector_load %arg6[%get3A_289, %get3A_290] {strides = array<i32>} : memref<128x128xf32, #tpu.memory_space<vmem>>, vector<1x16xf32>,
      %get3A_292 = vector.shape_cast %get3A_291 : vector<1x16xf32> to vector<16xf32>
      %mul3A_293 = arith.constant 11.3137083 : f32
      %mul3A_294 = vector.broadcast %mul3A_293 : f32 to vector<16xf32>
      %mul3A_295 = arith.mulf %get3A_292, %mul3A_294 : vector<16xf32>
      %add3A_296 = arith.constant 1 : i32
      %add3A_297 = arith.addi %mul3A_112, %add3A_296 : i32
      %swap3A_298 = arith.index_cast %add3A_297 : i32 to index
      %swap3A_299 = arith.constant 48 : index
      %swap3A_300 = tpu.vector_load %arg8[%swap3A_298, %swap3A_299] {strides = array<i32>} : memref<128x128xf32, #tpu.memory_space<vmem>>, vector<1x16xf32>,
      %swap3A_301 = vector.shape_cast %swap3A_300 : vector<1x16xf32> to vector<16xf32>
      %swap3A_302 = vector.shape_cast %mul3A_295 : vector<16xf32> to vector<1x16xf32>
      tpu.vector_store %arg8[%swap3A_298, %swap3A_299], %swap3A_302 {strides = array<i32>} : memref<128x128xf32, #tpu.memory_space<vmem>>, vector<1x16xf32>,
      %add3A_303 = arith.constant 1 : i32
      %add3A_304 = arith.addi %mul3A_112, %add3A_303 : i32
      %get3A_305 = arith.index_cast %add3A_304 : i32 to index
      %get3A_306 = arith.constant 64 : index
      %get3A_307 = tpu.vector_load %arg6[%get3A_305, %get3A_306] {strides = array<i32>} : memref<128x128xf32, #tpu.memory_space<vmem>>, vector<1x16xf32>,
      %get3A_308 = vector.shape_cast %get3A_307 : vector<1x16xf32> to vector<16xf32>
      %mul3A_309 = arith.constant 11.3137083 : f32
      %mul3A_310 = vector.broadcast %mul3A_309 : f32 to vector<16xf32>
      %mul3A_311 = arith.mulf %get3A_308, %mul3A_310 : vector<16xf32>
      %add3A_312 = arith.constant 1 : i32
      %add3A_313 = arith.addi %mul3A_112, %add3A_312 : i32
      %swap3A_314 = arith.index_cast %add3A_313 : i32 to index
      %swap3A_315 = arith.constant 64 : index
      %swap3A_316 = tpu.vector_load %arg8[%swap3A_314, %swap3A_315] {strides = array<i32>} : memref<128x128xf32, #tpu.memory_space<vmem>>, vector<1x16xf32>,
      %swap3A_317 = vector.shape_cast %swap3A_316 : vector<1x16xf32> to vector<16xf32>
      %swap3A_318 = vector.shape_cast %mul3A_311 : vector<16xf32> to vector<1x16xf32>
      tpu.vector_store %arg8[%swap3A_314, %swap3A_315], %swap3A_318 {strides = array<i32>} : memref<128x128xf32, #tpu.memory_space<vmem>>, vector<1x16xf32>,
      %add3A_319 = arith.constant 1 : i32
      %add3A_320 = arith.addi %mul3A_112, %add3A_319 : i32
      %get3A_321 = arith.index_cast %add3A_320 : i32 to index
      %get3A_322 = arith.constant 80 : index
      %get3A_323 = tpu.vector_load %arg6[%get3A_321, %get3A_322] {strides = array<i32>} : memref<128x128xf32, #tpu.memory_space<vmem>>, vector<1x16xf32>,
      %get3A_324 = vector.shape_cast %get3A_323 : vector<1x16xf32> to vector<16xf32>
      %mul3A_325 = arith.constant 11.3137083 : f32
      %mul3A_326 = vector.broadcast %mul3A_325 : f32 to vector<16xf32>
      %mul3A_327 = arith.mulf %get3A_324, %mul3A_326 : vector<16xf32>
      %add3A_328 = arith.constant 1 : i32
      %add3A_329 = arith.addi %mul3A_112, %add3A_328 : i32
      %swap3A_330 = arith.index_cast %add3A_329 : i32 to index
      %swap3A_331 = arith.constant 80 : index
      %swap3A_332 = tpu.vector_load %arg8[%swap3A_330, %swap3A_331] {strides = array<i32>} : memref<128x128xf32, #tpu.memory_space<vmem>>, vector<1x16xf32>,
      %swap3A_333 = vector.shape_cast %swap3A_332 : vector<1x16xf32> to vector<16xf32>
      %swap3A_334 = vector.shape_cast %mul3A_327 : vector<16xf32> to vector<1x16xf32>
      tpu.vector_store %arg8[%swap3A_330, %swap3A_331], %swap3A_334 {strides = array<i32>} : memref<128x128xf32, #tpu.memory_space<vmem>>, vector<1x16xf32>,
      %add3A_335 = arith.constant 1 : i32
      %add3A_336 = arith.addi %mul3A_112, %add3A_335 : i32
      %get3A_337 = arith.index_cast %add3A_336 : i32 to index
      %get3A_338 = arith.constant 96 : index
      %get3A_339 = tpu.vector_load %arg6[%get3A_337, %get3A_338] {strides = array<i32>} : memref<128x128xf32, #tpu.memory_space<vmem>>, vector<1x16xf32>,
      %get3A_340 = vector.shape_cast %get3A_339 : vector<1x16xf32> to vector<16xf32>
      %mul3A_341 = arith.constant 11.3137083 : f32
      %mul3A_342 = vector.broadcast %mul3A_341 : f32 to vector<16xf32>
      %mul3A_343 = arith.mulf %get3A_340, %mul3A_342 : vector<16xf32>
      %add3A_344 = arith.constant 1 : i32
      %add3A_345 = arith.addi %mul3A_112, %add3A_344 : i32
      %swap3A_346 = arith.index_cast %add3A_345 : i32 to index
      %swap3A_347 = arith.constant 96 : index
      %swap3A_348 = tpu.vector_load %arg8[%swap3A_346, %swap3A_347] {strides = array<i32>} : memref<128x128xf32, #tpu.memory_space<vmem>>, vector<1x16xf32>,
      %swap3A_349 = vector.shape_cast %swap3A_348 : vector<1x16xf32> to vector<16xf32>
      %swap3A_350 = vector.shape_cast %mul3A_343 : vector<16xf32> to vector<1x16xf32>
      tpu.vector_store %arg8[%swap3A_346, %swap3A_347], %swap3A_350 {strides = array<i32>} : memref<128x128xf32, #tpu.memory_space<vmem>>, vector<1x16xf32>,
      %add3A_351 = arith.constant 1 : i32
      %add3A_352 = arith.addi %mul3A_112, %add3A_351 : i32
      %get3A_353 = arith.index_cast %add3A_352 : i32 to index
      %get3A_354 = arith.constant 112 : index
      %get3A_355 = tpu.vector_load %arg6[%get3A_353, %get3A_354] {strides = array<i32>} : memref<128x128xf32, #tpu.memory_space<vmem>>, vector<1x16xf32>,
      %get3A_356 = vector.shape_cast %get3A_355 : vector<1x16xf32> to vector<16xf32>
      %mul3A_357 = arith.constant 11.3137083 : f32
      %mul3A_358 = vector.broadcast %mul3A_357 : f32 to vector<16xf32>
      %mul3A_359 = arith.mulf %get3A_356, %mul3A_358 : vector<16xf32>
      %add3A_360 = arith.constant 1 : i32
      %add3A_361 = arith.addi %mul3A_112, %add3A_360 : i32
      %swap3A_362 = arith.index_cast %add3A_361 : i32 to index
      %swap3A_363 = arith.constant 112 : index
      %swap3A_364 = tpu.vector_load %arg8[%swap3A_362, %swap3A_363] {strides = array<i32>} : memref<128x128xf32, #tpu.memory_space<vmem>>, vector<1x16xf32>,
      %swap3A_365 = vector.shape_cast %swap3A_364 : vector<1x16xf32> to vector<16xf32>
      %swap3A_366 = vector.shape_cast %mul3A_359 : vector<16xf32> to vector<1x16xf32>
      tpu.vector_store %arg8[%swap3A_362, %swap3A_363], %swap3A_366 {strides = array<i32>} : memref<128x128xf32, #tpu.memory_space<vmem>>, vector<1x16xf32>,
      %add3A_367 = arith.constant 2 : i32
      %add3A_368 = arith.addi %mul3A_112, %add3A_367 : i32
      %get3A_369 = arith.index_cast %add3A_368 : i32 to index
      %get3A_370 = arith.constant 0 : index
      %get3A_371 = tpu.vector_load %arg6[%get3A_369, %get3A_370] {strides = array<i32>} : memref<128x128xf32, #tpu.memory_space<vmem>>, vector<1x16xf32>,
      %get3A_372 = vector.shape_cast %get3A_371 : vector<1x16xf32> to vector<16xf32>
      %mul3A_373 = arith.constant 11.3137083 : f32
      %mul3A_374 = vector.broadcast %mul3A_373 : f32 to vector<16xf32>
      %mul3A_375 = arith.mulf %get3A_372, %mul3A_374 : vector<16xf32>
      %add3A_376 = arith.constant 2 : i32
      %add3A_377 = arith.addi %mul3A_112, %add3A_376 : i32
      %swap3A_378 = arith.index_cast %add3A_377 : i32 to index
      %swap3A_379 = arith.constant 0 : index
      %swap3A_380 = tpu.vector_load %arg8[%swap3A_378, %swap3A_379] {strides = array<i32>} : memref<128x128xf32, #tpu.memory_space<vmem>>, vector<1x16xf32>,
      %swap3A_381 = vector.shape_cast %swap3A_380 : vector<1x16xf32> to vector<16xf32>
      %swap3A_382 = vector.shape_cast %mul3A_375 : vector<16xf32> to vector<1x16xf32>
      tpu.vector_store %arg8[%swap3A_378, %swap3A_379], %swap3A_382 {strides = array<i32>} : memref<128x128xf32, #tpu.memory_space<vmem>>, vector<1x16xf32>,
      %add3A_383 = arith.constant 2 : i32
      %add3A_384 = arith.addi %mul3A_112, %add3A_383 : i32
      %get3A_385 = arith.index_cast %add3A_384 : i32 to index
      %get3A_386 = arith.constant 16 : index
      %get3A_387 = tpu.vector_load %arg6[%get3A_385, %get3A_386] {strides = array<i32>} : memref<128x128xf32, #tpu.memory_space<vmem>>, vector<1x16xf32>,
      %get3A_388 = vector.shape_cast %get3A_387 : vector<1x16xf32> to vector<16xf32>
      %mul3A_389 = arith.constant 11.3137083 : f32
      %mul3A_390 = vector.broadcast %mul3A_389 : f32 to vector<16xf32>
      %mul3A_391 = arith.mulf %get3A_388, %mul3A_390 : vector<16xf32>
      %add3A_392 = arith.constant 2 : i32
      %add3A_393 = arith.addi %mul3A_112, %add3A_392 : i32
      %swap3A_394 = arith.index_cast %add3A_393 : i32 to index
      %swap3A_395 = arith.constant 16 : index
      %swap3A_396 = tpu.vector_load %arg8[%swap3A_394, %swap3A_395] {strides = array<i32>} : memref<128x128xf32, #tpu.memory_space<vmem>>, vector<1x16xf32>,
      %swap3A_397 = vector.shape_cast %swap3A_396 : vector<1x16xf32> to vector<16xf32>
      %swap3A_398 = vector.shape_cast %mul3A_391 : vector<16xf32> to vector<1x16xf32>
      tpu.vector_store %arg8[%swap3A_394, %swap3A_395], %swap3A_398 {strides = array<i32>} : memref<128x128xf32, #tpu.memory_space<vmem>>, vector<1x16xf32>,
      %add3A_399 = arith.constant 2 : i32
      %add3A_400 = arith.addi %mul3A_112, %add3A_399 : i32
      %get3A_401 = arith.index_cast %add3A_400 : i32 to index
      %get3A_402 = arith.constant 32 : index
      %get3A_403 = tpu.vector_load %arg6[%get3A_401, %get3A_402] {strides = array<i32>} : memref<128x128xf32, #tpu.memory_space<vmem>>, vector<1x16xf32>,
      %get3A_404 = vector.shape_cast %get3A_403 : vector<1x16xf32> to vector<16xf32>
      %mul3A_405 = arith.constant 11.3137083 : f32
      %mul3A_406 = vector.broadcast %mul3A_405 : f32 to vector<16xf32>
      %mul3A_407 = arith.mulf %get3A_404, %mul3A_406 : vector<16xf32>
      %add3A_408 = arith.constant 2 : i32
      %add3A_409 = arith.addi %mul3A_112, %add3A_408 : i32
      %swap3A_410 = arith.index_cast %add3A_409 : i32 to index
      %swap3A_411 = arith.constant 32 : index
      %swap3A_412 = tpu.vector_load %arg8[%swap3A_410, %swap3A_411] {strides = array<i32>} : memref<128x128xf32, #tpu.memory_space<vmem>>, vector<1x16xf32>,
      %swap3A_413 = vector.shape_cast %swap3A_412 : vector<1x16xf32> to vector<16xf32>
      %swap3A_414 = vector.shape_cast %mul3A_407 : vector<16xf32> to vector<1x16xf32>
      tpu.vector_store %arg8[%swap3A_410, %swap3A_411], %swap3A_414 {strides = array<i32>} : memref<128x128xf32, #tpu.memory_space<vmem>>, vector<1x16xf32>,
      %add3A_415 = arith.constant 2 : i32
      %add3A_416 = arith.addi %mul3A_112, %add3A_415 : i32
      %get3A_417 = arith.index_cast %add3A_416 : i32 to index
      %get3A_418 = arith.constant 48 : index
      %get3A_419 = tpu.vector_load %arg6[%get3A_417, %get3A_418] {strides = array<i32>} : memref<128x128xf32, #tpu.memory_space<vmem>>, vector<1x16xf32>,
      %get3A_420 = vector.shape_cast %get3A_419 : vector<1x16xf32> to vector<16xf32>
      %mul3A_421 = arith.constant 11.3137083 : f32
      %mul3A_422 = vector.broadcast %mul3A_421 : f32 to vector<16xf32>
      %mul3A_423 = arith.mulf %get3A_420, %mul3A_422 : vector<16xf32>
      %add3A_424 = arith.constant 2 : i32
      %add3A_425 = arith.addi %mul3A_112, %add3A_424 : i32
      %swap3A_426 = arith.index_cast %add3A_425 : i32 to index
      %swap3A_427 = arith.constant 48 : index
      %swap3A_428 = tpu.vector_load %arg8[%swap3A_426, %swap3A_427] {strides = array<i32>} : memref<128x128xf32, #tpu.memory_space<vmem>>, vector<1x16xf32>,
      %swap3A_429 = vector.shape_cast %swap3A_428 : vector<1x16xf32> to vector<16xf32>
      %swap3A_430 = vector.shape_cast %mul3A_423 : vector<16xf32> to vector<1x16xf32>
      tpu.vector_store %arg8[%swap3A_426, %swap3A_427], %swap3A_430 {strides = array<i32>} : memref<128x128xf32, #tpu.memory_space<vmem>>, vector<1x16xf32>,
      %add3A_431 = arith.constant 2 : i32
      %add3A_432 = arith.addi %mul3A_112, %add3A_431 : i32
      %get3A_433 = arith.index_cast %add3A_432 : i32 to index
      %get3A_434 = arith.constant 64 : index
      %get3A_435 = tpu.vector_load %arg6[%get3A_433, %get3A_434] {strides = array<i32>} : memref<128x128xf32, #tpu.memory_space<vmem>>, vector<1x16xf32>,
      %get3A_436 = vector.shape_cast %get3A_435 : vector<1x16xf32> to vector<16xf32>
      %mul3A_437 = arith.constant 11.3137083 : f32
      %mul3A_438 = vector.broadcast %mul3A_437 : f32 to vector<16xf32>
      %mul3A_439 = arith.mulf %get3A_436, %mul3A_438 : vector<16xf32>
      %add3A_440 = arith.constant 2 : i32
      %add3A_441 = arith.addi %mul3A_112, %add3A_440 : i32
      %swap3A_442 = arith.index_cast %add3A_441 : i32 to index
      %swap3A_443 = arith.constant 64 : index
      %swap3A_444 = tpu.vector_load %arg8[%swap3A_442, %swap3A_443] {strides = array<i32>} : memref<128x128xf32, #tpu.memory_space<vmem>>, vector<1x16xf32>,
      %swap3A_445 = vector.shape_cast %swap3A_444 : vector<1x16xf32> to vector<16xf32>
      %swap3A_446 = vector.shape_cast %mul3A_439 : vector<16xf32> to vector<1x16xf32>
      tpu.vector_store %arg8[%swap3A_442, %swap3A_443], %swap3A_446 {strides = array<i32>} : memref<128x128xf32, #tpu.memory_space<vmem>>, vector<1x16xf32>,
      %add3A_447 = arith.constant 2 : i32
      %add3A_448 = arith.addi %mul3A_112, %add3A_447 : i32
      %get3A_449 = arith.index_cast %add3A_448 : i32 to index
      %get3A_450 = arith.constant 80 : index
      %get3A_451 = tpu.vector_load %arg6[%get3A_449, %get3A_450] {strides = array<i32>} : memref<128x128xf32, #tpu.memory_space<vmem>>, vector<1x16xf32>,
      %get3A_452 = vector.shape_cast %get3A_451 : vector<1x16xf32> to vector<16xf32>
      %mul3A_453 = arith.constant 11.3137083 : f32
      %mul3A_454 = vector.broadcast %mul3A_453 : f32 to vector<16xf32>
      %mul3A_455 = arith.mulf %get3A_452, %mul3A_454 : vector<16xf32>
      %add3A_456 = arith.constant 2 : i32
      %add3A_457 = arith.addi %mul3A_112, %add3A_456 : i32
      %swap3A_458 = arith.index_cast %add3A_457 : i32 to index
      %swap3A_459 = arith.constant 80 : index
      %swap3A_460 = tpu.vector_load %arg8[%swap3A_458, %swap3A_459] {strides = array<i32>} : memref<128x128xf32, #tpu.memory_space<vmem>>, vector<1x16xf32>,
      %swap3A_461 = vector.shape_cast %swap3A_460 : vector<1x16xf32> to vector<16xf32>
      %swap3A_462 = vector.shape_cast %mul3A_455 : vector<16xf32> to vector<1x16xf32>
      tpu.vector_store %arg8[%swap3A_458, %swap3A_459], %swap3A_462 {strides = array<i32>} : memref<128x128xf32, #tpu.memory_space<vmem>>, vector<1x16xf32>,
      %add3A_463 = arith.constant 2 : i32
      %add3A_464 = arith.addi %mul3A_112, %add3A_463 : i32
      %get3A_465 = arith.index_cast %add3A_464 : i32 to index
      %get3A_466 = arith.constant 96 : index
      %get3A_467 = tpu.vector_load %arg6[%get3A_465, %get3A_466] {strides = array<i32>} : memref<128x128xf32, #tpu.memory_space<vmem>>, vector<1x16xf32>,
      %get3A_468 = vector.shape_cast %get3A_467 : vector<1x16xf32> to vector<16xf32>
      %mul3A_469 = arith.constant 11.3137083 : f32
      %mul3A_470 = vector.broadcast %mul3A_469 : f32 to vector<16xf32>
      %mul3A_471 = arith.mulf %get3A_468, %mul3A_470 : vector<16xf32>
      %add3A_472 = arith.constant 2 : i32
      %add3A_473 = arith.addi %mul3A_112, %add3A_472 : i32
      %swap3A_474 = arith.index_cast %add3A_473 : i32 to index
      %swap3A_475 = arith.constant 96 : index
      %swap3A_476 = tpu.vector_load %arg8[%swap3A_474, %swap3A_475] {strides = array<i32>} : memref<128x128xf32, #tpu.memory_space<vmem>>, vector<1x16xf32>,
      %swap3A_477 = vector.shape_cast %swap3A_476 : vector<1x16xf32> to vector<16xf32>
      %swap3A_478 = vector.shape_cast %mul3A_471 : vector<16xf32> to vector<1x16xf32>
      tpu.vector_store %arg8[%swap3A_474, %swap3A_475], %swap3A_478 {strides = array<i32>} : memref<128x128xf32, #tpu.memory_space<vmem>>, vector<1x16xf32>,
      %add3A_479 = arith.constant 2 : i32
      %add3A_480 = arith.addi %mul3A_112, %add3A_479 : i32
      %get3A_481 = arith.index_cast %add3A_480 : i32 to index
      %get3A_482 = arith.constant 112 : index
      %get3A_483 = tpu.vector_load %arg6[%get3A_481, %get3A_482] {strides = array<i32>} : memref<128x128xf32, #tpu.memory_space<vmem>>, vector<1x16xf32>,
      %get3A_484 = vector.shape_cast %get3A_483 : vector<1x16xf32> to vector<16xf32>
      %mul3A_485 = arith.constant 11.3137083 : f32
      %mul3A_486 = vector.broadcast %mul3A_485 : f32 to vector<16xf32>
      %mul3A_487 = arith.mulf %get3A_484, %mul3A_486 : vector<16xf32>
      %add3A_488 = arith.constant 2 : i32
      %add3A_489 = arith.addi %mul3A_112, %add3A_488 : i32
      %swap3A_490 = arith.index_cast %add3A_489 : i32 to index
      %swap3A_491 = arith.constant 112 : index
      %swap3A_492 = tpu.vector_load %arg8[%swap3A_490, %swap3A_491] {strides = array<i32>} : memref<128x128xf32, #tpu.memory_space<vmem>>, vector<1x16xf32>,
      %swap3A_493 = vector.shape_cast %swap3A_492 : vector<1x16xf32> to vector<16xf32>
      %swap3A_494 = vector.shape_cast %mul3A_487 : vector<16xf32> to vector<1x16xf32>
      tpu.vector_store %arg8[%swap3A_490, %swap3A_491], %swap3A_494 {strides = array<i32>} : memref<128x128xf32, #tpu.memory_space<vmem>>, vector<1x16xf32>,
      %add3A_495 = arith.constant 3 : i32
      %add3A_496 = arith.addi %mul3A_112, %add3A_495 : i32
      %get3A_497 = arith.index_cast %add3A_496 : i32 to index
      %get3A_498 = arith.constant 0 : index
      %get3A_499 = tpu.vector_load %arg6[%get3A_497, %get3A_498] {strides = array<i32>} : memref<128x128xf32, #tpu.memory_space<vmem>>, vector<1x16xf32>,
      %get3A_500 = vector.shape_cast %get3A_499 : vector<1x16xf32> to vector<16xf32>
      %mul3A_501 = arith.constant 11.3137083 : f32
      %mul3A_502 = vector.broadcast %mul3A_501 : f32 to vector<16xf32>
      %mul3A_503 = arith.mulf %get3A_500, %mul3A_502 : vector<16xf32>
      %add3A_504 = arith.constant 3 : i32
      %add3A_505 = arith.addi %mul3A_112, %add3A_504 : i32
      %swap3A_506 = arith.index_cast %add3A_505 : i32 to index
      %swap3A_507 = arith.constant 0 : index
      %swap3A_508 = tpu.vector_load %arg8[%swap3A_506, %swap3A_507] {strides = array<i32>} : memref<128x128xf32, #tpu.memory_space<vmem>>, vector<1x16xf32>,
      %swap3A_509 = vector.shape_cast %swap3A_508 : vector<1x16xf32> to vector<16xf32>
      %swap3A_510 = vector.shape_cast %mul3A_503 : vector<16xf32> to vector<1x16xf32>
      tpu.vector_store %arg8[%swap3A_506, %swap3A_507], %swap3A_510 {strides = array<i32>} : memref<128x128xf32, #tpu.memory_space<vmem>>, vector<1x16xf32>,
      %add3A_511 = arith.constant 3 : i32
      %add3A_512 = arith.addi %mul3A_112, %add3A_511 : i32
      %get3A_513 = arith.index_cast %add3A_512 : i32 to index
      %get3A_514 = arith.constant 16 : index
      %get3A_515 = tpu.vector_load %arg6[%get3A_513, %get3A_514] {strides = array<i32>} : memref<128x128xf32, #tpu.memory_space<vmem>>, vector<1x16xf32>,
      %get3A_516 = vector.shape_cast %get3A_515 : vector<1x16xf32> to vector<16xf32>
      %mul3A_517 = arith.constant 11.3137083 : f32
      %mul3A_518 = vector.broadcast %mul3A_517 : f32 to vector<16xf32>
      %mul3A_519 = arith.mulf %get3A_516, %mul3A_518 : vector<16xf32>
      %add3A_520 = arith.constant 3 : i32
      %add3A_521 = arith.addi %mul3A_112, %add3A_520 : i32
      %swap3A_522 = arith.index_cast %add3A_521 : i32 to index
      %swap3A_523 = arith.constant 16 : index
      %swap3A_524 = tpu.vector_load %arg8[%swap3A_522, %swap3A_523] {strides = array<i32>} : memref<128x128xf32, #tpu.memory_space<vmem>>, vector<1x16xf32>,
      %swap3A_525 = vector.shape_cast %swap3A_524 : vector<1x16xf32> to vector<16xf32>
      %swap3A_526 = vector.shape_cast %mul3A_519 : vector<16xf32> to vector<1x16xf32>
      tpu.vector_store %arg8[%swap3A_522, %swap3A_523], %swap3A_526 {strides = array<i32>} : memref<128x128xf32, #tpu.memory_space<vmem>>, vector<1x16xf32>,
      %add3A_527 = arith.constant 3 : i32
      %add3A_528 = arith.addi %mul3A_112, %add3A_527 : i32
      %get3A_529 = arith.index_cast %add3A_528 : i32 to index
      %get3A_530 = arith.constant 32 : index
      %get3A_531 = tpu.vector_load %arg6[%get3A_529, %get3A_530] {strides = array<i32>} : memref<128x128xf32, #tpu.memory_space<vmem>>, vector<1x16xf32>,
      %get3A_532 = vector.shape_cast %get3A_531 : vector<1x16xf32> to vector<16xf32>
      %mul3A_533 = arith.constant 11.3137083 : f32
      %mul3A_534 = vector.broadcast %mul3A_533 : f32 to vector<16xf32>
      %mul3A_535 = arith.mulf %get3A_532, %mul3A_534 : vector<16xf32>
      %add3A_536 = arith.constant 3 : i32
      %add3A_537 = arith.addi %mul3A_112, %add3A_536 : i32
      %swap3A_538 = arith.index_cast %add3A_537 : i32 to index
      %swap3A_539 = arith.constant 32 : index
      %swap3A_540 = tpu.vector_load %arg8[%swap3A_538, %swap3A_539] {strides = array<i32>} : memref<128x128xf32, #tpu.memory_space<vmem>>, vector<1x16xf32>,
      %swap3A_541 = vector.shape_cast %swap3A_540 : vector<1x16xf32> to vector<16xf32>
      %swap3A_542 = vector.shape_cast %mul3A_535 : vector<16xf32> to vector<1x16xf32>
      tpu.vector_store %arg8[%swap3A_538, %swap3A_539], %swap3A_542 {strides = array<i32>} : memref<128x128xf32, #tpu.memory_space<vmem>>, vector<1x16xf32>,
      %add3A_543 = arith.constant 3 : i32
      %add3A_544 = arith.addi %mul3A_112, %add3A_543 : i32
      %get3A_545 = arith.index_cast %add3A_544 : i32 to index
      %get3A_546 = arith.constant 48 : index
      %get3A_547 = tpu.vector_load %arg6[%get3A_545, %get3A_546] {strides = array<i32>} : memref<128x128xf32, #tpu.memory_space<vmem>>, vector<1x16xf32>,
      %get3A_548 = vector.shape_cast %get3A_547 : vector<1x16xf32> to vector<16xf32>
      %mul3A_549 = arith.constant 11.3137083 : f32
      %mul3A_550 = vector.broadcast %mul3A_549 : f32 to vector<16xf32>
      %mul3A_551 = arith.mulf %get3A_548, %mul3A_550 : vector<16xf32>
      %add3A_552 = arith.constant 3 : i32
      %add3A_553 = arith.addi %mul3A_112, %add3A_552 : i32
      %swap3A_554 = arith.index_cast %add3A_553 : i32 to index
      %swap3A_555 = arith.constant 48 : index
      %swap3A_556 = tpu.vector_load %arg8[%swap3A_554, %swap3A_555] {strides = array<i32>} : memref<128x128xf32, #tpu.memory_space<vmem>>, vector<1x16xf32>,
      %swap3A_557 = vector.shape_cast %swap3A_556 : vector<1x16xf32> to vector<16xf32>
      %swap3A_558 = vector.shape_cast %mul3A_551 : vector<16xf32> to vector<1x16xf32>
      tpu.vector_store %arg8[%swap3A_554, %swap3A_555], %swap3A_558 {strides = array<i32>} : memref<128x128xf32, #tpu.memory_space<vmem>>, vector<1x16xf32>,
      %add3A_559 = arith.constant 3 : i32
      %add3A_560 = arith.addi %mul3A_112, %add3A_559 : i32
      %get3A_561 = arith.index_cast %add3A_560 : i32 to index
      %get3A_562 = arith.constant 64 : index
      %get3A_563 = tpu.vector_load %arg6[%get3A_561, %get3A_562] {strides = array<i32>} : memref<128x128xf32, #tpu.memory_space<vmem>>, vector<1x16xf32>,
      %get3A_564 = vector.shape_cast %get3A_563 : vector<1x16xf32> to vector<16xf32>
      %mul3A_565 = arith.constant 11.3137083 : f32
      %mul3A_566 = vector.broadcast %mul3A_565 : f32 to vector<16xf32>
      %mul3A_567 = arith.mulf %get3A_564, %mul3A_566 : vector<16xf32>
      %add3A_568 = arith.constant 3 : i32
      %add3A_569 = arith.addi %mul3A_112, %add3A_568 : i32
      %swap3A_570 = arith.index_cast %add3A_569 : i32 to index
      %swap3A_571 = arith.constant 64 : index
      %swap3A_572 = tpu.vector_load %arg8[%swap3A_570, %swap3A_571] {strides = array<i32>} : memref<128x128xf32, #tpu.memory_space<vmem>>, vector<1x16xf32>,
      %swap3A_573 = vector.shape_cast %swap3A_572 : vector<1x16xf32> to vector<16xf32>
      %swap3A_574 = vector.shape_cast %mul3A_567 : vector<16xf32> to vector<1x16xf32>
      tpu.vector_store %arg8[%swap3A_570, %swap3A_571], %swap3A_574 {strides = array<i32>} : memref<128x128xf32, #tpu.memory_space<vmem>>, vector<1x16xf32>,
      %add3A_575 = arith.constant 3 : i32
      %add3A_576 = arith.addi %mul3A_112, %add3A_575 : i32
      %get3A_577 = arith.index_cast %add3A_576 : i32 to index
      %get3A_578 = arith.constant 80 : index
      %get3A_579 = tpu.vector_load %arg6[%get3A_577, %get3A_578] {strides = array<i32>} : memref<128x128xf32, #tpu.memory_space<vmem>>, vector<1x16xf32>,
      %get3A_580 = vector.shape_cast %get3A_579 : vector<1x16xf32> to vector<16xf32>
      %mul3A_581 = arith.constant 11.3137083 : f32
      %mul3A_582 = vector.broadcast %mul3A_581 : f32 to vector<16xf32>
      %mul3A_583 = arith.mulf %get3A_580, %mul3A_582 : vector<16xf32>
      %add3A_584 = arith.constant 3 : i32
      %add3A_585 = arith.addi %mul3A_112, %add3A_584 : i32
      %swap3A_586 = arith.index_cast %add3A_585 : i32 to index
      %swap3A_587 = arith.constant 80 : index
      %swap3A_588 = tpu.vector_load %arg8[%swap3A_586, %swap3A_587] {strides = array<i32>} : memref<128x128xf32, #tpu.memory_space<vmem>>, vector<1x16xf32>,
      %swap3A_589 = vector.shape_cast %swap3A_588 : vector<1x16xf32> to vector<16xf32>
      %swap3A_590 = vector.shape_cast %mul3A_583 : vector<16xf32> to vector<1x16xf32>
      tpu.vector_store %arg8[%swap3A_586, %swap3A_587], %swap3A_590 {strides = array<i32>} : memref<128x128xf32, #tpu.memory_space<vmem>>, vector<1x16xf32>,
      %add3A_591 = arith.constant 3 : i32
      %add3A_592 = arith.addi %mul3A_112, %add3A_591 : i32
      %get3A_593 = arith.index_cast %add3A_592 : i32 to index
      %get3A_594 = arith.constant 96 : index
      %get3A_595 = tpu.vector_load %arg6[%get3A_593, %get3A_594] {strides = array<i32>} : memref<128x128xf32, #tpu.memory_space<vmem>>, vector<1x16xf32>,
      %get3A_596 = vector.shape_cast %get3A_595 : vector<1x16xf32> to vector<16xf32>
      %mul3A_597 = arith.constant 11.3137083 : f32
      %mul3A_598 = vector.broadcast %mul3A_597 : f32 to vector<16xf32>
      %mul3A_599 = arith.mulf %get3A_596, %mul3A_598 : vector<16xf32>
      %add3A_600 = arith.constant 3 : i32
      %add3A_601 = arith.addi %mul3A_112, %add3A_600 : i32
      %swap3A_602 = arith.index_cast %add3A_601 : i32 to index
      %swap3A_603 = arith.constant 96 : index
      %swap3A_604 = tpu.vector_load %arg8[%swap3A_602, %swap3A_603] {strides = array<i32>} : memref<128x128xf32, #tpu.memory_space<vmem>>, vector<1x16xf32>,
      %swap3A_605 = vector.shape_cast %swap3A_604 : vector<1x16xf32> to vector<16xf32>
      %swap3A_606 = vector.shape_cast %mul3A_599 : vector<16xf32> to vector<1x16xf32>
      tpu.vector_store %arg8[%swap3A_602, %swap3A_603], %swap3A_606 {strides = array<i32>} : memref<128x128xf32, #tpu.memory_space<vmem>>, vector<1x16xf32>,
      %add3A_607 = arith.constant 3 : i32
      %add3A_608 = arith.addi %mul3A_112, %add3A_607 : i32
      %get3A_609 = arith.index_cast %add3A_608 : i32 to index
      %get3A_610 = arith.constant 112 : index
      %get3A_611 = tpu.vector_load %arg6[%get3A_609, %get3A_610] {strides = array<i32>} : memref<128x128xf32, #tpu.memory_space<vmem>>, vector<1x16xf32>,
      %get3A_612 = vector.shape_cast %get3A_611 : vector<1x16xf32> to vector<16xf32>
      %mul3A_613 = arith.constant 11.3137083 : f32
      %mul3A_614 = vector.broadcast %mul3A_613 : f32 to vector<16xf32>
      %mul3A_615 = arith.mulf %get3A_612, %mul3A_614 : vector<16xf32>
      %add3A_616 = arith.constant 3 : i32
      %add3A_617 = arith.addi %mul3A_112, %add3A_616 : i32
      %swap3A_618 = arith.index_cast %add3A_617 : i32 to index
      %swap3A_619 = arith.constant 112 : index
      %swap3A_620 = tpu.vector_load %arg8[%swap3A_618, %swap3A_619] {strides = array<i32>} : memref<128x128xf32, #tpu.memory_space<vmem>>, vector<1x16xf32>,
      %swap3A_621 = vector.shape_cast %swap3A_620 : vector<1x16xf32> to vector<16xf32>
      %swap3A_622 = vector.shape_cast %mul3A_615 : vector<16xf32> to vector<1x16xf32>
      tpu.vector_store %arg8[%swap3A_618, %swap3A_619], %swap3A_622 {strides = array<i32>} : memref<128x128xf32, #tpu.memory_space<vmem>>, vector<1x16xf32>,
    }
    %scan3A_74 = arith.constant 32 : i32
    %add3A_75 = arith.constant 6144 : i32
    %add3A_76 = arith.addi %mul3A_2, %add3A_75 : i32
    %dma_start3A_77 = arith.constant 0 : i32
    %dma_start3A_78 = tpu.memref_slice %arg4[%add3A_76, %dma_start3A_77] : memref<204800x128xf32, #tpu.memory_space<hbm>> -> memref<128x128xf32, #tpu.memory_space<hbm>>
    %dma_start3A_79 = arith.constant 0 : i32
    %dma_start3A_80 = tpu.memref_slice %arg4[%add3A_76, %dma_start3A_79] : memref<204800x128xf32, #tpu.memory_space<hbm>> -> memref<128x128xf32, #tpu.memory_space<hbm>>
    tpu.enqueue_dma source(%arg8 : memref<128x128xf32, #tpu.memory_space<vmem>>) target(%dma_start3A_80 : memref<128x128xf32, #tpu.memory_space<hbm>>) target_semaphore(%arg12 : memref<!tpu.dma_semaphore, #tpu.memory_space<semaphore_mem>>)
    %dma_wait3A_81 = arith.constant 0 : i32
    %dma_wait3A_82 = tpu.memref_slice %arg5[%dma_wait3A_81] : memref<6400xi32, #tpu.memory_space<vmem>> -> memref<128xi32, #tpu.memory_space<vmem>>
    %dma_wait3A_83 = arith.constant 0 : i32
    %dma_wait3A_84 = arith.constant 0 : i32
    %dma_wait3A_85 = tpu.memref_slice %arg3[%dma_wait3A_83, %dma_wait3A_84] : memref<100000x128xf32, #tpu.memory_space<hbm>> -> memref<100000x128xf32, #tpu.memory_space<hbm>>
    tpu.wait_indirect_dma semaphore(%arg11 : memref<!tpu.dma_semaphore, #tpu.memory_space<semaphore_mem>>) src(%dma_wait3A_85 : memref<100000x128xf32, #tpu.memory_space<hbm>>) dst(%arg7 : memref<128x128xf32, #tpu.memory_space<vmem>>)
    %dma_wait3A_86 = arith.constant 0 : i32
    %dma_wait3A_87 = tpu.memref_slice %arg4[%mul3A_2, %dma_wait3A_86] : memref<204800x128xf32, #tpu.memory_space<hbm>> -> memref<128x128xf32, #tpu.memory_space<hbm>>
    %dma_wait3A_88 = arith.constant 0 : i32
    %dma_wait3A_89 = tpu.memref_slice %arg4[%mul3A_2, %dma_wait3A_88] : memref<204800x128xf32, #tpu.memory_space<hbm>> -> memref<128x128xf32, #tpu.memory_space<hbm>>
    tpu.wait_dma2 semaphore(%arg13 : memref<!tpu.dma_semaphore, #tpu.memory_space<semaphore_mem>>) src(%arg9 : memref<128x128xf32, #tpu.memory_space<vmem>>) dst(%dma_wait3A_89 : memref<128x128xf32, #tpu.memory_space<hbm>>)
    %scan3A_90 = arith.constant 0 : i32
    %scan3A_91 = arith.constant 0 : i32
    %scan3A_92 = arith.constant 32 : i32
    %scan3A_93 = arith.addi %scan3A_91, %scan3A_92 : i32
    %scan3A_94 = arith.constant 1 : i32
    scf.for %scan3A_110 = %scan3A_91 to %scan3A_93 step %scan3A_94  : i32 {
      %mul3A_111 = arith.constant 4 : i32
      %mul3A_112 = arith.muli %scan3A_110, %mul3A_111 : i32
      %add3A_113 = arith.constant 0 : i32
      %add3A_114 = arith.addi %mul3A_112, %add3A_113 : i32
      %get3A = arith.index_cast %add3A_114 : i32 to index
      %get3A_115 = arith.constant 0 : index
      %get3A_116 = tpu.vector_load %arg7[%get3A, %get3A_115] {strides = array<i32>} : memref<128x128xf32, #tpu.memory_space<vmem>>, vector<1x16xf32>,
      %get3A_117 = vector.shape_cast %get3A_116 : vector<1x16xf32> to vector<16xf32>
      %mul3A_118 = arith.constant 11.3137083 : f32
      %mul3A_119 = vector.broadcast %mul3A_118 : f32 to vector<16xf32>
      %mul3A_120 = arith.mulf %get3A_117, %mul3A_119 : vector<16xf32>
      %add3A_121 = arith.constant 0 : i32
      %add3A_122 = arith.addi %mul3A_112, %add3A_121 : i32
      %swap3A = arith.index_cast %add3A_122 : i32 to index
      %swap3A_123 = arith.constant 0 : index
      %swap3A_124 = tpu.vector_load %arg9[%swap3A, %swap3A_123] {strides = array<i32>} : memref<128x128xf32, #tpu.memory_space<vmem>>, vector<1x16xf32>,
      %swap3A_125 = vector.shape_cast %swap3A_124 : vector<1x16xf32> to vector<16xf32>
      %swap3A_126 = vector.shape_cast %mul3A_120 : vector<16xf32> to vector<1x16xf32>
      tpu.vector_store %arg9[%swap3A, %swap3A_123], %swap3A_126 {strides = array<i32>} : memref<128x128xf32, #tpu.memory_space<vmem>>, vector<1x16xf32>,
      %add3A_127 = arith.constant 0 : i32
      %add3A_128 = arith.addi %mul3A_112, %add3A_127 : i32
      %get3A_129 = arith.index_cast %add3A_128 : i32 to index
      %get3A_130 = arith.constant 16 : index
      %get3A_131 = tpu.vector_load %arg7[%get3A_129, %get3A_130] {strides = array<i32>} : memref<128x128xf32, #tpu.memory_space<vmem>>, vector<1x16xf32>,
      %get3A_132 = vector.shape_cast %get3A_131 : vector<1x16xf32> to vector<16xf32>
      %mul3A_133 = arith.constant 11.3137083 : f32
      %mul3A_134 = vector.broadcast %mul3A_133 : f32 to vector<16xf32>
      %mul3A_135 = arith.mulf %get3A_132, %mul3A_134 : vector<16xf32>
      %add3A_136 = arith.constant 0 : i32
      %add3A_137 = arith.addi %mul3A_112, %add3A_136 : i32
      %swap3A_138 = arith.index_cast %add3A_137 : i32 to index
      %swap3A_139 = arith.constant 16 : index
      %swap3A_140 = tpu.vector_load %arg9[%swap3A_138, %swap3A_139] {strides = array<i32>} : memref<128x128xf32, #tpu.memory_space<vmem>>, vector<1x16xf32>,
      %swap3A_141 = vector.shape_cast %swap3A_140 : vector<1x16xf32> to vector<16xf32>
      %swap3A_142 = vector.shape_cast %mul3A_135 : vector<16xf32> to vector<1x16xf32>
      tpu.vector_store %arg9[%swap3A_138, %swap3A_139], %swap3A_142 {strides = array<i32>} : memref<128x128xf32, #tpu.memory_space<vmem>>, vector<1x16xf32>,
      %add3A_143 = arith.constant 0 : i32
      %add3A_144 = arith.addi %mul3A_112, %add3A_143 : i32
      %get3A_145 = arith.index_cast %add3A_144 : i32 to index
      %get3A_146 = arith.constant 32 : index
      %get3A_147 = tpu.vector_load %arg7[%get3A_145, %get3A_146] {strides = array<i32>} : memref<128x128xf32, #tpu.memory_space<vmem>>, vector<1x16xf32>,
      %get3A_148 = vector.shape_cast %get3A_147 : vector<1x16xf32> to vector<16xf32>
      %mul3A_149 = arith.constant 11.3137083 : f32
      %mul3A_150 = vector.broadcast %mul3A_149 : f32 to vector<16xf32>
      %mul3A_151 = arith.mulf %get3A_148, %mul3A_150 : vector<16xf32>
      %add3A_152 = arith.constant 0 : i32
      %add3A_153 = arith.addi %mul3A_112, %add3A_152 : i32
      %swap3A_154 = arith.index_cast %add3A_153 : i32 to index
      %swap3A_155 = arith.constant 32 : index
      %swap3A_156 = tpu.vector_load %arg9[%swap3A_154, %swap3A_155] {strides = array<i32>} : memref<128x128xf32, #tpu.memory_space<vmem>>, vector<1x16xf32>,
      %swap3A_157 = vector.shape_cast %swap3A_156 : vector<1x16xf32> to vector<16xf32>
      %swap3A_158 = vector.shape_cast %mul3A_151 : vector<16xf32> to vector<1x16xf32>
      tpu.vector_store %arg9[%swap3A_154, %swap3A_155], %swap3A_158 {strides = array<i32>} : memref<128x128xf32, #tpu.memory_space<vmem>>, vector<1x16xf32>,
      %add3A_159 = arith.constant 0 : i32
      %add3A_160 = arith.addi %mul3A_112, %add3A_159 : i32
      %get3A_161 = arith.index_cast %add3A_160 : i32 to index
      %get3A_162 = arith.constant 48 : index
      %get3A_163 = tpu.vector_load %arg7[%get3A_161, %get3A_162] {strides = array<i32>} : memref<128x128xf32, #tpu.memory_space<vmem>>, vector<1x16xf32>,
      %get3A_164 = vector.shape_cast %get3A_163 : vector<1x16xf32> to vector<16xf32>
      %mul3A_165 = arith.constant 11.3137083 : f32
      %mul3A_166 = vector.broadcast %mul3A_165 : f32 to vector<16xf32>
      %mul3A_167 = arith.mulf %get3A_164, %mul3A_166 : vector<16xf32>
      %add3A_168 = arith.constant 0 : i32
      %add3A_169 = arith.addi %mul3A_112, %add3A_168 : i32
      %swap3A_170 = arith.index_cast %add3A_169 : i32 to index
      %swap3A_171 = arith.constant 48 : index
      %swap3A_172 = tpu.vector_load %arg9[%swap3A_170, %swap3A_171] {strides = array<i32>} : memref<128x128xf32, #tpu.memory_space<vmem>>, vector<1x16xf32>,
      %swap3A_173 = vector.shape_cast %swap3A_172 : vector<1x16xf32> to vector<16xf32>
      %swap3A_174 = vector.shape_cast %mul3A_167 : vector<16xf32> to vector<1x16xf32>
      tpu.vector_store %arg9[%swap3A_170, %swap3A_171], %swap3A_174 {strides = array<i32>} : memref<128x128xf32, #tpu.memory_space<vmem>>, vector<1x16xf32>,
      %add3A_175 = arith.constant 0 : i32
      %add3A_176 = arith.addi %mul3A_112, %add3A_175 : i32
      %get3A_177 = arith.index_cast %add3A_176 : i32 to index
      %get3A_178 = arith.constant 64 : index
      %get3A_179 = tpu.vector_load %arg7[%get3A_177, %get3A_178] {strides = array<i32>} : memref<128x128xf32, #tpu.memory_space<vmem>>, vector<1x16xf32>,
      %get3A_180 = vector.shape_cast %get3A_179 : vector<1x16xf32> to vector<16xf32>
      %mul3A_181 = arith.constant 11.3137083 : f32
      %mul3A_182 = vector.broadcast %mul3A_181 : f32 to vector<16xf32>
      %mul3A_183 = arith.mulf %get3A_180, %mul3A_182 : vector<16xf32>
      %add3A_184 = arith.constant 0 : i32
      %add3A_185 = arith.addi %mul3A_112, %add3A_184 : i32
      %swap3A_186 = arith.index_cast %add3A_185 : i32 to index
      %swap3A_187 = arith.constant 64 : index
      %swap3A_188 = tpu.vector_load %arg9[%swap3A_186, %swap3A_187] {strides = array<i32>} : memref<128x128xf32, #tpu.memory_space<vmem>>, vector<1x16xf32>,
      %swap3A_189 = vector.shape_cast %swap3A_188 : vector<1x16xf32> to vector<16xf32>
      %swap3A_190 = vector.shape_cast %mul3A_183 : vector<16xf32> to vector<1x16xf32>
      tpu.vector_store %arg9[%swap3A_186, %swap3A_187], %swap3A_190 {strides = array<i32>} : memref<128x128xf32, #tpu.memory_space<vmem>>, vector<1x16xf32>,
      %add3A_191 = arith.constant 0 : i32
      %add3A_192 = arith.addi %mul3A_112, %add3A_191 : i32
      %get3A_193 = arith.index_cast %add3A_192 : i32 to index
      %get3A_194 = arith.constant 80 : index
      %get3A_195 = tpu.vector_load %arg7[%get3A_193, %get3A_194] {strides = array<i32>} : memref<128x128xf32, #tpu.memory_space<vmem>>, vector<1x16xf32>,
      %get3A_196 = vector.shape_cast %get3A_195 : vector<1x16xf32> to vector<16xf32>
      %mul3A_197 = arith.constant 11.3137083 : f32
      %mul3A_198 = vector.broadcast %mul3A_197 : f32 to vector<16xf32>
      %mul3A_199 = arith.mulf %get3A_196, %mul3A_198 : vector<16xf32>
      %add3A_200 = arith.constant 0 : i32
      %add3A_201 = arith.addi %mul3A_112, %add3A_200 : i32
      %swap3A_202 = arith.index_cast %add3A_201 : i32 to index
      %swap3A_203 = arith.constant 80 : index
      %swap3A_204 = tpu.vector_load %arg9[%swap3A_202, %swap3A_203] {strides = array<i32>} : memref<128x128xf32, #tpu.memory_space<vmem>>, vector<1x16xf32>,
      %swap3A_205 = vector.shape_cast %swap3A_204 : vector<1x16xf32> to vector<16xf32>
      %swap3A_206 = vector.shape_cast %mul3A_199 : vector<16xf32> to vector<1x16xf32>
      tpu.vector_store %arg9[%swap3A_202, %swap3A_203], %swap3A_206 {strides = array<i32>} : memref<128x128xf32, #tpu.memory_space<vmem>>, vector<1x16xf32>,
      %add3A_207 = arith.constant 0 : i32
      %add3A_208 = arith.addi %mul3A_112, %add3A_207 : i32
      %get3A_209 = arith.index_cast %add3A_208 : i32 to index
      %get3A_210 = arith.constant 96 : index
      %get3A_211 = tpu.vector_load %arg7[%get3A_209, %get3A_210] {strides = array<i32>} : memref<128x128xf32, #tpu.memory_space<vmem>>, vector<1x16xf32>,
      %get3A_212 = vector.shape_cast %get3A_211 : vector<1x16xf32> to vector<16xf32>
      %mul3A_213 = arith.constant 11.3137083 : f32
      %mul3A_214 = vector.broadcast %mul3A_213 : f32 to vector<16xf32>
      %mul3A_215 = arith.mulf %get3A_212, %mul3A_214 : vector<16xf32>
      %add3A_216 = arith.constant 0 : i32
      %add3A_217 = arith.addi %mul3A_112, %add3A_216 : i32
      %swap3A_218 = arith.index_cast %add3A_217 : i32 to index
      %swap3A_219 = arith.constant 96 : index
      %swap3A_220 = tpu.vector_load %arg9[%swap3A_218, %swap3A_219] {strides = array<i32>} : memref<128x128xf32, #tpu.memory_space<vmem>>, vector<1x16xf32>,
      %swap3A_221 = vector.shape_cast %swap3A_220 : vector<1x16xf32> to vector<16xf32>
      %swap3A_222 = vector.shape_cast %mul3A_215 : vector<16xf32> to vector<1x16xf32>
      tpu.vector_store %arg9[%swap3A_218, %swap3A_219], %swap3A_222 {strides = array<i32>} : memref<128x128xf32, #tpu.memory_space<vmem>>, vector<1x16xf32>,
      %add3A_223 = arith.constant 0 : i32
      %add3A_224 = arith.addi %mul3A_112, %add3A_223 : i32
      %get3A_225 = arith.index_cast %add3A_224 : i32 to index
      %get3A_226 = arith.constant 112 : index
      %get3A_227 = tpu.vector_load %arg7[%get3A_225, %get3A_226] {strides = array<i32>} : memref<128x128xf32, #tpu.memory_space<vmem>>, vector<1x16xf32>,
      %get3A_228 = vector.shape_cast %get3A_227 : vector<1x16xf32> to vector<16xf32>
      %mul3A_229 = arith.constant 11.3137083 : f32
      %mul3A_230 = vector.broadcast %mul3A_229 : f32 to vector<16xf32>
      %mul3A_231 = arith.mulf %get3A_228, %mul3A_230 : vector<16xf32>
      %add3A_232 = arith.constant 0 : i32
      %add3A_233 = arith.addi %mul3A_112, %add3A_232 : i32
      %swap3A_234 = arith.index_cast %add3A_233 : i32 to index
      %swap3A_235 = arith.constant 112 : index
      %swap3A_236 = tpu.vector_load %arg9[%swap3A_234, %swap3A_235] {strides = array<i32>} : memref<128x128xf32, #tpu.memory_space<vmem>>, vector<1x16xf32>,
      %swap3A_237 = vector.shape_cast %swap3A_236 : vector<1x16xf32> to vector<16xf32>
      %swap3A_238 = vector.shape_cast %mul3A_231 : vector<16xf32> to vector<1x16xf32>
      tpu.vector_store %arg9[%swap3A_234, %swap3A_235], %swap3A_238 {strides = array<i32>} : memref<128x128xf32, #tpu.memory_space<vmem>>, vector<1x16xf32>,
      %add3A_239 = arith.constant 1 : i32
      %add3A_240 = arith.addi %mul3A_112, %add3A_239 : i32
      %get3A_241 = arith.index_cast %add3A_240 : i32 to index
      %get3A_242 = arith.constant 0 : index
      %get3A_243 = tpu.vector_load %arg7[%get3A_241, %get3A_242] {strides = array<i32>} : memref<128x128xf32, #tpu.memory_space<vmem>>, vector<1x16xf32>,
      %get3A_244 = vector.shape_cast %get3A_243 : vector<1x16xf32> to vector<16xf32>
      %mul3A_245 = arith.constant 11.3137083 : f32
      %mul3A_246 = vector.broadcast %mul3A_245 : f32 to vector<16xf32>
      %mul3A_247 = arith.mulf %get3A_244, %mul3A_246 : vector<16xf32>
      %add3A_248 = arith.constant 1 : i32
      %add3A_249 = arith.addi %mul3A_112, %add3A_248 : i32
      %swap3A_250 = arith.index_cast %add3A_249 : i32 to index
      %swap3A_251 = arith.constant 0 : index
      %swap3A_252 = tpu.vector_load %arg9[%swap3A_250, %swap3A_251] {strides = array<i32>} : memref<128x128xf32, #tpu.memory_space<vmem>>, vector<1x16xf32>,
      %swap3A_253 = vector.shape_cast %swap3A_252 : vector<1x16xf32> to vector<16xf32>
      %swap3A_254 = vector.shape_cast %mul3A_247 : vector<16xf32> to vector<1x16xf32>
      tpu.vector_store %arg9[%swap3A_250, %swap3A_251], %swap3A_254 {strides = array<i32>} : memref<128x128xf32, #tpu.memory_space<vmem>>, vector<1x16xf32>,
      %add3A_255 = arith.constant 1 : i32
      %add3A_256 = arith.addi %mul3A_112, %add3A_255 : i32
      %get3A_257 = arith.index_cast %add3A_256 : i32 to index
      %get3A_258 = arith.constant 16 : index
      %get3A_259 = tpu.vector_load %arg7[%get3A_257, %get3A_258] {strides = array<i32>} : memref<128x128xf32, #tpu.memory_space<vmem>>, vector<1x16xf32>,
      %get3A_260 = vector.shape_cast %get3A_259 : vector<1x16xf32> to vector<16xf32>
      %mul3A_261 = arith.constant 11.3137083 : f32
      %mul3A_262 = vector.broadcast %mul3A_261 : f32 to vector<16xf32>
      %mul3A_263 = arith.mulf %get3A_260, %mul3A_262 : vector<16xf32>
      %add3A_264 = arith.constant 1 : i32
      %add3A_265 = arith.addi %mul3A_112, %add3A_264 : i32
      %swap3A_266 = arith.index_cast %add3A_265 : i32 to index
      %swap3A_267 = arith.constant 16 : index
      %swap3A_268 = tpu.vector_load %arg9[%swap3A_266, %swap3A_267] {strides = array<i32>} : memref<128x128xf32, #tpu.memory_space<vmem>>, vector<1x16xf32>,
      %swap3A_269 = vector.shape_cast %swap3A_268 : vector<1x16xf32> to vector<16xf32>
      %swap3A_270 = vector.shape_cast %mul3A_263 : vector<16xf32> to vector<1x16xf32>
      tpu.vector_store %arg9[%swap3A_266, %swap3A_267], %swap3A_270 {strides = array<i32>} : memref<128x128xf32, #tpu.memory_space<vmem>>, vector<1x16xf32>,
      %add3A_271 = arith.constant 1 : i32
      %add3A_272 = arith.addi %mul3A_112, %add3A_271 : i32
      %get3A_273 = arith.index_cast %add3A_272 : i32 to index
      %get3A_274 = arith.constant 32 : index
      %get3A_275 = tpu.vector_load %arg7[%get3A_273, %get3A_274] {strides = array<i32>} : memref<128x128xf32, #tpu.memory_space<vmem>>, vector<1x16xf32>,
      %get3A_276 = vector.shape_cast %get3A_275 : vector<1x16xf32> to vector<16xf32>
      %mul3A_277 = arith.constant 11.3137083 : f32
      %mul3A_278 = vector.broadcast %mul3A_277 : f32 to vector<16xf32>
      %mul3A_279 = arith.mulf %get3A_276, %mul3A_278 : vector<16xf32>
      %add3A_280 = arith.constant 1 : i32
      %add3A_281 = arith.addi %mul3A_112, %add3A_280 : i32
      %swap3A_282 = arith.index_cast %add3A_281 : i32 to index
      %swap3A_283 = arith.constant 32 : index
      %swap3A_284 = tpu.vector_load %arg9[%swap3A_282, %swap3A_283] {strides = array<i32>} : memref<128x128xf32, #tpu.memory_space<vmem>>, vector<1x16xf32>,
      %swap3A_285 = vector.shape_cast %swap3A_284 : vector<1x16xf32> to vector<16xf32>
      %swap3A_286 = vector.shape_cast %mul3A_279 : vector<16xf32> to vector<1x16xf32>
      tpu.vector_store %arg9[%swap3A_282, %swap3A_283], %swap3A_286 {strides = array<i32>} : memref<128x128xf32, #tpu.memory_space<vmem>>, vector<1x16xf32>,
      %add3A_287 = arith.constant 1 : i32
      %add3A_288 = arith.addi %mul3A_112, %add3A_287 : i32
      %get3A_289 = arith.index_cast %add3A_288 : i32 to index
      %get3A_290 = arith.constant 48 : index
      %get3A_291 = tpu.vector_load %arg7[%get3A_289, %get3A_290] {strides = array<i32>} : memref<128x128xf32, #tpu.memory_space<vmem>>, vector<1x16xf32>,
      %get3A_292 = vector.shape_cast %get3A_291 : vector<1x16xf32> to vector<16xf32>
      %mul3A_293 = arith.constant 11.3137083 : f32
      %mul3A_294 = vector.broadcast %mul3A_293 : f32 to vector<16xf32>
      %mul3A_295 = arith.mulf %get3A_292, %mul3A_294 : vector<16xf32>
      %add3A_296 = arith.constant 1 : i32
      %add3A_297 = arith.addi %mul3A_112, %add3A_296 : i32
      %swap3A_298 = arith.index_cast %add3A_297 : i32 to index
      %swap3A_299 = arith.constant 48 : index
      %swap3A_300 = tpu.vector_load %arg9[%swap3A_298, %swap3A_299] {strides = array<i32>} : memref<128x128xf32, #tpu.memory_space<vmem>>, vector<1x16xf32>,
      %swap3A_301 = vector.shape_cast %swap3A_300 : vector<1x16xf32> to vector<16xf32>
      %swap3A_302 = vector.shape_cast %mul3A_295 : vector<16xf32> to vector<1x16xf32>
      tpu.vector_store %arg9[%swap3A_298, %swap3A_299], %swap3A_302 {strides = array<i32>} : memref<128x128xf32, #tpu.memory_space<vmem>>, vector<1x16xf32>,
      %add3A_303 = arith.constant 1 : i32
      %add3A_304 = arith.addi %mul3A_112, %add3A_303 : i32
      %get3A_305 = arith.index_cast %add3A_304 : i32 to index
      %get3A_306 = arith.constant 64 : index
      %get3A_307 = tpu.vector_load %arg7[%get3A_305, %get3A_306] {strides = array<i32>} : memref<128x128xf32, #tpu.memory_space<vmem>>, vector<1x16xf32>,
      %get3A_308 = vector.shape_cast %get3A_307 : vector<1x16xf32> to vector<16xf32>
      %mul3A_309 = arith.constant 11.3137083 : f32
      %mul3A_310 = vector.broadcast %mul3A_309 : f32 to vector<16xf32>
      %mul3A_311 = arith.mulf %get3A_308, %mul3A_310 : vector<16xf32>
      %add3A_312 = arith.constant 1 : i32
      %add3A_313 = arith.addi %mul3A_112, %add3A_312 : i32
      %swap3A_314 = arith.index_cast %add3A_313 : i32 to index
      %swap3A_315 = arith.constant 64 : index
      %swap3A_316 = tpu.vector_load %arg9[%swap3A_314, %swap3A_315] {strides = array<i32>} : memref<128x128xf32, #tpu.memory_space<vmem>>, vector<1x16xf32>,
      %swap3A_317 = vector.shape_cast %swap3A_316 : vector<1x16xf32> to vector<16xf32>
      %swap3A_318 = vector.shape_cast %mul3A_311 : vector<16xf32> to vector<1x16xf32>
      tpu.vector_store %arg9[%swap3A_314, %swap3A_315], %swap3A_318 {strides = array<i32>} : memref<128x128xf32, #tpu.memory_space<vmem>>, vector<1x16xf32>,
      %add3A_319 = arith.constant 1 : i32
      %add3A_320 = arith.addi %mul3A_112, %add3A_319 : i32
      %get3A_321 = arith.index_cast %add3A_320 : i32 to index
      %get3A_322 = arith.constant 80 : index
      %get3A_323 = tpu.vector_load %arg7[%get3A_321, %get3A_322] {strides = array<i32>} : memref<128x128xf32, #tpu.memory_space<vmem>>, vector<1x16xf32>,
      %get3A_324 = vector.shape_cast %get3A_323 : vector<1x16xf32> to vector<16xf32>
      %mul3A_325 = arith.constant 11.3137083 : f32
      %mul3A_326 = vector.broadcast %mul3A_325 : f32 to vector<16xf32>
      %mul3A_327 = arith.mulf %get3A_324, %mul3A_326 : vector<16xf32>
      %add3A_328 = arith.constant 1 : i32
      %add3A_329 = arith.addi %mul3A_112, %add3A_328 : i32
      %swap3A_330 = arith.index_cast %add3A_329 : i32 to index
      %swap3A_331 = arith.constant 80 : index
      %swap3A_332 = tpu.vector_load %arg9[%swap3A_330, %swap3A_331] {strides = array<i32>} : memref<128x128xf32, #tpu.memory_space<vmem>>, vector<1x16xf32>,
      %swap3A_333 = vector.shape_cast %swap3A_332 : vector<1x16xf32> to vector<16xf32>
      %swap3A_334 = vector.shape_cast %mul3A_327 : vector<16xf32> to vector<1x16xf32>
      tpu.vector_store %arg9[%swap3A_330, %swap3A_331], %swap3A_334 {strides = array<i32>} : memref<128x128xf32, #tpu.memory_space<vmem>>, vector<1x16xf32>,
      %add3A_335 = arith.constant 1 : i32
      %add3A_336 = arith.addi %mul3A_112, %add3A_335 : i32
      %get3A_337 = arith.index_cast %add3A_336 : i32 to index
      %get3A_338 = arith.constant 96 : index
      %get3A_339 = tpu.vector_load %arg7[%get3A_337, %get3A_338] {strides = array<i32>} : memref<128x128xf32, #tpu.memory_space<vmem>>, vector<1x16xf32>,
      %get3A_340 = vector.shape_cast %get3A_339 : vector<1x16xf32> to vector<16xf32>
      %mul3A_341 = arith.constant 11.3137083 : f32
      %mul3A_342 = vector.broadcast %mul3A_341 : f32 to vector<16xf32>
      %mul3A_343 = arith.mulf %get3A_340, %mul3A_342 : vector<16xf32>
      %add3A_344 = arith.constant 1 : i32
      %add3A_345 = arith.addi %mul3A_112, %add3A_344 : i32
      %swap3A_346 = arith.index_cast %add3A_345 : i32 to index
      %swap3A_347 = arith.constant 96 : index
      %swap3A_348 = tpu.vector_load %arg9[%swap3A_346, %swap3A_347] {strides = array<i32>} : memref<128x128xf32, #tpu.memory_space<vmem>>, vector<1x16xf32>,
      %swap3A_349 = vector.shape_cast %swap3A_348 : vector<1x16xf32> to vector<16xf32>
      %swap3A_350 = vector.shape_cast %mul3A_343 : vector<16xf32> to vector<1x16xf32>
      tpu.vector_store %arg9[%swap3A_346, %swap3A_347], %swap3A_350 {strides = array<i32>} : memref<128x128xf32, #tpu.memory_space<vmem>>, vector<1x16xf32>,
      %add3A_351 = arith.constant 1 : i32
      %add3A_352 = arith.addi %mul3A_112, %add3A_351 : i32
      %get3A_353 = arith.index_cast %add3A_352 : i32 to index
      %get3A_354 = arith.constant 112 : index
      %get3A_355 = tpu.vector_load %arg7[%get3A_353, %get3A_354] {strides = array<i32>} : memref<128x128xf32, #tpu.memory_space<vmem>>, vector<1x16xf32>,
      %get3A_356 = vector.shape_cast %get3A_355 : vector<1x16xf32> to vector<16xf32>
      %mul3A_357 = arith.constant 11.3137083 : f32
      %mul3A_358 = vector.broadcast %mul3A_357 : f32 to vector<16xf32>
      %mul3A_359 = arith.mulf %get3A_356, %mul3A_358 : vector<16xf32>
      %add3A_360 = arith.constant 1 : i32
      %add3A_361 = arith.addi %mul3A_112, %add3A_360 : i32
      %swap3A_362 = arith.index_cast %add3A_361 : i32 to index
      %swap3A_363 = arith.constant 112 : index
      %swap3A_364 = tpu.vector_load %arg9[%swap3A_362, %swap3A_363] {strides = array<i32>} : memref<128x128xf32, #tpu.memory_space<vmem>>, vector<1x16xf32>,
      %swap3A_365 = vector.shape_cast %swap3A_364 : vector<1x16xf32> to vector<16xf32>
      %swap3A_366 = vector.shape_cast %mul3A_359 : vector<16xf32> to vector<1x16xf32>
      tpu.vector_store %arg9[%swap3A_362, %swap3A_363], %swap3A_366 {strides = array<i32>} : memref<128x128xf32, #tpu.memory_space<vmem>>, vector<1x16xf32>,
      %add3A_367 = arith.constant 2 : i32
      %add3A_368 = arith.addi %mul3A_112, %add3A_367 : i32
      %get3A_369 = arith.index_cast %add3A_368 : i32 to index
      %get3A_370 = arith.constant 0 : index
      %get3A_371 = tpu.vector_load %arg7[%get3A_369, %get3A_370] {strides = array<i32>} : memref<128x128xf32, #tpu.memory_space<vmem>>, vector<1x16xf32>,
      %get3A_372 = vector.shape_cast %get3A_371 : vector<1x16xf32> to vector<16xf32>
      %mul3A_373 = arith.constant 11.3137083 : f32
      %mul3A_374 = vector.broadcast %mul3A_373 : f32 to vector<16xf32>
      %mul3A_375 = arith.mulf %get3A_372, %mul3A_374 : vector<16xf32>
      %add3A_376 = arith.constant 2 : i32
      %add3A_377 = arith.addi %mul3A_112, %add3A_376 : i32
      %swap3A_378 = arith.index_cast %add3A_377 : i32 to index
      %swap3A_379 = arith.constant 0 : index
      %swap3A_380 = tpu.vector_load %arg9[%swap3A_378, %swap3A_379] {strides = array<i32>} : memref<128x128xf32, #tpu.memory_space<vmem>>, vector<1x16xf32>,
      %swap3A_381 = vector.shape_cast %swap3A_380 : vector<1x16xf32> to vector<16xf32>
      %swap3A_382 = vector.shape_cast %mul3A_375 : vector<16xf32> to vector<1x16xf32>
      tpu.vector_store %arg9[%swap3A_378, %swap3A_379], %swap3A_382 {strides = array<i32>} : memref<128x128xf32, #tpu.memory_space<vmem>>, vector<1x16xf32>,
      %add3A_383 = arith.constant 2 : i32
      %add3A_384 = arith.addi %mul3A_112, %add3A_383 : i32
      %get3A_385 = arith.index_cast %add3A_384 : i32 to index
      %get3A_386 = arith.constant 16 : index
      %get3A_387 = tpu.vector_load %arg7[%get3A_385, %get3A_386] {strides = array<i32>} : memref<128x128xf32, #tpu.memory_space<vmem>>, vector<1x16xf32>,
      %get3A_388 = vector.shape_cast %get3A_387 : vector<1x16xf32> to vector<16xf32>
      %mul3A_389 = arith.constant 11.3137083 : f32
      %mul3A_390 = vector.broadcast %mul3A_389 : f32 to vector<16xf32>
      %mul3A_391 = arith.mulf %get3A_388, %mul3A_390 : vector<16xf32>
      %add3A_392 = arith.constant 2 : i32
      %add3A_393 = arith.addi %mul3A_112, %add3A_392 : i32
      %swap3A_394 = arith.index_cast %add3A_393 : i32 to index
      %swap3A_395 = arith.constant 16 : index
      %swap3A_396 = tpu.vector_load %arg9[%swap3A_394, %swap3A_395] {strides = array<i32>} : memref<128x128xf32, #tpu.memory_space<vmem>>, vector<1x16xf32>,
      %swap3A_397 = vector.shape_cast %swap3A_396 : vector<1x16xf32> to vector<16xf32>
      %swap3A_398 = vector.shape_cast %mul3A_391 : vector<16xf32> to vector<1x16xf32>
      tpu.vector_store %arg9[%swap3A_394, %swap3A_395], %swap3A_398 {strides = array<i32>} : memref<128x128xf32, #tpu.memory_space<vmem>>, vector<1x16xf32>,
      %add3A_399 = arith.constant 2 : i32
      %add3A_400 = arith.addi %mul3A_112, %add3A_399 : i32
      %get3A_401 = arith.index_cast %add3A_400 : i32 to index
      %get3A_402 = arith.constant 32 : index
      %get3A_403 = tpu.vector_load %arg7[%get3A_401, %get3A_402] {strides = array<i32>} : memref<128x128xf32, #tpu.memory_space<vmem>>, vector<1x16xf32>,
      %get3A_404 = vector.shape_cast %get3A_403 : vector<1x16xf32> to vector<16xf32>
      %mul3A_405 = arith.constant 11.3137083 : f32
      %mul3A_406 = vector.broadcast %mul3A_405 : f32 to vector<16xf32>
      %mul3A_407 = arith.mulf %get3A_404, %mul3A_406 : vector<16xf32>
      %add3A_408 = arith.constant 2 : i32
      %add3A_409 = arith.addi %mul3A_112, %add3A_408 : i32
      %swap3A_410 = arith.index_cast %add3A_409 : i32 to index
      %swap3A_411 = arith.constant 32 : index
      %swap3A_412 = tpu.vector_load %arg9[%swap3A_410, %swap3A_411] {strides = array<i32>} : memref<128x128xf32, #tpu.memory_space<vmem>>, vector<1x16xf32>,
      %swap3A_413 = vector.shape_cast %swap3A_412 : vector<1x16xf32> to vector<16xf32>
      %swap3A_414 = vector.shape_cast %mul3A_407 : vector<16xf32> to vector<1x16xf32>
      tpu.vector_store %arg9[%swap3A_410, %swap3A_411], %swap3A_414 {strides = array<i32>} : memref<128x128xf32, #tpu.memory_space<vmem>>, vector<1x16xf32>,
      %add3A_415 = arith.constant 2 : i32
      %add3A_416 = arith.addi %mul3A_112, %add3A_415 : i32
      %get3A_417 = arith.index_cast %add3A_416 : i32 to index
      %get3A_418 = arith.constant 48 : index
      %get3A_419 = tpu.vector_load %arg7[%get3A_417, %get3A_418] {strides = array<i32>} : memref<128x128xf32, #tpu.memory_space<vmem>>, vector<1x16xf32>,
      %get3A_420 = vector.shape_cast %get3A_419 : vector<1x16xf32> to vector<16xf32>
      %mul3A_421 = arith.constant 11.3137083 : f32
      %mul3A_422 = vector.broadcast %mul3A_421 : f32 to vector<16xf32>
      %mul3A_423 = arith.mulf %get3A_420, %mul3A_422 : vector<16xf32>
      %add3A_424 = arith.constant 2 : i32
      %add3A_425 = arith.addi %mul3A_112, %add3A_424 : i32
      %swap3A_426 = arith.index_cast %add3A_425 : i32 to index
      %swap3A_427 = arith.constant 48 : index
      %swap3A_428 = tpu.vector_load %arg9[%swap3A_426, %swap3A_427] {strides = array<i32>} : memref<128x128xf32, #tpu.memory_space<vmem>>, vector<1x16xf32>,
      %swap3A_429 = vector.shape_cast %swap3A_428 : vector<1x16xf32> to vector<16xf32>
      %swap3A_430 = vector.shape_cast %mul3A_423 : vector<16xf32> to vector<1x16xf32>
      tpu.vector_store %arg9[%swap3A_426, %swap3A_427], %swap3A_430 {strides = array<i32>} : memref<128x128xf32, #tpu.memory_space<vmem>>, vector<1x16xf32>,
      %add3A_431 = arith.constant 2 : i32
      %add3A_432 = arith.addi %mul3A_112, %add3A_431 : i32
      %get3A_433 = arith.index_cast %add3A_432 : i32 to index
      %get3A_434 = arith.constant 64 : index
      %get3A_435 = tpu.vector_load %arg7[%get3A_433, %get3A_434] {strides = array<i32>} : memref<128x128xf32, #tpu.memory_space<vmem>>, vector<1x16xf32>,
      %get3A_436 = vector.shape_cast %get3A_435 : vector<1x16xf32> to vector<16xf32>
      %mul3A_437 = arith.constant 11.3137083 : f32
      %mul3A_438 = vector.broadcast %mul3A_437 : f32 to vector<16xf32>
      %mul3A_439 = arith.mulf %get3A_436, %mul3A_438 : vector<16xf32>
      %add3A_440 = arith.constant 2 : i32
      %add3A_441 = arith.addi %mul3A_112, %add3A_440 : i32
      %swap3A_442 = arith.index_cast %add3A_441 : i32 to index
      %swap3A_443 = arith.constant 64 : index
      %swap3A_444 = tpu.vector_load %arg9[%swap3A_442, %swap3A_443] {strides = array<i32>} : memref<128x128xf32, #tpu.memory_space<vmem>>, vector<1x16xf32>,
      %swap3A_445 = vector.shape_cast %swap3A_444 : vector<1x16xf32> to vector<16xf32>
      %swap3A_446 = vector.shape_cast %mul3A_439 : vector<16xf32> to vector<1x16xf32>
      tpu.vector_store %arg9[%swap3A_442, %swap3A_443], %swap3A_446 {strides = array<i32>} : memref<128x128xf32, #tpu.memory_space<vmem>>, vector<1x16xf32>,
      %add3A_447 = arith.constant 2 : i32
      %add3A_448 = arith.addi %mul3A_112, %add3A_447 : i32
      %get3A_449 = arith.index_cast %add3A_448 : i32 to index
      %get3A_450 = arith.constant 80 : index
      %get3A_451 = tpu.vector_load %arg7[%get3A_449, %get3A_450] {strides = array<i32>} : memref<128x128xf32, #tpu.memory_space<vmem>>, vector<1x16xf32>,
      %get3A_452 = vector.shape_cast %get3A_451 : vector<1x16xf32> to vector<16xf32>
      %mul3A_453 = arith.constant 11.3137083 : f32
      %mul3A_454 = vector.broadcast %mul3A_453 : f32 to vector<16xf32>
      %mul3A_455 = arith.mulf %get3A_452, %mul3A_454 : vector<16xf32>
      %add3A_456 = arith.constant 2 : i32
      %add3A_457 = arith.addi %mul3A_112, %add3A_456 : i32
      %swap3A_458 = arith.index_cast %add3A_457 : i32 to index
      %swap3A_459 = arith.constant 80 : index
      %swap3A_460 = tpu.vector_load %arg9[%swap3A_458, %swap3A_459] {strides = array<i32>} : memref<128x128xf32, #tpu.memory_space<vmem>>, vector<1x16xf32>,
      %swap3A_461 = vector.shape_cast %swap3A_460 : vector<1x16xf32> to vector<16xf32>
      %swap3A_462 = vector.shape_cast %mul3A_455 : vector<16xf32> to vector<1x16xf32>
      tpu.vector_store %arg9[%swap3A_458, %swap3A_459], %swap3A_462 {strides = array<i32>} : memref<128x128xf32, #tpu.memory_space<vmem>>, vector<1x16xf32>,
      %add3A_463 = arith.constant 2 : i32
      %add3A_464 = arith.addi %mul3A_112, %add3A_463 : i32
      %get3A_465 = arith.index_cast %add3A_464 : i32 to index
      %get3A_466 = arith.constant 96 : index
      %get3A_467 = tpu.vector_load %arg7[%get3A_465, %get3A_466] {strides = array<i32>} : memref<128x128xf32, #tpu.memory_space<vmem>>, vector<1x16xf32>,
      %get3A_468 = vector.shape_cast %get3A_467 : vector<1x16xf32> to vector<16xf32>
      %mul3A_469 = arith.constant 11.3137083 : f32
      %mul3A_470 = vector.broadcast %mul3A_469 : f32 to vector<16xf32>
      %mul3A_471 = arith.mulf %get3A_468, %mul3A_470 : vector<16xf32>
      %add3A_472 = arith.constant 2 : i32
      %add3A_473 = arith.addi %mul3A_112, %add3A_472 : i32
      %swap3A_474 = arith.index_cast %add3A_473 : i32 to index
      %swap3A_475 = arith.constant 96 : index
      %swap3A_476 = tpu.vector_load %arg9[%swap3A_474, %swap3A_475] {strides = array<i32>} : memref<128x128xf32, #tpu.memory_space<vmem>>, vector<1x16xf32>,
      %swap3A_477 = vector.shape_cast %swap3A_476 : vector<1x16xf32> to vector<16xf32>
      %swap3A_478 = vector.shape_cast %mul3A_471 : vector<16xf32> to vector<1x16xf32>
      tpu.vector_store %arg9[%swap3A_474, %swap3A_475], %swap3A_478 {strides = array<i32>} : memref<128x128xf32, #tpu.memory_space<vmem>>, vector<1x16xf32>,
      %add3A_479 = arith.constant 2 : i32
      %add3A_480 = arith.addi %mul3A_112, %add3A_479 : i32
      %get3A_481 = arith.index_cast %add3A_480 : i32 to index
      %get3A_482 = arith.constant 112 : index
      %get3A_483 = tpu.vector_load %arg7[%get3A_481, %get3A_482] {strides = array<i32>} : memref<128x128xf32, #tpu.memory_space<vmem>>, vector<1x16xf32>,
      %get3A_484 = vector.shape_cast %get3A_483 : vector<1x16xf32> to vector<16xf32>
      %mul3A_485 = arith.constant 11.3137083 : f32
      %mul3A_486 = vector.broadcast %mul3A_485 : f32 to vector<16xf32>
      %mul3A_487 = arith.mulf %get3A_484, %mul3A_486 : vector<16xf32>
      %add3A_488 = arith.constant 2 : i32
      %add3A_489 = arith.addi %mul3A_112, %add3A_488 : i32
      %swap3A_490 = arith.index_cast %add3A_489 : i32 to index
      %swap3A_491 = arith.constant 112 : index
      %swap3A_492 = tpu.vector_load %arg9[%swap3A_490, %swap3A_491] {strides = array<i32>} : memref<128x128xf32, #tpu.memory_space<vmem>>, vector<1x16xf32>,
      %swap3A_493 = vector.shape_cast %swap3A_492 : vector<1x16xf32> to vector<16xf32>
      %swap3A_494 = vector.shape_cast %mul3A_487 : vector<16xf32> to vector<1x16xf32>
      tpu.vector_store %arg9[%swap3A_490, %swap3A_491], %swap3A_494 {strides = array<i32>} : memref<128x128xf32, #tpu.memory_space<vmem>>, vector<1x16xf32>,
      %add3A_495 = arith.constant 3 : i32
      %add3A_496 = arith.addi %mul3A_112, %add3A_495 : i32
      %get3A_497 = arith.index_cast %add3A_496 : i32 to index
      %get3A_498 = arith.constant 0 : index
      %get3A_499 = tpu.vector_load %arg7[%get3A_497, %get3A_498] {strides = array<i32>} : memref<128x128xf32, #tpu.memory_space<vmem>>, vector<1x16xf32>,
      %get3A_500 = vector.shape_cast %get3A_499 : vector<1x16xf32> to vector<16xf32>
      %mul3A_501 = arith.constant 11.3137083 : f32
      %mul3A_502 = vector.broadcast %mul3A_501 : f32 to vector<16xf32>
      %mul3A_503 = arith.mulf %get3A_500, %mul3A_502 : vector<16xf32>
      %add3A_504 = arith.constant 3 : i32
      %add3A_505 = arith.addi %mul3A_112, %add3A_504 : i32
      %swap3A_506 = arith.index_cast %add3A_505 : i32 to index
      %swap3A_507 = arith.constant 0 : index
      %swap3A_508 = tpu.vector_load %arg9[%swap3A_506, %swap3A_507] {strides = array<i32>} : memref<128x128xf32, #tpu.memory_space<vmem>>, vector<1x16xf32>,
      %swap3A_509 = vector.shape_cast %swap3A_508 : vector<1x16xf32> to vector<16xf32>
      %swap3A_510 = vector.shape_cast %mul3A_503 : vector<16xf32> to vector<1x16xf32>
      tpu.vector_store %arg9[%swap3A_506, %swap3A_507], %swap3A_510 {strides = array<i32>} : memref<128x128xf32, #tpu.memory_space<vmem>>, vector<1x16xf32>,
      %add3A_511 = arith.constant 3 : i32
      %add3A_512 = arith.addi %mul3A_112, %add3A_511 : i32
      %get3A_513 = arith.index_cast %add3A_512 : i32 to index
      %get3A_514 = arith.constant 16 : index
      %get3A_515 = tpu.vector_load %arg7[%get3A_513, %get3A_514] {strides = array<i32>} : memref<128x128xf32, #tpu.memory_space<vmem>>, vector<1x16xf32>,
      %get3A_516 = vector.shape_cast %get3A_515 : vector<1x16xf32> to vector<16xf32>
      %mul3A_517 = arith.constant 11.3137083 : f32
      %mul3A_518 = vector.broadcast %mul3A_517 : f32 to vector<16xf32>
      %mul3A_519 = arith.mulf %get3A_516, %mul3A_518 : vector<16xf32>
      %add3A_520 = arith.constant 3 : i32
      %add3A_521 = arith.addi %mul3A_112, %add3A_520 : i32
      %swap3A_522 = arith.index_cast %add3A_521 : i32 to index
      %swap3A_523 = arith.constant 16 : index
      %swap3A_524 = tpu.vector_load %arg9[%swap3A_522, %swap3A_523] {strides = array<i32>} : memref<128x128xf32, #tpu.memory_space<vmem>>, vector<1x16xf32>,
      %swap3A_525 = vector.shape_cast %swap3A_524 : vector<1x16xf32> to vector<16xf32>
      %swap3A_526 = vector.shape_cast %mul3A_519 : vector<16xf32> to vector<1x16xf32>
      tpu.vector_store %arg9[%swap3A_522, %swap3A_523], %swap3A_526 {strides = array<i32>} : memref<128x128xf32, #tpu.memory_space<vmem>>, vector<1x16xf32>,
      %add3A_527 = arith.constant 3 : i32
      %add3A_528 = arith.addi %mul3A_112, %add3A_527 : i32
      %get3A_529 = arith.index_cast %add3A_528 : i32 to index
      %get3A_530 = arith.constant 32 : index
      %get3A_531 = tpu.vector_load %arg7[%get3A_529, %get3A_530] {strides = array<i32>} : memref<128x128xf32, #tpu.memory_space<vmem>>, vector<1x16xf32>,
      %get3A_532 = vector.shape_cast %get3A_531 : vector<1x16xf32> to vector<16xf32>
      %mul3A_533 = arith.constant 11.3137083 : f32
      %mul3A_534 = vector.broadcast %mul3A_533 : f32 to vector<16xf32>
      %mul3A_535 = arith.mulf %get3A_532, %mul3A_534 : vector<16xf32>
      %add3A_536 = arith.constant 3 : i32
      %add3A_537 = arith.addi %mul3A_112, %add3A_536 : i32
      %swap3A_538 = arith.index_cast %add3A_537 : i32 to index
      %swap3A_539 = arith.constant 32 : index
      %swap3A_540 = tpu.vector_load %arg9[%swap3A_538, %swap3A_539] {strides = array<i32>} : memref<128x128xf32, #tpu.memory_space<vmem>>, vector<1x16xf32>,
      %swap3A_541 = vector.shape_cast %swap3A_540 : vector<1x16xf32> to vector<16xf32>
      %swap3A_542 = vector.shape_cast %mul3A_535 : vector<16xf32> to vector<1x16xf32>
      tpu.vector_store %arg9[%swap3A_538, %swap3A_539], %swap3A_542 {strides = array<i32>} : memref<128x128xf32, #tpu.memory_space<vmem>>, vector<1x16xf32>,
      %add3A_543 = arith.constant 3 : i32
      %add3A_544 = arith.addi %mul3A_112, %add3A_543 : i32
      %get3A_545 = arith.index_cast %add3A_544 : i32 to index
      %get3A_546 = arith.constant 48 : index
      %get3A_547 = tpu.vector_load %arg7[%get3A_545, %get3A_546] {strides = array<i32>} : memref<128x128xf32, #tpu.memory_space<vmem>>, vector<1x16xf32>,
      %get3A_548 = vector.shape_cast %get3A_547 : vector<1x16xf32> to vector<16xf32>
      %mul3A_549 = arith.constant 11.3137083 : f32
      %mul3A_550 = vector.broadcast %mul3A_549 : f32 to vector<16xf32>
      %mul3A_551 = arith.mulf %get3A_548, %mul3A_550 : vector<16xf32>
      %add3A_552 = arith.constant 3 : i32
      %add3A_553 = arith.addi %mul3A_112, %add3A_552 : i32
      %swap3A_554 = arith.index_cast %add3A_553 : i32 to index
      %swap3A_555 = arith.constant 48 : index
      %swap3A_556 = tpu.vector_load %arg9[%swap3A_554, %swap3A_555] {strides = array<i32>} : memref<128x128xf32, #tpu.memory_space<vmem>>, vector<1x16xf32>,
      %swap3A_557 = vector.shape_cast %swap3A_556 : vector<1x16xf32> to vector<16xf32>
      %swap3A_558 = vector.shape_cast %mul3A_551 : vector<16xf32> to vector<1x16xf32>
      tpu.vector_store %arg9[%swap3A_554, %swap3A_555], %swap3A_558 {strides = array<i32>} : memref<128x128xf32, #tpu.memory_space<vmem>>, vector<1x16xf32>,
      %add3A_559 = arith.constant 3 : i32
      %add3A_560 = arith.addi %mul3A_112, %add3A_559 : i32
      %get3A_561 = arith.index_cast %add3A_560 : i32 to index
      %get3A_562 = arith.constant 64 : index
      %get3A_563 = tpu.vector_load %arg7[%get3A_561, %get3A_562] {strides = array<i32>} : memref<128x128xf32, #tpu.memory_space<vmem>>, vector<1x16xf32>,
      %get3A_564 = vector.shape_cast %get3A_563 : vector<1x16xf32> to vector<16xf32>
      %mul3A_565 = arith.constant 11.3137083 : f32
      %mul3A_566 = vector.broadcast %mul3A_565 : f32 to vector<16xf32>
      %mul3A_567 = arith.mulf %get3A_564, %mul3A_566 : vector<16xf32>
      %add3A_568 = arith.constant 3 : i32
      %add3A_569 = arith.addi %mul3A_112, %add3A_568 : i32
      %swap3A_570 = arith.index_cast %add3A_569 : i32 to index
      %swap3A_571 = arith.constant 64 : index
      %swap3A_572 = tpu.vector_load %arg9[%swap3A_570, %swap3A_571] {strides = array<i32>} : memref<128x128xf32, #tpu.memory_space<vmem>>, vector<1x16xf32>,
      %swap3A_573 = vector.shape_cast %swap3A_572 : vector<1x16xf32> to vector<16xf32>
      %swap3A_574 = vector.shape_cast %mul3A_567 : vector<16xf32> to vector<1x16xf32>
      tpu.vector_store %arg9[%swap3A_570, %swap3A_571], %swap3A_574 {strides = array<i32>} : memref<128x128xf32, #tpu.memory_space<vmem>>, vector<1x16xf32>,
      %add3A_575 = arith.constant 3 : i32
      %add3A_576 = arith.addi %mul3A_112, %add3A_575 : i32
      %get3A_577 = arith.index_cast %add3A_576 : i32 to index
      %get3A_578 = arith.constant 80 : index
      %get3A_579 = tpu.vector_load %arg7[%get3A_577, %get3A_578] {strides = array<i32>} : memref<128x128xf32, #tpu.memory_space<vmem>>, vector<1x16xf32>,
      %get3A_580 = vector.shape_cast %get3A_579 : vector<1x16xf32> to vector<16xf32>
      %mul3A_581 = arith.constant 11.3137083 : f32
      %mul3A_582 = vector.broadcast %mul3A_581 : f32 to vector<16xf32>
      %mul3A_583 = arith.mulf %get3A_580, %mul3A_582 : vector<16xf32>
      %add3A_584 = arith.constant 3 : i32
      %add3A_585 = arith.addi %mul3A_112, %add3A_584 : i32
      %swap3A_586 = arith.index_cast %add3A_585 : i32 to index
      %swap3A_587 = arith.constant 80 : index
      %swap3A_588 = tpu.vector_load %arg9[%swap3A_586, %swap3A_587] {strides = array<i32>} : memref<128x128xf32, #tpu.memory_space<vmem>>, vector<1x16xf32>,
      %swap3A_589 = vector.shape_cast %swap3A_588 : vector<1x16xf32> to vector<16xf32>
      %swap3A_590 = vector.shape_cast %mul3A_583 : vector<16xf32> to vector<1x16xf32>
      tpu.vector_store %arg9[%swap3A_586, %swap3A_587], %swap3A_590 {strides = array<i32>} : memref<128x128xf32, #tpu.memory_space<vmem>>, vector<1x16xf32>,
      %add3A_591 = arith.constant 3 : i32
      %add3A_592 = arith.addi %mul3A_112, %add3A_591 : i32
      %get3A_593 = arith.index_cast %add3A_592 : i32 to index
      %get3A_594 = arith.constant 96 : index
      %get3A_595 = tpu.vector_load %arg7[%get3A_593, %get3A_594] {strides = array<i32>} : memref<128x128xf32, #tpu.memory_space<vmem>>, vector<1x16xf32>,
      %get3A_596 = vector.shape_cast %get3A_595 : vector<1x16xf32> to vector<16xf32>
      %mul3A_597 = arith.constant 11.3137083 : f32
      %mul3A_598 = vector.broadcast %mul3A_597 : f32 to vector<16xf32>
      %mul3A_599 = arith.mulf %get3A_596, %mul3A_598 : vector<16xf32>
      %add3A_600 = arith.constant 3 : i32
      %add3A_601 = arith.addi %mul3A_112, %add3A_600 : i32
      %swap3A_602 = arith.index_cast %add3A_601 : i32 to index
      %swap3A_603 = arith.constant 96 : index
      %swap3A_604 = tpu.vector_load %arg9[%swap3A_602, %swap3A_603] {strides = array<i32>} : memref<128x128xf32, #tpu.memory_space<vmem>>, vector<1x16xf32>,
      %swap3A_605 = vector.shape_cast %swap3A_604 : vector<1x16xf32> to vector<16xf32>
      %swap3A_606 = vector.shape_cast %mul3A_599 : vector<16xf32> to vector<1x16xf32>
      tpu.vector_store %arg9[%swap3A_602, %swap3A_603], %swap3A_606 {strides = array<i32>} : memref<128x128xf32, #tpu.memory_space<vmem>>, vector<1x16xf32>,
      %add3A_607 = arith.constant 3 : i32
      %add3A_608 = arith.addi %mul3A_112, %add3A_607 : i32
      %get3A_609 = arith.index_cast %add3A_608 : i32 to index
      %get3A_610 = arith.constant 112 : index
      %get3A_611 = tpu.vector_load %arg7[%get3A_609, %get3A_610] {strides = array<i32>} : memref<128x128xf32, #tpu.memory_space<vmem>>, vector<1x16xf32>,
      %get3A_612 = vector.shape_cast %get3A_611 : vector<1x16xf32> to vector<16xf32>
      %mul3A_613 = arith.constant 11.3137083 : f32
      %mul3A_614 = vector.broadcast %mul3A_613 : f32 to vector<16xf32>
      %mul3A_615 = arith.mulf %get3A_612, %mul3A_614 : vector<16xf32>
      %add3A_616 = arith.constant 3 : i32
      %add3A_617 = arith.addi %mul3A_112, %add3A_616 : i32
      %swap3A_618 = arith.index_cast %add3A_617 : i32 to index
      %swap3A_619 = arith.constant 112 : index
      %swap3A_620 = tpu.vector_load %arg9[%swap3A_618, %swap3A_619] {strides = array<i32>} : memref<128x128xf32, #tpu.memory_space<vmem>>, vector<1x16xf32>,
      %swap3A_621 = vector.shape_cast %swap3A_620 : vector<1x16xf32> to vector<16xf32>
      %swap3A_622 = vector.shape_cast %mul3A_615 : vector<16xf32> to vector<1x16xf32>
      tpu.vector_store %arg9[%swap3A_618, %swap3A_619], %swap3A_622 {strides = array<i32>} : memref<128x128xf32, #tpu.memory_space<vmem>>, vector<1x16xf32>,
    }
    %scan3A_95 = arith.constant 32 : i32
    %add3A_96 = arith.constant 6272 : i32
    %add3A_97 = arith.addi %mul3A_2, %add3A_96 : i32
    %dma_start3A_98 = arith.constant 0 : i32
    %dma_start3A_99 = tpu.memref_slice %arg4[%add3A_97, %dma_start3A_98] : memref<204800x128xf32, #tpu.memory_space<hbm>> -> memref<128x128xf32, #tpu.memory_space<hbm>>
    %dma_start3A_100 = arith.constant 0 : i32
    %dma_start3A_101 = tpu.memref_slice %arg4[%add3A_97, %dma_start3A_100] : memref<204800x128xf32, #tpu.memory_space<hbm>> -> memref<128x128xf32, #tpu.memory_space<hbm>>
    tpu.enqueue_dma source(%arg9 : memref<128x128xf32, #tpu.memory_space<vmem>>) target(%dma_start3A_101 : memref<128x128xf32, #tpu.memory_space<hbm>>) target_semaphore(%arg13 : memref<!tpu.dma_semaphore, #tpu.memory_space<semaphore_mem>>)
    %dma_wait3A_102 = arith.constant 0 : i32
    %dma_wait3A_103 = tpu.memref_slice %arg4[%mul3A_2, %dma_wait3A_102] : memref<204800x128xf32, #tpu.memory_space<hbm>> -> memref<128x128xf32, #tpu.memory_space<hbm>>
    %dma_wait3A_104 = arith.constant 0 : i32
    %dma_wait3A_105 = tpu.memref_slice %arg4[%mul3A_2, %dma_wait3A_104] : memref<204800x128xf32, #tpu.memory_space<hbm>> -> memref<128x128xf32, #tpu.memory_space<hbm>>
    tpu.wait_dma2 semaphore(%arg12 : memref<!tpu.dma_semaphore, #tpu.memory_space<semaphore_mem>>) src(%arg8 : memref<128x128xf32, #tpu.memory_space<vmem>>) dst(%dma_wait3A_105 : memref<128x128xf32, #tpu.memory_space<hbm>>)
    %dma_wait3A_106 = arith.constant 0 : i32
    %dma_wait3A_107 = tpu.memref_slice %arg4[%mul3A_2, %dma_wait3A_106] : memref<204800x128xf32, #tpu.memory_space<hbm>> -> memref<128x128xf32, #tpu.memory_space<hbm>>
    %dma_wait3A_108 = arith.constant 0 : i32
    %dma_wait3A_109 = tpu.memref_slice %arg4[%mul3A_2, %dma_wait3A_108] : memref<204800x128xf32, #tpu.memory_space<hbm>> -> memref<128x128xf32, #tpu.memory_space<hbm>>
    tpu.wait_dma2 semaphore(%arg13 : memref<!tpu.dma_semaphore, #tpu.memory_space<semaphore_mem>>) src(%arg9 : memref<128x128xf32, #tpu.memory_space<vmem>>) dst(%dma_wait3A_109 : memref<128x128xf32, #tpu.memory_space<hbm>>)
    return
  }
}

</mosaic_0001>

<sc_bundles>
// kernel: kernel.3.cloned.1.call-start
scs
__scs_entry_jumppad:
0x0: {  	(pc) =	sbr.rel $0x88, $3  }
0x1: {  	(tag) =	ssettag $0x0;
	lr =	simm.s32 $0x1  }
0x2: {  	[smem:$0x3F9F] =	sst lr;
	_ =	strace $0xD0000000  }
0x3: {  	_ = 	snop  }
0x4: {  	_ = 	snop  }
0x5: {  	_ = 	snop  }
0x6: {  	_ = 	snop  }
0x7: {  	_ = 	snop  }
__scs_overlays_trampoline_lowered:
0x8: {  	[smem:$0x3FAE] =	sst s0  }
0x9: {  	[smem:$0x3FAF] =	sst s1  }
0xa: {  	[smem:$0x3FB0] =	sst s2  }
0xb: {  	[smem:$0x3FB1] =	sst s3  }
0xc: {  	[smem:$0x3FB2] =	sst s4  }
0xd: {  	[smem:$0x3FB3] =	sst s5  }
0xe: {  	[smem:$0x3FB4] =	sst s6  }
0xf: {  	[smem:$0x3FB5] =	sst s7  }
0x10: {  	[smem:$0x3FB6] =	sst s8  }
0x11: {  	[smem:$0x3FB7] =	sst s9;
	s0 =	simm.s32 @!p0 $0x0  }
0x12: {  	s1 =	sld [smem:$0x3F9D];
	s0 =	simm.s32 @p0 $0x1  }
0x13: {  	[smem:$0x3FB8] =	sst s0;
	s0 =	simm.s32 @!p1 $0x0  }
0x14: {  	s2 =	sld [smem:$0x3F9C];
	s0 =	simm.s32 @p1 $0x1  }
0x15: {  	[smem:$0x3FB9] =	sst s0;
	s0 =	simm.s32 @!p2 $0x0  }
0x16: {  	s3 =	sld [smem:$0x3FDB];
	s0 =	simm.s32 @p2 $0x1  }
0x17: {  	s4 =	simm.s32 $0x1BF5;
	[smem:$0x3FBB] =	sst s0  }
0x18: {  	s0 =	sld [smem:$0x3F9E];
	_ =	swait.ge [sflag:s4], $0x0  }
0x19: {  	s7 =	sld [smem:$0x3F9F]  }
0x1a: {  	s8 =	sadd.s32 $0xFFFFE003, lr  }
0x1b: {  	s9 =	sadd.s32 $0xFFFFFEF7, lr;
	s5 =	simm.s32 $0xFFFFFFFF;
	p2 =	slt.u32 s8, $0xFFFFF086  }
0x1c: {  	p1 =	slt.u32 s9, $0xF7A;
	s5 =	simm.s32 @!p2 $0x0  }
0x1d: {  	s5 =	simm.s32 @p1 $0x1;
	p0 =	seq.s32 s7, s2  }
0x1e: {  	s7 =	smul.u32 @!p0 $0xF7A, s2;
	p2 =	seq.s32 @!p0 s5, $0x0  }
0x1f: {  	s9 =	smul.u32 $0xF7A, s1;
	s8 =	simm.s32 @!p0 $0x1BF5;
	p2 =	por !p2, p0  }
0x20: {  	[sflag:s8] =	ssyncset.s32 @!p0 $0xFFFFF086;
	s6 =	sadd.s32 @!p0 s3, s7;
	s7 =	simm.s32 @!p0 $0x108  }
0x21: {  	s3 =	sadd.s32 s3, s9;
	s6 =	sadd.s32 @!p0 $0x88, s6;
	s7 =	simm.s32 @p2 $0x1082  }
0x22: {  	[simem:s7], [sflag:s8] =	dma.local @!p0 [hbm:s6], $0xF7A  }
0x23: {  	s9 =	sor.u32 $0xD0000000, s2;
	s6 =	simm.s32 $0x108;
	_ =	swait.ge @!p0 [sflag:s8], $0x0  }
0x24: {  	s3 =	sadd.s32 $0x88, s3;
	s6 =	simm.s32 @!p1 $0x1082;
	[sflag:s4] =	ssyncset.s32 $0xFFFFF086  }
0x25: {  	[simem:s6], [sflag:s4] =	dma.local [hbm:s3], $0xF7A  }
0x26: {  	[smem:$0x3F9F] =	sst s1;
	(tag) =	ssettag s2;
	_ =	strace s9  }
0x27: {  	s1 =	sld [smem:$0x3FAF]  }
0x28: {  	s2 =	sld [smem:$0x3FB0]  }
0x29: {  	s4 =	sld [smem:$0x3FB2]  }
0x2a: {  	p0 =	seq.s32 s5, $0x0;
	s5 =	sld [smem:$0x3FB3]  }
0x2b: {  	s6 =	sld [smem:$0x3FB4]  }
0x2c: {  	s7 =	sld [smem:$0x3FB5]  }
0x2d: {  	s3 =	simm.s32 $0x108;
	s8 =	sld [smem:$0x3FB6]  }
0x2e: {  	s3 =	simm.s32 @!p0 $0x1082;
	s9 =	sld [smem:$0x3FB7]  }
0x2f: {  	lr =	sadd.s32 s0, s3;
	s0 =	sld [smem:$0x3FAE]  }
0x30: {  	s3 =	sld [smem:$0x3FB1]  }
0x31: {  	[smem:$0x3FBA] =	sst s10  }
0x32: {  	s10 =	sld [smem:$0x3FB8];
	_ =	sdelay $0x3  }
0x33: {  	p0 =	seq.s32 s10, $0x1;
	s10 =	sld [smem:$0x3FBA];
	_ =	sdelay $0x3  }
0x34: {  	[smem:$0x3FBA] =	sst s10  }
0x35: {  	s10 =	sld [smem:$0x3FB9];
	_ =	sdelay $0x3  }
0x36: {  	p1 =	seq.s32 s10, $0x1;
	s10 =	sld [smem:$0x3FBA];
	_ =	sdelay $0x3  }
0x37: {  	[smem:$0x3FBA] =	sst s10  }
0x38: {  	s10 =	sld [smem:$0x3FBB]  }
0x39: {  	_ = 	snop;
	(pc) =	sbr.ind lr, $3  }
0x3a: {  	_ = 	snop  }
0x3b: {  	_ = 	snop  }
0x3c: {  	p2 =	seq.s32 s10, $0x1;
	s10 =	sld [smem:$0x3FBA]  }
0x3d: {  	_ =	shalt  }
0x3e: {  	_ =	shalt  }
0x3f: {  	_ =	shalt  }
0x40: {  	_ =	shalt  }
0x41: {  	_ =	shalt  }
0x42: {  	_ =	shalt  }
0x43: {  	_ =	shalt  }
0x44: {  	_ =	shalt  }
0x45: {  	_ =	shalt  }
0x46: {  	_ =	shalt  }
0x47: {  	_ =	shalt  }
0x48: {  	_ =	shalt  }
0x49: {  	_ =	shalt  }
0x4a: {  	_ =	shalt  }
0x4b: {  	_ =	shalt  }
0x4c: {  	_ =	shalt  }
0x4d: {  	_ =	shalt  }
0x4e: {  	_ =	shalt  }
0x4f: {  	_ =	shalt  }
0x50: {  	_ =	shalt  }
0x51: {  	_ =	shalt  }
0x52: {  	_ =	shalt  }
0x53: {  	_ =	shalt  }
0x54: {  	_ =	shalt  }
0x55: {  	_ =	shalt  }
0x56: {  	_ =	shalt  }
0x57: {  	_ =	shalt  }
0x58: {  	_ =	shalt  }
0x59: {  	_ =	shalt  }
0x5a: {  	_ =	shalt  }
0x5b: {  	_ =	shalt  }
0x5c: {  	_ =	shalt  }
0x5d: {  	_ =	shalt  }
0x5e: {  	_ =	shalt  }
0x5f: {  	_ =	shalt  }
0x60: {  	_ =	shalt  }
0x61: {  	_ =	shalt  }
0x62: {  	_ =	shalt  }
0x63: {  	_ =	shalt  }
0x64: {  	_ =	shalt  }
0x65: {  	_ =	shalt  }
0x66: {  	_ =	shalt  }
0x67: {  	_ =	shalt  }
0x68: {  	_ =	shalt  }
0x69: {  	_ =	shalt  }
0x6a: {  	_ =	shalt  }
0x6b: {  	_ =	shalt  }
0x6c: {  	_ =	shalt  }
0x6d: {  	_ =	shalt  }
0x6e: {  	_ =	shalt  }
0x6f: {  	_ =	shalt  }
0x70: {  	_ =	shalt  }
0x71: {  	_ =	shalt  }
0x72: {  	_ =	shalt  }
0x73: {  	_ =	shalt  }
0x74: {  	_ =	shalt  }
0x75: {  	_ =	shalt  }
0x76: {  	_ =	shalt  }
0x77: {  	_ =	shalt  }
0x78: {  	_ =	shalt  }
0x79: {  	_ =	shalt  }
0x7a: {  	_ =	shalt  }
0x7b: {  	_ =	shalt  }
0x7c: {  	_ =	shalt  }
0x7d: {  	_ =	shalt  }
0x7e: {  	_ =	shalt  }
0x7f: {  	_ =	shalt  }
0x80: {  	_ =	shalt  }
0x81: {  	_ =	shalt  }
0x82: {  	_ =	shalt  }
0x83: {  	_ =	shalt  }
0x84: {  	_ =	shalt  }
0x85: {  	_ =	shalt  }
0x86: {  	_ =	shalt  }
0x87: {  	_ =	shalt  }
.Lfunc_end0:
.L_simem_size_0:
called_computation_lowered:
.L_overlay_start_0:
0x88: {  	s2 =	sld [smem:$0x3FD9]  }
0x89: {  	s3 =	sld [smem:$0x3FFE];
	_ =	sdelay $0x1  }
0x8a: {  	s1 =	srdreg.scid  }
0x8b: {  	s0 =	sand.u32 $0x1, s1  }
0x8c: {  	s17 =	sshll.u32 s0, $0xA;
	s2 =	sadd.s32 s3, s2  }
0x8d: {  	s2 =	sadd.s32 s2, s17  }
0x8e: {  	[smem:$0x3FC6] =	sst s2  }
0x8f: {  	_ = 	snop  }
0x90: {  	s2 =	sld [smem:$0x3FC8]  }
0x91: {  	s18 =	sld [smem:$0x3FD0];
	(tm) =	ssettm $0x1  }
0x92: {  	s4 =	sld [smem:$0x3FFB];
	_ =	sdelay $0x3  }
0x93: {  	_ =	strace s4  }
0x94: {  	s4 =	sld [smem:$0x3FFC];
	_ =	sdelay $0x3  }
0x95: {  	_ =	strace s4  }
0x96: {  	s4 =	sld [smem:$0x3FFD];
	_ =	sdelay $0x3  }
0x97: {  	_ =	strace s4  }
0x98: {  	_ =	strace $0x8FFFFFFF  }
0x99: {  	s19 =	sld [smem:$0x3FDB];
	_ =	sdelay $0x1  }
0x9a: {  	s5 =	simm.s32 $_scs_section_size  }
0x9b: {  	s6 =	simm.s32 $_size__tile_overlayer_lowered;
	s7 =	simm.s32 $_tile_overlayer_lowered  }
0x9c: {  	s22 =	simm.s32 $0x1BFF;
	s21 =	sshll.u32 s7, $0x1;
	s4 =	sadd.s32 s5, s19  }
0x9d: {  	s8 =	simm.s32 $0x0;
	s20 =	sshll.u32 s6, $0x1;
	s6 =	sadd.s32 s21, s4  }
0x9e: {  	[timem:s8], [sflag:s22] =	dma.local [hbm:s6], s20  }
0x9f: {  	_ =	swait.ge [sflag:s22], s20  }
0xa0: {  	s5 =	ssub.s32 $0x0, s20;
	[sflag:s22] =	ssyncset.done $0x0  }
0xa1: {  	[sflag:s22] =	ssyncadd.s32 s5;
	_ =	sdelay $0x1  }
0xa2: {  	s23 =	simm.s32 $0x1B8B  }
0xa3: {  	_ =	swait.ge [sflag:s23], $0x1  }
0xa4: {  	[sflag:s23] =	ssyncset.done $0x0  }
0xa5: {  	s25 =	simm.s32 $0x1B8E;
	s24 =	sld [smem:$0x3FFE];
	[sflag:s23] =	ssyncadd.s32 $0xFFFFFFFF  }
0xa6: {  	s26 =	simm.s32 $execute0_lowered;
	[smem:$0x3FD2] =	sst s25  }
0xa7: {  	s6 =	sshll.u32 s26, $0x1;
	_ =	strace $0x80000046;
	[dreg:$0x1] =	wrdreg $0xFFFFFFFF  }
0xa8: {  	s28 =	simm.s32 $_size_execute0_lowered;
	s4 =	sadd.s32 s4, s6;
	[dreg:$0x0] =	wrdreg $0x0  }
0xa9: {  	s6 =	sshll.u32 s28, $0x1;
	[dreg:$0x2] =	wrdreg s4  }
0xaa: {  	[dreg:$0x3] =	wrdreg s6  }
0xab: {  	[dreg:$0x4] =	wrdreg $0xC0  }
0xac: {  	_ =	task [dreg:s8], $0x5FFFF  }
0xad: {  	[dreg:$0x1] =	wrdreg $0xFFFFFFFF  }
0xae: {  	[dreg:$0x0] =	wrdreg $0x60  }
0xaf: {  	[dreg:$0x2] =	wrdreg s24  }
0xb0: {  	[dreg:$0x3] =	wrdreg s2  }
0xb1: {  	[dreg:$0x4] =	wrdreg s18  }
0xb2: {  	[dreg:$0x5] =	wrdreg $0x9  }
0xb3: {  	_ =	task.clear_ibuf [dreg:s8], $0x6FFFF;
	_ =	strace $0x90000046  }
0xb4: {  	s29 =	simm.s32 $0x9;
	_ =	strace $0x80000048  }
0xb5: {  	_ =	swait.ge [sflag:s29], $0x1  }
0xb6: {  	[sflag:s29] =	ssyncadd.s32 $0xFFFFFFFF  }
0xb7: {  	_ =	strace $0x90000048  }
0xb8: {  	_ =	sfence  }
0xb9: {  	s30 =	sld [smem:$0x0];
	_ =	sdelay $0x2  }
0xba: {  	s31 =	sshll.u32 s1, $0xD;
	s1 =	sshrl.u32 s1, $0x2  }
0xbb: {  	s3 =	sand.u32 $0x4000, s31;
	s1 =	sadd.s32 s1, s30  }
0xbc: {  	s0 =	sor.u32 s3, s0;
	s1 =	sshll.u32 s1, $0x11  }
0xbd: {  	s0 =	sor.u32 s1, s0  }
0xbe: {  	s0 =	sadd.s32 $0x8F2B, s0  }
0xbf: {  	[sflag:s0] =	ssyncadd.remote.s32 $0x1  }
0xc0: {  	_ =	sfence.sel $0xFFFF  }
0xc1: {  	[dreg:$0x0] =	wrdreg $0xFFFFFFFF;
	(pc) =	sbr.abs _section_cstart, $3  }
0xc2: {  	[dreg:$0x1] =	wrdreg $0xFFFFFFFF  }
0xc3: {  	_ =	task.clear_ibuf [dreg:s8], $0x2FFFF;
	_ =	strace $0x9FFFFFFF  }
0xc4: {  	(tm) =	ssettm $0x7FFFFFFF  }
0xc5: {  	_ =	shalt  }
tec
execute0_lowered:
.L_overlay_start_1:
0x0: {  	(tag) =	ssettag $0x1  }
0x1: {  	s6 =	rddreg [dreg:$0x0];
	s1 =	srdreg.scid  }
0x2: {  	s0 =	stileid.u32;
	s2 =	rddreg [dreg:$0x1]  }
0x3: {  	s3 =	rddreg [dreg:$0x2];
	s4 =	simm.s32 $0x0;
	s12 =	simm.s32 $0x5  }
0x4: {  	s13 =	simm.s32 $0x80;
	s14 =	simm.s32 $0x1900;
	s15 =	simm.s32 $0x5900  }
0x5: {  	s16 =	simm.s32 $0x1;
	s17 =	simm.s32 $0x9900;
	s18 =	simm.s32 $0x100  }
0x6: {  	s19 =	simm.s32 $0x2;
	s7 =	sand.u32 $0x1, s1;
	s30 =	sshll.u32 s0, $0x1  }
0x7: {  	s20 =	simm.s32 $0xD900;
	s21 =	simm.s32 $0x180;
	s8 =	sor.u32 s7, s30  }
0x8: {  	s22 =	simm.s32 $0x3;
	s23 =	simm.s32 $0x4;
	s9 =	smul.u32 $0x320, s8  }
0x9: {  	s24 =	simm.s32 $0x0;
	s7 =	ssub.s32 $0x2, s7;
	s5 =	smul.u32 $0xC8000, s8  }
0xa: {  	[smem:$0x7FF] =	sst s4;
	s8 =	smul.u32 $0x19000, s8;
	s31 =	sshrl.u32 s7, $0x1  }
0xb: {  	s1 =	rddreg [dreg:$0x3];
	_ =	strace $0x80000047;
	s11 =	ssub.s32 s7, s31  }
0xc: {  	s9 =	sadd.s32 s9, s6;
	s10 =	sshrl.u32 s5, $0x3;
	s6 =	sadd.s32 s3, s8  }
0xd: {  	s11 =	smax.u32 s11, $0x1;
	s10 =	sadd.s32 s3, s10;
	s7 =	sadd.s32 $0x400, s9  }
0xe: {  	s8 =	sadd.s32 $0x800, s6;
	s9 =	sadd.s32 $0x18000, s10;
	s10 =	sadd.s32 $0x18800, s10  }
.LBB2_1:
0xf: {  	[tilespmem:s4], [sflag:$0x5] =	stream.linear.gather [hbm4b:s7+s4], $0x1900, $0x38;
	[tilespmem:$0x11900] =	vst v63  }
0x10: {  	_ =	swait.ge [sflag:s12], $0x1900  }
0x11: {  	[sflag:s12] =	ssyncset.done $0x0  }
0x12: {  	[sflag:s12] =	ssyncadd.s32 $0xFFFFE700  }
0x13: {  	[tilespmem:s14], [sflag:$0x1] =	stream.indirect.gather [hbm4b:s2+s13], $0x80, s4, s13, $0xb8;
	[tilespmem:$0x11900] =	vst v63  }
0x14: {  	_ = 	snop  }
0x15: {  	[tilespmem:s15], [sflag:$0x2] =	stream.indirect.gather [hbm4b:s2+s13], $0x80, s13, s13, $0xb8;
	[tilespmem:$0x11900] =	vst v63  }
0x16: {  	_ =	swait.ge [sflag:s16], $0x4000  }
0x17: {  	[sflag:s16] =	ssyncset.done $0x0  }
0x18: {  	s25 =	simm.s32 $0x0;
	[sflag:s16] =	ssyncadd.s32 $0xFFFFC000  }
0x19: {  	v0 =	vld [tilespmem:s25+$0x1AF0]  }
0x1a: {  	v1 =	vld [tilespmem:s25+$0x1900];
	_ =	sdelay $0x1  }
0x1b: {  	v2 =	vld [tilespmem:s25+$0x1910]  }
0x1c: {  	v3 =	vld [tilespmem:s25+$0x1920]  }
0x1d: {  	v4 =	vld [tilespmem:s25+$0x1930];
	v0 =	vmul.f32 $1.131370830e+01, v0  }
0x1e: {  	v5 =	vld [tilespmem:s25+$0x1940];
	v1 =	vmul.f32 $1.131370830e+01, v1  }
0x1f: {  	v6 =	vld [tilespmem:s25+$0x1950];
	[tilespmem:s25+$0x9AF0] =	vst v0  }
0x20: {  	v0 =	vmul.f32 $1.131370830e+01, v2;
	[tilespmem:s25+$0x9900] =	vst v1;
	v1 =	vld [tilespmem:s25+$0x1970]  }
0x21: {  	v7 =	vld [tilespmem:s25+$0x1960];
	v2 =	vmul.f32 $1.131370830e+01, v3  }
0x22: {  	v3 =	vmul.f32 $1.131370830e+01, v4;
	[tilespmem:s25+$0x9910] =	vst v0;
	v0 =	vld [tilespmem:s25+$0x1980]  }
0x23: {  	v4 =	vmul.f32 $1.131370830e+01, v5;
	[tilespmem:s25+$0x9920] =	vst v2;
	v2 =	vld [tilespmem:s25+$0x1990]  }
0x24: {  	v5 =	vmul.f32 $1.131370830e+01, v6;
	[tilespmem:s25+$0x9930] =	vst v3;
	v3 =	vld [tilespmem:s25+$0x19A0]  }
0x25: {  	[tilespmem:s25+$0x9940] =	vst v4;
	v4 =	vld [tilespmem:s25+$0x19B0];
	v1 =	vmul.f32 $1.131370830e+01, v1  }
0x26: {  	v6 =	vmul.f32 $1.131370830e+01, v7;
	[tilespmem:s25+$0x9950] =	vst v5;
	v5 =	vld [tilespmem:s25+$0x19C0]  }
0x27: {  	v0 =	vmul.f32 $1.131370830e+01, v0;
	[tilespmem:s25+$0x9970] =	vst v1;
	v1 =	vld [tilespmem:s25+$0x19E0]  }
0x28: {  	[tilespmem:s25+$0x9960] =	vst v6;
	v6 =	vld [tilespmem:s25+$0x19D0];
	v2 =	vmul.f32 $1.131370830e+01, v2  }
0x29: {  	v3 =	vmul.f32 $1.131370830e+01, v3;
	[tilespmem:s25+$0x9980] =	vst v0;
	v0 =	vld [tilespmem:s25+$0x19F0]  }
0x2a: {  	v4 =	vmul.f32 $1.131370830e+01, v4;
	[tilespmem:s25+$0x9990] =	vst v2;
	v2 =	vld [tilespmem:s25+$0x1A00]  }
0x2b: {  	v5 =	vmul.f32 $1.131370830e+01, v5;
	[tilespmem:s25+$0x99A0] =	vst v3;
	v3 =	vld [tilespmem:s25+$0x1A10]  }
0x2c: {  	[tilespmem:s25+$0x99B0] =	vst v4;
	v4 =	vld [tilespmem:s25+$0x1A20];
	v1 =	vmul.f32 $1.131370830e+01, v1  }
0x2d: {  	v6 =	vmul.f32 $1.131370830e+01, v6;
	[tilespmem:s25+$0x99C0] =	vst v5;
	v5 =	vld [tilespmem:s25+$0x1A30]  }
0x2e: {  	v0 =	vmul.f32 $1.131370830e+01, v0;
	[tilespmem:s25+$0x99E0] =	vst v1;
	v1 =	vld [tilespmem:s25+$0x1A50]  }
0x2f: {  	[tilespmem:s25+$0x99D0] =	vst v6;
	v6 =	vld [tilespmem:s25+$0x1A40];
	v2 =	vmul.f32 $1.131370830e+01, v2  }
0x30: {  	[tilespmem:s25+$0x99F0] =	vst v0;
	v0 =	vmul.f32 $1.131370830e+01, v3;
	v3 =	vld [tilespmem:s25+$0x1A70]  }
0x31: {  	v7 =	vld [tilespmem:s25+$0x1A60];
	[tilespmem:s25+$0x9A00] =	vst v2;
	v2 =	vmul.f32 $1.131370830e+01, v4  }
0x32: {  	v4 =	vld [tilespmem:s25+$0x1A80];
	[tilespmem:s25+$0x9A10] =	vst v0;
	v0 =	vmul.f32 $1.131370830e+01, v5  }
0x33: {  	v8 =	vld [tilespmem:s25+$0x1A90];
	[tilespmem:s25+$0x9A20] =	vst v2;
	v5 =	vmul.f32 $1.131370830e+01, v1  }
0x34: {  	v2 =	vmul.f32 $1.131370830e+01, v6;
	[tilespmem:s25+$0x9A30] =	vst v0;
	v0 =	vld [tilespmem:s25+$0x1AA0]  }
0x35: {  	v1 =	vld [tilespmem:s25+$0x1AB0];
	[tilespmem:s25+$0x9A50] =	vst v5;
	v5 =	vmul.f32 $1.131370830e+01, v3  }
0x36: {  	v6 =	vmul.f32 $1.131370830e+01, v7;
	[tilespmem:s25+$0x9A40] =	vst v2;
	v2 =	vld [tilespmem:s25+$0x1AC0]  }
0x37: {  	v3 =	vld [tilespmem:s25+$0x1AD0];
	[tilespmem:s25+$0x9A70] =	vst v5;
	v5 =	vmul.f32 $1.131370830e+01, v4  }
0x38: {  	s26 =	simm.s32 $0x200;
	s28 =	simm.s32 $0x1000;
	[tilespmem:s25+$0x9A60] =	vst v6;
	v6 =	vmul.f32 $1.131370830e+01, v8;
	v4 =	vld [tilespmem:s25+$0x1AE0]  }
.LBB2_2:
0x39: {  	p0 =	sne.s32 s28, $0xF800;
	v7 =	vld [tilespmem:s26+$0x1AF0];
	[tilespmem:s25+$0x9A80] =	vst v5;
	v0 =	vmul.f32 $1.131370830e+01, v0  }
0x3a: {  	v5 =	vld [tilespmem:s26+$0x1900];
	[tilespmem:s25+$0x9A90] =	vst v6;
	v1 =	vmul.f32 $1.131370830e+01, v1  }
0x3b: {  	v6 =	vld [tilespmem:s26+$0x1910];
	[tilespmem:s25+$0x9AA0] =	vst v0;
	v0 =	vmul.f32 $1.131370830e+01, v2  }
0x3c: {  	v2 =	vld [tilespmem:s26+$0x1920];
	[tilespmem:s25+$0x9AB0] =	vst v1;
	v1 =	vmul.f32 $1.131370830e+01, v3  }
0x3d: {  	v3 =	vld [tilespmem:s26+$0x1930];
	[tilespmem:s25+$0x9AC0] =	vst v0;
	v0 =	vmul.f32 $1.131370830e+01, v4  }
0x3e: {  	v4 =	vld [tilespmem:s26+$0x1940];
	v7 =	vmul.f32 $1.131370830e+01, v7;
	[tilespmem:s25+$0x9AD0] =	vst v1  }
0x3f: {  	v1 =	vmul.f32 $1.131370830e+01, v5;
	v5 =	vld [tilespmem:s26+$0x1950];
	[tilespmem:s25+$0x9AE0] =	vst v0;
	s25 =	smov.u32 s26  }
0x40: {  	v0 =	vmul.f32 $1.131370830e+01, v6;
	v6 =	vld [tilespmem:s25+$0x1960];
	[tilespmem:s25+$0x9AF0] =	vst v7  }
0x41: {  	[tilespmem:s25+$0x9900] =	vst v1;
	v1 =	vmul.f32 $1.131370830e+01, v2;
	v2 =	vld [tilespmem:s25+$0x1970]  }
0x42: {  	[tilespmem:s25+$0x9910] =	vst v0;
	v0 =	vmul.f32 $1.131370830e+01, v3;
	v3 =	vld [tilespmem:s25+$0x1980]  }
0x43: {  	[tilespmem:s25+$0x9920] =	vst v1;
	v1 =	vmul.f32 $1.131370830e+01, v4;
	v4 =	vld [tilespmem:s25+$0x1990]  }
0x44: {  	[tilespmem:s25+$0x9930] =	vst v0;
	v0 =	vmul.f32 $1.131370830e+01, v5;
	v5 =	vld [tilespmem:s25+$0x19A0]  }
0x45: {  	[tilespmem:s25+$0x9940] =	vst v1;
	v1 =	vmul.f32 $1.131370830e+01, v6;
	v6 =	vld [tilespmem:s25+$0x19B0]  }
0x46: {  	[tilespmem:s25+$0x9950] =	vst v0;
	v0 =	vmul.f32 $1.131370830e+01, v2;
	v2 =	vld [tilespmem:s25+$0x19C0]  }
0x47: {  	[tilespmem:s25+$0x9960] =	vst v1;
	v1 =	vmul.f32 $1.131370830e+01, v3;
	v3 =	vld [tilespmem:s25+$0x19D0]  }
0x48: {  	[tilespmem:s25+$0x9970] =	vst v0;
	v0 =	vmul.f32 $1.131370830e+01, v4;
	v4 =	vld [tilespmem:s25+$0x19E0]  }
0x49: {  	[tilespmem:s25+$0x9980] =	vst v1;
	v1 =	vmul.f32 $1.131370830e+01, v5;
	v5 =	vld [tilespmem:s25+$0x19F0]  }
0x4a: {  	[tilespmem:s25+$0x9990] =	vst v0;
	v0 =	vmul.f32 $1.131370830e+01, v6;
	v6 =	vld [tilespmem:s25+$0x1A00]  }
0x4b: {  	[tilespmem:s25+$0x99A0] =	vst v1;
	v1 =	vmul.f32 $1.131370830e+01, v2;
	v2 =	vld [tilespmem:s25+$0x1A10]  }
0x4c: {  	[tilespmem:s25+$0x99B0] =	vst v0;
	v0 =	vmul.f32 $1.131370830e+01, v3;
	v3 =	vld [tilespmem:s25+$0x1A20]  }
0x4d: {  	[tilespmem:s25+$0x99C0] =	vst v1;
	v1 =	vmul.f32 $1.131370830e+01, v4;
	v4 =	vld [tilespmem:s25+$0x1A30]  }
0x4e: {  	[tilespmem:s25+$0x99D0] =	vst v0;
	v0 =	vmul.f32 $1.131370830e+01, v5;
	v5 =	vld [tilespmem:s25+$0x1A40]  }
0x4f: {  	[tilespmem:s25+$0x99E0] =	vst v1;
	v1 =	vmul.f32 $1.131370830e+01, v6;
	v6 =	vld [tilespmem:s25+$0x1A50]  }
0x50: {  	[tilespmem:s25+$0x99F0] =	vst v0;
	v0 =	vmul.f32 $1.131370830e+01, v2;
	v2 =	vld [tilespmem:s25+$0x1A60]  }
0x51: {  	[tilespmem:s25+$0x9A00] =	vst v1;
	v1 =	vmul.f32 $1.131370830e+01, v3;
	v3 =	vld [tilespmem:s25+$0x1A70]  }
0x52: {  	[tilespmem:s25+$0x9A10] =	vst v0;
	v0 =	vmul.f32 $1.131370830e+01, v4;
	v4 =	vld [tilespmem:s25+$0x1A80]  }
0x53: {  	[tilespmem:s25+$0x9A20] =	vst v1;
	v1 =	vmul.f32 $1.131370830e+01, v5;
	v7 =	vld [tilespmem:s25+$0x1A90]  }
.Ltmp0:
0x54: {  	[tilespmem:s25+$0x9A30] =	vst v0;
	v5 =	vmul.f32 $1.131370830e+01, v6;
	v0 =	vld [tilespmem:s25+$0x1AA0];
	(pc) =	sbr.rel @p0 .LBB2_2-.Ltmp0, $4  }
0x55: {  	[tilespmem:s25+$0x9A40] =	vst v1;
	v6 =	vmul.f32 $1.131370830e+01, v2;
	v1 =	vld [tilespmem:s25+$0x1AB0]  }
0x56: {  	[tilespmem:s25+$0x9A50] =	vst v5;
	v8 =	vmul.f32 $1.131370830e+01, v3;
	v2 =	vld [tilespmem:s25+$0x1AC0]  }
0x57: {  	[tilespmem:s25+$0x9A60] =	vst v6;
	v5 =	vmul.f32 $1.131370830e+01, v4;
	v3 =	vld [tilespmem:s25+$0x1AD0]  }
0x58: {  	s26 =	sshra.s32 s28, $0x2;
	s28 =	sadd.s32 $0x800, s28;
	[tilespmem:s25+$0x9A70] =	vst v8;
	v6 =	vmul.f32 $1.131370830e+01, v7;
	v4 =	vld [tilespmem:s25+$0x1AE0]  }
0x59: {  	v7 =	vld [tilespmem:s26+$0x1AF0];
	[tilespmem:s25+$0x9A80] =	vst v5;
	v0 =	vmul.f32 $1.131370830e+01, v0  }
0x5a: {  	v5 =	vld [tilespmem:s26+$0x1900];
	[tilespmem:s25+$0x9A90] =	vst v6;
	v1 =	vmul.f32 $1.131370830e+01, v1  }
0x5b: {  	v6 =	vld [tilespmem:s26+$0x1910];
	[tilespmem:s25+$0x9AA0] =	vst v0;
	v2 =	vmul.f32 $1.131370830e+01, v2  }
0x5c: {  	v0 =	vld [tilespmem:s26+$0x1920];
	[tilespmem:s25+$0x9AB0] =	vst v1;
	v3 =	vmul.f32 $1.131370830e+01, v3  }
0x5d: {  	v1 =	vld [tilespmem:s26+$0x1930];
	[tilespmem:s25+$0x9AC0] =	vst v2;
	v4 =	vmul.f32 $1.131370830e+01, v4  }
0x5e: {  	v2 =	vld [tilespmem:s26+$0x1940];
	[tilespmem:s25+$0x9AD0] =	vst v3;
	v7 =	vmul.f32 $1.131370830e+01, v7  }
0x5f: {  	v3 =	vld [tilespmem:s26+$0x1950];
	[tilespmem:s25+$0x9AE0] =	vst v4;
	v4 =	vmul.f32 $1.131370830e+01, v5  }
0x60: {  	v5 =	vld [tilespmem:s26+$0x1960];
	[tilespmem:s26+$0x9AF0] =	vst v7;
	v6 =	vmul.f32 $1.131370830e+01, v6  }
0x61: {  	[tilespmem:s26+$0x9900] =	vst v4;
	v4 =	vld [tilespmem:s26+$0x1970];
	v0 =	vmul.f32 $1.131370830e+01, v0  }
0x62: {  	[tilespmem:s26+$0x9910] =	vst v6;
	v6 =	vld [tilespmem:s26+$0x1980];
	v1 =	vmul.f32 $1.131370830e+01, v1  }
0x63: {  	[tilespmem:s26+$0x9920] =	vst v0;
	v0 =	vld [tilespmem:s26+$0x1990];
	v2 =	vmul.f32 $1.131370830e+01, v2  }
0x64: {  	[tilespmem:s26+$0x9930] =	vst v1;
	v1 =	vld [tilespmem:s26+$0x19A0];
	v3 =	vmul.f32 $1.131370830e+01, v3  }
0x65: {  	[tilespmem:s26+$0x9940] =	vst v2;
	v2 =	vld [tilespmem:s26+$0x19B0];
	v5 =	vmul.f32 $1.131370830e+01, v5  }
0x66: {  	[tilespmem:s26+$0x9950] =	vst v3;
	v3 =	vld [tilespmem:s26+$0x19C0];
	v4 =	vmul.f32 $1.131370830e+01, v4  }
0x67: {  	[tilespmem:s26+$0x9960] =	vst v5;
	v5 =	vld [tilespmem:s26+$0x19D0];
	v6 =	vmul.f32 $1.131370830e+01, v6  }
0x68: {  	[tilespmem:s26+$0x9970] =	vst v4;
	v4 =	vld [tilespmem:s26+$0x19E0];
	v0 =	vmul.f32 $1.131370830e+01, v0  }
0x69: {  	[tilespmem:s26+$0x9980] =	vst v6;
	v6 =	vld [tilespmem:s26+$0x19F0];
	v1 =	vmul.f32 $1.131370830e+01, v1  }
0x6a: {  	[tilespmem:s26+$0x9990] =	vst v0;
	v0 =	vld [tilespmem:s26+$0x1A00];
	v2 =	vmul.f32 $1.131370830e+01, v2  }
0x6b: {  	[tilespmem:s26+$0x99A0] =	vst v1;
	v1 =	vld [tilespmem:s26+$0x1A10];
	v3 =	vmul.f32 $1.131370830e+01, v3  }
0x6c: {  	[tilespmem:s26+$0x99B0] =	vst v2;
	v2 =	vld [tilespmem:s26+$0x1A20];
	v5 =	vmul.f32 $1.131370830e+01, v5  }
0x6d: {  	[tilespmem:s26+$0x99C0] =	vst v3;
	v3 =	vld [tilespmem:s26+$0x1A30];
	v4 =	vmul.f32 $1.131370830e+01, v4  }
0x6e: {  	[tilespmem:s26+$0x99D0] =	vst v5;
	v5 =	vld [tilespmem:s26+$0x1A40];
	v6 =	vmul.f32 $1.131370830e+01, v6  }
0x6f: {  	[tilespmem:s26+$0x99E0] =	vst v4;
	v4 =	vld [tilespmem:s26+$0x1A50];
	v0 =	vmul.f32 $1.131370830e+01, v0  }
0x70: {  	[tilespmem:s26+$0x99F0] =	vst v6;
	v6 =	vld [tilespmem:s26+$0x1A60];
	v1 =	vmul.f32 $1.131370830e+01, v1  }
0x71: {  	[tilespmem:s26+$0x9A00] =	vst v0;
	v0 =	vld [tilespmem:s26+$0x1A70];
	v2 =	vmul.f32 $1.131370830e+01, v2  }
0x72: {  	[tilespmem:s26+$0x9A10] =	vst v1;
	v1 =	vld [tilespmem:s26+$0x1A80];
	v3 =	vmul.f32 $1.131370830e+01, v3  }
0x73: {  	[tilespmem:s26+$0x9A20] =	vst v2;
	v2 =	vld [tilespmem:s26+$0x1A90];
	v5 =	vmul.f32 $1.131370830e+01, v5  }
0x74: {  	[tilespmem:s26+$0x9A30] =	vst v3;
	v3 =	vld [tilespmem:s26+$0x1AA0];
	v4 =	vmul.f32 $1.131370830e+01, v4  }
0x75: {  	[tilespmem:s26+$0x9A40] =	vst v5;
	v5 =	vld [tilespmem:s26+$0x1AB0];
	v6 =	vmul.f32 $1.131370830e+01, v6  }
0x76: {  	[tilespmem:s26+$0x9A50] =	vst v4;
	v4 =	vld [tilespmem:s26+$0x1AC0];
	v0 =	vmul.f32 $1.131370830e+01, v0  }
0x77: {  	[tilespmem:s26+$0x9A60] =	vst v6;
	v6 =	vld [tilespmem:s26+$0x1AD0];
	v1 =	vmul.f32 $1.131370830e+01, v1  }
0x78: {  	[tilespmem:s26+$0x9A70] =	vst v0;
	v0 =	vmul.f32 $1.131370830e+01, v2;
	v2 =	vld [tilespmem:s26+$0x1AE0]  }
0x79: {  	[tilespmem:s26+$0x9A80] =	vst v1;
	v1 =	vmul.f32 $1.131370830e+01, v3  }
0x7a: {  	[tilespmem:s26+$0x9A90] =	vst v0;
	v0 =	vmul.f32 $1.131370830e+01, v5  }
0x7b: {  	[tilespmem:s26+$0x9AA0] =	vst v1;
	v1 =	vmul.f32 $1.131370830e+01, v4  }
0x7c: {  	[tilespmem:s26+$0x9AB0] =	vst v0;
	v0 =	vmul.f32 $1.131370830e+01, v6  }
0x7d: {  	[tilespmem:s26+$0x9AC0] =	vst v1;
	v1 =	vmul.f32 $1.131370830e+01, v2  }
0x7e: {  	[tilespmem:s26+$0x9AD0] =	vst v0  }
0x7f: {  	s31 =	simm.s32 $0x0;
	[tilespmem:s26+$0x9AE0] =	vst v1  }
0x80: {  	[hbm4b:s6+s31] =	stream.linear.scatter [tilespmem:s17], [sflag:$0x3], $0x4000, $0x38;
	[tilespmem:$0x11900] =	vst v63  }
0x81: {  	_ = 	snop  }
0x82: {  	[tilespmem:s14], [sflag:$0x1] =	stream.indirect.gather [hbm4b:s2+s13], $0x80, s18, s13, $0xb8;
	[tilespmem:$0x11900] =	vst v63  }
0x83: {  	_ =	swait.ge [sflag:s19], $0x4000  }
0x84: {  	[sflag:s19] =	ssyncset.done $0x0  }
0x85: {  	s25 =	simm.s32 $0x0;
	[sflag:s19] =	ssyncadd.s32 $0xFFFFC000  }
0x86: {  	v0 =	vld [tilespmem:s25+$0x5AF0]  }
0x87: {  	v1 =	vld [tilespmem:s25+$0x5900];
	_ =	sdelay $0x1  }
0x88: {  	v2 =	vld [tilespmem:s25+$0x5910]  }
0x89: {  	v3 =	vld [tilespmem:s25+$0x5920]  }
0x8a: {  	v4 =	vld [tilespmem:s25+$0x5930];
	v0 =	vmul.f32 $1.131370830e+01, v0  }
0x8b: {  	v5 =	vld [tilespmem:s25+$0x5940];
	v1 =	vmul.f32 $1.131370830e+01, v1  }
0x8c: {  	v6 =	vld [tilespmem:s25+$0x5950];
	[tilespmem:s25+$0xDAF0] =	vst v0  }
0x8d: {  	v0 =	vmul.f32 $1.131370830e+01, v2;
	[tilespmem:s25+$0xD900] =	vst v1;
	v1 =	vld [tilespmem:s25+$0x5970]  }
0x8e: {  	v7 =	vld [tilespmem:s25+$0x5960];
	v2 =	vmul.f32 $1.131370830e+01, v3  }
0x8f: {  	v3 =	vmul.f32 $1.131370830e+01, v4;
	[tilespmem:s25+$0xD910] =	vst v0;
	v0 =	vld [tilespmem:s25+$0x5980]  }
0x90: {  	v4 =	vmul.f32 $1.131370830e+01, v5;
	[tilespmem:s25+$0xD920] =	vst v2;
	v2 =	vld [tilespmem:s25+$0x5990]  }
0x91: {  	v5 =	vmul.f32 $1.131370830e+01, v6;
	[tilespmem:s25+$0xD930] =	vst v3;
	v3 =	vld [tilespmem:s25+$0x59A0]  }
0x92: {  	[tilespmem:s25+$0xD940] =	vst v4;
	v4 =	vld [tilespmem:s25+$0x59B0];
	v1 =	vmul.f32 $1.131370830e+01, v1  }
0x93: {  	v6 =	vmul.f32 $1.131370830e+01, v7;
	[tilespmem:s25+$0xD950] =	vst v5;
	v5 =	vld [tilespmem:s25+$0x59C0]  }
0x94: {  	v0 =	vmul.f32 $1.131370830e+01, v0;
	[tilespmem:s25+$0xD970] =	vst v1;
	v1 =	vld [tilespmem:s25+$0x59E0]  }
0x95: {  	[tilespmem:s25+$0xD960] =	vst v6;
	v6 =	vld [tilespmem:s25+$0x59D0];
	v2 =	vmul.f32 $1.131370830e+01, v2  }
0x96: {  	v3 =	vmul.f32 $1.131370830e+01, v3;
	[tilespmem:s25+$0xD980] =	vst v0;
	v0 =	vld [tilespmem:s25+$0x59F0]  }
0x97: {  	v4 =	vmul.f32 $1.131370830e+01, v4;
	[tilespmem:s25+$0xD990] =	vst v2;
	v2 =	vld [tilespmem:s25+$0x5A00]  }
0x98: {  	v5 =	vmul.f32 $1.131370830e+01, v5;
	[tilespmem:s25+$0xD9A0] =	vst v3;
	v3 =	vld [tilespmem:s25+$0x5A10]  }
0x99: {  	[tilespmem:s25+$0xD9B0] =	vst v4;
	v4 =	vld [tilespmem:s25+$0x5A20];
	v1 =	vmul.f32 $1.131370830e+01, v1  }
0x9a: {  	v6 =	vmul.f32 $1.131370830e+01, v6;
	[tilespmem:s25+$0xD9C0] =	vst v5;
	v5 =	vld [tilespmem:s25+$0x5A30]  }
0x9b: {  	v0 =	vmul.f32 $1.131370830e+01, v0;
	[tilespmem:s25+$0xD9E0] =	vst v1;
	v1 =	vld [tilespmem:s25+$0x5A50]  }
0x9c: {  	[tilespmem:s25+$0xD9D0] =	vst v6;
	v6 =	vld [tilespmem:s25+$0x5A40];
	v2 =	vmul.f32 $1.131370830e+01, v2  }
0x9d: {  	[tilespmem:s25+$0xD9F0] =	vst v0;
	v0 =	vmul.f32 $1.131370830e+01, v3;
	v3 =	vld [tilespmem:s25+$0x5A70]  }
0x9e: {  	v7 =	vld [tilespmem:s25+$0x5A60];
	[tilespmem:s25+$0xDA00] =	vst v2;
	v2 =	vmul.f32 $1.131370830e+01, v4  }
0x9f: {  	v4 =	vld [tilespmem:s25+$0x5A80];
	[tilespmem:s25+$0xDA10] =	vst v0;
	v0 =	vmul.f32 $1.131370830e+01, v5  }
0xa0: {  	v8 =	vld [tilespmem:s25+$0x5A90];
	[tilespmem:s25+$0xDA20] =	vst v2;
	v5 =	vmul.f32 $1.131370830e+01, v1  }
0xa1: {  	v2 =	vmul.f32 $1.131370830e+01, v6;
	[tilespmem:s25+$0xDA30] =	vst v0;
	v0 =	vld [tilespmem:s25+$0x5AA0]  }
0xa2: {  	v1 =	vld [tilespmem:s25+$0x5AB0];
	[tilespmem:s25+$0xDA50] =	vst v5;
	v5 =	vmul.f32 $1.131370830e+01, v3  }
0xa3: {  	v6 =	vmul.f32 $1.131370830e+01, v7;
	[tilespmem:s25+$0xDA40] =	vst v2;
	v2 =	vld [tilespmem:s25+$0x5AC0]  }
0xa4: {  	v3 =	vld [tilespmem:s25+$0x5AD0];
	[tilespmem:s25+$0xDA70] =	vst v5;
	v5 =	vmul.f32 $1.131370830e+01, v4  }
0xa5: {  	s28 =	simm.s32 $0x1000;
	s26 =	simm.s32 $0x200;
	[tilespmem:s25+$0xDA60] =	vst v6;
	v6 =	vmul.f32 $1.131370830e+01, v8;
	v4 =	vld [tilespmem:s25+$0x5AE0]  }
.LBB2_4:
0xa6: {  	p0 =	sne.s32 s28, $0xF800;
	v7 =	vld [tilespmem:s26+$0x5AF0];
	[tilespmem:s25+$0xDA80] =	vst v5;
	v0 =	vmul.f32 $1.131370830e+01, v0  }
0xa7: {  	v5 =	vld [tilespmem:s26+$0x5900];
	[tilespmem:s25+$0xDA90] =	vst v6;
	v1 =	vmul.f32 $1.131370830e+01, v1  }
0xa8: {  	v6 =	vld [tilespmem:s26+$0x5910];
	[tilespmem:s25+$0xDAA0] =	vst v0;
	v0 =	vmul.f32 $1.131370830e+01, v2  }
0xa9: {  	v2 =	vld [tilespmem:s26+$0x5920];
	[tilespmem:s25+$0xDAB0] =	vst v1;
	v1 =	vmul.f32 $1.131370830e+01, v3  }
0xaa: {  	v3 =	vld [tilespmem:s26+$0x5930];
	[tilespmem:s25+$0xDAC0] =	vst v0;
	v0 =	vmul.f32 $1.131370830e+01, v4  }
0xab: {  	v4 =	vld [tilespmem:s26+$0x5940];
	v7 =	vmul.f32 $1.131370830e+01, v7;
	[tilespmem:s25+$0xDAD0] =	vst v1  }
0xac: {  	v1 =	vmul.f32 $1.131370830e+01, v5;
	v5 =	vld [tilespmem:s26+$0x5950];
	[tilespmem:s25+$0xDAE0] =	vst v0;
	s25 =	smov.u32 s26  }
0xad: {  	v0 =	vmul.f32 $1.131370830e+01, v6;
	v6 =	vld [tilespmem:s25+$0x5960];
	[tilespmem:s25+$0xDAF0] =	vst v7  }
0xae: {  	[tilespmem:s25+$0xD900] =	vst v1;
	v1 =	vmul.f32 $1.131370830e+01, v2;
	v2 =	vld [tilespmem:s25+$0x5970]  }
0xaf: {  	[tilespmem:s25+$0xD910] =	vst v0;
	v0 =	vmul.f32 $1.131370830e+01, v3;
	v3 =	vld [tilespmem:s25+$0x5980]  }
0xb0: {  	[tilespmem:s25+$0xD920] =	vst v1;
	v1 =	vmul.f32 $1.131370830e+01, v4;
	v4 =	vld [tilespmem:s25+$0x5990]  }
0xb1: {  	[tilespmem:s25+$0xD930] =	vst v0;
	v0 =	vmul.f32 $1.131370830e+01, v5;
	v5 =	vld [tilespmem:s25+$0x59A0]  }
0xb2: {  	[tilespmem:s25+$0xD940] =	vst v1;
	v1 =	vmul.f32 $1.131370830e+01, v6;
	v6 =	vld [tilespmem:s25+$0x59B0]  }
0xb3: {  	[tilespmem:s25+$0xD950] =	vst v0;
	v0 =	vmul.f32 $1.131370830e+01, v2;
	v2 =	vld [tilespmem:s25+$0x59C0]  }
0xb4: {  	[tilespmem:s25+$0xD960] =	vst v1;
	v1 =	vmul.f32 $1.131370830e+01, v3;
	v3 =	vld [tilespmem:s25+$0x59D0]  }
0xb5: {  	[tilespmem:s25+$0xD970] =	vst v0;
	v0 =	vmul.f32 $1.131370830e+01, v4;
	v4 =	vld [tilespmem:s25+$0x59E0]  }
0xb6: {  	[tilespmem:s25+$0xD980] =	vst v1;
	v1 =	vmul.f32 $1.131370830e+01, v5;
	v5 =	vld [tilespmem:s25+$0x59F0]  }
0xb7: {  	[tilespmem:s25+$0xD990] =	vst v0;
	v0 =	vmul.f32 $1.131370830e+01, v6;
	v6 =	vld [tilespmem:s25+$0x5A00]  }
0xb8: {  	[tilespmem:s25+$0xD9A0] =	vst v1;
	v1 =	vmul.f32 $1.131370830e+01, v2;
	v2 =	vld [tilespmem:s25+$0x5A10]  }
0xb9: {  	[tilespmem:s25+$0xD9B0] =	vst v0;
	v0 =	vmul.f32 $1.131370830e+01, v3;
	v3 =	vld [tilespmem:s25+$0x5A20]  }
0xba: {  	[tilespmem:s25+$0xD9C0] =	vst v1;
	v1 =	vmul.f32 $1.131370830e+01, v4;
	v4 =	vld [tilespmem:s25+$0x5A30]  }
0xbb: {  	[tilespmem:s25+$0xD9D0] =	vst v0;
	v0 =	vmul.f32 $1.131370830e+01, v5;
	v5 =	vld [tilespmem:s25+$0x5A40]  }
0xbc: {  	[tilespmem:s25+$0xD9E0] =	vst v1;
	v1 =	vmul.f32 $1.131370830e+01, v6;
	v6 =	vld [tilespmem:s25+$0x5A50]  }
0xbd: {  	[tilespmem:s25+$0xD9F0] =	vst v0;
	v0 =	vmul.f32 $1.131370830e+01, v2;
	v2 =	vld [tilespmem:s25+$0x5A60]  }
0xbe: {  	[tilespmem:s25+$0xDA00] =	vst v1;
	v1 =	vmul.f32 $1.131370830e+01, v3;
	v3 =	vld [tilespmem:s25+$0x5A70]  }
0xbf: {  	[tilespmem:s25+$0xDA10] =	vst v0;
	v0 =	vmul.f32 $1.131370830e+01, v4;
	v4 =	vld [tilespmem:s25+$0x5A80]  }
0xc0: {  	[tilespmem:s25+$0xDA20] =	vst v1;
	v1 =	vmul.f32 $1.131370830e+01, v5;
	v7 =	vld [tilespmem:s25+$0x5A90]  }
.Ltmp1:
0xc1: {  	[tilespmem:s25+$0xDA30] =	vst v0;
	v5 =	vmul.f32 $1.131370830e+01, v6;
	v0 =	vld [tilespmem:s25+$0x5AA0];
	(pc) =	sbr.rel @p0 .LBB2_4-.Ltmp1, $4  }
0xc2: {  	[tilespmem:s25+$0xDA40] =	vst v1;
	v6 =	vmul.f32 $1.131370830e+01, v2;
	v1 =	vld [tilespmem:s25+$0x5AB0]  }
0xc3: {  	[tilespmem:s25+$0xDA50] =	vst v5;
	v8 =	vmul.f32 $1.131370830e+01, v3;
	v2 =	vld [tilespmem:s25+$0x5AC0]  }
0xc4: {  	[tilespmem:s25+$0xDA60] =	vst v6;
	v5 =	vmul.f32 $1.131370830e+01, v4;
	v3 =	vld [tilespmem:s25+$0x5AD0]  }
0xc5: {  	s26 =	sshra.s32 s28, $0x2;
	s28 =	sadd.s32 $0x800, s28;
	[tilespmem:s25+$0xDA70] =	vst v8;
	v6 =	vmul.f32 $1.131370830e+01, v7;
	v4 =	vld [tilespmem:s25+$0x5AE0]  }
0xc6: {  	v7 =	vld [tilespmem:s26+$0x5AF0];
	[tilespmem:s25+$0xDA80] =	vst v5;
	v0 =	vmul.f32 $1.131370830e+01, v0  }
0xc7: {  	v5 =	vld [tilespmem:s26+$0x5900];
	[tilespmem:s25+$0xDA90] =	vst v6;
	v1 =	vmul.f32 $1.131370830e+01, v1  }
0xc8: {  	v6 =	vld [tilespmem:s26+$0x5910];
	[tilespmem:s25+$0xDAA0] =	vst v0;
	v2 =	vmul.f32 $1.131370830e+01, v2  }
0xc9: {  	v0 =	vld [tilespmem:s26+$0x5920];
	[tilespmem:s25+$0xDAB0] =	vst v1;
	v3 =	vmul.f32 $1.131370830e+01, v3  }
0xca: {  	v1 =	vld [tilespmem:s26+$0x5930];
	[tilespmem:s25+$0xDAC0] =	vst v2;
	v4 =	vmul.f32 $1.131370830e+01, v4  }
0xcb: {  	v2 =	vld [tilespmem:s26+$0x5940];
	[tilespmem:s25+$0xDAD0] =	vst v3;
	v7 =	vmul.f32 $1.131370830e+01, v7  }
0xcc: {  	v3 =	vld [tilespmem:s26+$0x5950];
	[tilespmem:s25+$0xDAE0] =	vst v4;
	v32 =	vmul.f32 $1.131370830e+01, v5  }
0xcd: {  	v33 =	vld [tilespmem:s26+$0x5960];
	[tilespmem:s26+$0xDAF0] =	vst v7;
	v6 =	vmul.f32 $1.131370830e+01, v6  }
0xce: {  	v34 =	vld [tilespmem:s26+$0x5970];
	[tilespmem:s26+$0xD900] =	vst v32;
	v0 =	vmul.f32 $1.131370830e+01, v0  }
0xcf: {  	v35 =	vld [tilespmem:s26+$0x5980];
	[tilespmem:s26+$0xD910] =	vst v6;
	v1 =	vmul.f32 $1.131370830e+01, v1  }
0xd0: {  	v36 =	vld [tilespmem:s26+$0x5990];
	[tilespmem:s26+$0xD920] =	vst v0;
	v2 =	vmul.f32 $1.131370830e+01, v2  }
0xd1: {  	v37 =	vld [tilespmem:s26+$0x59A0];
	[tilespmem:s26+$0xD930] =	vst v1;
	v3 =	vmul.f32 $1.131370830e+01, v3  }
0xd2: {  	v38 =	vld [tilespmem:s26+$0x59B0];
	[tilespmem:s26+$0xD940] =	vst v2;
	v5 =	vmul.f32 $1.131370830e+01, v33  }
0xd3: {  	v52 =	vld [tilespmem:s26+$0x5A90];
	v4 =	vmul.f32 $1.131370830e+01, v34;
	[tilespmem:s26+$0xD950] =	vst v3  }
0xd4: {  	v53 =	vld [tilespmem:s26+$0x5AA0];
	v6 =	vmul.f32 $1.131370830e+01, v35;
	[tilespmem:s26+$0xD960] =	vst v5  }
0xd5: {  	v54 =	vld [tilespmem:s26+$0x5AB0];
	v0 =	vmul.f32 $1.131370830e+01, v36;
	[tilespmem:s26+$0xD970] =	vst v4  }
0xd6: {  	v55 =	vld [tilespmem:s26+$0x5AC0];
	v1 =	vmul.f32 $1.131370830e+01, v37;
	[tilespmem:s26+$0xD980] =	vst v6  }
0xd7: {  	v56 =	vld [tilespmem:s26+$0x5AD0];
	v2 =	vmul.f32 $1.131370830e+01, v38;
	[tilespmem:s26+$0xD990] =	vst v0  }
0xd8: {  	v58 =	vld [tilespmem:s26+$0x5AE0];
	v57 =	vmul.f32 $1.131370830e+01, v52;
	[tilespmem:s26+$0xD9A0] =	vst v1  }
0xd9: {  	v39 =	vld [tilespmem:s26+$0x59C0];
	v59 =	vmul.f32 $1.131370830e+01, v53;
	[tilespmem:s26+$0xD9B0] =	vst v2  }
0xda: {  	v40 =	vld [tilespmem:s26+$0x59D0];
	v60 =	vmul.f32 $1.131370830e+01, v54;
	[tilespmem:s26+$0xDA90] =	vst v57  }
0xdb: {  	v41 =	vld [tilespmem:s26+$0x59E0];
	v61 =	vmul.f32 $1.131370830e+01, v55;
	[tilespmem:s26+$0xDAA0] =	vst v59  }
0xdc: {  	v42 =	vld [tilespmem:s26+$0x59F0];
	v62 =	vmul.f32 $1.131370830e+01, v56;
	[tilespmem:s26+$0xDAB0] =	vst v60  }
0xdd: {  	v43 =	vld [tilespmem:s26+$0x5A00];
	v63 =	vmul.f32 $1.131370830e+01, v58;
	[tilespmem:s26+$0xDAC0] =	vst v61  }
0xde: {  	v44 =	vld [tilespmem:s26+$0x5A10];
	v3 =	vmul.f32 $1.131370830e+01, v39;
	[tilespmem:s26+$0xDAD0] =	vst v62  }
0xdf: {  	v45 =	vld [tilespmem:s26+$0x5A20];
	v5 =	vmul.f32 $1.131370830e+01, v40;
	[tilespmem:s26+$0xDAE0] =	vst v63  }
0xe0: {  	v46 =	vld [tilespmem:s26+$0x5A30];
	v4 =	vmul.f32 $1.131370830e+01, v41;
	[tilespmem:s26+$0xD9C0] =	vst v3  }
0xe1: {  	v47 =	vld [tilespmem:s26+$0x5A40];
	v6 =	vmul.f32 $1.131370830e+01, v42;
	[tilespmem:s26+$0xD9D0] =	vst v5  }
0xe2: {  	v48 =	vld [tilespmem:s26+$0x5A50];
	v0 =	vmul.f32 $1.131370830e+01, v43;
	[tilespmem:s26+$0xD9E0] =	vst v4  }
0xe3: {  	v49 =	vld [tilespmem:s26+$0x5A60];
	v1 =	vmul.f32 $1.131370830e+01, v44;
	[tilespmem:s26+$0xD9F0] =	vst v6  }
0xe4: {  	v50 =	vld [tilespmem:s26+$0x5A70];
	v2 =	vmul.f32 $1.131370830e+01, v45;
	[tilespmem:s26+$0xDA00] =	vst v0  }
0xe5: {  	v51 =	vld [tilespmem:s26+$0x5A80];
	v3 =	vmul.f32 $1.131370830e+01, v46;
	[tilespmem:s26+$0xDA10] =	vst v1  }
0xe6: {  	[tilespmem:s26+$0xDA20] =	vst v2;
	v5 =	vmul.f32 $1.131370830e+01, v47  }
0xe7: {  	v4 =	vmul.f32 $1.131370830e+01, v48;
	[tilespmem:s26+$0xDA30] =	vst v3  }
0xe8: {  	v6 =	vmul.f32 $1.131370830e+01, v49;
	[tilespmem:s26+$0xDA40] =	vst v5  }
0xe9: {  	v0 =	vmul.f32 $1.131370830e+01, v50;
	[tilespmem:s26+$0xDA50] =	vst v4  }
0xea: {  	v1 =	vmul.f32 $1.131370830e+01, v51;
	[tilespmem:s26+$0xDA60] =	vst v6  }
0xeb: {  	[tilespmem:s26+$0xDA70] =	vst v0  }
0xec: {  	[tilespmem:s26+$0xDA80] =	vst v1  }
0xed: {  	[hbm4b:s8+s4] =	stream.linear.scatter [tilespmem:s20], [sflag:$0x4], $0x4000, $0x38;
	[tilespmem:$0x11900] =	vst v63  }
0xee: {  	s25 =	simm.s32 $0x1  }
0xef: {  	[tilespmem:s15], [sflag:$0x2] =	stream.indirect.gather [hbm4b:s2+s13], $0x80, s21, s13, $0xb8;
	[tilespmem:$0x11900] =	vst v63  }
.LBB2_6:
0xf0: {  	_ =	swait.ge [sflag:s16], $0x4000  }
0xf1: {  	[sflag:s16] =	ssyncset.done $0x0  }
0xf2: {  	[sflag:s16] =	ssyncadd.s32 $0xFFFFC000  }
0xf3: {  	_ =	swait.ge [sflag:s22], $0x4000  }
0xf4: {  	[sflag:s22] =	ssyncset.done $0x0  }
0xf5: {  	s26 =	simm.s32 $0x0;
	[sflag:s22] =	ssyncadd.s32 $0xFFFFC000  }
0xf6: {  	v0 =	vld [tilespmem:s26+$0x1AF0]  }
0xf7: {  	v1 =	vld [tilespmem:s26+$0x1900];
	_ =	sdelay $0x1  }
0xf8: {  	v2 =	vld [tilespmem:s26+$0x1910]  }
0xf9: {  	v3 =	vld [tilespmem:s26+$0x1920]  }
0xfa: {  	v4 =	vld [tilespmem:s26+$0x1930];
	v0 =	vmul.f32 $1.131370830e+01, v0  }
0xfb: {  	v5 =	vld [tilespmem:s26+$0x1940];
	v1 =	vmul.f32 $1.131370830e+01, v1  }
0xfc: {  	v6 =	vld [tilespmem:s26+$0x1950];
	[tilespmem:s26+$0x9AF0] =	vst v0  }
0xfd: {  	v0 =	vmul.f32 $1.131370830e+01, v2;
	[tilespmem:s26+$0x9900] =	vst v1;
	v1 =	vld [tilespmem:s26+$0x1970]  }
0xfe: {  	v7 =	vld [tilespmem:s26+$0x1960];
	v2 =	vmul.f32 $1.131370830e+01, v3  }
0xff: {  	v3 =	vmul.f32 $1.131370830e+01, v4;
	[tilespmem:s26+$0x9910] =	vst v0;
	v0 =	vld [tilespmem:s26+$0x1980]  }
0x100: {  	v4 =	vmul.f32 $1.131370830e+01, v5;
	[tilespmem:s26+$0x9920] =	vst v2;
	v2 =	vld [tilespmem:s26+$0x1990]  }
0x101: {  	v5 =	vmul.f32 $1.131370830e+01, v6;
	[tilespmem:s26+$0x9930] =	vst v3;
	v3 =	vld [tilespmem:s26+$0x19A0]  }
0x102: {  	[tilespmem:s26+$0x9940] =	vst v4;
	v4 =	vld [tilespmem:s26+$0x19B0];
	v1 =	vmul.f32 $1.131370830e+01, v1  }
0x103: {  	v6 =	vmul.f32 $1.131370830e+01, v7;
	[tilespmem:s26+$0x9950] =	vst v5;
	v5 =	vld [tilespmem:s26+$0x19C0]  }
0x104: {  	v0 =	vmul.f32 $1.131370830e+01, v0;
	[tilespmem:s26+$0x9970] =	vst v1;
	v1 =	vld [tilespmem:s26+$0x19E0]  }
0x105: {  	[tilespmem:s26+$0x9960] =	vst v6;
	v6 =	vld [tilespmem:s26+$0x19D0];
	v2 =	vmul.f32 $1.131370830e+01, v2  }
0x106: {  	v3 =	vmul.f32 $1.131370830e+01, v3;
	[tilespmem:s26+$0x9980] =	vst v0;
	v0 =	vld [tilespmem:s26+$0x19F0]  }
0x107: {  	v4 =	vmul.f32 $1.131370830e+01, v4;
	[tilespmem:s26+$0x9990] =	vst v2;
	v2 =	vld [tilespmem:s26+$0x1A00]  }
0x108: {  	v5 =	vmul.f32 $1.131370830e+01, v5;
	[tilespmem:s26+$0x99A0] =	vst v3;
	v3 =	vld [tilespmem:s26+$0x1A10]  }
0x109: {  	[tilespmem:s26+$0x99B0] =	vst v4;
	v4 =	vld [tilespmem:s26+$0x1A20];
	v1 =	vmul.f32 $1.131370830e+01, v1  }
0x10a: {  	v6 =	vmul.f32 $1.131370830e+01, v6;
	[tilespmem:s26+$0x99C0] =	vst v5;
	v5 =	vld [tilespmem:s26+$0x1A30]  }
0x10b: {  	v0 =	vmul.f32 $1.131370830e+01, v0;
	[tilespmem:s26+$0x99E0] =	vst v1;
	v1 =	vld [tilespmem:s26+$0x1A50]  }
0x10c: {  	[tilespmem:s26+$0x99D0] =	vst v6;
	v6 =	vld [tilespmem:s26+$0x1A40];
	v2 =	vmul.f32 $1.131370830e+01, v2  }
0x10d: {  	[tilespmem:s26+$0x99F0] =	vst v0;
	v0 =	vmul.f32 $1.131370830e+01, v3;
	v3 =	vld [tilespmem:s26+$0x1A70]  }
0x10e: {  	v7 =	vld [tilespmem:s26+$0x1A60];
	[tilespmem:s26+$0x9A00] =	vst v2;
	v2 =	vmul.f32 $1.131370830e+01, v4  }
0x10f: {  	v4 =	vld [tilespmem:s26+$0x1A80];
	[tilespmem:s26+$0x9A10] =	vst v0;
	v0 =	vmul.f32 $1.131370830e+01, v5  }
0x110: {  	v8 =	vld [tilespmem:s26+$0x1A90];
	[tilespmem:s26+$0x9A20] =	vst v2;
	v5 =	vmul.f32 $1.131370830e+01, v1  }
0x111: {  	v2 =	vmul.f32 $1.131370830e+01, v6;
	[tilespmem:s26+$0x9A30] =	vst v0;
	v0 =	vld [tilespmem:s26+$0x1AA0]  }
0x112: {  	v1 =	vld [tilespmem:s26+$0x1AB0];
	[tilespmem:s26+$0x9A50] =	vst v5;
	v5 =	vmul.f32 $1.131370830e+01, v3  }
0x113: {  	v6 =	vmul.f32 $1.131370830e+01, v7;
	[tilespmem:s26+$0x9A40] =	vst v2;
	v2 =	vld [tilespmem:s26+$0x1AC0]  }
0x114: {  	v3 =	vld [tilespmem:s26+$0x1AD0];
	[tilespmem:s26+$0x9A70] =	vst v5;
	v5 =	vmul.f32 $1.131370830e+01, v4  }
0x115: {  	s28 =	simm.s32 $0x200;
	s29 =	simm.s32 $0x1000;
	[tilespmem:s26+$0x9A60] =	vst v6;
	v6 =	vmul.f32 $1.131370830e+01, v8;
	v4 =	vld [tilespmem:s26+$0x1AE0]  }
.LBB2_7:
0x116: {  	p0 =	sne.s32 s29, $0xF800;
	v7 =	vld [tilespmem:s28+$0x1AF0];
	[tilespmem:s26+$0x9A80] =	vst v5;
	v0 =	vmul.f32 $1.131370830e+01, v0  }
0x117: {  	v5 =	vld [tilespmem:s28+$0x1900];
	[tilespmem:s26+$0x9A90] =	vst v6;
	v1 =	vmul.f32 $1.131370830e+01, v1  }
0x118: {  	v6 =	vld [tilespmem:s28+$0x1910];
	[tilespmem:s26+$0x9AA0] =	vst v0;
	v0 =	vmul.f32 $1.131370830e+01, v2  }
0x119: {  	v2 =	vld [tilespmem:s28+$0x1920];
	[tilespmem:s26+$0x9AB0] =	vst v1;
	v1 =	vmul.f32 $1.131370830e+01, v3  }
0x11a: {  	v3 =	vld [tilespmem:s28+$0x1930];
	[tilespmem:s26+$0x9AC0] =	vst v0;
	v0 =	vmul.f32 $1.131370830e+01, v4  }
0x11b: {  	v4 =	vld [tilespmem:s28+$0x1940];
	v7 =	vmul.f32 $1.131370830e+01, v7;
	[tilespmem:s26+$0x9AD0] =	vst v1  }
0x11c: {  	v1 =	vmul.f32 $1.131370830e+01, v5;
	v5 =	vld [tilespmem:s28+$0x1950];
	[tilespmem:s26+$0x9AE0] =	vst v0;
	s26 =	smov.u32 s28  }
0x11d: {  	v0 =	vmul.f32 $1.131370830e+01, v6;
	v6 =	vld [tilespmem:s26+$0x1960];
	[tilespmem:s26+$0x9AF0] =	vst v7  }
0x11e: {  	[tilespmem:s26+$0x9900] =	vst v1;
	v1 =	vmul.f32 $1.131370830e+01, v2;
	v2 =	vld [tilespmem:s26+$0x1970]  }
0x11f: {  	[tilespmem:s26+$0x9910] =	vst v0;
	v0 =	vmul.f32 $1.131370830e+01, v3;
	v3 =	vld [tilespmem:s26+$0x1980]  }
0x120: {  	[tilespmem:s26+$0x9920] =	vst v1;
	v1 =	vmul.f32 $1.131370830e+01, v4;
	v4 =	vld [tilespmem:s26+$0x1990]  }
0x121: {  	[tilespmem:s26+$0x9930] =	vst v0;
	v0 =	vmul.f32 $1.131370830e+01, v5;
	v5 =	vld [tilespmem:s26+$0x19A0]  }
0x122: {  	[tilespmem:s26+$0x9940] =	vst v1;
	v1 =	vmul.f32 $1.131370830e+01, v6;
	v6 =	vld [tilespmem:s26+$0x19B0]  }
0x123: {  	[tilespmem:s26+$0x9950] =	vst v0;
	v0 =	vmul.f32 $1.131370830e+01, v2;
	v2 =	vld [tilespmem:s26+$0x19C0]  }
0x124: {  	[tilespmem:s26+$0x9960] =	vst v1;
	v1 =	vmul.f32 $1.131370830e+01, v3;
	v3 =	vld [tilespmem:s26+$0x19D0]  }
0x125: {  	[tilespmem:s26+$0x9970] =	vst v0;
	v0 =	vmul.f32 $1.131370830e+01, v4;
	v4 =	vld [tilespmem:s26+$0x19E0]  }
0x126: {  	[tilespmem:s26+$0x9980] =	vst v1;
	v1 =	vmul.f32 $1.131370830e+01, v5;
	v5 =	vld [tilespmem:s26+$0x19F0]  }
0x127: {  	[tilespmem:s26+$0x9990] =	vst v0;
	v0 =	vmul.f32 $1.131370830e+01, v6;
	v6 =	vld [tilespmem:s26+$0x1A00]  }
0x128: {  	[tilespmem:s26+$0x99A0] =	vst v1;
	v1 =	vmul.f32 $1.131370830e+01, v2;
	v2 =	vld [tilespmem:s26+$0x1A10]  }
0x129: {  	[tilespmem:s26+$0x99B0] =	vst v0;
	v0 =	vmul.f32 $1.131370830e+01, v3;
	v3 =	vld [tilespmem:s26+$0x1A20]  }
0x12a: {  	[tilespmem:s26+$0x99C0] =	vst v1;
	v1 =	vmul.f32 $1.131370830e+01, v4;
	v4 =	vld [tilespmem:s26+$0x1A30]  }
0x12b: {  	[tilespmem:s26+$0x99D0] =	vst v0;
	v0 =	vmul.f32 $1.131370830e+01, v5;
	v5 =	vld [tilespmem:s26+$0x1A40]  }
0x12c: {  	[tilespmem:s26+$0x99E0] =	vst v1;
	v1 =	vmul.f32 $1.131370830e+01, v6;
	v6 =	vld [tilespmem:s26+$0x1A50]  }
0x12d: {  	[tilespmem:s26+$0x99F0] =	vst v0;
	v0 =	vmul.f32 $1.131370830e+01, v2;
	v2 =	vld [tilespmem:s26+$0x1A60]  }
0x12e: {  	[tilespmem:s26+$0x9A00] =	vst v1;
	v1 =	vmul.f32 $1.131370830e+01, v3;
	v3 =	vld [tilespmem:s26+$0x1A70]  }
0x12f: {  	[tilespmem:s26+$0x9A10] =	vst v0;
	v0 =	vmul.f32 $1.131370830e+01, v4;
	v4 =	vld [tilespmem:s26+$0x1A80]  }
0x130: {  	[tilespmem:s26+$0x9A20] =	vst v1;
	v1 =	vmul.f32 $1.131370830e+01, v5;
	v7 =	vld [tilespmem:s26+$0x1A90]  }
.Ltmp2:
0x131: {  	[tilespmem:s26+$0x9A30] =	vst v0;
	v5 =	vmul.f32 $1.131370830e+01, v6;
	v0 =	vld [tilespmem:s26+$0x1AA0];
	(pc) =	sbr.rel @p0 .LBB2_7-.Ltmp2, $4  }
0x132: {  	[tilespmem:s26+$0x9A40] =	vst v1;
	v6 =	vmul.f32 $1.131370830e+01, v2;
	v1 =	vld [tilespmem:s26+$0x1AB0]  }
0x133: {  	[tilespmem:s26+$0x9A50] =	vst v5;
	v8 =	vmul.f32 $1.131370830e+01, v3;
	v2 =	vld [tilespmem:s26+$0x1AC0]  }
0x134: {  	[tilespmem:s26+$0x9A60] =	vst v6;
	v5 =	vmul.f32 $1.131370830e+01, v4;
	v3 =	vld [tilespmem:s26+$0x1AD0]  }
0x135: {  	s28 =	sshra.s32 s29, $0x2;
	s29 =	sadd.s32 $0x800, s29;
	[tilespmem:s26+$0x9A70] =	vst v8;
	v6 =	vmul.f32 $1.131370830e+01, v7;
	v4 =	vld [tilespmem:s26+$0x1AE0]  }
0x136: {  	v7 =	vld [tilespmem:s28+$0x1AF0];
	[tilespmem:s26+$0x9A80] =	vst v5;
	v0 =	vmul.f32 $1.131370830e+01, v0  }
0x137: {  	v5 =	vld [tilespmem:s28+$0x1900];
	[tilespmem:s26+$0x9A90] =	vst v6;
	v1 =	vmul.f32 $1.131370830e+01, v1  }
0x138: {  	v6 =	vld [tilespmem:s28+$0x1910];
	[tilespmem:s26+$0x9AA0] =	vst v0;
	v2 =	vmul.f32 $1.131370830e+01, v2  }
0x139: {  	v0 =	vld [tilespmem:s28+$0x1920];
	[tilespmem:s26+$0x9AB0] =	vst v1;
	v3 =	vmul.f32 $1.131370830e+01, v3  }
0x13a: {  	v1 =	vld [tilespmem:s28+$0x1930];
	[tilespmem:s26+$0x9AC0] =	vst v2;
	v4 =	vmul.f32 $1.131370830e+01, v4  }
0x13b: {  	v2 =	vld [tilespmem:s28+$0x1940];
	[tilespmem:s26+$0x9AD0] =	vst v3;
	v7 =	vmul.f32 $1.131370830e+01, v7  }
0x13c: {  	v3 =	vld [tilespmem:s28+$0x1950];
	[tilespmem:s26+$0x9AE0] =	vst v4;
	v4 =	vmul.f32 $1.131370830e+01, v5  }
0x13d: {  	v5 =	vld [tilespmem:s28+$0x1960];
	[tilespmem:s28+$0x9AF0] =	vst v7;
	v6 =	vmul.f32 $1.131370830e+01, v6  }
0x13e: {  	[tilespmem:s28+$0x9900] =	vst v4;
	v4 =	vld [tilespmem:s28+$0x1970];
	v0 =	vmul.f32 $1.131370830e+01, v0  }
0x13f: {  	[tilespmem:s28+$0x9910] =	vst v6;
	v6 =	vld [tilespmem:s28+$0x1980];
	v1 =	vmul.f32 $1.131370830e+01, v1  }
0x140: {  	[tilespmem:s28+$0x9920] =	vst v0;
	v0 =	vld [tilespmem:s28+$0x1990];
	v2 =	vmul.f32 $1.131370830e+01, v2  }
0x141: {  	[tilespmem:s28+$0x9930] =	vst v1;
	v1 =	vld [tilespmem:s28+$0x19A0];
	v3 =	vmul.f32 $1.131370830e+01, v3  }
0x142: {  	[tilespmem:s28+$0x9940] =	vst v2;
	v2 =	vld [tilespmem:s28+$0x19B0];
	v5 =	vmul.f32 $1.131370830e+01, v5  }
0x143: {  	[tilespmem:s28+$0x9950] =	vst v3;
	v3 =	vld [tilespmem:s28+$0x19C0];
	v4 =	vmul.f32 $1.131370830e+01, v4  }
0x144: {  	[tilespmem:s28+$0x9960] =	vst v5;
	v5 =	vld [tilespmem:s28+$0x19D0];
	v6 =	vmul.f32 $1.131370830e+01, v6  }
0x145: {  	[tilespmem:s28+$0x9970] =	vst v4;
	v4 =	vld [tilespmem:s28+$0x19E0];
	v0 =	vmul.f32 $1.131370830e+01, v0  }
0x146: {  	[tilespmem:s28+$0x9980] =	vst v6;
	v6 =	vld [tilespmem:s28+$0x19F0];
	v1 =	vmul.f32 $1.131370830e+01, v1  }
0x147: {  	[tilespmem:s28+$0x9990] =	vst v0;
	v0 =	vld [tilespmem:s28+$0x1A00];
	v2 =	vmul.f32 $1.131370830e+01, v2  }
0x148: {  	[tilespmem:s28+$0x99A0] =	vst v1;
	v1 =	vld [tilespmem:s28+$0x1A10];
	v3 =	vmul.f32 $1.131370830e+01, v3  }
0x149: {  	[tilespmem:s28+$0x99B0] =	vst v2;
	v2 =	vld [tilespmem:s28+$0x1A20];
	v5 =	vmul.f32 $1.131370830e+01, v5  }
0x14a: {  	[tilespmem:s28+$0x99C0] =	vst v3;
	v3 =	vld [tilespmem:s28+$0x1A30];
	v4 =	vmul.f32 $1.131370830e+01, v4  }
0x14b: {  	[tilespmem:s28+$0x99D0] =	vst v5;
	v5 =	vld [tilespmem:s28+$0x1A40];
	v6 =	vmul.f32 $1.131370830e+01, v6  }
0x14c: {  	[tilespmem:s28+$0x99E0] =	vst v4;
	v4 =	vld [tilespmem:s28+$0x1A50];
	v0 =	vmul.f32 $1.131370830e+01, v0  }
0x14d: {  	[tilespmem:s28+$0x99F0] =	vst v6;
	v6 =	vld [tilespmem:s28+$0x1A60];
	v1 =	vmul.f32 $1.131370830e+01, v1  }
0x14e: {  	[tilespmem:s28+$0x9A00] =	vst v0;
	v0 =	vld [tilespmem:s28+$0x1A70];
	v2 =	vmul.f32 $1.131370830e+01, v2  }
0x14f: {  	[tilespmem:s28+$0x9A10] =	vst v1;
	v1 =	vld [tilespmem:s28+$0x1A80];
	v3 =	vmul.f32 $1.131370830e+01, v3  }
0x150: {  	[tilespmem:s28+$0x9A20] =	vst v2;
	v2 =	vld [tilespmem:s28+$0x1A90];
	v5 =	vmul.f32 $1.131370830e+01, v5  }
0x151: {  	[tilespmem:s28+$0x9A30] =	vst v3;
	v3 =	vld [tilespmem:s28+$0x1AA0];
	v4 =	vmul.f32 $1.131370830e+01, v4  }
0x152: {  	[tilespmem:s28+$0x9A40] =	vst v5;
	v5 =	vld [tilespmem:s28+$0x1AB0];
	v6 =	vmul.f32 $1.131370830e+01, v6  }
0x153: {  	[tilespmem:s28+$0x9A50] =	vst v4;
	v4 =	vld [tilespmem:s28+$0x1AC0];
	v0 =	vmul.f32 $1.131370830e+01, v0  }
0x154: {  	[tilespmem:s28+$0x9A60] =	vst v6;
	v6 =	vld [tilespmem:s28+$0x1AD0];
	v1 =	vmul.f32 $1.131370830e+01, v1  }
0x155: {  	[tilespmem:s28+$0x9A70] =	vst v0;
	v0 =	vmul.f32 $1.131370830e+01, v2;
	v2 =	vld [tilespmem:s28+$0x1AE0]  }
0x156: {  	[tilespmem:s28+$0x9A80] =	vst v1;
	v1 =	vmul.f32 $1.131370830e+01, v3  }
0x157: {  	[tilespmem:s28+$0x9A90] =	vst v0;
	v0 =	vmul.f32 $1.131370830e+01, v5  }
0x158: {  	[tilespmem:s28+$0x9AA0] =	vst v1;
	v1 =	vmul.f32 $1.131370830e+01, v4  }
0x159: {  	s31 =	sshll.u32 s25, $0xF;
	[tilespmem:s28+$0x9AB0] =	vst v0;
	v0 =	vmul.f32 $1.131370830e+01, v6  }
0x15a: {  	s26 =	sadd.s32 s5, s31;
	[tilespmem:s28+$0x9AC0] =	vst v1;
	v1 =	vmul.f32 $1.131370830e+01, v2  }
0x15b: {  	s26 =	sshrl.u32 s26, $0x3;
	[tilespmem:s28+$0x9AD0] =	vst v0  }
0x15c: {  	s31 =	sshll.u32 s25, $0x8;
	s26 =	sadd.s32 s3, s26;
	[tilespmem:s28+$0x9AE0] =	vst v1;
	s28 =	simm.s32 $0x0  }
0x15d: {  	[hbm4b:s26+s28] =	stream.linear.scatter [tilespmem:s17], [sflag:$0x3], $0x4000, $0x38;
	[tilespmem:$0x11900] =	vst v63  }
0x15e: {  	s26 =	sand.u32 $0x3FFFFF00, s31  }
0x15f: {  	s28 =	sadd.s32 $0x100, s26  }
0x160: {  	[tilespmem:s14], [sflag:$0x1] =	stream.indirect.gather [hbm4b:s2+s13], $0x80, s28, s13, $0xb8;
	[tilespmem:$0x11900] =	vst v63  }
0x161: {  	_ =	swait.ge [sflag:s19], $0x4000  }
0x162: {  	[sflag:s19] =	ssyncset.done $0x0  }
0x163: {  	[sflag:s19] =	ssyncadd.s32 $0xFFFFC000  }
0x164: {  	_ =	swait.ge [sflag:s23], $0x4000  }
0x165: {  	[sflag:s23] =	ssyncset.done $0x0  }
0x166: {  	s28 =	simm.s32 $0x0;
	[sflag:s23] =	ssyncadd.s32 $0xFFFFC000  }
0x167: {  	v0 =	vld [tilespmem:s28+$0x5AF0]  }
0x168: {  	v1 =	vld [tilespmem:s28+$0x5900];
	_ =	sdelay $0x1  }
0x169: {  	v2 =	vld [tilespmem:s28+$0x5910]  }
0x16a: {  	v3 =	vld [tilespmem:s28+$0x5920]  }
0x16b: {  	v4 =	vld [tilespmem:s28+$0x5930];
	v0 =	vmul.f32 $1.131370830e+01, v0  }
0x16c: {  	v5 =	vld [tilespmem:s28+$0x5940];
	v1 =	vmul.f32 $1.131370830e+01, v1  }
0x16d: {  	v6 =	vld [tilespmem:s28+$0x5950];
	[tilespmem:s28+$0xDAF0] =	vst v0  }
0x16e: {  	v0 =	vmul.f32 $1.131370830e+01, v2;
	[tilespmem:s28+$0xD900] =	vst v1;
	v1 =	vld [tilespmem:s28+$0x5970]  }
0x16f: {  	v7 =	vld [tilespmem:s28+$0x5960];
	v2 =	vmul.f32 $1.131370830e+01, v3  }
0x170: {  	v3 =	vmul.f32 $1.131370830e+01, v4;
	[tilespmem:s28+$0xD910] =	vst v0;
	v0 =	vld [tilespmem:s28+$0x5980]  }
0x171: {  	v4 =	vmul.f32 $1.131370830e+01, v5;
	[tilespmem:s28+$0xD920] =	vst v2;
	v2 =	vld [tilespmem:s28+$0x5990]  }
0x172: {  	v5 =	vmul.f32 $1.131370830e+01, v6;
	[tilespmem:s28+$0xD930] =	vst v3;
	v3 =	vld [tilespmem:s28+$0x59A0]  }
0x173: {  	[tilespmem:s28+$0xD940] =	vst v4;
	v4 =	vld [tilespmem:s28+$0x59B0];
	v1 =	vmul.f32 $1.131370830e+01, v1  }
0x174: {  	v6 =	vmul.f32 $1.131370830e+01, v7;
	[tilespmem:s28+$0xD950] =	vst v5;
	v5 =	vld [tilespmem:s28+$0x59C0]  }
0x175: {  	v0 =	vmul.f32 $1.131370830e+01, v0;
	[tilespmem:s28+$0xD970] =	vst v1;
	v1 =	vld [tilespmem:s28+$0x59E0]  }
0x176: {  	[tilespmem:s28+$0xD960] =	vst v6;
	v6 =	vld [tilespmem:s28+$0x59D0];
	v2 =	vmul.f32 $1.131370830e+01, v2  }
0x177: {  	v3 =	vmul.f32 $1.131370830e+01, v3;
	[tilespmem:s28+$0xD980] =	vst v0;
	v0 =	vld [tilespmem:s28+$0x59F0]  }
0x178: {  	v4 =	vmul.f32 $1.131370830e+01, v4;
	[tilespmem:s28+$0xD990] =	vst v2;
	v2 =	vld [tilespmem:s28+$0x5A00]  }
0x179: {  	v5 =	vmul.f32 $1.131370830e+01, v5;
	[tilespmem:s28+$0xD9A0] =	vst v3;
	v3 =	vld [tilespmem:s28+$0x5A10]  }
0x17a: {  	[tilespmem:s28+$0xD9B0] =	vst v4;
	v4 =	vld [tilespmem:s28+$0x5A20];
	v1 =	vmul.f32 $1.131370830e+01, v1  }
0x17b: {  	v6 =	vmul.f32 $1.131370830e+01, v6;
	[tilespmem:s28+$0xD9C0] =	vst v5;
	v5 =	vld [tilespmem:s28+$0x5A30]  }
0x17c: {  	v0 =	vmul.f32 $1.131370830e+01, v0;
	[tilespmem:s28+$0xD9E0] =	vst v1;
	v1 =	vld [tilespmem:s28+$0x5A50]  }
0x17d: {  	[tilespmem:s28+$0xD9D0] =	vst v6;
	v6 =	vld [tilespmem:s28+$0x5A40];
	v2 =	vmul.f32 $1.131370830e+01, v2  }
0x17e: {  	[tilespmem:s28+$0xD9F0] =	vst v0;
	v0 =	vmul.f32 $1.131370830e+01, v3;
	v3 =	vld [tilespmem:s28+$0x5A70]  }
0x17f: {  	v7 =	vld [tilespmem:s28+$0x5A60];
	[tilespmem:s28+$0xDA00] =	vst v2;
	v2 =	vmul.f32 $1.131370830e+01, v4  }
0x180: {  	v4 =	vld [tilespmem:s28+$0x5A80];
	[tilespmem:s28+$0xDA10] =	vst v0;
	v0 =	vmul.f32 $1.131370830e+01, v5  }
0x181: {  	v8 =	vld [tilespmem:s28+$0x5A90];
	[tilespmem:s28+$0xDA20] =	vst v2;
	v5 =	vmul.f32 $1.131370830e+01, v1  }
0x182: {  	v2 =	vmul.f32 $1.131370830e+01, v6;
	[tilespmem:s28+$0xDA30] =	vst v0;
	v0 =	vld [tilespmem:s28+$0x5AA0]  }
0x183: {  	v1 =	vld [tilespmem:s28+$0x5AB0];
	[tilespmem:s28+$0xDA50] =	vst v5;
	v5 =	vmul.f32 $1.131370830e+01, v3  }
0x184: {  	v6 =	vmul.f32 $1.131370830e+01, v7;
	[tilespmem:s28+$0xDA40] =	vst v2;
	v2 =	vld [tilespmem:s28+$0x5AC0]  }
0x185: {  	v3 =	vld [tilespmem:s28+$0x5AD0];
	[tilespmem:s28+$0xDA70] =	vst v5;
	v5 =	vmul.f32 $1.131370830e+01, v4  }
0x186: {  	s29 =	simm.s32 $0x200;
	s30 =	simm.s32 $0x1000;
	[tilespmem:s28+$0xDA60] =	vst v6;
	v6 =	vmul.f32 $1.131370830e+01, v8;
	v4 =	vld [tilespmem:s28+$0x5AE0]  }
.LBB2_9:
0x187: {  	p0 =	sne.s32 s30, $0xF800;
	v7 =	vld [tilespmem:s29+$0x5AF0];
	[tilespmem:s28+$0xDA80] =	vst v5;
	v0 =	vmul.f32 $1.131370830e+01, v0  }
0x188: {  	v5 =	vld [tilespmem:s29+$0x5900];
	[tilespmem:s28+$0xDA90] =	vst v6;
	v1 =	vmul.f32 $1.131370830e+01, v1  }
0x189: {  	v6 =	vld [tilespmem:s29+$0x5910];
	[tilespmem:s28+$0xDAA0] =	vst v0;
	v0 =	vmul.f32 $1.131370830e+01, v2  }
0x18a: {  	v2 =	vld [tilespmem:s29+$0x5920];
	[tilespmem:s28+$0xDAB0] =	vst v1;
	v1 =	vmul.f32 $1.131370830e+01, v3  }
0x18b: {  	v3 =	vld [tilespmem:s29+$0x5930];
	[tilespmem:s28+$0xDAC0] =	vst v0;
	v0 =	vmul.f32 $1.131370830e+01, v4  }
0x18c: {  	v4 =	vld [tilespmem:s29+$0x5940];
	v7 =	vmul.f32 $1.131370830e+01, v7;
	[tilespmem:s28+$0xDAD0] =	vst v1  }
0x18d: {  	v1 =	vmul.f32 $1.131370830e+01, v5;
	v5 =	vld [tilespmem:s29+$0x5950];
	[tilespmem:s28+$0xDAE0] =	vst v0;
	s28 =	smov.u32 s29  }
0x18e: {  	v0 =	vmul.f32 $1.131370830e+01, v6;
	v6 =	vld [tilespmem:s28+$0x5960];
	[tilespmem:s28+$0xDAF0] =	vst v7  }
0x18f: {  	[tilespmem:s28+$0xD900] =	vst v1;
	v1 =	vmul.f32 $1.131370830e+01, v2;
	v2 =	vld [tilespmem:s28+$0x5970]  }
0x190: {  	[tilespmem:s28+$0xD910] =	vst v0;
	v0 =	vmul.f32 $1.131370830e+01, v3;
	v3 =	vld [tilespmem:s28+$0x5980]  }
0x191: {  	[tilespmem:s28+$0xD920] =	vst v1;
	v1 =	vmul.f32 $1.131370830e+01, v4;
	v4 =	vld [tilespmem:s28+$0x5990]  }
0x192: {  	[tilespmem:s28+$0xD930] =	vst v0;
	v0 =	vmul.f32 $1.131370830e+01, v5;
	v5 =	vld [tilespmem:s28+$0x59A0]  }
0x193: {  	[tilespmem:s28+$0xD940] =	vst v1;
	v1 =	vmul.f32 $1.131370830e+01, v6;
	v6 =	vld [tilespmem:s28+$0x59B0]  }
0x194: {  	[tilespmem:s28+$0xD950] =	vst v0;
	v0 =	vmul.f32 $1.131370830e+01, v2;
	v2 =	vld [tilespmem:s28+$0x59C0]  }
0x195: {  	[tilespmem:s28+$0xD960] =	vst v1;
	v1 =	vmul.f32 $1.131370830e+01, v3;
	v3 =	vld [tilespmem:s28+$0x59D0]  }
0x196: {  	[tilespmem:s28+$0xD970] =	vst v0;
	v0 =	vmul.f32 $1.131370830e+01, v4;
	v4 =	vld [tilespmem:s28+$0x59E0]  }
0x197: {  	[tilespmem:s28+$0xD980] =	vst v1;
	v1 =	vmul.f32 $1.131370830e+01, v5;
	v5 =	vld [tilespmem:s28+$0x59F0]  }
0x198: {  	[tilespmem:s28+$0xD990] =	vst v0;
	v0 =	vmul.f32 $1.131370830e+01, v6;
	v6 =	vld [tilespmem:s28+$0x5A00]  }
0x199: {  	[tilespmem:s28+$0xD9A0] =	vst v1;
	v1 =	vmul.f32 $1.131370830e+01, v2;
	v2 =	vld [tilespmem:s28+$0x5A10]  }
0x19a: {  	[tilespmem:s28+$0xD9B0] =	vst v0;
	v0 =	vmul.f32 $1.131370830e+01, v3;
	v3 =	vld [tilespmem:s28+$0x5A20]  }
0x19b: {  	[tilespmem:s28+$0xD9C0] =	vst v1;
	v1 =	vmul.f32 $1.131370830e+01, v4;
	v4 =	vld [tilespmem:s28+$0x5A30]  }
0x19c: {  	[tilespmem:s28+$0xD9D0] =	vst v0;
	v0 =	vmul.f32 $1.131370830e+01, v5;
	v5 =	vld [tilespmem:s28+$0x5A40]  }
0x19d: {  	[tilespmem:s28+$0xD9E0] =	vst v1;
	v1 =	vmul.f32 $1.131370830e+01, v6;
	v6 =	vld [tilespmem:s28+$0x5A50]  }
0x19e: {  	[tilespmem:s28+$0xD9F0] =	vst v0;
	v0 =	vmul.f32 $1.131370830e+01, v2;
	v2 =	vld [tilespmem:s28+$0x5A60]  }
0x19f: {  	[tilespmem:s28+$0xDA00] =	vst v1;
	v1 =	vmul.f32 $1.131370830e+01, v3;
	v3 =	vld [tilespmem:s28+$0x5A70]  }
0x1a0: {  	[tilespmem:s28+$0xDA10] =	vst v0;
	v0 =	vmul.f32 $1.131370830e+01, v4;
	v4 =	vld [tilespmem:s28+$0x5A80]  }
0x1a1: {  	[tilespmem:s28+$0xDA20] =	vst v1;
	v1 =	vmul.f32 $1.131370830e+01, v5;
	v7 =	vld [tilespmem:s28+$0x5A90]  }
.Ltmp3:
0x1a2: {  	[tilespmem:s28+$0xDA30] =	vst v0;
	v5 =	vmul.f32 $1.131370830e+01, v6;
	v0 =	vld [tilespmem:s28+$0x5AA0];
	(pc) =	sbr.rel @p0 .LBB2_9-.Ltmp3, $4  }
0x1a3: {  	[tilespmem:s28+$0xDA40] =	vst v1;
	v6 =	vmul.f32 $1.131370830e+01, v2;
	v1 =	vld [tilespmem:s28+$0x5AB0]  }
0x1a4: {  	[tilespmem:s28+$0xDA50] =	vst v5;
	v8 =	vmul.f32 $1.131370830e+01, v3;
	v2 =	vld [tilespmem:s28+$0x5AC0]  }
0x1a5: {  	[tilespmem:s28+$0xDA60] =	vst v6;
	v5 =	vmul.f32 $1.131370830e+01, v4;
	v3 =	vld [tilespmem:s28+$0x5AD0]  }
0x1a6: {  	s29 =	sshra.s32 s30, $0x2;
	s30 =	sadd.s32 $0x800, s30;
	[tilespmem:s28+$0xDA70] =	vst v8;
	v6 =	vmul.f32 $1.131370830e+01, v7;
	v4 =	vld [tilespmem:s28+$0x5AE0]  }
0x1a7: {  	v7 =	vld [tilespmem:s29+$0x5AF0];
	[tilespmem:s28+$0xDA80] =	vst v5;
	v0 =	vmul.f32 $1.131370830e+01, v0  }
0x1a8: {  	v5 =	vld [tilespmem:s29+$0x5900];
	[tilespmem:s28+$0xDA90] =	vst v6;
	v1 =	vmul.f32 $1.131370830e+01, v1  }
0x1a9: {  	v6 =	vld [tilespmem:s29+$0x5910];
	[tilespmem:s28+$0xDAA0] =	vst v0;
	v2 =	vmul.f32 $1.131370830e+01, v2  }
0x1aa: {  	v0 =	vld [tilespmem:s29+$0x5920];
	[tilespmem:s28+$0xDAB0] =	vst v1;
	v3 =	vmul.f32 $1.131370830e+01, v3  }
0x1ab: {  	v1 =	vld [tilespmem:s29+$0x5930];
	[tilespmem:s28+$0xDAC0] =	vst v2;
	v4 =	vmul.f32 $1.131370830e+01, v4  }
0x1ac: {  	v2 =	vld [tilespmem:s29+$0x5940];
	[tilespmem:s28+$0xDAD0] =	vst v3;
	v7 =	vmul.f32 $1.131370830e+01, v7  }
0x1ad: {  	v3 =	vld [tilespmem:s29+$0x5950];
	[tilespmem:s28+$0xDAE0] =	vst v4;
	v32 =	vmul.f32 $1.131370830e+01, v5  }
0x1ae: {  	v33 =	vld [tilespmem:s29+$0x5960];
	[tilespmem:s29+$0xDAF0] =	vst v7;
	v6 =	vmul.f32 $1.131370830e+01, v6  }
0x1af: {  	v34 =	vld [tilespmem:s29+$0x5970];
	[tilespmem:s29+$0xD900] =	vst v32;
	v0 =	vmul.f32 $1.131370830e+01, v0  }
0x1b0: {  	v35 =	vld [tilespmem:s29+$0x5980];
	[tilespmem:s29+$0xD910] =	vst v6;
	v1 =	vmul.f32 $1.131370830e+01, v1  }
0x1b1: {  	v36 =	vld [tilespmem:s29+$0x5990];
	[tilespmem:s29+$0xD920] =	vst v0;
	v2 =	vmul.f32 $1.131370830e+01, v2  }
0x1b2: {  	v37 =	vld [tilespmem:s29+$0x59A0];
	[tilespmem:s29+$0xD930] =	vst v1;
	v3 =	vmul.f32 $1.131370830e+01, v3  }
0x1b3: {  	v38 =	vld [tilespmem:s29+$0x59B0];
	[tilespmem:s29+$0xD940] =	vst v2;
	v5 =	vmul.f32 $1.131370830e+01, v33  }
0x1b4: {  	v52 =	vld [tilespmem:s29+$0x5A90];
	v4 =	vmul.f32 $1.131370830e+01, v34;
	[tilespmem:s29+$0xD950] =	vst v3  }
0x1b5: {  	v53 =	vld [tilespmem:s29+$0x5AA0];
	v6 =	vmul.f32 $1.131370830e+01, v35;
	[tilespmem:s29+$0xD960] =	vst v5  }
0x1b6: {  	v54 =	vld [tilespmem:s29+$0x5AB0];
	v0 =	vmul.f32 $1.131370830e+01, v36;
	[tilespmem:s29+$0xD970] =	vst v4  }
0x1b7: {  	v55 =	vld [tilespmem:s29+$0x5AC0];
	v1 =	vmul.f32 $1.131370830e+01, v37;
	[tilespmem:s29+$0xD980] =	vst v6  }
0x1b8: {  	v56 =	vld [tilespmem:s29+$0x5AD0];
	v2 =	vmul.f32 $1.131370830e+01, v38;
	[tilespmem:s29+$0xD990] =	vst v0  }
0x1b9: {  	v58 =	vld [tilespmem:s29+$0x5AE0];
	v57 =	vmul.f32 $1.131370830e+01, v52;
	[tilespmem:s29+$0xD9A0] =	vst v1  }
0x1ba: {  	v39 =	vld [tilespmem:s29+$0x59C0];
	v59 =	vmul.f32 $1.131370830e+01, v53;
	[tilespmem:s29+$0xD9B0] =	vst v2  }
0x1bb: {  	v40 =	vld [tilespmem:s29+$0x59D0];
	v60 =	vmul.f32 $1.131370830e+01, v54;
	[tilespmem:s29+$0xDA90] =	vst v57  }
0x1bc: {  	v41 =	vld [tilespmem:s29+$0x59E0];
	v61 =	vmul.f32 $1.131370830e+01, v55;
	[tilespmem:s29+$0xDAA0] =	vst v59  }
0x1bd: {  	v42 =	vld [tilespmem:s29+$0x59F0];
	v62 =	vmul.f32 $1.131370830e+01, v56;
	[tilespmem:s29+$0xDAB0] =	vst v60  }
0x1be: {  	v43 =	vld [tilespmem:s29+$0x5A00];
	v63 =	vmul.f32 $1.131370830e+01, v58;
	[tilespmem:s29+$0xDAC0] =	vst v61  }
0x1bf: {  	v44 =	vld [tilespmem:s29+$0x5A10];
	v3 =	vmul.f32 $1.131370830e+01, v39;
	[tilespmem:s29+$0xDAD0] =	vst v62  }
0x1c0: {  	v45 =	vld [tilespmem:s29+$0x5A20];
	v5 =	vmul.f32 $1.131370830e+01, v40;
	[tilespmem:s29+$0xDAE0] =	vst v63  }
0x1c1: {  	v46 =	vld [tilespmem:s29+$0x5A30];
	v4 =	vmul.f32 $1.131370830e+01, v41;
	[tilespmem:s29+$0xD9C0] =	vst v3  }
0x1c2: {  	v47 =	vld [tilespmem:s29+$0x5A40];
	v6 =	vmul.f32 $1.131370830e+01, v42;
	[tilespmem:s29+$0xD9D0] =	vst v5  }
0x1c3: {  	v48 =	vld [tilespmem:s29+$0x5A50];
	v0 =	vmul.f32 $1.131370830e+01, v43;
	[tilespmem:s29+$0xD9E0] =	vst v4  }
0x1c4: {  	v49 =	vld [tilespmem:s29+$0x5A60];
	v1 =	vmul.f32 $1.131370830e+01, v44;
	[tilespmem:s29+$0xD9F0] =	vst v6  }
0x1c5: {  	v50 =	vld [tilespmem:s29+$0x5A70];
	v2 =	vmul.f32 $1.131370830e+01, v45;
	[tilespmem:s29+$0xDA00] =	vst v0  }
0x1c6: {  	v51 =	vld [tilespmem:s29+$0x5A80];
	v3 =	vmul.f32 $1.131370830e+01, v46;
	[tilespmem:s29+$0xDA10] =	vst v1  }
0x1c7: {  	[tilespmem:s29+$0xDA20] =	vst v2;
	v5 =	vmul.f32 $1.131370830e+01, v47  }
0x1c8: {  	v4 =	vmul.f32 $1.131370830e+01, v48;
	[tilespmem:s29+$0xDA30] =	vst v3  }
0x1c9: {  	v6 =	vmul.f32 $1.131370830e+01, v49;
	[tilespmem:s29+$0xDA40] =	vst v5  }
0x1ca: {  	s31 =	sshll.u32 s25, $0xC;
	s25 =	sadd.s32 $0x1, s25;
	v0 =	vmul.f32 $1.131370830e+01, v50;
	[tilespmem:s29+$0xDA50] =	vst v4  }
0x1cb: {  	p0 =	sne.s32 s25, $0x18;
	v1 =	vmul.f32 $1.131370830e+01, v51;
	[tilespmem:s29+$0xDA60] =	vst v6  }
.Ltmp4:
0x1cc: {  	[tilespmem:s29+$0xDA70] =	vst v0;
	(pc) =	sbr.rel @p0 .LBB2_6-.Ltmp4, $4  }
0x1cd: {  	s28 =	sadd.s32 s8, s31;
	[tilespmem:s29+$0xDA80] =	vst v1  }
0x1ce: {  	[hbm4b:s28+s4] =	stream.linear.scatter [tilespmem:s20], [sflag:$0x4], $0x4000, $0x38;
	[tilespmem:$0x11900] =	vst v63  }
0x1cf: {  	s26 =	sadd.s32 $0x180, s26  }
0x1d0: {  	[tilespmem:s15], [sflag:$0x2] =	stream.indirect.gather [hbm4b:s2+s13], $0x80, s26, s13, $0xb8;
	[tilespmem:$0x11900] =	vst v63  }
0x1d1: {  	_ =	swait.ge [sflag:s16], $0x4000  }
0x1d2: {  	[sflag:s16] =	ssyncset.done $0x0  }
0x1d3: {  	[sflag:s16] =	ssyncadd.s32 $0xFFFFC000  }
0x1d4: {  	_ =	swait.ge [sflag:s22], $0x4000  }
0x1d5: {  	[sflag:s22] =	ssyncset.done $0x0  }
0x1d6: {  	s25 =	simm.s32 $0x0;
	[sflag:s22] =	ssyncadd.s32 $0xFFFFC000  }
0x1d7: {  	v0 =	vld [tilespmem:s25+$0x1AF0]  }
0x1d8: {  	v1 =	vld [tilespmem:s25+$0x1900];
	_ =	sdelay $0x1  }
0x1d9: {  	v2 =	vld [tilespmem:s25+$0x1910]  }
0x1da: {  	v3 =	vld [tilespmem:s25+$0x1920]  }
0x1db: {  	v4 =	vld [tilespmem:s25+$0x1930];
	v0 =	vmul.f32 $1.131370830e+01, v0  }
0x1dc: {  	v5 =	vld [tilespmem:s25+$0x1940];
	v1 =	vmul.f32 $1.131370830e+01, v1  }
0x1dd: {  	v6 =	vld [tilespmem:s25+$0x1950];
	[tilespmem:s25+$0x9AF0] =	vst v0  }
0x1de: {  	v0 =	vmul.f32 $1.131370830e+01, v2;
	[tilespmem:s25+$0x9900] =	vst v1;
	v1 =	vld [tilespmem:s25+$0x1970]  }
0x1df: {  	v7 =	vld [tilespmem:s25+$0x1960];
	v2 =	vmul.f32 $1.131370830e+01, v3  }
0x1e0: {  	v3 =	vmul.f32 $1.131370830e+01, v4;
	[tilespmem:s25+$0x9910] =	vst v0;
	v0 =	vld [tilespmem:s25+$0x1980]  }
0x1e1: {  	v4 =	vmul.f32 $1.131370830e+01, v5;
	[tilespmem:s25+$0x9920] =	vst v2;
	v2 =	vld [tilespmem:s25+$0x1990]  }
0x1e2: {  	v5 =	vmul.f32 $1.131370830e+01, v6;
	[tilespmem:s25+$0x9930] =	vst v3;
	v3 =	vld [tilespmem:s25+$0x19A0]  }
0x1e3: {  	[tilespmem:s25+$0x9940] =	vst v4;
	v4 =	vld [tilespmem:s25+$0x19B0];
	v1 =	vmul.f32 $1.131370830e+01, v1  }
0x1e4: {  	v6 =	vmul.f32 $1.131370830e+01, v7;
	[tilespmem:s25+$0x9950] =	vst v5;
	v5 =	vld [tilespmem:s25+$0x19C0]  }
0x1e5: {  	v0 =	vmul.f32 $1.131370830e+01, v0;
	[tilespmem:s25+$0x9970] =	vst v1;
	v1 =	vld [tilespmem:s25+$0x19E0]  }
0x1e6: {  	[tilespmem:s25+$0x9960] =	vst v6;
	v6 =	vld [tilespmem:s25+$0x19D0];
	v2 =	vmul.f32 $1.131370830e+01, v2  }
0x1e7: {  	v3 =	vmul.f32 $1.131370830e+01, v3;
	[tilespmem:s25+$0x9980] =	vst v0;
	v0 =	vld [tilespmem:s25+$0x19F0]  }
0x1e8: {  	v4 =	vmul.f32 $1.131370830e+01, v4;
	[tilespmem:s25+$0x9990] =	vst v2;
	v2 =	vld [tilespmem:s25+$0x1A00]  }
0x1e9: {  	v5 =	vmul.f32 $1.131370830e+01, v5;
	[tilespmem:s25+$0x99A0] =	vst v3;
	v3 =	vld [tilespmem:s25+$0x1A10]  }
0x1ea: {  	[tilespmem:s25+$0x99B0] =	vst v4;
	v4 =	vld [tilespmem:s25+$0x1A20];
	v1 =	vmul.f32 $1.131370830e+01, v1  }
0x1eb: {  	v6 =	vmul.f32 $1.131370830e+01, v6;
	[tilespmem:s25+$0x99C0] =	vst v5;
	v5 =	vld [tilespmem:s25+$0x1A30]  }
0x1ec: {  	v0 =	vmul.f32 $1.131370830e+01, v0;
	[tilespmem:s25+$0x99E0] =	vst v1;
	v1 =	vld [tilespmem:s25+$0x1A50]  }
0x1ed: {  	[tilespmem:s25+$0x99D0] =	vst v6;
	v6 =	vld [tilespmem:s25+$0x1A40];
	v2 =	vmul.f32 $1.131370830e+01, v2  }
0x1ee: {  	[tilespmem:s25+$0x99F0] =	vst v0;
	v0 =	vmul.f32 $1.131370830e+01, v3;
	v3 =	vld [tilespmem:s25+$0x1A70]  }
0x1ef: {  	v7 =	vld [tilespmem:s25+$0x1A60];
	[tilespmem:s25+$0x9A00] =	vst v2;
	v2 =	vmul.f32 $1.131370830e+01, v4  }
0x1f0: {  	v4 =	vld [tilespmem:s25+$0x1A80];
	[tilespmem:s25+$0x9A10] =	vst v0;
	v0 =	vmul.f32 $1.131370830e+01, v5  }
0x1f1: {  	v8 =	vld [tilespmem:s25+$0x1A90];
	[tilespmem:s25+$0x9A20] =	vst v2;
	v5 =	vmul.f32 $1.131370830e+01, v1  }
0x1f2: {  	v2 =	vmul.f32 $1.131370830e+01, v6;
	[tilespmem:s25+$0x9A30] =	vst v0;
	v0 =	vld [tilespmem:s25+$0x1AA0]  }
0x1f3: {  	v1 =	vld [tilespmem:s25+$0x1AB0];
	[tilespmem:s25+$0x9A50] =	vst v5;
	v5 =	vmul.f32 $1.131370830e+01, v3  }
0x1f4: {  	v6 =	vmul.f32 $1.131370830e+01, v7;
	[tilespmem:s25+$0x9A40] =	vst v2;
	v2 =	vld [tilespmem:s25+$0x1AC0]  }
0x1f5: {  	v3 =	vld [tilespmem:s25+$0x1AD0];
	[tilespmem:s25+$0x9A70] =	vst v5;
	v5 =	vmul.f32 $1.131370830e+01, v4  }
0x1f6: {  	s26 =	simm.s32 $0x200;
	s28 =	simm.s32 $0x1000;
	[tilespmem:s25+$0x9A60] =	vst v6;
	v6 =	vmul.f32 $1.131370830e+01, v8;
	v4 =	vld [tilespmem:s25+$0x1AE0]  }
.LBB2_12:
0x1f7: {  	p0 =	sne.s32 s28, $0xF800;
	v7 =	vld [tilespmem:s26+$0x1AF0];
	[tilespmem:s25+$0x9A80] =	vst v5;
	v0 =	vmul.f32 $1.131370830e+01, v0  }
0x1f8: {  	v5 =	vld [tilespmem:s26+$0x1900];
	[tilespmem:s25+$0x9A90] =	vst v6;
	v1 =	vmul.f32 $1.131370830e+01, v1  }
0x1f9: {  	v6 =	vld [tilespmem:s26+$0x1910];
	[tilespmem:s25+$0x9AA0] =	vst v0;
	v0 =	vmul.f32 $1.131370830e+01, v2  }
0x1fa: {  	v2 =	vld [tilespmem:s26+$0x1920];
	[tilespmem:s25+$0x9AB0] =	vst v1;
	v1 =	vmul.f32 $1.131370830e+01, v3  }
0x1fb: {  	v3 =	vld [tilespmem:s26+$0x1930];
	[tilespmem:s25+$0x9AC0] =	vst v0;
	v0 =	vmul.f32 $1.131370830e+01, v4  }
0x1fc: {  	v4 =	vld [tilespmem:s26+$0x1940];
	v7 =	vmul.f32 $1.131370830e+01, v7;
	[tilespmem:s25+$0x9AD0] =	vst v1  }
0x1fd: {  	v1 =	vmul.f32 $1.131370830e+01, v5;
	v5 =	vld [tilespmem:s26+$0x1950];
	[tilespmem:s25+$0x9AE0] =	vst v0;
	s25 =	smov.u32 s26  }
0x1fe: {  	v0 =	vmul.f32 $1.131370830e+01, v6;
	v6 =	vld [tilespmem:s25+$0x1960];
	[tilespmem:s25+$0x9AF0] =	vst v7  }
0x1ff: {  	[tilespmem:s25+$0x9900] =	vst v1;
	v1 =	vmul.f32 $1.131370830e+01, v2;
	v2 =	vld [tilespmem:s25+$0x1970]  }
0x200: {  	[tilespmem:s25+$0x9910] =	vst v0;
	v0 =	vmul.f32 $1.131370830e+01, v3;
	v3 =	vld [tilespmem:s25+$0x1980]  }
0x201: {  	[tilespmem:s25+$0x9920] =	vst v1;
	v1 =	vmul.f32 $1.131370830e+01, v4;
	v4 =	vld [tilespmem:s25+$0x1990]  }
0x202: {  	[tilespmem:s25+$0x9930] =	vst v0;
	v0 =	vmul.f32 $1.131370830e+01, v5;
	v5 =	vld [tilespmem:s25+$0x19A0]  }
0x203: {  	[tilespmem:s25+$0x9940] =	vst v1;
	v1 =	vmul.f32 $1.131370830e+01, v6;
	v6 =	vld [tilespmem:s25+$0x19B0]  }
0x204: {  	[tilespmem:s25+$0x9950] =	vst v0;
	v0 =	vmul.f32 $1.131370830e+01, v2;
	v2 =	vld [tilespmem:s25+$0x19C0]  }
0x205: {  	[tilespmem:s25+$0x9960] =	vst v1;
	v1 =	vmul.f32 $1.131370830e+01, v3;
	v3 =	vld [tilespmem:s25+$0x19D0]  }
0x206: {  	[tilespmem:s25+$0x9970] =	vst v0;
	v0 =	vmul.f32 $1.131370830e+01, v4;
	v4 =	vld [tilespmem:s25+$0x19E0]  }
0x207: {  	[tilespmem:s25+$0x9980] =	vst v1;
	v1 =	vmul.f32 $1.131370830e+01, v5;
	v5 =	vld [tilespmem:s25+$0x19F0]  }
0x208: {  	[tilespmem:s25+$0x9990] =	vst v0;
	v0 =	vmul.f32 $1.131370830e+01, v6;
	v6 =	vld [tilespmem:s25+$0x1A00]  }
0x209: {  	[tilespmem:s25+$0x99A0] =	vst v1;
	v1 =	vmul.f32 $1.131370830e+01, v2;
	v2 =	vld [tilespmem:s25+$0x1A10]  }
0x20a: {  	[tilespmem:s25+$0x99B0] =	vst v0;
	v0 =	vmul.f32 $1.131370830e+01, v3;
	v3 =	vld [tilespmem:s25+$0x1A20]  }
0x20b: {  	[tilespmem:s25+$0x99C0] =	vst v1;
	v1 =	vmul.f32 $1.131370830e+01, v4;
	v4 =	vld [tilespmem:s25+$0x1A30]  }
0x20c: {  	[tilespmem:s25+$0x99D0] =	vst v0;
	v0 =	vmul.f32 $1.131370830e+01, v5;
	v5 =	vld [tilespmem:s25+$0x1A40]  }
0x20d: {  	[tilespmem:s25+$0x99E0] =	vst v1;
	v1 =	vmul.f32 $1.131370830e+01, v6;
	v6 =	vld [tilespmem:s25+$0x1A50]  }
0x20e: {  	[tilespmem:s25+$0x99F0] =	vst v0;
	v0 =	vmul.f32 $1.131370830e+01, v2;
	v2 =	vld [tilespmem:s25+$0x1A60]  }
0x20f: {  	[tilespmem:s25+$0x9A00] =	vst v1;
	v1 =	vmul.f32 $1.131370830e+01, v3;
	v3 =	vld [tilespmem:s25+$0x1A70]  }
0x210: {  	[tilespmem:s25+$0x9A10] =	vst v0;
	v0 =	vmul.f32 $1.131370830e+01, v4;
	v4 =	vld [tilespmem:s25+$0x1A80]  }
0x211: {  	[tilespmem:s25+$0x9A20] =	vst v1;
	v1 =	vmul.f32 $1.131370830e+01, v5;
	v7 =	vld [tilespmem:s25+$0x1A90]  }
.Ltmp5:
0x212: {  	[tilespmem:s25+$0x9A30] =	vst v0;
	v5 =	vmul.f32 $1.131370830e+01, v6;
	v0 =	vld [tilespmem:s25+$0x1AA0];
	(pc) =	sbr.rel @p0 .LBB2_12-.Ltmp5, $4  }
0x213: {  	[tilespmem:s25+$0x9A40] =	vst v1;
	v6 =	vmul.f32 $1.131370830e+01, v2;
	v1 =	vld [tilespmem:s25+$0x1AB0]  }
0x214: {  	[tilespmem:s25+$0x9A50] =	vst v5;
	v8 =	vmul.f32 $1.131370830e+01, v3;
	v2 =	vld [tilespmem:s25+$0x1AC0]  }
0x215: {  	[tilespmem:s25+$0x9A60] =	vst v6;
	v5 =	vmul.f32 $1.131370830e+01, v4;
	v3 =	vld [tilespmem:s25+$0x1AD0]  }
0x216: {  	s26 =	sshra.s32 s28, $0x2;
	s28 =	sadd.s32 $0x800, s28;
	[tilespmem:s25+$0x9A70] =	vst v8;
	v6 =	vmul.f32 $1.131370830e+01, v7;
	v4 =	vld [tilespmem:s25+$0x1AE0]  }
0x217: {  	v7 =	vld [tilespmem:s26+$0x1AF0];
	[tilespmem:s25+$0x9A80] =	vst v5;
	v0 =	vmul.f32 $1.131370830e+01, v0  }
0x218: {  	v5 =	vld [tilespmem:s26+$0x1900];
	[tilespmem:s25+$0x9A90] =	vst v6;
	v1 =	vmul.f32 $1.131370830e+01, v1  }
0x219: {  	v6 =	vld [tilespmem:s26+$0x1910];
	[tilespmem:s25+$0x9AA0] =	vst v0;
	v2 =	vmul.f32 $1.131370830e+01, v2  }
0x21a: {  	v0 =	vld [tilespmem:s26+$0x1920];
	[tilespmem:s25+$0x9AB0] =	vst v1;
	v3 =	vmul.f32 $1.131370830e+01, v3  }
0x21b: {  	v1 =	vld [tilespmem:s26+$0x1930];
	[tilespmem:s25+$0x9AC0] =	vst v2;
	v4 =	vmul.f32 $1.131370830e+01, v4  }
0x21c: {  	v2 =	vld [tilespmem:s26+$0x1940];
	[tilespmem:s25+$0x9AD0] =	vst v3;
	v7 =	vmul.f32 $1.131370830e+01, v7  }
0x21d: {  	v3 =	vld [tilespmem:s26+$0x1950];
	[tilespmem:s25+$0x9AE0] =	vst v4;
	v4 =	vmul.f32 $1.131370830e+01, v5  }
0x21e: {  	v5 =	vld [tilespmem:s26+$0x1960];
	[tilespmem:s26+$0x9AF0] =	vst v7;
	v6 =	vmul.f32 $1.131370830e+01, v6  }
0x21f: {  	[tilespmem:s26+$0x9900] =	vst v4;
	v4 =	vld [tilespmem:s26+$0x1970];
	v0 =	vmul.f32 $1.131370830e+01, v0  }
0x220: {  	[tilespmem:s26+$0x9910] =	vst v6;
	v6 =	vld [tilespmem:s26+$0x1980];
	v1 =	vmul.f32 $1.131370830e+01, v1  }
0x221: {  	[tilespmem:s26+$0x9920] =	vst v0;
	v0 =	vld [tilespmem:s26+$0x1990];
	v2 =	vmul.f32 $1.131370830e+01, v2  }
0x222: {  	[tilespmem:s26+$0x9930] =	vst v1;
	v1 =	vld [tilespmem:s26+$0x19A0];
	v3 =	vmul.f32 $1.131370830e+01, v3  }
0x223: {  	[tilespmem:s26+$0x9940] =	vst v2;
	v2 =	vld [tilespmem:s26+$0x19B0];
	v5 =	vmul.f32 $1.131370830e+01, v5  }
0x224: {  	[tilespmem:s26+$0x9950] =	vst v3;
	v3 =	vld [tilespmem:s26+$0x19C0];
	v4 =	vmul.f32 $1.131370830e+01, v4  }
0x225: {  	[tilespmem:s26+$0x9960] =	vst v5;
	v5 =	vld [tilespmem:s26+$0x19D0];
	v6 =	vmul.f32 $1.131370830e+01, v6  }
0x226: {  	[tilespmem:s26+$0x9970] =	vst v4;
	v4 =	vld [tilespmem:s26+$0x19E0];
	v0 =	vmul.f32 $1.131370830e+01, v0  }
0x227: {  	[tilespmem:s26+$0x9980] =	vst v6;
	v6 =	vld [tilespmem:s26+$0x19F0];
	v1 =	vmul.f32 $1.131370830e+01, v1  }
0x228: {  	[tilespmem:s26+$0x9990] =	vst v0;
	v0 =	vld [tilespmem:s26+$0x1A00];
	v2 =	vmul.f32 $1.131370830e+01, v2  }
0x229: {  	[tilespmem:s26+$0x99A0] =	vst v1;
	v1 =	vld [tilespmem:s26+$0x1A10];
	v3 =	vmul.f32 $1.131370830e+01, v3  }
0x22a: {  	[tilespmem:s26+$0x99B0] =	vst v2;
	v2 =	vld [tilespmem:s26+$0x1A20];
	v5 =	vmul.f32 $1.131370830e+01, v5  }
0x22b: {  	[tilespmem:s26+$0x99C0] =	vst v3;
	v3 =	vld [tilespmem:s26+$0x1A30];
	v4 =	vmul.f32 $1.131370830e+01, v4  }
0x22c: {  	[tilespmem:s26+$0x99D0] =	vst v5;
	v5 =	vld [tilespmem:s26+$0x1A40];
	v6 =	vmul.f32 $1.131370830e+01, v6  }
0x22d: {  	[tilespmem:s26+$0x99E0] =	vst v4;
	v4 =	vld [tilespmem:s26+$0x1A50];
	v0 =	vmul.f32 $1.131370830e+01, v0  }
0x22e: {  	[tilespmem:s26+$0x99F0] =	vst v6;
	v6 =	vld [tilespmem:s26+$0x1A60];
	v1 =	vmul.f32 $1.131370830e+01, v1  }
0x22f: {  	[tilespmem:s26+$0x9A00] =	vst v0;
	v0 =	vld [tilespmem:s26+$0x1A70];
	v2 =	vmul.f32 $1.131370830e+01, v2  }
0x230: {  	[tilespmem:s26+$0x9A10] =	vst v1;
	v1 =	vld [tilespmem:s26+$0x1A80];
	v3 =	vmul.f32 $1.131370830e+01, v3  }
0x231: {  	[tilespmem:s26+$0x9A20] =	vst v2;
	v2 =	vld [tilespmem:s26+$0x1A90];
	v5 =	vmul.f32 $1.131370830e+01, v5  }
0x232: {  	[tilespmem:s26+$0x9A30] =	vst v3;
	v3 =	vld [tilespmem:s26+$0x1AA0];
	v4 =	vmul.f32 $1.131370830e+01, v4  }
0x233: {  	[tilespmem:s26+$0x9A40] =	vst v5;
	v5 =	vld [tilespmem:s26+$0x1AB0];
	v6 =	vmul.f32 $1.131370830e+01, v6  }
0x234: {  	[tilespmem:s26+$0x9A50] =	vst v4;
	v4 =	vld [tilespmem:s26+$0x1AC0];
	v0 =	vmul.f32 $1.131370830e+01, v0  }
0x235: {  	[tilespmem:s26+$0x9A60] =	vst v6;
	v6 =	vld [tilespmem:s26+$0x1AD0];
	v1 =	vmul.f32 $1.131370830e+01, v1  }
0x236: {  	[tilespmem:s26+$0x9A70] =	vst v0;
	v0 =	vmul.f32 $1.131370830e+01, v2;
	v2 =	vld [tilespmem:s26+$0x1AE0]  }
0x237: {  	[tilespmem:s26+$0x9A80] =	vst v1;
	v1 =	vmul.f32 $1.131370830e+01, v3  }
0x238: {  	[tilespmem:s26+$0x9A90] =	vst v0;
	v0 =	vmul.f32 $1.131370830e+01, v5  }
0x239: {  	[tilespmem:s26+$0x9AA0] =	vst v1;
	v1 =	vmul.f32 $1.131370830e+01, v4  }
0x23a: {  	[tilespmem:s26+$0x9AB0] =	vst v0;
	v0 =	vmul.f32 $1.131370830e+01, v6  }
0x23b: {  	[tilespmem:s26+$0x9AC0] =	vst v1;
	v1 =	vmul.f32 $1.131370830e+01, v2  }
0x23c: {  	[tilespmem:s26+$0x9AD0] =	vst v0  }
0x23d: {  	s31 =	simm.s32 $0x0;
	[tilespmem:s26+$0x9AE0] =	vst v1  }
0x23e: {  	[hbm4b:s9+s31] =	stream.linear.scatter [tilespmem:s17], [sflag:$0x3], $0x4000, $0x38;
	[tilespmem:$0x11900] =	vst v63  }
0x23f: {  	_ =	swait.ge [sflag:s19], $0x4000  }
0x240: {  	[sflag:s19] =	ssyncset.done $0x0  }
0x241: {  	[sflag:s19] =	ssyncadd.s32 $0xFFFFC000  }
0x242: {  	_ =	swait.ge [sflag:s23], $0x4000  }
0x243: {  	[sflag:s23] =	ssyncset.done $0x0  }
0x244: {  	s25 =	simm.s32 $0x0;
	[sflag:s23] =	ssyncadd.s32 $0xFFFFC000  }
0x245: {  	v0 =	vld [tilespmem:s25+$0x5AF0]  }
0x246: {  	v1 =	vld [tilespmem:s25+$0x5900];
	_ =	sdelay $0x1  }
0x247: {  	v2 =	vld [tilespmem:s25+$0x5910]  }
0x248: {  	v3 =	vld [tilespmem:s25+$0x5920]  }
0x249: {  	v4 =	vld [tilespmem:s25+$0x5930];
	v0 =	vmul.f32 $1.131370830e+01, v0  }
0x24a: {  	v5 =	vld [tilespmem:s25+$0x5940];
	v1 =	vmul.f32 $1.131370830e+01, v1  }
0x24b: {  	v6 =	vld [tilespmem:s25+$0x5950];
	[tilespmem:s25+$0xDAF0] =	vst v0  }
0x24c: {  	v0 =	vmul.f32 $1.131370830e+01, v2;
	[tilespmem:s25+$0xD900] =	vst v1;
	v1 =	vld [tilespmem:s25+$0x5970]  }
0x24d: {  	v7 =	vld [tilespmem:s25+$0x5960];
	v2 =	vmul.f32 $1.131370830e+01, v3  }
0x24e: {  	v3 =	vmul.f32 $1.131370830e+01, v4;
	[tilespmem:s25+$0xD910] =	vst v0;
	v0 =	vld [tilespmem:s25+$0x5980]  }
0x24f: {  	v4 =	vmul.f32 $1.131370830e+01, v5;
	[tilespmem:s25+$0xD920] =	vst v2;
	v2 =	vld [tilespmem:s25+$0x5990]  }
0x250: {  	v5 =	vmul.f32 $1.131370830e+01, v6;
	[tilespmem:s25+$0xD930] =	vst v3;
	v3 =	vld [tilespmem:s25+$0x59A0]  }
0x251: {  	[tilespmem:s25+$0xD940] =	vst v4;
	v4 =	vld [tilespmem:s25+$0x59B0];
	v1 =	vmul.f32 $1.131370830e+01, v1  }
0x252: {  	v6 =	vmul.f32 $1.131370830e+01, v7;
	[tilespmem:s25+$0xD950] =	vst v5;
	v5 =	vld [tilespmem:s25+$0x59C0]  }
0x253: {  	v0 =	vmul.f32 $1.131370830e+01, v0;
	[tilespmem:s25+$0xD970] =	vst v1;
	v1 =	vld [tilespmem:s25+$0x59E0]  }
0x254: {  	[tilespmem:s25+$0xD960] =	vst v6;
	v6 =	vld [tilespmem:s25+$0x59D0];
	v2 =	vmul.f32 $1.131370830e+01, v2  }
0x255: {  	v3 =	vmul.f32 $1.131370830e+01, v3;
	[tilespmem:s25+$0xD980] =	vst v0;
	v0 =	vld [tilespmem:s25+$0x59F0]  }
0x256: {  	v4 =	vmul.f32 $1.131370830e+01, v4;
	[tilespmem:s25+$0xD990] =	vst v2;
	v2 =	vld [tilespmem:s25+$0x5A00]  }
0x257: {  	v5 =	vmul.f32 $1.131370830e+01, v5;
	[tilespmem:s25+$0xD9A0] =	vst v3;
	v3 =	vld [tilespmem:s25+$0x5A10]  }
0x258: {  	[tilespmem:s25+$0xD9B0] =	vst v4;
	v4 =	vld [tilespmem:s25+$0x5A20];
	v1 =	vmul.f32 $1.131370830e+01, v1  }
0x259: {  	v6 =	vmul.f32 $1.131370830e+01, v6;
	[tilespmem:s25+$0xD9C0] =	vst v5;
	v5 =	vld [tilespmem:s25+$0x5A30]  }
0x25a: {  	v0 =	vmul.f32 $1.131370830e+01, v0;
	[tilespmem:s25+$0xD9E0] =	vst v1;
	v1 =	vld [tilespmem:s25+$0x5A50]  }
0x25b: {  	[tilespmem:s25+$0xD9D0] =	vst v6;
	v6 =	vld [tilespmem:s25+$0x5A40];
	v2 =	vmul.f32 $1.131370830e+01, v2  }
0x25c: {  	[tilespmem:s25+$0xD9F0] =	vst v0;
	v0 =	vmul.f32 $1.131370830e+01, v3;
	v3 =	vld [tilespmem:s25+$0x5A70]  }
0x25d: {  	v7 =	vld [tilespmem:s25+$0x5A60];
	[tilespmem:s25+$0xDA00] =	vst v2;
	v2 =	vmul.f32 $1.131370830e+01, v4  }
0x25e: {  	v4 =	vld [tilespmem:s25+$0x5A80];
	[tilespmem:s25+$0xDA10] =	vst v0;
	v0 =	vmul.f32 $1.131370830e+01, v5  }
0x25f: {  	v8 =	vld [tilespmem:s25+$0x5A90];
	[tilespmem:s25+$0xDA20] =	vst v2;
	v5 =	vmul.f32 $1.131370830e+01, v1  }
0x260: {  	v2 =	vmul.f32 $1.131370830e+01, v6;
	[tilespmem:s25+$0xDA30] =	vst v0;
	v0 =	vld [tilespmem:s25+$0x5AA0]  }
0x261: {  	v1 =	vld [tilespmem:s25+$0x5AB0];
	[tilespmem:s25+$0xDA50] =	vst v5;
	v5 =	vmul.f32 $1.131370830e+01, v3  }
0x262: {  	v6 =	vmul.f32 $1.131370830e+01, v7;
	[tilespmem:s25+$0xDA40] =	vst v2;
	v2 =	vld [tilespmem:s25+$0x5AC0]  }
0x263: {  	v3 =	vld [tilespmem:s25+$0x5AD0];
	[tilespmem:s25+$0xDA70] =	vst v5;
	v5 =	vmul.f32 $1.131370830e+01, v4  }
0x264: {  	s28 =	simm.s32 $0x1000;
	s26 =	simm.s32 $0x200;
	[tilespmem:s25+$0xDA60] =	vst v6;
	v6 =	vmul.f32 $1.131370830e+01, v8;
	v4 =	vld [tilespmem:s25+$0x5AE0]  }
.LBB2_14:
0x265: {  	p0 =	sne.s32 s28, $0xF800;
	v7 =	vld [tilespmem:s26+$0x5AF0];
	[tilespmem:s25+$0xDA80] =	vst v5;
	v0 =	vmul.f32 $1.131370830e+01, v0  }
0x266: {  	v5 =	vld [tilespmem:s26+$0x5900];
	[tilespmem:s25+$0xDA90] =	vst v6;
	v1 =	vmul.f32 $1.131370830e+01, v1  }
0x267: {  	v6 =	vld [tilespmem:s26+$0x5910];
	[tilespmem:s25+$0xDAA0] =	vst v0;
	v0 =	vmul.f32 $1.131370830e+01, v2  }
0x268: {  	v2 =	vld [tilespmem:s26+$0x5920];
	[tilespmem:s25+$0xDAB0] =	vst v1;
	v1 =	vmul.f32 $1.131370830e+01, v3  }
0x269: {  	v3 =	vld [tilespmem:s26+$0x5930];
	[tilespmem:s25+$0xDAC0] =	vst v0;
	v0 =	vmul.f32 $1.131370830e+01, v4  }
0x26a: {  	v4 =	vld [tilespmem:s26+$0x5940];
	v7 =	vmul.f32 $1.131370830e+01, v7;
	[tilespmem:s25+$0xDAD0] =	vst v1  }
0x26b: {  	v1 =	vmul.f32 $1.131370830e+01, v5;
	v5 =	vld [tilespmem:s26+$0x5950];
	[tilespmem:s25+$0xDAE0] =	vst v0;
	s25 =	smov.u32 s26  }
0x26c: {  	v0 =	vmul.f32 $1.131370830e+01, v6;
	v6 =	vld [tilespmem:s25+$0x5960];
	[tilespmem:s25+$0xDAF0] =	vst v7  }
0x26d: {  	[tilespmem:s25+$0xD900] =	vst v1;
	v1 =	vmul.f32 $1.131370830e+01, v2;
	v2 =	vld [tilespmem:s25+$0x5970]  }
0x26e: {  	[tilespmem:s25+$0xD910] =	vst v0;
	v0 =	vmul.f32 $1.131370830e+01, v3;
	v3 =	vld [tilespmem:s25+$0x5980]  }
0x26f: {  	[tilespmem:s25+$0xD920] =	vst v1;
	v1 =	vmul.f32 $1.131370830e+01, v4;
	v4 =	vld [tilespmem:s25+$0x5990]  }
0x270: {  	[tilespmem:s25+$0xD930] =	vst v0;
	v0 =	vmul.f32 $1.131370830e+01, v5;
	v5 =	vld [tilespmem:s25+$0x59A0]  }
0x271: {  	[tilespmem:s25+$0xD940] =	vst v1;
	v1 =	vmul.f32 $1.131370830e+01, v6;
	v6 =	vld [tilespmem:s25+$0x59B0]  }
0x272: {  	[tilespmem:s25+$0xD950] =	vst v0;
	v0 =	vmul.f32 $1.131370830e+01, v2;
	v2 =	vld [tilespmem:s25+$0x59C0]  }
0x273: {  	[tilespmem:s25+$0xD960] =	vst v1;
	v1 =	vmul.f32 $1.131370830e+01, v3;
	v3 =	vld [tilespmem:s25+$0x59D0]  }
0x274: {  	[tilespmem:s25+$0xD970] =	vst v0;
	v0 =	vmul.f32 $1.131370830e+01, v4;
	v4 =	vld [tilespmem:s25+$0x59E0]  }
0x275: {  	[tilespmem:s25+$0xD980] =	vst v1;
	v1 =	vmul.f32 $1.131370830e+01, v5;
	v5 =	vld [tilespmem:s25+$0x59F0]  }
0x276: {  	[tilespmem:s25+$0xD990] =	vst v0;
	v0 =	vmul.f32 $1.131370830e+01, v6;
	v6 =	vld [tilespmem:s25+$0x5A00]  }
0x277: {  	[tilespmem:s25+$0xD9A0] =	vst v1;
	v1 =	vmul.f32 $1.131370830e+01, v2;
	v2 =	vld [tilespmem:s25+$0x5A10]  }
0x278: {  	[tilespmem:s25+$0xD9B0] =	vst v0;
	v0 =	vmul.f32 $1.131370830e+01, v3;
	v3 =	vld [tilespmem:s25+$0x5A20]  }
0x279: {  	[tilespmem:s25+$0xD9C0] =	vst v1;
	v1 =	vmul.f32 $1.131370830e+01, v4;
	v4 =	vld [tilespmem:s25+$0x5A30]  }
0x27a: {  	[tilespmem:s25+$0xD9D0] =	vst v0;
	v0 =	vmul.f32 $1.131370830e+01, v5;
	v5 =	vld [tilespmem:s25+$0x5A40]  }
0x27b: {  	[tilespmem:s25+$0xD9E0] =	vst v1;
	v1 =	vmul.f32 $1.131370830e+01, v6;
	v6 =	vld [tilespmem:s25+$0x5A50]  }
0x27c: {  	[tilespmem:s25+$0xD9F0] =	vst v0;
	v0 =	vmul.f32 $1.131370830e+01, v2;
	v2 =	vld [tilespmem:s25+$0x5A60]  }
0x27d: {  	[tilespmem:s25+$0xDA00] =	vst v1;
	v1 =	vmul.f32 $1.131370830e+01, v3;
	v3 =	vld [tilespmem:s25+$0x5A70]  }
0x27e: {  	[tilespmem:s25+$0xDA10] =	vst v0;
	v0 =	vmul.f32 $1.131370830e+01, v4;
	v4 =	vld [tilespmem:s25+$0x5A80]  }
0x27f: {  	[tilespmem:s25+$0xDA20] =	vst v1;
	v1 =	vmul.f32 $1.131370830e+01, v5;
	v7 =	vld [tilespmem:s25+$0x5A90]  }
.Ltmp6:
0x280: {  	[tilespmem:s25+$0xDA30] =	vst v0;
	v5 =	vmul.f32 $1.131370830e+01, v6;
	v0 =	vld [tilespmem:s25+$0x5AA0];
	(pc) =	sbr.rel @p0 .LBB2_14-.Ltmp6, $4  }
0x281: {  	[tilespmem:s25+$0xDA40] =	vst v1;
	v6 =	vmul.f32 $1.131370830e+01, v2;
	v1 =	vld [tilespmem:s25+$0x5AB0]  }
0x282: {  	[tilespmem:s25+$0xDA50] =	vst v5;
	v8 =	vmul.f32 $1.131370830e+01, v3;
	v2 =	vld [tilespmem:s25+$0x5AC0]  }
0x283: {  	[tilespmem:s25+$0xDA60] =	vst v6;
	v5 =	vmul.f32 $1.131370830e+01, v4;
	v3 =	vld [tilespmem:s25+$0x5AD0]  }
0x284: {  	s26 =	sshra.s32 s28, $0x2;
	s28 =	sadd.s32 $0x800, s28;
	[tilespmem:s25+$0xDA70] =	vst v8;
	v6 =	vmul.f32 $1.131370830e+01, v7;
	v4 =	vld [tilespmem:s25+$0x5AE0]  }
0x285: {  	v7 =	vld [tilespmem:s26+$0x5AF0];
	[tilespmem:s25+$0xDA80] =	vst v5;
	v0 =	vmul.f32 $1.131370830e+01, v0  }
0x286: {  	v5 =	vld [tilespmem:s26+$0x5900];
	[tilespmem:s25+$0xDA90] =	vst v6;
	v1 =	vmul.f32 $1.131370830e+01, v1  }
0x287: {  	v6 =	vld [tilespmem:s26+$0x5910];
	[tilespmem:s25+$0xDAA0] =	vst v0;
	v2 =	vmul.f32 $1.131370830e+01, v2  }
0x288: {  	v0 =	vld [tilespmem:s26+$0x5920];
	[tilespmem:s25+$0xDAB0] =	vst v1;
	v3 =	vmul.f32 $1.131370830e+01, v3  }
0x289: {  	v1 =	vld [tilespmem:s26+$0x5930];
	[tilespmem:s25+$0xDAC0] =	vst v2;
	v4 =	vmul.f32 $1.131370830e+01, v4  }
0x28a: {  	v2 =	vld [tilespmem:s26+$0x5940];
	[tilespmem:s25+$0xDAD0] =	vst v3;
	v7 =	vmul.f32 $1.131370830e+01, v7  }
0x28b: {  	v3 =	vld [tilespmem:s26+$0x5950];
	[tilespmem:s25+$0xDAE0] =	vst v4;
	v32 =	vmul.f32 $1.131370830e+01, v5  }
0x28c: {  	v33 =	vld [tilespmem:s26+$0x5960];
	[tilespmem:s26+$0xDAF0] =	vst v7;
	v6 =	vmul.f32 $1.131370830e+01, v6  }
0x28d: {  	v34 =	vld [tilespmem:s26+$0x5970];
	[tilespmem:s26+$0xD900] =	vst v32;
	v0 =	vmul.f32 $1.131370830e+01, v0  }
0x28e: {  	v35 =	vld [tilespmem:s26+$0x5980];
	[tilespmem:s26+$0xD910] =	vst v6;
	v1 =	vmul.f32 $1.131370830e+01, v1  }
0x28f: {  	v36 =	vld [tilespmem:s26+$0x5990];
	[tilespmem:s26+$0xD920] =	vst v0;
	v2 =	vmul.f32 $1.131370830e+01, v2  }
0x290: {  	v37 =	vld [tilespmem:s26+$0x59A0];
	[tilespmem:s26+$0xD930] =	vst v1;
	v3 =	vmul.f32 $1.131370830e+01, v3  }
0x291: {  	v38 =	vld [tilespmem:s26+$0x59B0];
	[tilespmem:s26+$0xD940] =	vst v2;
	v5 =	vmul.f32 $1.131370830e+01, v33  }
0x292: {  	v52 =	vld [tilespmem:s26+$0x5A90];
	v4 =	vmul.f32 $1.131370830e+01, v34;
	[tilespmem:s26+$0xD950] =	vst v3  }
0x293: {  	v53 =	vld [tilespmem:s26+$0x5AA0];
	v6 =	vmul.f32 $1.131370830e+01, v35;
	[tilespmem:s26+$0xD960] =	vst v5  }
0x294: {  	v54 =	vld [tilespmem:s26+$0x5AB0];
	v0 =	vmul.f32 $1.131370830e+01, v36;
	[tilespmem:s26+$0xD970] =	vst v4  }
0x295: {  	v55 =	vld [tilespmem:s26+$0x5AC0];
	v1 =	vmul.f32 $1.131370830e+01, v37;
	[tilespmem:s26+$0xD980] =	vst v6  }
0x296: {  	v56 =	vld [tilespmem:s26+$0x5AD0];
	v2 =	vmul.f32 $1.131370830e+01, v38;
	[tilespmem:s26+$0xD990] =	vst v0  }
0x297: {  	v58 =	vld [tilespmem:s26+$0x5AE0];
	v57 =	vmul.f32 $1.131370830e+01, v52;
	[tilespmem:s26+$0xD9A0] =	vst v1  }
0x298: {  	v39 =	vld [tilespmem:s26+$0x59C0];
	v59 =	vmul.f32 $1.131370830e+01, v53;
	[tilespmem:s26+$0xD9B0] =	vst v2  }
0x299: {  	v40 =	vld [tilespmem:s26+$0x59D0];
	v60 =	vmul.f32 $1.131370830e+01, v54;
	[tilespmem:s26+$0xDA90] =	vst v57  }
0x29a: {  	v41 =	vld [tilespmem:s26+$0x59E0];
	v61 =	vmul.f32 $1.131370830e+01, v55;
	[tilespmem:s26+$0xDAA0] =	vst v59  }
0x29b: {  	v42 =	vld [tilespmem:s26+$0x59F0];
	v62 =	vmul.f32 $1.131370830e+01, v56;
	[tilespmem:s26+$0xDAB0] =	vst v60  }
0x29c: {  	v43 =	vld [tilespmem:s26+$0x5A00];
	v63 =	vmul.f32 $1.131370830e+01, v58;
	[tilespmem:s26+$0xDAC0] =	vst v61  }
0x29d: {  	v44 =	vld [tilespmem:s26+$0x5A10];
	v3 =	vmul.f32 $1.131370830e+01, v39;
	[tilespmem:s26+$0xDAD0] =	vst v62  }
0x29e: {  	v45 =	vld [tilespmem:s26+$0x5A20];
	v5 =	vmul.f32 $1.131370830e+01, v40;
	[tilespmem:s26+$0xDAE0] =	vst v63  }
0x29f: {  	v46 =	vld [tilespmem:s26+$0x5A30];
	v4 =	vmul.f32 $1.131370830e+01, v41;
	[tilespmem:s26+$0xD9C0] =	vst v3  }
0x2a0: {  	v47 =	vld [tilespmem:s26+$0x5A40];
	v6 =	vmul.f32 $1.131370830e+01, v42;
	[tilespmem:s26+$0xD9D0] =	vst v5  }
0x2a1: {  	v48 =	vld [tilespmem:s26+$0x5A50];
	v0 =	vmul.f32 $1.131370830e+01, v43;
	[tilespmem:s26+$0xD9E0] =	vst v4  }
0x2a2: {  	v49 =	vld [tilespmem:s26+$0x5A60];
	v1 =	vmul.f32 $1.131370830e+01, v44;
	[tilespmem:s26+$0xD9F0] =	vst v6  }
0x2a3: {  	v50 =	vld [tilespmem:s26+$0x5A70];
	v2 =	vmul.f32 $1.131370830e+01, v45;
	[tilespmem:s26+$0xDA00] =	vst v0  }
0x2a4: {  	v51 =	vld [tilespmem:s26+$0x5A80];
	v3 =	vmul.f32 $1.131370830e+01, v46;
	[tilespmem:s26+$0xDA10] =	vst v1  }
0x2a5: {  	[tilespmem:s26+$0xDA20] =	vst v2;
	v5 =	vmul.f32 $1.131370830e+01, v47  }
0x2a6: {  	v4 =	vmul.f32 $1.131370830e+01, v48;
	[tilespmem:s26+$0xDA30] =	vst v3  }
0x2a7: {  	v6 =	vmul.f32 $1.131370830e+01, v49;
	[tilespmem:s26+$0xDA40] =	vst v5  }
0x2a8: {  	v0 =	vmul.f32 $1.131370830e+01, v50;
	[tilespmem:s26+$0xDA50] =	vst v4  }
0x2a9: {  	v1 =	vmul.f32 $1.131370830e+01, v51;
	[tilespmem:s26+$0xDA60] =	vst v6  }
0x2aa: {  	[tilespmem:s26+$0xDA70] =	vst v0  }
0x2ab: {  	s24 =	sadd.s32 $0x1, s24;
	[tilespmem:s26+$0xDA80] =	vst v1  }
0x2ac: {  	[hbm4b:s10+s4] =	stream.linear.scatter [tilespmem:s20], [sflag:$0x4], $0x4000, $0x38;
	[tilespmem:$0x11900] =	vst v63  }
0x2ad: {  	p0 =	sne.s32 s24, s11;
	_ =	swait.ge [sflag:s22], $0x4000  }
.Ltmp7:
0x2ae: {  	[sflag:s22] =	ssyncset.done $0x0;
	(pc) =	sbr.rel @p0 .LBB2_1-.Ltmp7, $4  }
0x2af: {  	[sflag:s22] =	ssyncadd.s32 $0xFFFFC000  }
0x2b0: {  	_ =	swait.ge [sflag:s23], $0x4000  }
0x2b1: {  	[sflag:s23] =	ssyncset.done $0x0  }
0x2b2: {  	[sflag:s23] =	ssyncadd.s32 $0xFFFFC000  }
0x2b3: {  	_ =	sfence.sel $0x180000  }
0x2b4: {  	[bflag:$0x0] =	sbarrier.arrive $0xFFFF  }
0x2b5: {  	p0 =	sne.s32 s0, $0x0;
	_ =	strace $0x90000047  }
0x2b6: {  	s0 =	sadd.s32 @!p0 $0x100000, s1;
	[bflag:$0x2] =	sbarrier.arrive $0xFFFF  }
0x2b7: {  	[sflag:s0] =	ssyncadd.tile.s32 @!p0 $0x1;
	_ =	shalt  }
.Lfunc_end2:
_tile_overlayer_lowered:
.L_overlay_start_2:
0x2b8: {  	(tag) =	ssettag $0x2  }
0x2b9: {  	s0 =	rddreg [dreg:$0x0];
	s2 =	stileid.u32  }
0x2ba: {  	s1 =	rddreg [dreg:$0x1];
	p0 =	sne.s32 s2, $0x0  }
0x2bb: {  	s3 =	rddreg [dreg:$0x2];
	[bflag:$0x3] =	sbarrier.arrive $0xFFFF;
	s2 =	simm.s32 @!p0 $0x1C05  }
0x2bc: {  	[timem:s3], [sflag:s2] =	dma.local @!p0 [hbm:s0], s1  }
0x2bd: {  	s0 =	simm.s32 @!p0 $0x5  }
0x2be: {  	_ =	swait.ge @!p0 [sflag:s0], s1  }
0x2bf: {  	s1 =	ssub.s32 @!p0 $0x0, s1;
	[sflag:s0] =	ssyncset.done @!p0 $0x0  }
0x2c0: {  	[sflag:s0] =	ssyncadd.s32 @!p0 s1  }
0x2c1: {  	[bflag:$0x3] =	sbarrier.arrive $0xFFFF  }
0x2c2: {  	_ =	shalt  }

</sc_bundles>
